<compile_context>
chip_gen: v7x
topology: tpu7x:2x2x1
jax: 0.10.2.dev20260603
libtpu: 0.0.44.dev20260713+nightly
codegen_flags: <defaults>
</compile_context>

<pallas_src>
import functools

import jax
import jax.numpy as jnp
from jax import lax
from jax.experimental import pallas as pl
from jax.experimental.pallas import tpu as pltpu
from jax.experimental.pallas import tpu_sc as plsc

NU = 10000
NI = 10000
D = 128
L = 16
NSUB = 16
CHUNK = 128
ACC_ROWS = 10240


def _layer_body(item_hbm, user_hbm, rows_hbm, cols_hbm, vals_hbm,
                uout_hbm, iout_hbm,
                rows_v, sidx_v, didx_v, vals_v, acc_sh, sem):
    cid = lax.axis_index("c")
    sid = lax.axis_index("s")
    nchunks = rows_hbm.shape[0] // (NSUB * CHUNK)
    ept = nchunks * CHUNK

    def run_side(src_hbm, sidx_hbm, didx_hbm, out_hbm):
        def zrow(i, _):
            for j in range(D // L):
                rows_v[i, pl.ds(j * L, L)] = jnp.zeros((L,), jnp.float32)
            return 0
        lax.fori_loop(0, CHUNK, zrow, 0)
        rows_per_tile = ACC_ROWS // NSUB
        for k in range(rows_per_tile // CHUNK):
            pltpu.sync_copy(
                rows_v, acc_sh.at[pl.ds(sid * rows_per_tile + k * CHUNK, CHUNK)])
        plsc.subcore_barrier()

        base0 = sid * ept

        def chunk_body(g, _):
            b = base0 + g * CHUNK
            pltpu.sync_copy(sidx_hbm.at[pl.ds(b, CHUNK)], sidx_v)
            pltpu.sync_copy(didx_hbm.at[pl.ds(b, CHUNK)], didx_v)
            pltpu.sync_copy(vals_hbm.at[pl.ds(b, CHUNK)], vals_v.at[pl.ds(0, CHUNK)])
            pltpu.async_copy(src_hbm.at[sidx_v], rows_v, sem).wait()

            def ebody(e, _):
                s = vals_v[pl.ds(e, L)][0]
                for j in range(D // L):
                    sl = pl.ds(j * L, L)
                    rows_v[e, sl] = rows_v[e, sl] * s
                return 0
            lax.fori_loop(0, CHUNK, ebody, 0)

            pltpu.sync_copy(rows_v, acc_sh.at[didx_v], add=True)
            return 0
        lax.fori_loop(0, nchunks, chunk_body, 0)
        plsc.subcore_barrier()

        per = ACC_ROWS // NSUB
        row0 = sid * per
        for k in range(per // CHUNK):
            pltpu.sync_copy(acc_sh.at[pl.ds(row0 + k * CHUNK, CHUNK)],
                            out_hbm.at[pl.ds(row0 + k * CHUNK, CHUNK)])

    @pl.when(cid == 0)
    def _():
        run_side(item_hbm, cols_hbm, rows_hbm, uout_hbm)

    @pl.when(cid == 1)
    def _():
        run_side(user_hbm, rows_hbm, cols_hbm, iout_hbm)


@functools.cache
def _layer_fn():
    mesh = plsc.VectorSubcoreMesh(core_axis_name="c", subcore_axis_name="s")
    return pl.kernel(
        _layer_body,
        mesh=mesh,
        out_type=[
            jax.ShapeDtypeStruct((ACC_ROWS, D), jnp.float32),
            jax.ShapeDtypeStruct((ACC_ROWS, D), jnp.float32),
        ],
        scratch_types=[
            pltpu.VMEM((CHUNK, D), jnp.float32),
            pltpu.VMEM((CHUNK,), jnp.int32),
            pltpu.VMEM((CHUNK,), jnp.int32),
            pltpu.VMEM((CHUNK + L,), jnp.float32),
            pltpu.VMEM_SHARED((ACC_ROWS, D), jnp.float32),
            pltpu.SemaphoreType.DMA,
        ],
    )


def _avg_body(a, b, c, d, o):
    o[...] = (a[...] + b[...] + c[...] + d[...]) * 0.25


def _avg4(a, b, c, d, n):
    dd = a.shape[1]
    blk = 2000
    return pl.pallas_call(
        _avg_body,
        out_shape=jax.ShapeDtypeStruct((n, dd), jnp.float32),
        grid=(n // blk,),
        in_specs=[pl.BlockSpec((blk, dd), lambda i: (i, 0))] * 4,
        out_specs=pl.BlockSpec((blk, dd), lambda i: (i, 0)),
    )(a, b, c, d)


def kernel(user_preference, item_preference, edge_values, edge_index):
    rows = edge_index[0].astype(jnp.int32)
    cols = edge_index[1].astype(jnp.int32)
    vals = edge_values.astype(jnp.float32)
    n = rows.shape[0]
    ept = -(-n // (NSUB * CHUNK)) * CHUNK
    pad = NSUB * ept - n
    if pad:
        rows = jnp.concatenate([rows, jnp.zeros((pad,), jnp.int32)])
        cols = jnp.concatenate([cols, jnp.zeros((pad,), jnp.int32)])
        vals = jnp.concatenate([vals, jnp.zeros((pad,), jnp.float32)])

    layer = _layer_fn()
    u0, i0 = user_preference, item_preference
    u1, i1 = layer(i0, u0, rows, cols, vals)
    u2, i2 = layer(i1, u1, rows, cols, vals)
    u3, i3 = layer(i2, u2, rows, cols, vals)
    pu = _avg4(u0, u1, u2, u3, NU)
    pi = _avg4(i0, i1, i2, i3, NI)
    return pu, pi

# --- scband reference (transcript-rebuilt; emitter-appended) ---
"""Pipeline reference for scband-pgcn-31147102830652 (READ-ONLY COPY).

The authoritative reference and input builder live on the scoring server;
editing this copy changes nothing except your own understanding.
"""

import jax, jax.numpy as jnp
import numpy as np

NUM_USERS = 10000
NUM_ITEMS = 10000
EMBED = 128
N_EDGES = 320000
N_LAYERS = 3


def setup_inputs(seed: int = 0) -> dict:
    key = jax.random.key(seed)
    k1, k2, k3, k4 = jax.random.split(key, 4)
    # bipartite interaction graph edges: row 0 = user ids, row 1 = item ids
    edge_index = jax.random.randint(k1, (2, N_EDGES), 0, NUM_USERS, dtype=jnp.int64)
    # normalized adjacency values (precomputed symmetric normalization in the dataset)
    edge_values = jax.random.uniform(k2, (N_EDGES,), dtype=jnp.float32)
    stdv = 1.0 / np.sqrt(EMBED)
    user_preference = jax.random.uniform(k3, (NUM_USERS, EMBED), dtype=jnp.float32, minval=-stdv, maxval=stdv)
    item_preference = jax.random.uniform(k4, (NUM_ITEMS, EMBED), dtype=jnp.float32, minval=-stdv, maxval=stdv)
    return {
        "user_preference": user_preference,
        "item_preference": item_preference,
        "edge_values": edge_values,
        "edge_index": edge_index,
    }


def _spmm(rows, cols, vals, x, num_rows):
    # sparse [num_rows, num_cols] @ dense x : gather rows of x by col index,
    # scale by edge value, scatter-add into destination rows
    return jax.ops.segment_sum(vals[:, None] * x[cols], rows, num_segments=num_rows)


def reference(user_preference, item_preference, edge_values, edge_index):
    rows = edge_index[0]
    cols = edge_index[1]
    user_list = [user_preference]
    item_list = [item_preference]
    for layer in range(N_LAYERS):
        # user_{l+1} = Graph @ item_l ; item_{l+1} = Graph.T @ user_l
        user_list.append(_spmm(rows, cols, edge_values, item_list[layer], NUM_USERS))
        item_list.append(_spmm(cols, rows, edge_values, user_list[layer], NUM_ITEMS))
    preference_user = sum(user_list) / (N_LAYERS + 1)
    preference_item = sum(item_list) / (N_LAYERS + 1)
    return (preference_user, preference_item)

if __name__ == "__main__":
    import jax
    _d = setup_inputs()
    print(jax.jit(kernel)(*tuple(_d.values())))

</pallas_src>

<mosaic_0001>
#map = affine_map<(d0, d1) -> (0, 0)>
#map1 = affine_map<(d0, d1) -> (0)>
module attributes {stable_mosaic.version = 14 : i64} {
  func.func @_layer_body(%arg0: i32, %arg1: i32, %arg2: memref<10000x128xf32, #tpu.memory_space<hbm>>, %arg3: memref<10000x128xf32, #tpu.memory_space<hbm>>, %arg4: memref<321536xi32, #tpu.memory_space<hbm>>, %arg5: memref<321536xi32, #tpu.memory_space<hbm>>, %arg6: memref<321536xf32, #tpu.memory_space<hbm>>, %arg7: memref<10240x128xf32, #tpu.memory_space<hbm>>, %arg8: memref<10240x128xf32, #tpu.memory_space<hbm>>, %arg9: memref<128x128xf32, #tpu.memory_space<vmem>>, %arg10: memref<128xi32, #tpu.memory_space<vmem>>, %arg11: memref<128xi32, #tpu.memory_space<vmem>>, %arg12: memref<144xf32, #tpu.memory_space<vmem>>, %arg13: memref<10240x128xf32, #tpu.memory_space<vmem_shared>>, %arg14: memref<!tpu.dma_semaphore, #tpu.memory_space<semaphore_mem>>) attributes {dimension_semantics = [#tpu.dimension_semantics<core_parallel>, #tpu.dimension_semantics<subcore_parallel>], iteration_bounds = array<i64: 2, 16>, scalar_prefetch = 0 : i64, scratch_operands = 6 : i64, tpu.core_type = #tpu.core_type<sc_vector_subcore>, window_params = [{transform_indices = #map}, {transform_indices = #map}, {transform_indices = #map1}, {transform_indices = #map1}, {transform_indices = #map1}, {transform_indices = #map}, {transform_indices = #map}]} {
    %eq3A = arith.constant 0 : i32
    %eq3A_0 = arith.cmpi eq, %arg0, %eq3A : i32
    %convert_element_type3A = arith.extui %eq3A_0 : i1 to i32
    %cond3A = arith.constant 0 : i32
    %cond3A_1 = arith.cmpi ne, %convert_element_type3A, %cond3A : i32
    scf.if %cond3A_1 {
      %scan3A = arith.constant 0 : i32
      %scan3A_7 = arith.constant 0 : i32
      %scan3A_8 = arith.constant 128 : i32
      %scan3A_9 = arith.addi %scan3A_7, %scan3A_8 : i32
      %scan3A_10 = arith.constant 1 : i32
      %scan3A_11 = scf.for %scan3A_63 = %scan3A_7 to %scan3A_9 step %scan3A_10 iter_args(%scan3A_64 = %scan3A) -> (i32)  : i32 {
        %broadcast_in_dim3A = arith.constant 0.000000e+00 : f32
        %broadcast_in_dim3A_65 = vector.broadcast %broadcast_in_dim3A : f32 to vector<16xf32>
        %swap3A = arith.index_cast %scan3A_63 : i32 to index
        %swap3A_66 = arith.constant 0 : index
        %swap3A_67 = tpu.vector_load %arg9[%swap3A, %swap3A_66] {strides = array<i32>} : memref<128x128xf32, #tpu.memory_space<vmem>>, vector<1x16xf32>,
        %swap3A_68 = vector.shape_cast %swap3A_67 : vector<1x16xf32> to vector<16xf32>
        %swap3A_69 = vector.shape_cast %broadcast_in_dim3A_65 : vector<16xf32> to vector<1x16xf32>
        tpu.vector_store %arg9[%swap3A, %swap3A_66], %swap3A_69 {strides = array<i32>} : memref<128x128xf32, #tpu.memory_space<vmem>>, vector<1x16xf32>,
        %broadcast_in_dim3A_70 = arith.constant 0.000000e+00 : f32
        %broadcast_in_dim3A_71 = vector.broadcast %broadcast_in_dim3A_70 : f32 to vector<16xf32>
        %swap3A_72 = arith.index_cast %scan3A_63 : i32 to index
        %swap3A_73 = arith.constant 16 : index
        %swap3A_74 = tpu.vector_load %arg9[%swap3A_72, %swap3A_73] {strides = array<i32>} : memref<128x128xf32, #tpu.memory_space<vmem>>, vector<1x16xf32>,
        %swap3A_75 = vector.shape_cast %swap3A_74 : vector<1x16xf32> to vector<16xf32>
        %swap3A_76 = vector.shape_cast %broadcast_in_dim3A_71 : vector<16xf32> to vector<1x16xf32>
        tpu.vector_store %arg9[%swap3A_72, %swap3A_73], %swap3A_76 {strides = array<i32>} : memref<128x128xf32, #tpu.memory_space<vmem>>, vector<1x16xf32>,
        %broadcast_in_dim3A_77 = arith.constant 0.000000e+00 : f32
        %broadcast_in_dim3A_78 = vector.broadcast %broadcast_in_dim3A_77 : f32 to vector<16xf32>
        %swap3A_79 = arith.index_cast %scan3A_63 : i32 to index
        %swap3A_80 = arith.constant 32 : index
        %swap3A_81 = tpu.vector_load %arg9[%swap3A_79, %swap3A_80] {strides = array<i32>} : memref<128x128xf32, #tpu.memory_space<vmem>>, vector<1x16xf32>,
        %swap3A_82 = vector.shape_cast %swap3A_81 : vector<1x16xf32> to vector<16xf32>
        %swap3A_83 = vector.shape_cast %broadcast_in_dim3A_78 : vector<16xf32> to vector<1x16xf32>
        tpu.vector_store %arg9[%swap3A_79, %swap3A_80], %swap3A_83 {strides = array<i32>} : memref<128x128xf32, #tpu.memory_space<vmem>>, vector<1x16xf32>,
        %broadcast_in_dim3A_84 = arith.constant 0.000000e+00 : f32
        %broadcast_in_dim3A_85 = vector.broadcast %broadcast_in_dim3A_84 : f32 to vector<16xf32>
        %swap3A_86 = arith.index_cast %scan3A_63 : i32 to index
        %swap3A_87 = arith.constant 48 : index
        %swap3A_88 = tpu.vector_load %arg9[%swap3A_86, %swap3A_87] {strides = array<i32>} : memref<128x128xf32, #tpu.memory_space<vmem>>, vector<1x16xf32>,
        %swap3A_89 = vector.shape_cast %swap3A_88 : vector<1x16xf32> to vector<16xf32>
        %swap3A_90 = vector.shape_cast %broadcast_in_dim3A_85 : vector<16xf32> to vector<1x16xf32>
        tpu.vector_store %arg9[%swap3A_86, %swap3A_87], %swap3A_90 {strides = array<i32>} : memref<128x128xf32, #tpu.memory_space<vmem>>, vector<1x16xf32>,
        %broadcast_in_dim3A_91 = arith.constant 0.000000e+00 : f32
        %broadcast_in_dim3A_92 = vector.broadcast %broadcast_in_dim3A_91 : f32 to vector<16xf32>
        %swap3A_93 = arith.index_cast %scan3A_63 : i32 to index
        %swap3A_94 = arith.constant 64 : index
        %swap3A_95 = tpu.vector_load %arg9[%swap3A_93, %swap3A_94] {strides = array<i32>} : memref<128x128xf32, #tpu.memory_space<vmem>>, vector<1x16xf32>,
        %swap3A_96 = vector.shape_cast %swap3A_95 : vector<1x16xf32> to vector<16xf32>
        %swap3A_97 = vector.shape_cast %broadcast_in_dim3A_92 : vector<16xf32> to vector<1x16xf32>
        tpu.vector_store %arg9[%swap3A_93, %swap3A_94], %swap3A_97 {strides = array<i32>} : memref<128x128xf32, #tpu.memory_space<vmem>>, vector<1x16xf32>,
        %broadcast_in_dim3A_98 = arith.constant 0.000000e+00 : f32
        %broadcast_in_dim3A_99 = vector.broadcast %broadcast_in_dim3A_98 : f32 to vector<16xf32>
        %swap3A_100 = arith.index_cast %scan3A_63 : i32 to index
        %swap3A_101 = arith.constant 80 : index
        %swap3A_102 = tpu.vector_load %arg9[%swap3A_100, %swap3A_101] {strides = array<i32>} : memref<128x128xf32, #tpu.memory_space<vmem>>, vector<1x16xf32>,
        %swap3A_103 = vector.shape_cast %swap3A_102 : vector<1x16xf32> to vector<16xf32>
        %swap3A_104 = vector.shape_cast %broadcast_in_dim3A_99 : vector<16xf32> to vector<1x16xf32>
        tpu.vector_store %arg9[%swap3A_100, %swap3A_101], %swap3A_104 {strides = array<i32>} : memref<128x128xf32, #tpu.memory_space<vmem>>, vector<1x16xf32>,
        %broadcast_in_dim3A_105 = arith.constant 0.000000e+00 : f32
        %broadcast_in_dim3A_106 = vector.broadcast %broadcast_in_dim3A_105 : f32 to vector<16xf32>
        %swap3A_107 = arith.index_cast %scan3A_63 : i32 to index
        %swap3A_108 = arith.constant 96 : index
        %swap3A_109 = tpu.vector_load %arg9[%swap3A_107, %swap3A_108] {strides = array<i32>} : memref<128x128xf32, #tpu.memory_space<vmem>>, vector<1x16xf32>,
        %swap3A_110 = vector.shape_cast %swap3A_109 : vector<1x16xf32> to vector<16xf32>
        %swap3A_111 = vector.shape_cast %broadcast_in_dim3A_106 : vector<16xf32> to vector<1x16xf32>
        tpu.vector_store %arg9[%swap3A_107, %swap3A_108], %swap3A_111 {strides = array<i32>} : memref<128x128xf32, #tpu.memory_space<vmem>>, vector<1x16xf32>,
        %broadcast_in_dim3A_112 = arith.constant 0.000000e+00 : f32
        %broadcast_in_dim3A_113 = vector.broadcast %broadcast_in_dim3A_112 : f32 to vector<16xf32>
        %swap3A_114 = arith.index_cast %scan3A_63 : i32 to index
        %swap3A_115 = arith.constant 112 : index
        %swap3A_116 = tpu.vector_load %arg9[%swap3A_114, %swap3A_115] {strides = array<i32>} : memref<128x128xf32, #tpu.memory_space<vmem>>, vector<1x16xf32>,
        %swap3A_117 = vector.shape_cast %swap3A_116 : vector<1x16xf32> to vector<16xf32>
        %swap3A_118 = vector.shape_cast %broadcast_in_dim3A_113 : vector<16xf32> to vector<1x16xf32>
        tpu.vector_store %arg9[%swap3A_114, %swap3A_115], %swap3A_118 {strides = array<i32>} : memref<128x128xf32, #tpu.memory_space<vmem>>, vector<1x16xf32>,
        %scan3A_119 = arith.constant 0 : i32
        scf.yield %scan3A_119 : i32
      }
      %scan3A_12 = arith.constant 128 : i32
      %mul3A = arith.constant 640 : i32
      %mul3A_13 = arith.muli %arg1, %mul3A : i32
      %add3A = arith.constant 0 : i32
      %add3A_14 = arith.addi %mul3A_13, %add3A : i32
      "tpu.region"() ({
        %run_scoped3A = tpu.sem_alloc : memref<!tpu.dma_semaphore, #tpu.memory_space<semaphore_mem>>
        %dma_start3A = arith.constant 0 : i32
        %dma_start3A_63 = tpu.memref_slice %arg13[%add3A_14, %dma_start3A] : memref<10240x128xf32, #tpu.memory_space<vmem_shared>> -> memref<128x128xf32, #tpu.memory_space<vmem_shared>>
        %dma_start3A_64 = arith.constant 0 : i32
        %dma_start3A_65 = tpu.memref_slice %arg13[%add3A_14, %dma_start3A_64] : memref<10240x128xf32, #tpu.memory_space<vmem_shared>> -> memref<128x128xf32, #tpu.memory_space<vmem_shared>>
        tpu.enqueue_dma source(%arg9 : memref<128x128xf32, #tpu.memory_space<vmem>>) target(%dma_start3A_65 : memref<128x128xf32, #tpu.memory_space<vmem_shared>>) target_semaphore(%run_scoped3A : memref<!tpu.dma_semaphore, #tpu.memory_space<semaphore_mem>>)
        %dma_wait3A = arith.constant 0 : i32
        %dma_wait3A_66 = tpu.memref_slice %arg13[%add3A_14, %dma_wait3A] : memref<10240x128xf32, #tpu.memory_space<vmem_shared>> -> memref<128x128xf32, #tpu.memory_space<vmem_shared>>
        %dma_wait3A_67 = arith.constant 0 : i32
        %dma_wait3A_68 = tpu.memref_slice %arg13[%add3A_14, %dma_wait3A_67] : memref<10240x128xf32, #tpu.memory_space<vmem_shared>> -> memref<128x128xf32, #tpu.memory_space<vmem_shared>>
        tpu.wait_dma2 semaphore(%run_scoped3A : memref<!tpu.dma_semaphore, #tpu.memory_space<semaphore_mem>>) src(%arg9 : memref<128x128xf32, #tpu.memory_space<vmem>>) dst(%dma_wait3A_68 : memref<128x128xf32, #tpu.memory_space<vmem_shared>>)
        tpu.yield
      }) : () -> ()
      %mul3A_15 = arith.constant 640 : i32
      %mul3A_16 = arith.muli %arg1, %mul3A_15 : i32
      %add3A_17 = arith.constant 128 : i32
      %add3A_18 = arith.addi %mul3A_16, %add3A_17 : i32
      "tpu.region"() ({
        %run_scoped3A = tpu.sem_alloc : memref<!tpu.dma_semaphore, #tpu.memory_space<semaphore_mem>>
        %dma_start3A = arith.constant 0 : i32
        %dma_start3A_63 = tpu.memref_slice %arg13[%add3A_18, %dma_start3A] : memref<10240x128xf32, #tpu.memory_space<vmem_shared>> -> memref<128x128xf32, #tpu.memory_space<vmem_shared>>
        %dma_start3A_64 = arith.constant 0 : i32
        %dma_start3A_65 = tpu.memref_slice %arg13[%add3A_18, %dma_start3A_64] : memref<10240x128xf32, #tpu.memory_space<vmem_shared>> -> memref<128x128xf32, #tpu.memory_space<vmem_shared>>
        tpu.enqueue_dma source(%arg9 : memref<128x128xf32, #tpu.memory_space<vmem>>) target(%dma_start3A_65 : memref<128x128xf32, #tpu.memory_space<vmem_shared>>) target_semaphore(%run_scoped3A : memref<!tpu.dma_semaphore, #tpu.memory_space<semaphore_mem>>)
        %dma_wait3A = arith.constant 0 : i32
        %dma_wait3A_66 = tpu.memref_slice %arg13[%add3A_18, %dma_wait3A] : memref<10240x128xf32, #tpu.memory_space<vmem_shared>> -> memref<128x128xf32, #tpu.memory_space<vmem_shared>>
        %dma_wait3A_67 = arith.constant 0 : i32
        %dma_wait3A_68 = tpu.memref_slice %arg13[%add3A_18, %dma_wait3A_67] : memref<10240x128xf32, #tpu.memory_space<vmem_shared>> -> memref<128x128xf32, #tpu.memory_space<vmem_shared>>
        tpu.wait_dma2 semaphore(%run_scoped3A : memref<!tpu.dma_semaphore, #tpu.memory_space<semaphore_mem>>) src(%arg9 : memref<128x128xf32, #tpu.memory_space<vmem>>) dst(%dma_wait3A_68 : memref<128x128xf32, #tpu.memory_space<vmem_shared>>)
        tpu.yield
      }) : () -> ()
      %mul3A_19 = arith.constant 640 : i32
      %mul3A_20 = arith.muli %arg1, %mul3A_19 : i32
      %add3A_21 = arith.constant 256 : i32
      %add3A_22 = arith.addi %mul3A_20, %add3A_21 : i32
      "tpu.region"() ({
        %run_scoped3A = tpu.sem_alloc : memref<!tpu.dma_semaphore, #tpu.memory_space<semaphore_mem>>
        %dma_start3A = arith.constant 0 : i32
        %dma_start3A_63 = tpu.memref_slice %arg13[%add3A_22, %dma_start3A] : memref<10240x128xf32, #tpu.memory_space<vmem_shared>> -> memref<128x128xf32, #tpu.memory_space<vmem_shared>>
        %dma_start3A_64 = arith.constant 0 : i32
        %dma_start3A_65 = tpu.memref_slice %arg13[%add3A_22, %dma_start3A_64] : memref<10240x128xf32, #tpu.memory_space<vmem_shared>> -> memref<128x128xf32, #tpu.memory_space<vmem_shared>>
        tpu.enqueue_dma source(%arg9 : memref<128x128xf32, #tpu.memory_space<vmem>>) target(%dma_start3A_65 : memref<128x128xf32, #tpu.memory_space<vmem_shared>>) target_semaphore(%run_scoped3A : memref<!tpu.dma_semaphore, #tpu.memory_space<semaphore_mem>>)
        %dma_wait3A = arith.constant 0 : i32
        %dma_wait3A_66 = tpu.memref_slice %arg13[%add3A_22, %dma_wait3A] : memref<10240x128xf32, #tpu.memory_space<vmem_shared>> -> memref<128x128xf32, #tpu.memory_space<vmem_shared>>
        %dma_wait3A_67 = arith.constant 0 : i32
        %dma_wait3A_68 = tpu.memref_slice %arg13[%add3A_22, %dma_wait3A_67] : memref<10240x128xf32, #tpu.memory_space<vmem_shared>> -> memref<128x128xf32, #tpu.memory_space<vmem_shared>>
        tpu.wait_dma2 semaphore(%run_scoped3A : memref<!tpu.dma_semaphore, #tpu.memory_space<semaphore_mem>>) src(%arg9 : memref<128x128xf32, #tpu.memory_space<vmem>>) dst(%dma_wait3A_68 : memref<128x128xf32, #tpu.memory_space<vmem_shared>>)
        tpu.yield
      }) : () -> ()
      %mul3A_23 = arith.constant 640 : i32
      %mul3A_24 = arith.muli %arg1, %mul3A_23 : i32
      %add3A_25 = arith.constant 384 : i32
      %add3A_26 = arith.addi %mul3A_24, %add3A_25 : i32
      "tpu.region"() ({
        %run_scoped3A = tpu.sem_alloc : memref<!tpu.dma_semaphore, #tpu.memory_space<semaphore_mem>>
        %dma_start3A = arith.constant 0 : i32
        %dma_start3A_63 = tpu.memref_slice %arg13[%add3A_26, %dma_start3A] : memref<10240x128xf32, #tpu.memory_space<vmem_shared>> -> memref<128x128xf32, #tpu.memory_space<vmem_shared>>
        %dma_start3A_64 = arith.constant 0 : i32
        %dma_start3A_65 = tpu.memref_slice %arg13[%add3A_26, %dma_start3A_64] : memref<10240x128xf32, #tpu.memory_space<vmem_shared>> -> memref<128x128xf32, #tpu.memory_space<vmem_shared>>
        tpu.enqueue_dma source(%arg9 : memref<128x128xf32, #tpu.memory_space<vmem>>) target(%dma_start3A_65 : memref<128x128xf32, #tpu.memory_space<vmem_shared>>) target_semaphore(%run_scoped3A : memref<!tpu.dma_semaphore, #tpu.memory_space<semaphore_mem>>)
        %dma_wait3A = arith.constant 0 : i32
        %dma_wait3A_66 = tpu.memref_slice %arg13[%add3A_26, %dma_wait3A] : memref<10240x128xf32, #tpu.memory_space<vmem_shared>> -> memref<128x128xf32, #tpu.memory_space<vmem_shared>>
        %dma_wait3A_67 = arith.constant 0 : i32
        %dma_wait3A_68 = tpu.memref_slice %arg13[%add3A_26, %dma_wait3A_67] : memref<10240x128xf32, #tpu.memory_space<vmem_shared>> -> memref<128x128xf32, #tpu.memory_space<vmem_shared>>
        tpu.wait_dma2 semaphore(%run_scoped3A : memref<!tpu.dma_semaphore, #tpu.memory_space<semaphore_mem>>) src(%arg9 : memref<128x128xf32, #tpu.memory_space<vmem>>) dst(%dma_wait3A_68 : memref<128x128xf32, #tpu.memory_space<vmem_shared>>)
        tpu.yield
      }) : () -> ()
      %mul3A_27 = arith.constant 640 : i32
      %mul3A_28 = arith.muli %arg1, %mul3A_27 : i32
      %add3A_29 = arith.constant 512 : i32
      %add3A_30 = arith.addi %mul3A_28, %add3A_29 : i32
      "tpu.region"() ({
        %run_scoped3A = tpu.sem_alloc : memref<!tpu.dma_semaphore, #tpu.memory_space<semaphore_mem>>
        %dma_start3A = arith.constant 0 : i32
        %dma_start3A_63 = tpu.memref_slice %arg13[%add3A_30, %dma_start3A] : memref<10240x128xf32, #tpu.memory_space<vmem_shared>> -> memref<128x128xf32, #tpu.memory_space<vmem_shared>>
        %dma_start3A_64 = arith.constant 0 : i32
        %dma_start3A_65 = tpu.memref_slice %arg13[%add3A_30, %dma_start3A_64] : memref<10240x128xf32, #tpu.memory_space<vmem_shared>> -> memref<128x128xf32, #tpu.memory_space<vmem_shared>>
        tpu.enqueue_dma source(%arg9 : memref<128x128xf32, #tpu.memory_space<vmem>>) target(%dma_start3A_65 : memref<128x128xf32, #tpu.memory_space<vmem_shared>>) target_semaphore(%run_scoped3A : memref<!tpu.dma_semaphore, #tpu.memory_space<semaphore_mem>>)
        %dma_wait3A = arith.constant 0 : i32
        %dma_wait3A_66 = tpu.memref_slice %arg13[%add3A_30, %dma_wait3A] : memref<10240x128xf32, #tpu.memory_space<vmem_shared>> -> memref<128x128xf32, #tpu.memory_space<vmem_shared>>
        %dma_wait3A_67 = arith.constant 0 : i32
        %dma_wait3A_68 = tpu.memref_slice %arg13[%add3A_30, %dma_wait3A_67] : memref<10240x128xf32, #tpu.memory_space<vmem_shared>> -> memref<128x128xf32, #tpu.memory_space<vmem_shared>>
        tpu.wait_dma2 semaphore(%run_scoped3A : memref<!tpu.dma_semaphore, #tpu.memory_space<semaphore_mem>>) src(%arg9 : memref<128x128xf32, #tpu.memory_space<vmem>>) dst(%dma_wait3A_68 : memref<128x128xf32, #tpu.memory_space<vmem_shared>>)
        tpu.yield
      }) : () -> ()
      %barrier3A = arith.constant 0 : index
      tpu.barrier barrier_id(%barrier3A)
      %mul3A_31 = arith.constant 20096 : i32
      %mul3A_32 = arith.muli %arg1, %mul3A_31 : i32
      %scan3A_33 = arith.constant 0 : i32
      %scan3A_34 = arith.constant 0 : i32
      %scan3A_35 = arith.constant 157 : i32
      %scan3A_36 = arith.addi %scan3A_34, %scan3A_35 : i32
      %scan3A_37 = arith.constant 1 : i32
      %scan3A_38 = scf.for %scan3A_63 = %scan3A_34 to %scan3A_36 step %scan3A_37 iter_args(%scan3A_64 = %scan3A_33) -> (i32)  : i32 {
        %mul3A_65 = arith.constant 128 : i32
        %mul3A_66 = arith.muli %scan3A_63, %mul3A_65 : i32
        %add3A_67 = arith.addi %mul3A_32, %mul3A_66 : i32
        "tpu.region"() ({
          %run_scoped3A = tpu.sem_alloc : memref<!tpu.dma_semaphore, #tpu.memory_space<semaphore_mem>>
          %dma_start3A_80 = tpu.memref_slice %arg5[%add3A_67] : memref<321536xi32, #tpu.memory_space<hbm>> -> memref<128xi32, #tpu.memory_space<hbm>>
          %dma_start3A_81 = tpu.memref_slice %arg5[%add3A_67] : memref<321536xi32, #tpu.memory_space<hbm>> -> memref<128xi32, #tpu.memory_space<hbm>>
          tpu.enqueue_dma source(%dma_start3A_81 : memref<128xi32, #tpu.memory_space<hbm>>) target(%arg10 : memref<128xi32, #tpu.memory_space<vmem>>) target_semaphore(%run_scoped3A : memref<!tpu.dma_semaphore, #tpu.memory_space<semaphore_mem>>)
          %dma_wait3A_82 = tpu.memref_slice %arg5[%add3A_67] : memref<321536xi32, #tpu.memory_space<hbm>> -> memref<128xi32, #tpu.memory_space<hbm>>
          %dma_wait3A_83 = tpu.memref_slice %arg5[%add3A_67] : memref<321536xi32, #tpu.memory_space<hbm>> -> memref<128xi32, #tpu.memory_space<hbm>>
          tpu.wait_dma2 semaphore(%run_scoped3A : memref<!tpu.dma_semaphore, #tpu.memory_space<semaphore_mem>>) src(%dma_wait3A_83 : memref<128xi32, #tpu.memory_space<hbm>>) dst(%arg10 : memref<128xi32, #tpu.memory_space<vmem>>)
          tpu.yield
        }) : () -> ()
        "tpu.region"() ({
          %run_scoped3A = tpu.sem_alloc : memref<!tpu.dma_semaphore, #tpu.memory_space<semaphore_mem>>
          %dma_start3A_80 = tpu.memref_slice %arg4[%add3A_67] : memref<321536xi32, #tpu.memory_space<hbm>> -> memref<128xi32, #tpu.memory_space<hbm>>
          %dma_start3A_81 = tpu.memref_slice %arg4[%add3A_67] : memref<321536xi32, #tpu.memory_space<hbm>> -> memref<128xi32, #tpu.memory_space<hbm>>
          tpu.enqueue_dma source(%dma_start3A_81 : memref<128xi32, #tpu.memory_space<hbm>>) target(%arg11 : memref<128xi32, #tpu.memory_space<vmem>>) target_semaphore(%run_scoped3A : memref<!tpu.dma_semaphore, #tpu.memory_space<semaphore_mem>>)
          %dma_wait3A_82 = tpu.memref_slice %arg4[%add3A_67] : memref<321536xi32, #tpu.memory_space<hbm>> -> memref<128xi32, #tpu.memory_space<hbm>>
          %dma_wait3A_83 = tpu.memref_slice %arg4[%add3A_67] : memref<321536xi32, #tpu.memory_space<hbm>> -> memref<128xi32, #tpu.memory_space<hbm>>
          tpu.wait_dma2 semaphore(%run_scoped3A : memref<!tpu.dma_semaphore, #tpu.memory_space<semaphore_mem>>) src(%dma_wait3A_83 : memref<128xi32, #tpu.memory_space<hbm>>) dst(%arg11 : memref<128xi32, #tpu.memory_space<vmem>>)
          tpu.yield
        }) : () -> ()
        "tpu.region"() ({
          %run_scoped3A = tpu.sem_alloc : memref<!tpu.dma_semaphore, #tpu.memory_space<semaphore_mem>>
          %dma_start3A_80 = arith.constant 0 : i32
          %dma_start3A_81 = tpu.memref_slice %arg12[%dma_start3A_80] : memref<144xf32, #tpu.memory_space<vmem>> -> memref<128xf32, #tpu.memory_space<vmem>>
          %dma_start3A_82 = tpu.memref_slice %arg6[%add3A_67] : memref<321536xf32, #tpu.memory_space<hbm>> -> memref<128xf32, #tpu.memory_space<hbm>>
          %dma_start3A_83 = arith.constant 0 : i32
          %dma_start3A_84 = tpu.memref_slice %arg12[%dma_start3A_83] : memref<144xf32, #tpu.memory_space<vmem>> -> memref<128xf32, #tpu.memory_space<vmem>>
          %dma_start3A_85 = tpu.memref_slice %arg6[%add3A_67] : memref<321536xf32, #tpu.memory_space<hbm>> -> memref<128xf32, #tpu.memory_space<hbm>>
          tpu.enqueue_dma source(%dma_start3A_85 : memref<128xf32, #tpu.memory_space<hbm>>) target(%dma_start3A_84 : memref<128xf32, #tpu.memory_space<vmem>>) target_semaphore(%run_scoped3A : memref<!tpu.dma_semaphore, #tpu.memory_space<semaphore_mem>>)
          %dma_wait3A_86 = arith.constant 0 : i32
          %dma_wait3A_87 = tpu.memref_slice %arg12[%dma_wait3A_86] : memref<144xf32, #tpu.memory_space<vmem>> -> memref<128xf32, #tpu.memory_space<vmem>>
          %dma_wait3A_88 = tpu.memref_slice %arg6[%add3A_67] : memref<321536xf32, #tpu.memory_space<hbm>> -> memref<128xf32, #tpu.memory_space<hbm>>
          %dma_wait3A_89 = arith.constant 0 : i32
          %dma_wait3A_90 = tpu.memref_slice %arg12[%dma_wait3A_89] : memref<144xf32, #tpu.memory_space<vmem>> -> memref<128xf32, #tpu.memory_space<vmem>>
          %dma_wait3A_91 = tpu.memref_slice %arg6[%add3A_67] : memref<321536xf32, #tpu.memory_space<hbm>> -> memref<128xf32, #tpu.memory_space<hbm>>
          tpu.wait_dma2 semaphore(%run_scoped3A : memref<!tpu.dma_semaphore, #tpu.memory_space<semaphore_mem>>) src(%dma_wait3A_91 : memref<128xf32, #tpu.memory_space<hbm>>) dst(%dma_wait3A_90 : memref<128xf32, #tpu.memory_space<vmem>>)
          tpu.yield
        }) : () -> ()
        %dma_start3A = arith.constant 0 : i32
        %dma_start3A_68 = arith.constant 0 : i32
        %dma_start3A_69 = tpu.memref_slice %arg2[%dma_start3A, %dma_start3A_68] : memref<10000x128xf32, #tpu.memory_space<hbm>> -> memref<10000x128xf32, #tpu.memory_space<hbm>>
        tpu.enqueue_indirect_dma source(%dma_start3A_69 : memref<10000x128xf32, #tpu.memory_space<hbm>>) target(%arg9 : memref<128x128xf32, #tpu.memory_space<vmem>>) offsets(%arg10 : memref<128xi32, #tpu.memory_space<vmem>>) semaphore(%arg14 : memref<!tpu.dma_semaphore, #tpu.memory_space<semaphore_mem>>)
        %dma_wait3A = arith.constant 0 : i32
        %dma_wait3A_70 = arith.constant 0 : i32
        %dma_wait3A_71 = tpu.memref_slice %arg2[%dma_wait3A, %dma_wait3A_70] : memref<10000x128xf32, #tpu.memory_space<hbm>> -> memref<10000x128xf32, #tpu.memory_space<hbm>>
        tpu.wait_indirect_dma semaphore(%arg14 : memref<!tpu.dma_semaphore, #tpu.memory_space<semaphore_mem>>) src(%dma_wait3A_71 : memref<10000x128xf32, #tpu.memory_space<hbm>>) dst(%arg9 : memref<128x128xf32, #tpu.memory_space<vmem>>)
        %scan3A_72 = arith.constant 0 : i32
        %scan3A_73 = arith.constant 0 : i32
        %scan3A_74 = arith.constant 128 : i32
        %scan3A_75 = arith.addi %scan3A_73, %scan3A_74 : i32
        %scan3A_76 = arith.constant 1 : i32
        %scan3A_77 = scf.for %scan3A_80 = %scan3A_73 to %scan3A_75 step %scan3A_76 iter_args(%scan3A_81 = %scan3A_72) -> (i32)  : i32 {
          %get3A = arith.index_cast %scan3A_80 : i32 to index
          %get3A_82 = tpu.vector_load %arg12[%get3A] {strides = array<i32>} : memref<144xf32, #tpu.memory_space<vmem>>, vector<16xf32>,
          %get3A_83 = vector.shape_cast %get3A_82 : vector<16xf32> to vector<16xf32>
          %slice3A = vector.extract_strided_slice %get3A_83 {offsets = [0], sizes = [1], strides = [1]} : vector<16xf32> to vector<1xf32>
          %squeeze3A = vector.extract %slice3A[0] : f32 from vector<1xf32>
          %get3A_84 = arith.index_cast %scan3A_80 : i32 to index
          %get3A_85 = arith.constant 0 : index
          %get3A_86 = tpu.vector_load %arg9[%get3A_84, %get3A_85] {strides = array<i32>} : memref<128x128xf32, #tpu.memory_space<vmem>>, vector<1x16xf32>,
          %get3A_87 = vector.shape_cast %get3A_86 : vector<1x16xf32> to vector<16xf32>
          %mul3A_88 = vector.broadcast %squeeze3A : f32 to vector<16xf32>
          %mul3A_89 = arith.mulf %get3A_87, %mul3A_88 : vector<16xf32>
          %swap3A = arith.index_cast %scan3A_80 : i32 to index
          %swap3A_90 = arith.constant 0 : index
          %swap3A_91 = tpu.vector_load %arg9[%swap3A, %swap3A_90] {strides = array<i32>} : memref<128x128xf32, #tpu.memory_space<vmem>>, vector<1x16xf32>,
          %swap3A_92 = vector.shape_cast %swap3A_91 : vector<1x16xf32> to vector<16xf32>
          %swap3A_93 = vector.shape_cast %mul3A_89 : vector<16xf32> to vector<1x16xf32>
          tpu.vector_store %arg9[%swap3A, %swap3A_90], %swap3A_93 {strides = array<i32>} : memref<128x128xf32, #tpu.memory_space<vmem>>, vector<1x16xf32>,
          %get3A_94 = arith.index_cast %scan3A_80 : i32 to index
          %get3A_95 = arith.constant 16 : index
          %get3A_96 = tpu.vector_load %arg9[%get3A_94, %get3A_95] {strides = array<i32>} : memref<128x128xf32, #tpu.memory_space<vmem>>, vector<1x16xf32>,
          %get3A_97 = vector.shape_cast %get3A_96 : vector<1x16xf32> to vector<16xf32>
          %mul3A_98 = vector.broadcast %squeeze3A : f32 to vector<16xf32>
          %mul3A_99 = arith.mulf %get3A_97, %mul3A_98 : vector<16xf32>
          %swap3A_100 = arith.index_cast %scan3A_80 : i32 to index
          %swap3A_101 = arith.constant 16 : index
          %swap3A_102 = tpu.vector_load %arg9[%swap3A_100, %swap3A_101] {strides = array<i32>} : memref<128x128xf32, #tpu.memory_space<vmem>>, vector<1x16xf32>,
          %swap3A_103 = vector.shape_cast %swap3A_102 : vector<1x16xf32> to vector<16xf32>
          %swap3A_104 = vector.shape_cast %mul3A_99 : vector<16xf32> to vector<1x16xf32>
          tpu.vector_store %arg9[%swap3A_100, %swap3A_101], %swap3A_104 {strides = array<i32>} : memref<128x128xf32, #tpu.memory_space<vmem>>, vector<1x16xf32>,
          %get3A_105 = arith.index_cast %scan3A_80 : i32 to index
          %get3A_106 = arith.constant 32 : index
          %get3A_107 = tpu.vector_load %arg9[%get3A_105, %get3A_106] {strides = array<i32>} : memref<128x128xf32, #tpu.memory_space<vmem>>, vector<1x16xf32>,
          %get3A_108 = vector.shape_cast %get3A_107 : vector<1x16xf32> to vector<16xf32>
          %mul3A_109 = vector.broadcast %squeeze3A : f32 to vector<16xf32>
          %mul3A_110 = arith.mulf %get3A_108, %mul3A_109 : vector<16xf32>
          %swap3A_111 = arith.index_cast %scan3A_80 : i32 to index
          %swap3A_112 = arith.constant 32 : index
          %swap3A_113 = tpu.vector_load %arg9[%swap3A_111, %swap3A_112] {strides = array<i32>} : memref<128x128xf32, #tpu.memory_space<vmem>>, vector<1x16xf32>,
          %swap3A_114 = vector.shape_cast %swap3A_113 : vector<1x16xf32> to vector<16xf32>
          %swap3A_115 = vector.shape_cast %mul3A_110 : vector<16xf32> to vector<1x16xf32>
          tpu.vector_store %arg9[%swap3A_111, %swap3A_112], %swap3A_115 {strides = array<i32>} : memref<128x128xf32, #tpu.memory_space<vmem>>, vector<1x16xf32>,
          %get3A_116 = arith.index_cast %scan3A_80 : i32 to index
          %get3A_117 = arith.constant 48 : index
          %get3A_118 = tpu.vector_load %arg9[%get3A_116, %get3A_117] {strides = array<i32>} : memref<128x128xf32, #tpu.memory_space<vmem>>, vector<1x16xf32>,
          %get3A_119 = vector.shape_cast %get3A_118 : vector<1x16xf32> to vector<16xf32>
          %mul3A_120 = vector.broadcast %squeeze3A : f32 to vector<16xf32>
          %mul3A_121 = arith.mulf %get3A_119, %mul3A_120 : vector<16xf32>
          %swap3A_122 = arith.index_cast %scan3A_80 : i32 to index
          %swap3A_123 = arith.constant 48 : index
          %swap3A_124 = tpu.vector_load %arg9[%swap3A_122, %swap3A_123] {strides = array<i32>} : memref<128x128xf32, #tpu.memory_space<vmem>>, vector<1x16xf32>,
          %swap3A_125 = vector.shape_cast %swap3A_124 : vector<1x16xf32> to vector<16xf32>
          %swap3A_126 = vector.shape_cast %mul3A_121 : vector<16xf32> to vector<1x16xf32>
          tpu.vector_store %arg9[%swap3A_122, %swap3A_123], %swap3A_126 {strides = array<i32>} : memref<128x128xf32, #tpu.memory_space<vmem>>, vector<1x16xf32>,
          %get3A_127 = arith.index_cast %scan3A_80 : i32 to index
          %get3A_128 = arith.constant 64 : index
          %get3A_129 = tpu.vector_load %arg9[%get3A_127, %get3A_128] {strides = array<i32>} : memref<128x128xf32, #tpu.memory_space<vmem>>, vector<1x16xf32>,
          %get3A_130 = vector.shape_cast %get3A_129 : vector<1x16xf32> to vector<16xf32>
          %mul3A_131 = vector.broadcast %squeeze3A : f32 to vector<16xf32>
          %mul3A_132 = arith.mulf %get3A_130, %mul3A_131 : vector<16xf32>
          %swap3A_133 = arith.index_cast %scan3A_80 : i32 to index
          %swap3A_134 = arith.constant 64 : index
          %swap3A_135 = tpu.vector_load %arg9[%swap3A_133, %swap3A_134] {strides = array<i32>} : memref<128x128xf32, #tpu.memory_space<vmem>>, vector<1x16xf32>,
          %swap3A_136 = vector.shape_cast %swap3A_135 : vector<1x16xf32> to vector<16xf32>
          %swap3A_137 = vector.shape_cast %mul3A_132 : vector<16xf32> to vector<1x16xf32>
          tpu.vector_store %arg9[%swap3A_133, %swap3A_134], %swap3A_137 {strides = array<i32>} : memref<128x128xf32, #tpu.memory_space<vmem>>, vector<1x16xf32>,
          %get3A_138 = arith.index_cast %scan3A_80 : i32 to index
          %get3A_139 = arith.constant 80 : index
          %get3A_140 = tpu.vector_load %arg9[%get3A_138, %get3A_139] {strides = array<i32>} : memref<128x128xf32, #tpu.memory_space<vmem>>, vector<1x16xf32>,
          %get3A_141 = vector.shape_cast %get3A_140 : vector<1x16xf32> to vector<16xf32>
          %mul3A_142 = vector.broadcast %squeeze3A : f32 to vector<16xf32>
          %mul3A_143 = arith.mulf %get3A_141, %mul3A_142 : vector<16xf32>
          %swap3A_144 = arith.index_cast %scan3A_80 : i32 to index
          %swap3A_145 = arith.constant 80 : index
          %swap3A_146 = tpu.vector_load %arg9[%swap3A_144, %swap3A_145] {strides = array<i32>} : memref<128x128xf32, #tpu.memory_space<vmem>>, vector<1x16xf32>,
          %swap3A_147 = vector.shape_cast %swap3A_146 : vector<1x16xf32> to vector<16xf32>
          %swap3A_148 = vector.shape_cast %mul3A_143 : vector<16xf32> to vector<1x16xf32>
          tpu.vector_store %arg9[%swap3A_144, %swap3A_145], %swap3A_148 {strides = array<i32>} : memref<128x128xf32, #tpu.memory_space<vmem>>, vector<1x16xf32>,
          %get3A_149 = arith.index_cast %scan3A_80 : i32 to index
          %get3A_150 = arith.constant 96 : index
          %get3A_151 = tpu.vector_load %arg9[%get3A_149, %get3A_150] {strides = array<i32>} : memref<128x128xf32, #tpu.memory_space<vmem>>, vector<1x16xf32>,
          %get3A_152 = vector.shape_cast %get3A_151 : vector<1x16xf32> to vector<16xf32>
          %mul3A_153 = vector.broadcast %squeeze3A : f32 to vector<16xf32>
          %mul3A_154 = arith.mulf %get3A_152, %mul3A_153 : vector<16xf32>
          %swap3A_155 = arith.index_cast %scan3A_80 : i32 to index
          %swap3A_156 = arith.constant 96 : index
          %swap3A_157 = tpu.vector_load %arg9[%swap3A_155, %swap3A_156] {strides = array<i32>} : memref<128x128xf32, #tpu.memory_space<vmem>>, vector<1x16xf32>,
          %swap3A_158 = vector.shape_cast %swap3A_157 : vector<1x16xf32> to vector<16xf32>
          %swap3A_159 = vector.shape_cast %mul3A_154 : vector<16xf32> to vector<1x16xf32>
          tpu.vector_store %arg9[%swap3A_155, %swap3A_156], %swap3A_159 {strides = array<i32>} : memref<128x128xf32, #tpu.memory_space<vmem>>, vector<1x16xf32>,
          %get3A_160 = arith.index_cast %scan3A_80 : i32 to index
          %get3A_161 = arith.constant 112 : index
          %get3A_162 = tpu.vector_load %arg9[%get3A_160, %get3A_161] {strides = array<i32>} : memref<128x128xf32, #tpu.memory_space<vmem>>, vector<1x16xf32>,
          %get3A_163 = vector.shape_cast %get3A_162 : vector<1x16xf32> to vector<16xf32>
          %mul3A_164 = vector.broadcast %squeeze3A : f32 to vector<16xf32>
          %mul3A_165 = arith.mulf %get3A_163, %mul3A_164 : vector<16xf32>
          %swap3A_166 = arith.index_cast %scan3A_80 : i32 to index
          %swap3A_167 = arith.constant 112 : index
          %swap3A_168 = tpu.vector_load %arg9[%swap3A_166, %swap3A_167] {strides = array<i32>} : memref<128x128xf32, #tpu.memory_space<vmem>>, vector<1x16xf32>,
          %swap3A_169 = vector.shape_cast %swap3A_168 : vector<1x16xf32> to vector<16xf32>
          %swap3A_170 = vector.shape_cast %mul3A_165 : vector<16xf32> to vector<1x16xf32>
          tpu.vector_store %arg9[%swap3A_166, %swap3A_167], %swap3A_170 {strides = array<i32>} : memref<128x128xf32, #tpu.memory_space<vmem>>, vector<1x16xf32>,
          %scan3A_171 = arith.constant 0 : i32
          scf.yield %scan3A_171 : i32
        }
        %scan3A_78 = arith.constant 128 : i32
        "tpu.region"() ({
          %run_scoped3A = tpu.sem_alloc : memref<!tpu.dma_semaphore, #tpu.memory_space<semaphore_mem>>
          %dma_start3A_80 = arith.constant 0 : i32
          %dma_start3A_81 = arith.constant 0 : i32
          %dma_start3A_82 = tpu.memref_slice %arg13[%dma_start3A_80, %dma_start3A_81] : memref<10240x128xf32, #tpu.memory_space<vmem_shared>> -> memref<10240x128xf32, #tpu.memory_space<vmem_shared>>
          tpu.enqueue_indirect_dma source(%arg9 : memref<128x128xf32, #tpu.memory_space<vmem>>) target(%dma_start3A_82 : memref<10240x128xf32, #tpu.memory_space<vmem_shared>>) offsets(%arg11 : memref<128xi32, #tpu.memory_space<vmem>>) semaphore(%run_scoped3A : memref<!tpu.dma_semaphore, #tpu.memory_space<semaphore_mem>>) {add = true}
          %dma_wait3A_83 = arith.constant 0 : i32
          %dma_wait3A_84 = arith.constant 0 : i32
          %dma_wait3A_85 = tpu.memref_slice %arg13[%dma_wait3A_83, %dma_wait3A_84] : memref<10240x128xf32, #tpu.memory_space<vmem_shared>> -> memref<10240x128xf32, #tpu.memory_space<vmem_shared>>
          tpu.wait_indirect_dma semaphore(%run_scoped3A : memref<!tpu.dma_semaphore, #tpu.memory_space<semaphore_mem>>) src(%arg9 : memref<128x128xf32, #tpu.memory_space<vmem>>) dst(%dma_wait3A_85 : memref<10240x128xf32, #tpu.memory_space<vmem_shared>>)
          tpu.yield
        }) : () -> ()
        %scan3A_79 = arith.constant 0 : i32
        scf.yield %scan3A_79 : i32
      }
      %scan3A_39 = arith.constant 157 : i32
      %barrier3A_40 = arith.constant 0 : index
      tpu.barrier barrier_id(%barrier3A_40)
      %mul3A_41 = arith.constant 640 : i32
      %mul3A_42 = arith.muli %arg1, %mul3A_41 : i32
      %add3A_43 = arith.constant 0 : i32
      %add3A_44 = arith.addi %mul3A_42, %add3A_43 : i32
      %add3A_45 = arith.constant 0 : i32
      %add3A_46 = arith.addi %mul3A_42, %add3A_45 : i32
      "tpu.region"() ({
        %run_scoped3A = tpu.sem_alloc : memref<!tpu.dma_semaphore, #tpu.memory_space<semaphore_mem>>
        %dma_start3A = arith.constant 0 : i32
        %dma_start3A_63 = tpu.memref_slice %arg7[%add3A_46, %dma_start3A] : memref<10240x128xf32, #tpu.memory_space<hbm>> -> memref<128x128xf32, #tpu.memory_space<hbm>>
        %dma_start3A_64 = arith.constant 0 : i32
        %dma_start3A_65 = tpu.memref_slice %arg13[%add3A_44, %dma_start3A_64] : memref<10240x128xf32, #tpu.memory_space<vmem_shared>> -> memref<128x128xf32, #tpu.memory_space<vmem_shared>>
        tpu.enqueue_dma source(%dma_start3A_65 : memref<128x128xf32, #tpu.memory_space<vmem_shared>>) target(%dma_start3A_63 : memref<128x128xf32, #tpu.memory_space<hbm>>) target_semaphore(%run_scoped3A : memref<!tpu.dma_semaphore, #tpu.memory_space<semaphore_mem>>)
        %dma_wait3A = arith.constant 0 : i32
        %dma_wait3A_66 = tpu.memref_slice %arg7[%add3A_46, %dma_wait3A] : memref<10240x128xf32, #tpu.memory_space<hbm>> -> memref<128x128xf32, #tpu.memory_space<hbm>>
        %dma_wait3A_67 = arith.constant 0 : i32
        %dma_wait3A_68 = tpu.memref_slice %arg13[%add3A_44, %dma_wait3A_67] : memref<10240x128xf32, #tpu.memory_space<vmem_shared>> -> memref<128x128xf32, #tpu.memory_space<vmem_shared>>
        tpu.wait_dma2 semaphore(%run_scoped3A : memref<!tpu.dma_semaphore, #tpu.memory_space<semaphore_mem>>) src(%dma_wait3A_68 : memref<128x128xf32, #tpu.memory_space<vmem_shared>>) dst(%dma_wait3A_66 : memref<128x128xf32, #tpu.memory_space<hbm>>)
        tpu.yield
      }) : () -> ()
      %add3A_47 = arith.constant 128 : i32
      %add3A_48 = arith.addi %mul3A_42, %add3A_47 : i32
      %add3A_49 = arith.constant 128 : i32
      %add3A_50 = arith.addi %mul3A_42, %add3A_49 : i32
      "tpu.region"() ({
        %run_scoped3A = tpu.sem_alloc : memref<!tpu.dma_semaphore, #tpu.memory_space<semaphore_mem>>
        %dma_start3A = arith.constant 0 : i32
        %dma_start3A_63 = tpu.memref_slice %arg7[%add3A_50, %dma_start3A] : memref<10240x128xf32, #tpu.memory_space<hbm>> -> memref<128x128xf32, #tpu.memory_space<hbm>>
        %dma_start3A_64 = arith.constant 0 : i32
        %dma_start3A_65 = tpu.memref_slice %arg13[%add3A_48, %dma_start3A_64] : memref<10240x128xf32, #tpu.memory_space<vmem_shared>> -> memref<128x128xf32, #tpu.memory_space<vmem_shared>>
        tpu.enqueue_dma source(%dma_start3A_65 : memref<128x128xf32, #tpu.memory_space<vmem_shared>>) target(%dma_start3A_63 : memref<128x128xf32, #tpu.memory_space<hbm>>) target_semaphore(%run_scoped3A : memref<!tpu.dma_semaphore, #tpu.memory_space<semaphore_mem>>)
        %dma_wait3A = arith.constant 0 : i32
        %dma_wait3A_66 = tpu.memref_slice %arg7[%add3A_50, %dma_wait3A] : memref<10240x128xf32, #tpu.memory_space<hbm>> -> memref<128x128xf32, #tpu.memory_space<hbm>>
        %dma_wait3A_67 = arith.constant 0 : i32
        %dma_wait3A_68 = tpu.memref_slice %arg13[%add3A_48, %dma_wait3A_67] : memref<10240x128xf32, #tpu.memory_space<vmem_shared>> -> memref<128x128xf32, #tpu.memory_space<vmem_shared>>
        tpu.wait_dma2 semaphore(%run_scoped3A : memref<!tpu.dma_semaphore, #tpu.memory_space<semaphore_mem>>) src(%dma_wait3A_68 : memref<128x128xf32, #tpu.memory_space<vmem_shared>>) dst(%dma_wait3A_66 : memref<128x128xf32, #tpu.memory_space<hbm>>)
        tpu.yield
      }) : () -> ()
      %add3A_51 = arith.constant 256 : i32
      %add3A_52 = arith.addi %mul3A_42, %add3A_51 : i32
      %add3A_53 = arith.constant 256 : i32
      %add3A_54 = arith.addi %mul3A_42, %add3A_53 : i32
      "tpu.region"() ({
        %run_scoped3A = tpu.sem_alloc : memref<!tpu.dma_semaphore, #tpu.memory_space<semaphore_mem>>
        %dma_start3A = arith.constant 0 : i32
        %dma_start3A_63 = tpu.memref_slice %arg7[%add3A_54, %dma_start3A] : memref<10240x128xf32, #tpu.memory_space<hbm>> -> memref<128x128xf32, #tpu.memory_space<hbm>>
        %dma_start3A_64 = arith.constant 0 : i32
        %dma_start3A_65 = tpu.memref_slice %arg13[%add3A_52, %dma_start3A_64] : memref<10240x128xf32, #tpu.memory_space<vmem_shared>> -> memref<128x128xf32, #tpu.memory_space<vmem_shared>>
        tpu.enqueue_dma source(%dma_start3A_65 : memref<128x128xf32, #tpu.memory_space<vmem_shared>>) target(%dma_start3A_63 : memref<128x128xf32, #tpu.memory_space<hbm>>) target_semaphore(%run_scoped3A : memref<!tpu.dma_semaphore, #tpu.memory_space<semaphore_mem>>)
        %dma_wait3A = arith.constant 0 : i32
        %dma_wait3A_66 = tpu.memref_slice %arg7[%add3A_54, %dma_wait3A] : memref<10240x128xf32, #tpu.memory_space<hbm>> -> memref<128x128xf32, #tpu.memory_space<hbm>>
        %dma_wait3A_67 = arith.constant 0 : i32
        %dma_wait3A_68 = tpu.memref_slice %arg13[%add3A_52, %dma_wait3A_67] : memref<10240x128xf32, #tpu.memory_space<vmem_shared>> -> memref<128x128xf32, #tpu.memory_space<vmem_shared>>
        tpu.wait_dma2 semaphore(%run_scoped3A : memref<!tpu.dma_semaphore, #tpu.memory_space<semaphore_mem>>) src(%dma_wait3A_68 : memref<128x128xf32, #tpu.memory_space<vmem_shared>>) dst(%dma_wait3A_66 : memref<128x128xf32, #tpu.memory_space<hbm>>)
        tpu.yield
      }) : () -> ()
      %add3A_55 = arith.constant 384 : i32
      %add3A_56 = arith.addi %mul3A_42, %add3A_55 : i32
      %add3A_57 = arith.constant 384 : i32
      %add3A_58 = arith.addi %mul3A_42, %add3A_57 : i32
      "tpu.region"() ({
        %run_scoped3A = tpu.sem_alloc : memref<!tpu.dma_semaphore, #tpu.memory_space<semaphore_mem>>
        %dma_start3A = arith.constant 0 : i32
        %dma_start3A_63 = tpu.memref_slice %arg7[%add3A_58, %dma_start3A] : memref<10240x128xf32, #tpu.memory_space<hbm>> -> memref<128x128xf32, #tpu.memory_space<hbm>>
        %dma_start3A_64 = arith.constant 0 : i32
        %dma_start3A_65 = tpu.memref_slice %arg13[%add3A_56, %dma_start3A_64] : memref<10240x128xf32, #tpu.memory_space<vmem_shared>> -> memref<128x128xf32, #tpu.memory_space<vmem_shared>>
        tpu.enqueue_dma source(%dma_start3A_65 : memref<128x128xf32, #tpu.memory_space<vmem_shared>>) target(%dma_start3A_63 : memref<128x128xf32, #tpu.memory_space<hbm>>) target_semaphore(%run_scoped3A : memref<!tpu.dma_semaphore, #tpu.memory_space<semaphore_mem>>)
        %dma_wait3A = arith.constant 0 : i32
        %dma_wait3A_66 = tpu.memref_slice %arg7[%add3A_58, %dma_wait3A] : memref<10240x128xf32, #tpu.memory_space<hbm>> -> memref<128x128xf32, #tpu.memory_space<hbm>>
        %dma_wait3A_67 = arith.constant 0 : i32
        %dma_wait3A_68 = tpu.memref_slice %arg13[%add3A_56, %dma_wait3A_67] : memref<10240x128xf32, #tpu.memory_space<vmem_shared>> -> memref<128x128xf32, #tpu.memory_space<vmem_shared>>
        tpu.wait_dma2 semaphore(%run_scoped3A : memref<!tpu.dma_semaphore, #tpu.memory_space<semaphore_mem>>) src(%dma_wait3A_68 : memref<128x128xf32, #tpu.memory_space<vmem_shared>>) dst(%dma_wait3A_66 : memref<128x128xf32, #tpu.memory_space<hbm>>)
        tpu.yield
      }) : () -> ()
      %add3A_59 = arith.constant 512 : i32
      %add3A_60 = arith.addi %mul3A_42, %add3A_59 : i32
      %add3A_61 = arith.constant 512 : i32
      %add3A_62 = arith.addi %mul3A_42, %add3A_61 : i32
      "tpu.region"() ({
        %run_scoped3A = tpu.sem_alloc : memref<!tpu.dma_semaphore, #tpu.memory_space<semaphore_mem>>
        %dma_start3A = arith.constant 0 : i32
        %dma_start3A_63 = tpu.memref_slice %arg7[%add3A_62, %dma_start3A] : memref<10240x128xf32, #tpu.memory_space<hbm>> -> memref<128x128xf32, #tpu.memory_space<hbm>>
        %dma_start3A_64 = arith.constant 0 : i32
        %dma_start3A_65 = tpu.memref_slice %arg13[%add3A_60, %dma_start3A_64] : memref<10240x128xf32, #tpu.memory_space<vmem_shared>> -> memref<128x128xf32, #tpu.memory_space<vmem_shared>>
        tpu.enqueue_dma source(%dma_start3A_65 : memref<128x128xf32, #tpu.memory_space<vmem_shared>>) target(%dma_start3A_63 : memref<128x128xf32, #tpu.memory_space<hbm>>) target_semaphore(%run_scoped3A : memref<!tpu.dma_semaphore, #tpu.memory_space<semaphore_mem>>)
        %dma_wait3A = arith.constant 0 : i32
        %dma_wait3A_66 = tpu.memref_slice %arg7[%add3A_62, %dma_wait3A] : memref<10240x128xf32, #tpu.memory_space<hbm>> -> memref<128x128xf32, #tpu.memory_space<hbm>>
        %dma_wait3A_67 = arith.constant 0 : i32
        %dma_wait3A_68 = tpu.memref_slice %arg13[%add3A_60, %dma_wait3A_67] : memref<10240x128xf32, #tpu.memory_space<vmem_shared>> -> memref<128x128xf32, #tpu.memory_space<vmem_shared>>
        tpu.wait_dma2 semaphore(%run_scoped3A : memref<!tpu.dma_semaphore, #tpu.memory_space<semaphore_mem>>) src(%dma_wait3A_68 : memref<128x128xf32, #tpu.memory_space<vmem_shared>>) dst(%dma_wait3A_66 : memref<128x128xf32, #tpu.memory_space<hbm>>)
        tpu.yield
      }) : () -> ()
    } else {
    }
    %eq3A_2 = arith.constant 1 : i32
    %eq3A_3 = arith.cmpi eq, %arg0, %eq3A_2 : i32
    %convert_element_type3A_4 = arith.extui %eq3A_3 : i1 to i32
    %cond3A_5 = arith.constant 0 : i32
    %cond3A_6 = arith.cmpi ne, %convert_element_type3A_4, %cond3A_5 : i32
    scf.if %cond3A_6 {
      %scan3A = arith.constant 0 : i32
      %scan3A_7 = arith.constant 0 : i32
      %scan3A_8 = arith.constant 128 : i32
      %scan3A_9 = arith.addi %scan3A_7, %scan3A_8 : i32
      %scan3A_10 = arith.constant 1 : i32
      %scan3A_11 = scf.for %scan3A_63 = %scan3A_7 to %scan3A_9 step %scan3A_10 iter_args(%scan3A_64 = %scan3A) -> (i32)  : i32 {
        %broadcast_in_dim3A = arith.constant 0.000000e+00 : f32
        %broadcast_in_dim3A_65 = vector.broadcast %broadcast_in_dim3A : f32 to vector<16xf32>
        %swap3A = arith.index_cast %scan3A_63 : i32 to index
        %swap3A_66 = arith.constant 0 : index
        %swap3A_67 = tpu.vector_load %arg9[%swap3A, %swap3A_66] {strides = array<i32>} : memref<128x128xf32, #tpu.memory_space<vmem>>, vector<1x16xf32>,
        %swap3A_68 = vector.shape_cast %swap3A_67 : vector<1x16xf32> to vector<16xf32>
        %swap3A_69 = vector.shape_cast %broadcast_in_dim3A_65 : vector<16xf32> to vector<1x16xf32>
        tpu.vector_store %arg9[%swap3A, %swap3A_66], %swap3A_69 {strides = array<i32>} : memref<128x128xf32, #tpu.memory_space<vmem>>, vector<1x16xf32>,
        %broadcast_in_dim3A_70 = arith.constant 0.000000e+00 : f32
        %broadcast_in_dim3A_71 = vector.broadcast %broadcast_in_dim3A_70 : f32 to vector<16xf32>
        %swap3A_72 = arith.index_cast %scan3A_63 : i32 to index
        %swap3A_73 = arith.constant 16 : index
        %swap3A_74 = tpu.vector_load %arg9[%swap3A_72, %swap3A_73] {strides = array<i32>} : memref<128x128xf32, #tpu.memory_space<vmem>>, vector<1x16xf32>,
        %swap3A_75 = vector.shape_cast %swap3A_74 : vector<1x16xf32> to vector<16xf32>
        %swap3A_76 = vector.shape_cast %broadcast_in_dim3A_71 : vector<16xf32> to vector<1x16xf32>
        tpu.vector_store %arg9[%swap3A_72, %swap3A_73], %swap3A_76 {strides = array<i32>} : memref<128x128xf32, #tpu.memory_space<vmem>>, vector<1x16xf32>,
        %broadcast_in_dim3A_77 = arith.constant 0.000000e+00 : f32
        %broadcast_in_dim3A_78 = vector.broadcast %broadcast_in_dim3A_77 : f32 to vector<16xf32>
        %swap3A_79 = arith.index_cast %scan3A_63 : i32 to index
        %swap3A_80 = arith.constant 32 : index
        %swap3A_81 = tpu.vector_load %arg9[%swap3A_79, %swap3A_80] {strides = array<i32>} : memref<128x128xf32, #tpu.memory_space<vmem>>, vector<1x16xf32>,
        %swap3A_82 = vector.shape_cast %swap3A_81 : vector<1x16xf32> to vector<16xf32>
        %swap3A_83 = vector.shape_cast %broadcast_in_dim3A_78 : vector<16xf32> to vector<1x16xf32>
        tpu.vector_store %arg9[%swap3A_79, %swap3A_80], %swap3A_83 {strides = array<i32>} : memref<128x128xf32, #tpu.memory_space<vmem>>, vector<1x16xf32>,
        %broadcast_in_dim3A_84 = arith.constant 0.000000e+00 : f32
        %broadcast_in_dim3A_85 = vector.broadcast %broadcast_in_dim3A_84 : f32 to vector<16xf32>
        %swap3A_86 = arith.index_cast %scan3A_63 : i32 to index
        %swap3A_87 = arith.constant 48 : index
        %swap3A_88 = tpu.vector_load %arg9[%swap3A_86, %swap3A_87] {strides = array<i32>} : memref<128x128xf32, #tpu.memory_space<vmem>>, vector<1x16xf32>,
        %swap3A_89 = vector.shape_cast %swap3A_88 : vector<1x16xf32> to vector<16xf32>
        %swap3A_90 = vector.shape_cast %broadcast_in_dim3A_85 : vector<16xf32> to vector<1x16xf32>
        tpu.vector_store %arg9[%swap3A_86, %swap3A_87], %swap3A_90 {strides = array<i32>} : memref<128x128xf32, #tpu.memory_space<vmem>>, vector<1x16xf32>,
        %broadcast_in_dim3A_91 = arith.constant 0.000000e+00 : f32
        %broadcast_in_dim3A_92 = vector.broadcast %broadcast_in_dim3A_91 : f32 to vector<16xf32>
        %swap3A_93 = arith.index_cast %scan3A_63 : i32 to index
        %swap3A_94 = arith.constant 64 : index
        %swap3A_95 = tpu.vector_load %arg9[%swap3A_93, %swap3A_94] {strides = array<i32>} : memref<128x128xf32, #tpu.memory_space<vmem>>, vector<1x16xf32>,
        %swap3A_96 = vector.shape_cast %swap3A_95 : vector<1x16xf32> to vector<16xf32>
        %swap3A_97 = vector.shape_cast %broadcast_in_dim3A_92 : vector<16xf32> to vector<1x16xf32>
        tpu.vector_store %arg9[%swap3A_93, %swap3A_94], %swap3A_97 {strides = array<i32>} : memref<128x128xf32, #tpu.memory_space<vmem>>, vector<1x16xf32>,
        %broadcast_in_dim3A_98 = arith.constant 0.000000e+00 : f32
        %broadcast_in_dim3A_99 = vector.broadcast %broadcast_in_dim3A_98 : f32 to vector<16xf32>
        %swap3A_100 = arith.index_cast %scan3A_63 : i32 to index
        %swap3A_101 = arith.constant 80 : index
        %swap3A_102 = tpu.vector_load %arg9[%swap3A_100, %swap3A_101] {strides = array<i32>} : memref<128x128xf32, #tpu.memory_space<vmem>>, vector<1x16xf32>,
        %swap3A_103 = vector.shape_cast %swap3A_102 : vector<1x16xf32> to vector<16xf32>
        %swap3A_104 = vector.shape_cast %broadcast_in_dim3A_99 : vector<16xf32> to vector<1x16xf32>
        tpu.vector_store %arg9[%swap3A_100, %swap3A_101], %swap3A_104 {strides = array<i32>} : memref<128x128xf32, #tpu.memory_space<vmem>>, vector<1x16xf32>,
        %broadcast_in_dim3A_105 = arith.constant 0.000000e+00 : f32
        %broadcast_in_dim3A_106 = vector.broadcast %broadcast_in_dim3A_105 : f32 to vector<16xf32>
        %swap3A_107 = arith.index_cast %scan3A_63 : i32 to index
        %swap3A_108 = arith.constant 96 : index
        %swap3A_109 = tpu.vector_load %arg9[%swap3A_107, %swap3A_108] {strides = array<i32>} : memref<128x128xf32, #tpu.memory_space<vmem>>, vector<1x16xf32>,
        %swap3A_110 = vector.shape_cast %swap3A_109 : vector<1x16xf32> to vector<16xf32>
        %swap3A_111 = vector.shape_cast %broadcast_in_dim3A_106 : vector<16xf32> to vector<1x16xf32>
        tpu.vector_store %arg9[%swap3A_107, %swap3A_108], %swap3A_111 {strides = array<i32>} : memref<128x128xf32, #tpu.memory_space<vmem>>, vector<1x16xf32>,
        %broadcast_in_dim3A_112 = arith.constant 0.000000e+00 : f32
        %broadcast_in_dim3A_113 = vector.broadcast %broadcast_in_dim3A_112 : f32 to vector<16xf32>
        %swap3A_114 = arith.index_cast %scan3A_63 : i32 to index
        %swap3A_115 = arith.constant 112 : index
        %swap3A_116 = tpu.vector_load %arg9[%swap3A_114, %swap3A_115] {strides = array<i32>} : memref<128x128xf32, #tpu.memory_space<vmem>>, vector<1x16xf32>,
        %swap3A_117 = vector.shape_cast %swap3A_116 : vector<1x16xf32> to vector<16xf32>
        %swap3A_118 = vector.shape_cast %broadcast_in_dim3A_113 : vector<16xf32> to vector<1x16xf32>
        tpu.vector_store %arg9[%swap3A_114, %swap3A_115], %swap3A_118 {strides = array<i32>} : memref<128x128xf32, #tpu.memory_space<vmem>>, vector<1x16xf32>,
        %scan3A_119 = arith.constant 0 : i32
        scf.yield %scan3A_119 : i32
      }
      %scan3A_12 = arith.constant 128 : i32
      %mul3A = arith.constant 640 : i32
      %mul3A_13 = arith.muli %arg1, %mul3A : i32
      %add3A = arith.constant 0 : i32
      %add3A_14 = arith.addi %mul3A_13, %add3A : i32
      "tpu.region"() ({
        %run_scoped3A = tpu.sem_alloc : memref<!tpu.dma_semaphore, #tpu.memory_space<semaphore_mem>>
        %dma_start3A = arith.constant 0 : i32
        %dma_start3A_63 = tpu.memref_slice %arg13[%add3A_14, %dma_start3A] : memref<10240x128xf32, #tpu.memory_space<vmem_shared>> -> memref<128x128xf32, #tpu.memory_space<vmem_shared>>
        %dma_start3A_64 = arith.constant 0 : i32
        %dma_start3A_65 = tpu.memref_slice %arg13[%add3A_14, %dma_start3A_64] : memref<10240x128xf32, #tpu.memory_space<vmem_shared>> -> memref<128x128xf32, #tpu.memory_space<vmem_shared>>
        tpu.enqueue_dma source(%arg9 : memref<128x128xf32, #tpu.memory_space<vmem>>) target(%dma_start3A_65 : memref<128x128xf32, #tpu.memory_space<vmem_shared>>) target_semaphore(%run_scoped3A : memref<!tpu.dma_semaphore, #tpu.memory_space<semaphore_mem>>)
        %dma_wait3A = arith.constant 0 : i32
        %dma_wait3A_66 = tpu.memref_slice %arg13[%add3A_14, %dma_wait3A] : memref<10240x128xf32, #tpu.memory_space<vmem_shared>> -> memref<128x128xf32, #tpu.memory_space<vmem_shared>>
        %dma_wait3A_67 = arith.constant 0 : i32
        %dma_wait3A_68 = tpu.memref_slice %arg13[%add3A_14, %dma_wait3A_67] : memref<10240x128xf32, #tpu.memory_space<vmem_shared>> -> memref<128x128xf32, #tpu.memory_space<vmem_shared>>
        tpu.wait_dma2 semaphore(%run_scoped3A : memref<!tpu.dma_semaphore, #tpu.memory_space<semaphore_mem>>) src(%arg9 : memref<128x128xf32, #tpu.memory_space<vmem>>) dst(%dma_wait3A_68 : memref<128x128xf32, #tpu.memory_space<vmem_shared>>)
        tpu.yield
      }) : () -> ()
      %mul3A_15 = arith.constant 640 : i32
      %mul3A_16 = arith.muli %arg1, %mul3A_15 : i32
      %add3A_17 = arith.constant 128 : i32
      %add3A_18 = arith.addi %mul3A_16, %add3A_17 : i32
      "tpu.region"() ({
        %run_scoped3A = tpu.sem_alloc : memref<!tpu.dma_semaphore, #tpu.memory_space<semaphore_mem>>
        %dma_start3A = arith.constant 0 : i32
        %dma_start3A_63 = tpu.memref_slice %arg13[%add3A_18, %dma_start3A] : memref<10240x128xf32, #tpu.memory_space<vmem_shared>> -> memref<128x128xf32, #tpu.memory_space<vmem_shared>>
        %dma_start3A_64 = arith.constant 0 : i32
        %dma_start3A_65 = tpu.memref_slice %arg13[%add3A_18, %dma_start3A_64] : memref<10240x128xf32, #tpu.memory_space<vmem_shared>> -> memref<128x128xf32, #tpu.memory_space<vmem_shared>>
        tpu.enqueue_dma source(%arg9 : memref<128x128xf32, #tpu.memory_space<vmem>>) target(%dma_start3A_65 : memref<128x128xf32, #tpu.memory_space<vmem_shared>>) target_semaphore(%run_scoped3A : memref<!tpu.dma_semaphore, #tpu.memory_space<semaphore_mem>>)
        %dma_wait3A = arith.constant 0 : i32
        %dma_wait3A_66 = tpu.memref_slice %arg13[%add3A_18, %dma_wait3A] : memref<10240x128xf32, #tpu.memory_space<vmem_shared>> -> memref<128x128xf32, #tpu.memory_space<vmem_shared>>
        %dma_wait3A_67 = arith.constant 0 : i32
        %dma_wait3A_68 = tpu.memref_slice %arg13[%add3A_18, %dma_wait3A_67] : memref<10240x128xf32, #tpu.memory_space<vmem_shared>> -> memref<128x128xf32, #tpu.memory_space<vmem_shared>>
        tpu.wait_dma2 semaphore(%run_scoped3A : memref<!tpu.dma_semaphore, #tpu.memory_space<semaphore_mem>>) src(%arg9 : memref<128x128xf32, #tpu.memory_space<vmem>>) dst(%dma_wait3A_68 : memref<128x128xf32, #tpu.memory_space<vmem_shared>>)
        tpu.yield
      }) : () -> ()
      %mul3A_19 = arith.constant 640 : i32
      %mul3A_20 = arith.muli %arg1, %mul3A_19 : i32
      %add3A_21 = arith.constant 256 : i32
      %add3A_22 = arith.addi %mul3A_20, %add3A_21 : i32
      "tpu.region"() ({
        %run_scoped3A = tpu.sem_alloc : memref<!tpu.dma_semaphore, #tpu.memory_space<semaphore_mem>>
        %dma_start3A = arith.constant 0 : i32
        %dma_start3A_63 = tpu.memref_slice %arg13[%add3A_22, %dma_start3A] : memref<10240x128xf32, #tpu.memory_space<vmem_shared>> -> memref<128x128xf32, #tpu.memory_space<vmem_shared>>
        %dma_start3A_64 = arith.constant 0 : i32
        %dma_start3A_65 = tpu.memref_slice %arg13[%add3A_22, %dma_start3A_64] : memref<10240x128xf32, #tpu.memory_space<vmem_shared>> -> memref<128x128xf32, #tpu.memory_space<vmem_shared>>
        tpu.enqueue_dma source(%arg9 : memref<128x128xf32, #tpu.memory_space<vmem>>) target(%dma_start3A_65 : memref<128x128xf32, #tpu.memory_space<vmem_shared>>) target_semaphore(%run_scoped3A : memref<!tpu.dma_semaphore, #tpu.memory_space<semaphore_mem>>)
        %dma_wait3A = arith.constant 0 : i32
        %dma_wait3A_66 = tpu.memref_slice %arg13[%add3A_22, %dma_wait3A] : memref<10240x128xf32, #tpu.memory_space<vmem_shared>> -> memref<128x128xf32, #tpu.memory_space<vmem_shared>>
        %dma_wait3A_67 = arith.constant 0 : i32
        %dma_wait3A_68 = tpu.memref_slice %arg13[%add3A_22, %dma_wait3A_67] : memref<10240x128xf32, #tpu.memory_space<vmem_shared>> -> memref<128x128xf32, #tpu.memory_space<vmem_shared>>
        tpu.wait_dma2 semaphore(%run_scoped3A : memref<!tpu.dma_semaphore, #tpu.memory_space<semaphore_mem>>) src(%arg9 : memref<128x128xf32, #tpu.memory_space<vmem>>) dst(%dma_wait3A_68 : memref<128x128xf32, #tpu.memory_space<vmem_shared>>)
        tpu.yield
      }) : () -> ()
      %mul3A_23 = arith.constant 640 : i32
      %mul3A_24 = arith.muli %arg1, %mul3A_23 : i32
      %add3A_25 = arith.constant 384 : i32
      %add3A_26 = arith.addi %mul3A_24, %add3A_25 : i32
      "tpu.region"() ({
        %run_scoped3A = tpu.sem_alloc : memref<!tpu.dma_semaphore, #tpu.memory_space<semaphore_mem>>
        %dma_start3A = arith.constant 0 : i32
        %dma_start3A_63 = tpu.memref_slice %arg13[%add3A_26, %dma_start3A] : memref<10240x128xf32, #tpu.memory_space<vmem_shared>> -> memref<128x128xf32, #tpu.memory_space<vmem_shared>>
        %dma_start3A_64 = arith.constant 0 : i32
        %dma_start3A_65 = tpu.memref_slice %arg13[%add3A_26, %dma_start3A_64] : memref<10240x128xf32, #tpu.memory_space<vmem_shared>> -> memref<128x128xf32, #tpu.memory_space<vmem_shared>>
        tpu.enqueue_dma source(%arg9 : memref<128x128xf32, #tpu.memory_space<vmem>>) target(%dma_start3A_65 : memref<128x128xf32, #tpu.memory_space<vmem_shared>>) target_semaphore(%run_scoped3A : memref<!tpu.dma_semaphore, #tpu.memory_space<semaphore_mem>>)
        %dma_wait3A = arith.constant 0 : i32
        %dma_wait3A_66 = tpu.memref_slice %arg13[%add3A_26, %dma_wait3A] : memref<10240x128xf32, #tpu.memory_space<vmem_shared>> -> memref<128x128xf32, #tpu.memory_space<vmem_shared>>
        %dma_wait3A_67 = arith.constant 0 : i32
        %dma_wait3A_68 = tpu.memref_slice %arg13[%add3A_26, %dma_wait3A_67] : memref<10240x128xf32, #tpu.memory_space<vmem_shared>> -> memref<128x128xf32, #tpu.memory_space<vmem_shared>>
        tpu.wait_dma2 semaphore(%run_scoped3A : memref<!tpu.dma_semaphore, #tpu.memory_space<semaphore_mem>>) src(%arg9 : memref<128x128xf32, #tpu.memory_space<vmem>>) dst(%dma_wait3A_68 : memref<128x128xf32, #tpu.memory_space<vmem_shared>>)
        tpu.yield
      }) : () -> ()
      %mul3A_27 = arith.constant 640 : i32
      %mul3A_28 = arith.muli %arg1, %mul3A_27 : i32
      %add3A_29 = arith.constant 512 : i32
      %add3A_30 = arith.addi %mul3A_28, %add3A_29 : i32
      "tpu.region"() ({
        %run_scoped3A = tpu.sem_alloc : memref<!tpu.dma_semaphore, #tpu.memory_space<semaphore_mem>>
        %dma_start3A = arith.constant 0 : i32
        %dma_start3A_63 = tpu.memref_slice %arg13[%add3A_30, %dma_start3A] : memref<10240x128xf32, #tpu.memory_space<vmem_shared>> -> memref<128x128xf32, #tpu.memory_space<vmem_shared>>
        %dma_start3A_64 = arith.constant 0 : i32
        %dma_start3A_65 = tpu.memref_slice %arg13[%add3A_30, %dma_start3A_64] : memref<10240x128xf32, #tpu.memory_space<vmem_shared>> -> memref<128x128xf32, #tpu.memory_space<vmem_shared>>
        tpu.enqueue_dma source(%arg9 : memref<128x128xf32, #tpu.memory_space<vmem>>) target(%dma_start3A_65 : memref<128x128xf32, #tpu.memory_space<vmem_shared>>) target_semaphore(%run_scoped3A : memref<!tpu.dma_semaphore, #tpu.memory_space<semaphore_mem>>)
        %dma_wait3A = arith.constant 0 : i32
        %dma_wait3A_66 = tpu.memref_slice %arg13[%add3A_30, %dma_wait3A] : memref<10240x128xf32, #tpu.memory_space<vmem_shared>> -> memref<128x128xf32, #tpu.memory_space<vmem_shared>>
        %dma_wait3A_67 = arith.constant 0 : i32
        %dma_wait3A_68 = tpu.memref_slice %arg13[%add3A_30, %dma_wait3A_67] : memref<10240x128xf32, #tpu.memory_space<vmem_shared>> -> memref<128x128xf32, #tpu.memory_space<vmem_shared>>
        tpu.wait_dma2 semaphore(%run_scoped3A : memref<!tpu.dma_semaphore, #tpu.memory_space<semaphore_mem>>) src(%arg9 : memref<128x128xf32, #tpu.memory_space<vmem>>) dst(%dma_wait3A_68 : memref<128x128xf32, #tpu.memory_space<vmem_shared>>)
        tpu.yield
      }) : () -> ()
      %barrier3A = arith.constant 0 : index
      tpu.barrier barrier_id(%barrier3A)
      %mul3A_31 = arith.constant 20096 : i32
      %mul3A_32 = arith.muli %arg1, %mul3A_31 : i32
      %scan3A_33 = arith.constant 0 : i32
      %scan3A_34 = arith.constant 0 : i32
      %scan3A_35 = arith.constant 157 : i32
      %scan3A_36 = arith.addi %scan3A_34, %scan3A_35 : i32
      %scan3A_37 = arith.constant 1 : i32
      %scan3A_38 = scf.for %scan3A_63 = %scan3A_34 to %scan3A_36 step %scan3A_37 iter_args(%scan3A_64 = %scan3A_33) -> (i32)  : i32 {
        %mul3A_65 = arith.constant 128 : i32
        %mul3A_66 = arith.muli %scan3A_63, %mul3A_65 : i32
        %add3A_67 = arith.addi %mul3A_32, %mul3A_66 : i32
        "tpu.region"() ({
          %run_scoped3A = tpu.sem_alloc : memref<!tpu.dma_semaphore, #tpu.memory_space<semaphore_mem>>
          %dma_start3A_80 = tpu.memref_slice %arg4[%add3A_67] : memref<321536xi32, #tpu.memory_space<hbm>> -> memref<128xi32, #tpu.memory_space<hbm>>
          %dma_start3A_81 = tpu.memref_slice %arg4[%add3A_67] : memref<321536xi32, #tpu.memory_space<hbm>> -> memref<128xi32, #tpu.memory_space<hbm>>
          tpu.enqueue_dma source(%dma_start3A_81 : memref<128xi32, #tpu.memory_space<hbm>>) target(%arg10 : memref<128xi32, #tpu.memory_space<vmem>>) target_semaphore(%run_scoped3A : memref<!tpu.dma_semaphore, #tpu.memory_space<semaphore_mem>>)
          %dma_wait3A_82 = tpu.memref_slice %arg4[%add3A_67] : memref<321536xi32, #tpu.memory_space<hbm>> -> memref<128xi32, #tpu.memory_space<hbm>>
          %dma_wait3A_83 = tpu.memref_slice %arg4[%add3A_67] : memref<321536xi32, #tpu.memory_space<hbm>> -> memref<128xi32, #tpu.memory_space<hbm>>
          tpu.wait_dma2 semaphore(%run_scoped3A : memref<!tpu.dma_semaphore, #tpu.memory_space<semaphore_mem>>) src(%dma_wait3A_83 : memref<128xi32, #tpu.memory_space<hbm>>) dst(%arg10 : memref<128xi32, #tpu.memory_space<vmem>>)
          tpu.yield
        }) : () -> ()
        "tpu.region"() ({
          %run_scoped3A = tpu.sem_alloc : memref<!tpu.dma_semaphore, #tpu.memory_space<semaphore_mem>>
          %dma_start3A_80 = tpu.memref_slice %arg5[%add3A_67] : memref<321536xi32, #tpu.memory_space<hbm>> -> memref<128xi32, #tpu.memory_space<hbm>>
          %dma_start3A_81 = tpu.memref_slice %arg5[%add3A_67] : memref<321536xi32, #tpu.memory_space<hbm>> -> memref<128xi32, #tpu.memory_space<hbm>>
          tpu.enqueue_dma source(%dma_start3A_81 : memref<128xi32, #tpu.memory_space<hbm>>) target(%arg11 : memref<128xi32, #tpu.memory_space<vmem>>) target_semaphore(%run_scoped3A : memref<!tpu.dma_semaphore, #tpu.memory_space<semaphore_mem>>)
          %dma_wait3A_82 = tpu.memref_slice %arg5[%add3A_67] : memref<321536xi32, #tpu.memory_space<hbm>> -> memref<128xi32, #tpu.memory_space<hbm>>
          %dma_wait3A_83 = tpu.memref_slice %arg5[%add3A_67] : memref<321536xi32, #tpu.memory_space<hbm>> -> memref<128xi32, #tpu.memory_space<hbm>>
          tpu.wait_dma2 semaphore(%run_scoped3A : memref<!tpu.dma_semaphore, #tpu.memory_space<semaphore_mem>>) src(%dma_wait3A_83 : memref<128xi32, #tpu.memory_space<hbm>>) dst(%arg11 : memref<128xi32, #tpu.memory_space<vmem>>)
          tpu.yield
        }) : () -> ()
        "tpu.region"() ({
          %run_scoped3A = tpu.sem_alloc : memref<!tpu.dma_semaphore, #tpu.memory_space<semaphore_mem>>
          %dma_start3A_80 = arith.constant 0 : i32
          %dma_start3A_81 = tpu.memref_slice %arg12[%dma_start3A_80] : memref<144xf32, #tpu.memory_space<vmem>> -> memref<128xf32, #tpu.memory_space<vmem>>
          %dma_start3A_82 = tpu.memref_slice %arg6[%add3A_67] : memref<321536xf32, #tpu.memory_space<hbm>> -> memref<128xf32, #tpu.memory_space<hbm>>
          %dma_start3A_83 = arith.constant 0 : i32
          %dma_start3A_84 = tpu.memref_slice %arg12[%dma_start3A_83] : memref<144xf32, #tpu.memory_space<vmem>> -> memref<128xf32, #tpu.memory_space<vmem>>
          %dma_start3A_85 = tpu.memref_slice %arg6[%add3A_67] : memref<321536xf32, #tpu.memory_space<hbm>> -> memref<128xf32, #tpu.memory_space<hbm>>
          tpu.enqueue_dma source(%dma_start3A_85 : memref<128xf32, #tpu.memory_space<hbm>>) target(%dma_start3A_84 : memref<128xf32, #tpu.memory_space<vmem>>) target_semaphore(%run_scoped3A : memref<!tpu.dma_semaphore, #tpu.memory_space<semaphore_mem>>)
          %dma_wait3A_86 = arith.constant 0 : i32
          %dma_wait3A_87 = tpu.memref_slice %arg12[%dma_wait3A_86] : memref<144xf32, #tpu.memory_space<vmem>> -> memref<128xf32, #tpu.memory_space<vmem>>
          %dma_wait3A_88 = tpu.memref_slice %arg6[%add3A_67] : memref<321536xf32, #tpu.memory_space<hbm>> -> memref<128xf32, #tpu.memory_space<hbm>>
          %dma_wait3A_89 = arith.constant 0 : i32
          %dma_wait3A_90 = tpu.memref_slice %arg12[%dma_wait3A_89] : memref<144xf32, #tpu.memory_space<vmem>> -> memref<128xf32, #tpu.memory_space<vmem>>
          %dma_wait3A_91 = tpu.memref_slice %arg6[%add3A_67] : memref<321536xf32, #tpu.memory_space<hbm>> -> memref<128xf32, #tpu.memory_space<hbm>>
          tpu.wait_dma2 semaphore(%run_scoped3A : memref<!tpu.dma_semaphore, #tpu.memory_space<semaphore_mem>>) src(%dma_wait3A_91 : memref<128xf32, #tpu.memory_space<hbm>>) dst(%dma_wait3A_90 : memref<128xf32, #tpu.memory_space<vmem>>)
          tpu.yield
        }) : () -> ()
        %dma_start3A = arith.constant 0 : i32
        %dma_start3A_68 = arith.constant 0 : i32
        %dma_start3A_69 = tpu.memref_slice %arg3[%dma_start3A, %dma_start3A_68] : memref<10000x128xf32, #tpu.memory_space<hbm>> -> memref<10000x128xf32, #tpu.memory_space<hbm>>
        tpu.enqueue_indirect_dma source(%dma_start3A_69 : memref<10000x128xf32, #tpu.memory_space<hbm>>) target(%arg9 : memref<128x128xf32, #tpu.memory_space<vmem>>) offsets(%arg10 : memref<128xi32, #tpu.memory_space<vmem>>) semaphore(%arg14 : memref<!tpu.dma_semaphore, #tpu.memory_space<semaphore_mem>>)
        %dma_wait3A = arith.constant 0 : i32
        %dma_wait3A_70 = arith.constant 0 : i32
        %dma_wait3A_71 = tpu.memref_slice %arg3[%dma_wait3A, %dma_wait3A_70] : memref<10000x128xf32, #tpu.memory_space<hbm>> -> memref<10000x128xf32, #tpu.memory_space<hbm>>
        tpu.wait_indirect_dma semaphore(%arg14 : memref<!tpu.dma_semaphore, #tpu.memory_space<semaphore_mem>>) src(%dma_wait3A_71 : memref<10000x128xf32, #tpu.memory_space<hbm>>) dst(%arg9 : memref<128x128xf32, #tpu.memory_space<vmem>>)
        %scan3A_72 = arith.constant 0 : i32
        %scan3A_73 = arith.constant 0 : i32
        %scan3A_74 = arith.constant 128 : i32
        %scan3A_75 = arith.addi %scan3A_73, %scan3A_74 : i32
        %scan3A_76 = arith.constant 1 : i32
        %scan3A_77 = scf.for %scan3A_80 = %scan3A_73 to %scan3A_75 step %scan3A_76 iter_args(%scan3A_81 = %scan3A_72) -> (i32)  : i32 {
          %get3A = arith.index_cast %scan3A_80 : i32 to index
          %get3A_82 = tpu.vector_load %arg12[%get3A] {strides = array<i32>} : memref<144xf32, #tpu.memory_space<vmem>>, vector<16xf32>,
          %get3A_83 = vector.shape_cast %get3A_82 : vector<16xf32> to vector<16xf32>
          %slice3A = vector.extract_strided_slice %get3A_83 {offsets = [0], sizes = [1], strides = [1]} : vector<16xf32> to vector<1xf32>
          %squeeze3A = vector.extract %slice3A[0] : f32 from vector<1xf32>
          %get3A_84 = arith.index_cast %scan3A_80 : i32 to index
          %get3A_85 = arith.constant 0 : index
          %get3A_86 = tpu.vector_load %arg9[%get3A_84, %get3A_85] {strides = array<i32>} : memref<128x128xf32, #tpu.memory_space<vmem>>, vector<1x16xf32>,
          %get3A_87 = vector.shape_cast %get3A_86 : vector<1x16xf32> to vector<16xf32>
          %mul3A_88 = vector.broadcast %squeeze3A : f32 to vector<16xf32>
          %mul3A_89 = arith.mulf %get3A_87, %mul3A_88 : vector<16xf32>
          %swap3A = arith.index_cast %scan3A_80 : i32 to index
          %swap3A_90 = arith.constant 0 : index
          %swap3A_91 = tpu.vector_load %arg9[%swap3A, %swap3A_90] {strides = array<i32>} : memref<128x128xf32, #tpu.memory_space<vmem>>, vector<1x16xf32>,
          %swap3A_92 = vector.shape_cast %swap3A_91 : vector<1x16xf32> to vector<16xf32>
          %swap3A_93 = vector.shape_cast %mul3A_89 : vector<16xf32> to vector<1x16xf32>
          tpu.vector_store %arg9[%swap3A, %swap3A_90], %swap3A_93 {strides = array<i32>} : memref<128x128xf32, #tpu.memory_space<vmem>>, vector<1x16xf32>,
          %get3A_94 = arith.index_cast %scan3A_80 : i32 to index
          %get3A_95 = arith.constant 16 : index
          %get3A_96 = tpu.vector_load %arg9[%get3A_94, %get3A_95] {strides = array<i32>} : memref<128x128xf32, #tpu.memory_space<vmem>>, vector<1x16xf32>,
          %get3A_97 = vector.shape_cast %get3A_96 : vector<1x16xf32> to vector<16xf32>
          %mul3A_98 = vector.broadcast %squeeze3A : f32 to vector<16xf32>
          %mul3A_99 = arith.mulf %get3A_97, %mul3A_98 : vector<16xf32>
          %swap3A_100 = arith.index_cast %scan3A_80 : i32 to index
          %swap3A_101 = arith.constant 16 : index
          %swap3A_102 = tpu.vector_load %arg9[%swap3A_100, %swap3A_101] {strides = array<i32>} : memref<128x128xf32, #tpu.memory_space<vmem>>, vector<1x16xf32>,
          %swap3A_103 = vector.shape_cast %swap3A_102 : vector<1x16xf32> to vector<16xf32>
          %swap3A_104 = vector.shape_cast %mul3A_99 : vector<16xf32> to vector<1x16xf32>
          tpu.vector_store %arg9[%swap3A_100, %swap3A_101], %swap3A_104 {strides = array<i32>} : memref<128x128xf32, #tpu.memory_space<vmem>>, vector<1x16xf32>,
          %get3A_105 = arith.index_cast %scan3A_80 : i32 to index
          %get3A_106 = arith.constant 32 : index
          %get3A_107 = tpu.vector_load %arg9[%get3A_105, %get3A_106] {strides = array<i32>} : memref<128x128xf32, #tpu.memory_space<vmem>>, vector<1x16xf32>,
          %get3A_108 = vector.shape_cast %get3A_107 : vector<1x16xf32> to vector<16xf32>
          %mul3A_109 = vector.broadcast %squeeze3A : f32 to vector<16xf32>
          %mul3A_110 = arith.mulf %get3A_108, %mul3A_109 : vector<16xf32>
          %swap3A_111 = arith.index_cast %scan3A_80 : i32 to index
          %swap3A_112 = arith.constant 32 : index
          %swap3A_113 = tpu.vector_load %arg9[%swap3A_111, %swap3A_112] {strides = array<i32>} : memref<128x128xf32, #tpu.memory_space<vmem>>, vector<1x16xf32>,
          %swap3A_114 = vector.shape_cast %swap3A_113 : vector<1x16xf32> to vector<16xf32>
          %swap3A_115 = vector.shape_cast %mul3A_110 : vector<16xf32> to vector<1x16xf32>
          tpu.vector_store %arg9[%swap3A_111, %swap3A_112], %swap3A_115 {strides = array<i32>} : memref<128x128xf32, #tpu.memory_space<vmem>>, vector<1x16xf32>,
          %get3A_116 = arith.index_cast %scan3A_80 : i32 to index
          %get3A_117 = arith.constant 48 : index
          %get3A_118 = tpu.vector_load %arg9[%get3A_116, %get3A_117] {strides = array<i32>} : memref<128x128xf32, #tpu.memory_space<vmem>>, vector<1x16xf32>,
          %get3A_119 = vector.shape_cast %get3A_118 : vector<1x16xf32> to vector<16xf32>
          %mul3A_120 = vector.broadcast %squeeze3A : f32 to vector<16xf32>
          %mul3A_121 = arith.mulf %get3A_119, %mul3A_120 : vector<16xf32>
          %swap3A_122 = arith.index_cast %scan3A_80 : i32 to index
          %swap3A_123 = arith.constant 48 : index
          %swap3A_124 = tpu.vector_load %arg9[%swap3A_122, %swap3A_123] {strides = array<i32>} : memref<128x128xf32, #tpu.memory_space<vmem>>, vector<1x16xf32>,
          %swap3A_125 = vector.shape_cast %swap3A_124 : vector<1x16xf32> to vector<16xf32>
          %swap3A_126 = vector.shape_cast %mul3A_121 : vector<16xf32> to vector<1x16xf32>
          tpu.vector_store %arg9[%swap3A_122, %swap3A_123], %swap3A_126 {strides = array<i32>} : memref<128x128xf32, #tpu.memory_space<vmem>>, vector<1x16xf32>,
          %get3A_127 = arith.index_cast %scan3A_80 : i32 to index
          %get3A_128 = arith.constant 64 : index
          %get3A_129 = tpu.vector_load %arg9[%get3A_127, %get3A_128] {strides = array<i32>} : memref<128x128xf32, #tpu.memory_space<vmem>>, vector<1x16xf32>,
          %get3A_130 = vector.shape_cast %get3A_129 : vector<1x16xf32> to vector<16xf32>
          %mul3A_131 = vector.broadcast %squeeze3A : f32 to vector<16xf32>
          %mul3A_132 = arith.mulf %get3A_130, %mul3A_131 : vector<16xf32>
          %swap3A_133 = arith.index_cast %scan3A_80 : i32 to index
          %swap3A_134 = arith.constant 64 : index
          %swap3A_135 = tpu.vector_load %arg9[%swap3A_133, %swap3A_134] {strides = array<i32>} : memref<128x128xf32, #tpu.memory_space<vmem>>, vector<1x16xf32>,
          %swap3A_136 = vector.shape_cast %swap3A_135 : vector<1x16xf32> to vector<16xf32>
          %swap3A_137 = vector.shape_cast %mul3A_132 : vector<16xf32> to vector<1x16xf32>
          tpu.vector_store %arg9[%swap3A_133, %swap3A_134], %swap3A_137 {strides = array<i32>} : memref<128x128xf32, #tpu.memory_space<vmem>>, vector<1x16xf32>,
          %get3A_138 = arith.index_cast %scan3A_80 : i32 to index
          %get3A_139 = arith.constant 80 : index
          %get3A_140 = tpu.vector_load %arg9[%get3A_138, %get3A_139] {strides = array<i32>} : memref<128x128xf32, #tpu.memory_space<vmem>>, vector<1x16xf32>,
          %get3A_141 = vector.shape_cast %get3A_140 : vector<1x16xf32> to vector<16xf32>
          %mul3A_142 = vector.broadcast %squeeze3A : f32 to vector<16xf32>
          %mul3A_143 = arith.mulf %get3A_141, %mul3A_142 : vector<16xf32>
          %swap3A_144 = arith.index_cast %scan3A_80 : i32 to index
          %swap3A_145 = arith.constant 80 : index
          %swap3A_146 = tpu.vector_load %arg9[%swap3A_144, %swap3A_145] {strides = array<i32>} : memref<128x128xf32, #tpu.memory_space<vmem>>, vector<1x16xf32>,
          %swap3A_147 = vector.shape_cast %swap3A_146 : vector<1x16xf32> to vector<16xf32>
          %swap3A_148 = vector.shape_cast %mul3A_143 : vector<16xf32> to vector<1x16xf32>
          tpu.vector_store %arg9[%swap3A_144, %swap3A_145], %swap3A_148 {strides = array<i32>} : memref<128x128xf32, #tpu.memory_space<vmem>>, vector<1x16xf32>,
          %get3A_149 = arith.index_cast %scan3A_80 : i32 to index
          %get3A_150 = arith.constant 96 : index
          %get3A_151 = tpu.vector_load %arg9[%get3A_149, %get3A_150] {strides = array<i32>} : memref<128x128xf32, #tpu.memory_space<vmem>>, vector<1x16xf32>,
          %get3A_152 = vector.shape_cast %get3A_151 : vector<1x16xf32> to vector<16xf32>
          %mul3A_153 = vector.broadcast %squeeze3A : f32 to vector<16xf32>
          %mul3A_154 = arith.mulf %get3A_152, %mul3A_153 : vector<16xf32>
          %swap3A_155 = arith.index_cast %scan3A_80 : i32 to index
          %swap3A_156 = arith.constant 96 : index
          %swap3A_157 = tpu.vector_load %arg9[%swap3A_155, %swap3A_156] {strides = array<i32>} : memref<128x128xf32, #tpu.memory_space<vmem>>, vector<1x16xf32>,
          %swap3A_158 = vector.shape_cast %swap3A_157 : vector<1x16xf32> to vector<16xf32>
          %swap3A_159 = vector.shape_cast %mul3A_154 : vector<16xf32> to vector<1x16xf32>
          tpu.vector_store %arg9[%swap3A_155, %swap3A_156], %swap3A_159 {strides = array<i32>} : memref<128x128xf32, #tpu.memory_space<vmem>>, vector<1x16xf32>,
          %get3A_160 = arith.index_cast %scan3A_80 : i32 to index
          %get3A_161 = arith.constant 112 : index
          %get3A_162 = tpu.vector_load %arg9[%get3A_160, %get3A_161] {strides = array<i32>} : memref<128x128xf32, #tpu.memory_space<vmem>>, vector<1x16xf32>,
          %get3A_163 = vector.shape_cast %get3A_162 : vector<1x16xf32> to vector<16xf32>
          %mul3A_164 = vector.broadcast %squeeze3A : f32 to vector<16xf32>
          %mul3A_165 = arith.mulf %get3A_163, %mul3A_164 : vector<16xf32>
          %swap3A_166 = arith.index_cast %scan3A_80 : i32 to index
          %swap3A_167 = arith.constant 112 : index
          %swap3A_168 = tpu.vector_load %arg9[%swap3A_166, %swap3A_167] {strides = array<i32>} : memref<128x128xf32, #tpu.memory_space<vmem>>, vector<1x16xf32>,
          %swap3A_169 = vector.shape_cast %swap3A_168 : vector<1x16xf32> to vector<16xf32>
          %swap3A_170 = vector.shape_cast %mul3A_165 : vector<16xf32> to vector<1x16xf32>
          tpu.vector_store %arg9[%swap3A_166, %swap3A_167], %swap3A_170 {strides = array<i32>} : memref<128x128xf32, #tpu.memory_space<vmem>>, vector<1x16xf32>,
          %scan3A_171 = arith.constant 0 : i32
          scf.yield %scan3A_171 : i32
        }
        %scan3A_78 = arith.constant 128 : i32
        "tpu.region"() ({
          %run_scoped3A = tpu.sem_alloc : memref<!tpu.dma_semaphore, #tpu.memory_space<semaphore_mem>>
          %dma_start3A_80 = arith.constant 0 : i32
          %dma_start3A_81 = arith.constant 0 : i32
          %dma_start3A_82 = tpu.memref_slice %arg13[%dma_start3A_80, %dma_start3A_81] : memref<10240x128xf32, #tpu.memory_space<vmem_shared>> -> memref<10240x128xf32, #tpu.memory_space<vmem_shared>>
          tpu.enqueue_indirect_dma source(%arg9 : memref<128x128xf32, #tpu.memory_space<vmem>>) target(%dma_start3A_82 : memref<10240x128xf32, #tpu.memory_space<vmem_shared>>) offsets(%arg11 : memref<128xi32, #tpu.memory_space<vmem>>) semaphore(%run_scoped3A : memref<!tpu.dma_semaphore, #tpu.memory_space<semaphore_mem>>) {add = true}
          %dma_wait3A_83 = arith.constant 0 : i32
          %dma_wait3A_84 = arith.constant 0 : i32
          %dma_wait3A_85 = tpu.memref_slice %arg13[%dma_wait3A_83, %dma_wait3A_84] : memref<10240x128xf32, #tpu.memory_space<vmem_shared>> -> memref<10240x128xf32, #tpu.memory_space<vmem_shared>>
          tpu.wait_indirect_dma semaphore(%run_scoped3A : memref<!tpu.dma_semaphore, #tpu.memory_space<semaphore_mem>>) src(%arg9 : memref<128x128xf32, #tpu.memory_space<vmem>>) dst(%dma_wait3A_85 : memref<10240x128xf32, #tpu.memory_space<vmem_shared>>)
          tpu.yield
        }) : () -> ()
        %scan3A_79 = arith.constant 0 : i32
        scf.yield %scan3A_79 : i32
      }
      %scan3A_39 = arith.constant 157 : i32
      %barrier3A_40 = arith.constant 0 : index
      tpu.barrier barrier_id(%barrier3A_40)
      %mul3A_41 = arith.constant 640 : i32
      %mul3A_42 = arith.muli %arg1, %mul3A_41 : i32
      %add3A_43 = arith.constant 0 : i32
      %add3A_44 = arith.addi %mul3A_42, %add3A_43 : i32
      %add3A_45 = arith.constant 0 : i32
      %add3A_46 = arith.addi %mul3A_42, %add3A_45 : i32
      "tpu.region"() ({
        %run_scoped3A = tpu.sem_alloc : memref<!tpu.dma_semaphore, #tpu.memory_space<semaphore_mem>>
        %dma_start3A = arith.constant 0 : i32
        %dma_start3A_63 = tpu.memref_slice %arg8[%add3A_46, %dma_start3A] : memref<10240x128xf32, #tpu.memory_space<hbm>> -> memref<128x128xf32, #tpu.memory_space<hbm>>
        %dma_start3A_64 = arith.constant 0 : i32
        %dma_start3A_65 = tpu.memref_slice %arg13[%add3A_44, %dma_start3A_64] : memref<10240x128xf32, #tpu.memory_space<vmem_shared>> -> memref<128x128xf32, #tpu.memory_space<vmem_shared>>
        tpu.enqueue_dma source(%dma_start3A_65 : memref<128x128xf32, #tpu.memory_space<vmem_shared>>) target(%dma_start3A_63 : memref<128x128xf32, #tpu.memory_space<hbm>>) target_semaphore(%run_scoped3A : memref<!tpu.dma_semaphore, #tpu.memory_space<semaphore_mem>>)
        %dma_wait3A = arith.constant 0 : i32
        %dma_wait3A_66 = tpu.memref_slice %arg8[%add3A_46, %dma_wait3A] : memref<10240x128xf32, #tpu.memory_space<hbm>> -> memref<128x128xf32, #tpu.memory_space<hbm>>
        %dma_wait3A_67 = arith.constant 0 : i32
        %dma_wait3A_68 = tpu.memref_slice %arg13[%add3A_44, %dma_wait3A_67] : memref<10240x128xf32, #tpu.memory_space<vmem_shared>> -> memref<128x128xf32, #tpu.memory_space<vmem_shared>>
        tpu.wait_dma2 semaphore(%run_scoped3A : memref<!tpu.dma_semaphore, #tpu.memory_space<semaphore_mem>>) src(%dma_wait3A_68 : memref<128x128xf32, #tpu.memory_space<vmem_shared>>) dst(%dma_wait3A_66 : memref<128x128xf32, #tpu.memory_space<hbm>>)
        tpu.yield
      }) : () -> ()
      %add3A_47 = arith.constant 128 : i32
      %add3A_48 = arith.addi %mul3A_42, %add3A_47 : i32
      %add3A_49 = arith.constant 128 : i32
      %add3A_50 = arith.addi %mul3A_42, %add3A_49 : i32
      "tpu.region"() ({
        %run_scoped3A = tpu.sem_alloc : memref<!tpu.dma_semaphore, #tpu.memory_space<semaphore_mem>>
        %dma_start3A = arith.constant 0 : i32
        %dma_start3A_63 = tpu.memref_slice %arg8[%add3A_50, %dma_start3A] : memref<10240x128xf32, #tpu.memory_space<hbm>> -> memref<128x128xf32, #tpu.memory_space<hbm>>
        %dma_start3A_64 = arith.constant 0 : i32
        %dma_start3A_65 = tpu.memref_slice %arg13[%add3A_48, %dma_start3A_64] : memref<10240x128xf32, #tpu.memory_space<vmem_shared>> -> memref<128x128xf32, #tpu.memory_space<vmem_shared>>
        tpu.enqueue_dma source(%dma_start3A_65 : memref<128x128xf32, #tpu.memory_space<vmem_shared>>) target(%dma_start3A_63 : memref<128x128xf32, #tpu.memory_space<hbm>>) target_semaphore(%run_scoped3A : memref<!tpu.dma_semaphore, #tpu.memory_space<semaphore_mem>>)
        %dma_wait3A = arith.constant 0 : i32
        %dma_wait3A_66 = tpu.memref_slice %arg8[%add3A_50, %dma_wait3A] : memref<10240x128xf32, #tpu.memory_space<hbm>> -> memref<128x128xf32, #tpu.memory_space<hbm>>
        %dma_wait3A_67 = arith.constant 0 : i32
        %dma_wait3A_68 = tpu.memref_slice %arg13[%add3A_48, %dma_wait3A_67] : memref<10240x128xf32, #tpu.memory_space<vmem_shared>> -> memref<128x128xf32, #tpu.memory_space<vmem_shared>>
        tpu.wait_dma2 semaphore(%run_scoped3A : memref<!tpu.dma_semaphore, #tpu.memory_space<semaphore_mem>>) src(%dma_wait3A_68 : memref<128x128xf32, #tpu.memory_space<vmem_shared>>) dst(%dma_wait3A_66 : memref<128x128xf32, #tpu.memory_space<hbm>>)
        tpu.yield
      }) : () -> ()
      %add3A_51 = arith.constant 256 : i32
      %add3A_52 = arith.addi %mul3A_42, %add3A_51 : i32
      %add3A_53 = arith.constant 256 : i32
      %add3A_54 = arith.addi %mul3A_42, %add3A_53 : i32
      "tpu.region"() ({
        %run_scoped3A = tpu.sem_alloc : memref<!tpu.dma_semaphore, #tpu.memory_space<semaphore_mem>>
        %dma_start3A = arith.constant 0 : i32
        %dma_start3A_63 = tpu.memref_slice %arg8[%add3A_54, %dma_start3A] : memref<10240x128xf32, #tpu.memory_space<hbm>> -> memref<128x128xf32, #tpu.memory_space<hbm>>
        %dma_start3A_64 = arith.constant 0 : i32
        %dma_start3A_65 = tpu.memref_slice %arg13[%add3A_52, %dma_start3A_64] : memref<10240x128xf32, #tpu.memory_space<vmem_shared>> -> memref<128x128xf32, #tpu.memory_space<vmem_shared>>
        tpu.enqueue_dma source(%dma_start3A_65 : memref<128x128xf32, #tpu.memory_space<vmem_shared>>) target(%dma_start3A_63 : memref<128x128xf32, #tpu.memory_space<hbm>>) target_semaphore(%run_scoped3A : memref<!tpu.dma_semaphore, #tpu.memory_space<semaphore_mem>>)
        %dma_wait3A = arith.constant 0 : i32
        %dma_wait3A_66 = tpu.memref_slice %arg8[%add3A_54, %dma_wait3A] : memref<10240x128xf32, #tpu.memory_space<hbm>> -> memref<128x128xf32, #tpu.memory_space<hbm>>
        %dma_wait3A_67 = arith.constant 0 : i32
        %dma_wait3A_68 = tpu.memref_slice %arg13[%add3A_52, %dma_wait3A_67] : memref<10240x128xf32, #tpu.memory_space<vmem_shared>> -> memref<128x128xf32, #tpu.memory_space<vmem_shared>>
        tpu.wait_dma2 semaphore(%run_scoped3A : memref<!tpu.dma_semaphore, #tpu.memory_space<semaphore_mem>>) src(%dma_wait3A_68 : memref<128x128xf32, #tpu.memory_space<vmem_shared>>) dst(%dma_wait3A_66 : memref<128x128xf32, #tpu.memory_space<hbm>>)
        tpu.yield
      }) : () -> ()
      %add3A_55 = arith.constant 384 : i32
      %add3A_56 = arith.addi %mul3A_42, %add3A_55 : i32
      %add3A_57 = arith.constant 384 : i32
      %add3A_58 = arith.addi %mul3A_42, %add3A_57 : i32
      "tpu.region"() ({
        %run_scoped3A = tpu.sem_alloc : memref<!tpu.dma_semaphore, #tpu.memory_space<semaphore_mem>>
        %dma_start3A = arith.constant 0 : i32
        %dma_start3A_63 = tpu.memref_slice %arg8[%add3A_58, %dma_start3A] : memref<10240x128xf32, #tpu.memory_space<hbm>> -> memref<128x128xf32, #tpu.memory_space<hbm>>
        %dma_start3A_64 = arith.constant 0 : i32
        %dma_start3A_65 = tpu.memref_slice %arg13[%add3A_56, %dma_start3A_64] : memref<10240x128xf32, #tpu.memory_space<vmem_shared>> -> memref<128x128xf32, #tpu.memory_space<vmem_shared>>
        tpu.enqueue_dma source(%dma_start3A_65 : memref<128x128xf32, #tpu.memory_space<vmem_shared>>) target(%dma_start3A_63 : memref<128x128xf32, #tpu.memory_space<hbm>>) target_semaphore(%run_scoped3A : memref<!tpu.dma_semaphore, #tpu.memory_space<semaphore_mem>>)
        %dma_wait3A = arith.constant 0 : i32
        %dma_wait3A_66 = tpu.memref_slice %arg8[%add3A_58, %dma_wait3A] : memref<10240x128xf32, #tpu.memory_space<hbm>> -> memref<128x128xf32, #tpu.memory_space<hbm>>
        %dma_wait3A_67 = arith.constant 0 : i32
        %dma_wait3A_68 = tpu.memref_slice %arg13[%add3A_56, %dma_wait3A_67] : memref<10240x128xf32, #tpu.memory_space<vmem_shared>> -> memref<128x128xf32, #tpu.memory_space<vmem_shared>>
        tpu.wait_dma2 semaphore(%run_scoped3A : memref<!tpu.dma_semaphore, #tpu.memory_space<semaphore_mem>>) src(%dma_wait3A_68 : memref<128x128xf32, #tpu.memory_space<vmem_shared>>) dst(%dma_wait3A_66 : memref<128x128xf32, #tpu.memory_space<hbm>>)
        tpu.yield
      }) : () -> ()
      %add3A_59 = arith.constant 512 : i32
      %add3A_60 = arith.addi %mul3A_42, %add3A_59 : i32
      %add3A_61 = arith.constant 512 : i32
      %add3A_62 = arith.addi %mul3A_42, %add3A_61 : i32
      "tpu.region"() ({
        %run_scoped3A = tpu.sem_alloc : memref<!tpu.dma_semaphore, #tpu.memory_space<semaphore_mem>>
        %dma_start3A = arith.constant 0 : i32
        %dma_start3A_63 = tpu.memref_slice %arg8[%add3A_62, %dma_start3A] : memref<10240x128xf32, #tpu.memory_space<hbm>> -> memref<128x128xf32, #tpu.memory_space<hbm>>
        %dma_start3A_64 = arith.constant 0 : i32
        %dma_start3A_65 = tpu.memref_slice %arg13[%add3A_60, %dma_start3A_64] : memref<10240x128xf32, #tpu.memory_space<vmem_shared>> -> memref<128x128xf32, #tpu.memory_space<vmem_shared>>
        tpu.enqueue_dma source(%dma_start3A_65 : memref<128x128xf32, #tpu.memory_space<vmem_shared>>) target(%dma_start3A_63 : memref<128x128xf32, #tpu.memory_space<hbm>>) target_semaphore(%run_scoped3A : memref<!tpu.dma_semaphore, #tpu.memory_space<semaphore_mem>>)
        %dma_wait3A = arith.constant 0 : i32
        %dma_wait3A_66 = tpu.memref_slice %arg8[%add3A_62, %dma_wait3A] : memref<10240x128xf32, #tpu.memory_space<hbm>> -> memref<128x128xf32, #tpu.memory_space<hbm>>
        %dma_wait3A_67 = arith.constant 0 : i32
        %dma_wait3A_68 = tpu.memref_slice %arg13[%add3A_60, %dma_wait3A_67] : memref<10240x128xf32, #tpu.memory_space<vmem_shared>> -> memref<128x128xf32, #tpu.memory_space<vmem_shared>>
        tpu.wait_dma2 semaphore(%run_scoped3A : memref<!tpu.dma_semaphore, #tpu.memory_space<semaphore_mem>>) src(%dma_wait3A_68 : memref<128x128xf32, #tpu.memory_space<vmem_shared>>) dst(%dma_wait3A_66 : memref<128x128xf32, #tpu.memory_space<hbm>>)
        tpu.yield
      }) : () -> ()
    } else {
    }
    return
  }
}

#map = affine_map<(d0, d1) -> (0, 0)>
#map1 = affine_map<(d0, d1) -> (0)>
module attributes {stable_mosaic.version = 14 : i64} {
  func.func @_layer_body(%arg0: i32, %arg1: i32, %arg2: memref<10240x128xf32, #tpu.memory_space<hbm>>, %arg3: memref<10240x128xf32, #tpu.memory_space<hbm>>, %arg4: memref<321536xi32, #tpu.memory_space<hbm>>, %arg5: memref<321536xi32, #tpu.memory_space<hbm>>, %arg6: memref<321536xf32, #tpu.memory_space<hbm>>, %arg7: memref<10240x128xf32, #tpu.memory_space<hbm>>, %arg8: memref<10240x128xf32, #tpu.memory_space<hbm>>, %arg9: memref<128x128xf32, #tpu.memory_space<vmem>>, %arg10: memref<128xi32, #tpu.memory_space<vmem>>, %arg11: memref<128xi32, #tpu.memory_space<vmem>>, %arg12: memref<144xf32, #tpu.memory_space<vmem>>, %arg13: memref<10240x128xf32, #tpu.memory_space<vmem_shared>>, %arg14: memref<!tpu.dma_semaphore, #tpu.memory_space<semaphore_mem>>) attributes {dimension_semantics = [#tpu.dimension_semantics<core_parallel>, #tpu.dimension_semantics<subcore_parallel>], iteration_bounds = array<i64: 2, 16>, scalar_prefetch = 0 : i64, scratch_operands = 6 : i64, tpu.core_type = #tpu.core_type<sc_vector_subcore>, window_params = [{transform_indices = #map}, {transform_indices = #map}, {transform_indices = #map1}, {transform_indices = #map1}, {transform_indices = #map1}, {transform_indices = #map}, {transform_indices = #map}]} {
    %eq3A = arith.constant 0 : i32
    %eq3A_0 = arith.cmpi eq, %arg0, %eq3A : i32
    %convert_element_type3A = arith.extui %eq3A_0 : i1 to i32
    %cond3A = arith.constant 0 : i32
    %cond3A_1 = arith.cmpi ne, %convert_element_type3A, %cond3A : i32
    scf.if %cond3A_1 {
      %scan3A = arith.constant 0 : i32
      %scan3A_7 = arith.constant 0 : i32
      %scan3A_8 = arith.constant 128 : i32
      %scan3A_9 = arith.addi %scan3A_7, %scan3A_8 : i32
      %scan3A_10 = arith.constant 1 : i32
      %scan3A_11 = scf.for %scan3A_63 = %scan3A_7 to %scan3A_9 step %scan3A_10 iter_args(%scan3A_64 = %scan3A) -> (i32)  : i32 {
        %broadcast_in_dim3A = arith.constant 0.000000e+00 : f32
        %broadcast_in_dim3A_65 = vector.broadcast %broadcast_in_dim3A : f32 to vector<16xf32>
        %swap3A = arith.index_cast %scan3A_63 : i32 to index
        %swap3A_66 = arith.constant 0 : index
        %swap3A_67 = tpu.vector_load %arg9[%swap3A, %swap3A_66] {strides = array<i32>} : memref<128x128xf32, #tpu.memory_space<vmem>>, vector<1x16xf32>,
        %swap3A_68 = vector.shape_cast %swap3A_67 : vector<1x16xf32> to vector<16xf32>
        %swap3A_69 = vector.shape_cast %broadcast_in_dim3A_65 : vector<16xf32> to vector<1x16xf32>
        tpu.vector_store %arg9[%swap3A, %swap3A_66], %swap3A_69 {strides = array<i32>} : memref<128x128xf32, #tpu.memory_space<vmem>>, vector<1x16xf32>,
        %broadcast_in_dim3A_70 = arith.constant 0.000000e+00 : f32
        %broadcast_in_dim3A_71 = vector.broadcast %broadcast_in_dim3A_70 : f32 to vector<16xf32>
        %swap3A_72 = arith.index_cast %scan3A_63 : i32 to index
        %swap3A_73 = arith.constant 16 : index
        %swap3A_74 = tpu.vector_load %arg9[%swap3A_72, %swap3A_73] {strides = array<i32>} : memref<128x128xf32, #tpu.memory_space<vmem>>, vector<1x16xf32>,
        %swap3A_75 = vector.shape_cast %swap3A_74 : vector<1x16xf32> to vector<16xf32>
        %swap3A_76 = vector.shape_cast %broadcast_in_dim3A_71 : vector<16xf32> to vector<1x16xf32>
        tpu.vector_store %arg9[%swap3A_72, %swap3A_73], %swap3A_76 {strides = array<i32>} : memref<128x128xf32, #tpu.memory_space<vmem>>, vector<1x16xf32>,
        %broadcast_in_dim3A_77 = arith.constant 0.000000e+00 : f32
        %broadcast_in_dim3A_78 = vector.broadcast %broadcast_in_dim3A_77 : f32 to vector<16xf32>
        %swap3A_79 = arith.index_cast %scan3A_63 : i32 to index
        %swap3A_80 = arith.constant 32 : index
        %swap3A_81 = tpu.vector_load %arg9[%swap3A_79, %swap3A_80] {strides = array<i32>} : memref<128x128xf32, #tpu.memory_space<vmem>>, vector<1x16xf32>,
        %swap3A_82 = vector.shape_cast %swap3A_81 : vector<1x16xf32> to vector<16xf32>
        %swap3A_83 = vector.shape_cast %broadcast_in_dim3A_78 : vector<16xf32> to vector<1x16xf32>
        tpu.vector_store %arg9[%swap3A_79, %swap3A_80], %swap3A_83 {strides = array<i32>} : memref<128x128xf32, #tpu.memory_space<vmem>>, vector<1x16xf32>,
        %broadcast_in_dim3A_84 = arith.constant 0.000000e+00 : f32
        %broadcast_in_dim3A_85 = vector.broadcast %broadcast_in_dim3A_84 : f32 to vector<16xf32>
        %swap3A_86 = arith.index_cast %scan3A_63 : i32 to index
        %swap3A_87 = arith.constant 48 : index
        %swap3A_88 = tpu.vector_load %arg9[%swap3A_86, %swap3A_87] {strides = array<i32>} : memref<128x128xf32, #tpu.memory_space<vmem>>, vector<1x16xf32>,
        %swap3A_89 = vector.shape_cast %swap3A_88 : vector<1x16xf32> to vector<16xf32>
        %swap3A_90 = vector.shape_cast %broadcast_in_dim3A_85 : vector<16xf32> to vector<1x16xf32>
        tpu.vector_store %arg9[%swap3A_86, %swap3A_87], %swap3A_90 {strides = array<i32>} : memref<128x128xf32, #tpu.memory_space<vmem>>, vector<1x16xf32>,
        %broadcast_in_dim3A_91 = arith.constant 0.000000e+00 : f32
        %broadcast_in_dim3A_92 = vector.broadcast %broadcast_in_dim3A_91 : f32 to vector<16xf32>
        %swap3A_93 = arith.index_cast %scan3A_63 : i32 to index
        %swap3A_94 = arith.constant 64 : index
        %swap3A_95 = tpu.vector_load %arg9[%swap3A_93, %swap3A_94] {strides = array<i32>} : memref<128x128xf32, #tpu.memory_space<vmem>>, vector<1x16xf32>,
        %swap3A_96 = vector.shape_cast %swap3A_95 : vector<1x16xf32> to vector<16xf32>
        %swap3A_97 = vector.shape_cast %broadcast_in_dim3A_92 : vector<16xf32> to vector<1x16xf32>
        tpu.vector_store %arg9[%swap3A_93, %swap3A_94], %swap3A_97 {strides = array<i32>} : memref<128x128xf32, #tpu.memory_space<vmem>>, vector<1x16xf32>,
        %broadcast_in_dim3A_98 = arith.constant 0.000000e+00 : f32
        %broadcast_in_dim3A_99 = vector.broadcast %broadcast_in_dim3A_98 : f32 to vector<16xf32>
        %swap3A_100 = arith.index_cast %scan3A_63 : i32 to index
        %swap3A_101 = arith.constant 80 : index
        %swap3A_102 = tpu.vector_load %arg9[%swap3A_100, %swap3A_101] {strides = array<i32>} : memref<128x128xf32, #tpu.memory_space<vmem>>, vector<1x16xf32>,
        %swap3A_103 = vector.shape_cast %swap3A_102 : vector<1x16xf32> to vector<16xf32>
        %swap3A_104 = vector.shape_cast %broadcast_in_dim3A_99 : vector<16xf32> to vector<1x16xf32>
        tpu.vector_store %arg9[%swap3A_100, %swap3A_101], %swap3A_104 {strides = array<i32>} : memref<128x128xf32, #tpu.memory_space<vmem>>, vector<1x16xf32>,
        %broadcast_in_dim3A_105 = arith.constant 0.000000e+00 : f32
        %broadcast_in_dim3A_106 = vector.broadcast %broadcast_in_dim3A_105 : f32 to vector<16xf32>
        %swap3A_107 = arith.index_cast %scan3A_63 : i32 to index
        %swap3A_108 = arith.constant 96 : index
        %swap3A_109 = tpu.vector_load %arg9[%swap3A_107, %swap3A_108] {strides = array<i32>} : memref<128x128xf32, #tpu.memory_space<vmem>>, vector<1x16xf32>,
        %swap3A_110 = vector.shape_cast %swap3A_109 : vector<1x16xf32> to vector<16xf32>
        %swap3A_111 = vector.shape_cast %broadcast_in_dim3A_106 : vector<16xf32> to vector<1x16xf32>
        tpu.vector_store %arg9[%swap3A_107, %swap3A_108], %swap3A_111 {strides = array<i32>} : memref<128x128xf32, #tpu.memory_space<vmem>>, vector<1x16xf32>,
        %broadcast_in_dim3A_112 = arith.constant 0.000000e+00 : f32
        %broadcast_in_dim3A_113 = vector.broadcast %broadcast_in_dim3A_112 : f32 to vector<16xf32>
        %swap3A_114 = arith.index_cast %scan3A_63 : i32 to index
        %swap3A_115 = arith.constant 112 : index
        %swap3A_116 = tpu.vector_load %arg9[%swap3A_114, %swap3A_115] {strides = array<i32>} : memref<128x128xf32, #tpu.memory_space<vmem>>, vector<1x16xf32>,
        %swap3A_117 = vector.shape_cast %swap3A_116 : vector<1x16xf32> to vector<16xf32>
        %swap3A_118 = vector.shape_cast %broadcast_in_dim3A_113 : vector<16xf32> to vector<1x16xf32>
        tpu.vector_store %arg9[%swap3A_114, %swap3A_115], %swap3A_118 {strides = array<i32>} : memref<128x128xf32, #tpu.memory_space<vmem>>, vector<1x16xf32>,
        %scan3A_119 = arith.constant 0 : i32
        scf.yield %scan3A_119 : i32
      }
      %scan3A_12 = arith.constant 128 : i32
      %mul3A = arith.constant 640 : i32
      %mul3A_13 = arith.muli %arg1, %mul3A : i32
      %add3A = arith.constant 0 : i32
      %add3A_14 = arith.addi %mul3A_13, %add3A : i32
      "tpu.region"() ({
        %run_scoped3A = tpu.sem_alloc : memref<!tpu.dma_semaphore, #tpu.memory_space<semaphore_mem>>
        %dma_start3A = arith.constant 0 : i32
        %dma_start3A_63 = tpu.memref_slice %arg13[%add3A_14, %dma_start3A] : memref<10240x128xf32, #tpu.memory_space<vmem_shared>> -> memref<128x128xf32, #tpu.memory_space<vmem_shared>>
        %dma_start3A_64 = arith.constant 0 : i32
        %dma_start3A_65 = tpu.memref_slice %arg13[%add3A_14, %dma_start3A_64] : memref<10240x128xf32, #tpu.memory_space<vmem_shared>> -> memref<128x128xf32, #tpu.memory_space<vmem_shared>>
        tpu.enqueue_dma source(%arg9 : memref<128x128xf32, #tpu.memory_space<vmem>>) target(%dma_start3A_65 : memref<128x128xf32, #tpu.memory_space<vmem_shared>>) target_semaphore(%run_scoped3A : memref<!tpu.dma_semaphore, #tpu.memory_space<semaphore_mem>>)
        %dma_wait3A = arith.constant 0 : i32
        %dma_wait3A_66 = tpu.memref_slice %arg13[%add3A_14, %dma_wait3A] : memref<10240x128xf32, #tpu.memory_space<vmem_shared>> -> memref<128x128xf32, #tpu.memory_space<vmem_shared>>
        %dma_wait3A_67 = arith.constant 0 : i32
        %dma_wait3A_68 = tpu.memref_slice %arg13[%add3A_14, %dma_wait3A_67] : memref<10240x128xf32, #tpu.memory_space<vmem_shared>> -> memref<128x128xf32, #tpu.memory_space<vmem_shared>>
        tpu.wait_dma2 semaphore(%run_scoped3A : memref<!tpu.dma_semaphore, #tpu.memory_space<semaphore_mem>>) src(%arg9 : memref<128x128xf32, #tpu.memory_space<vmem>>) dst(%dma_wait3A_68 : memref<128x128xf32, #tpu.memory_space<vmem_shared>>)
        tpu.yield
      }) : () -> ()
      %mul3A_15 = arith.constant 640 : i32
      %mul3A_16 = arith.muli %arg1, %mul3A_15 : i32
      %add3A_17 = arith.constant 128 : i32
      %add3A_18 = arith.addi %mul3A_16, %add3A_17 : i32
      "tpu.region"() ({
        %run_scoped3A = tpu.sem_alloc : memref<!tpu.dma_semaphore, #tpu.memory_space<semaphore_mem>>
        %dma_start3A = arith.constant 0 : i32
        %dma_start3A_63 = tpu.memref_slice %arg13[%add3A_18, %dma_start3A] : memref<10240x128xf32, #tpu.memory_space<vmem_shared>> -> memref<128x128xf32, #tpu.memory_space<vmem_shared>>
        %dma_start3A_64 = arith.constant 0 : i32
        %dma_start3A_65 = tpu.memref_slice %arg13[%add3A_18, %dma_start3A_64] : memref<10240x128xf32, #tpu.memory_space<vmem_shared>> -> memref<128x128xf32, #tpu.memory_space<vmem_shared>>
        tpu.enqueue_dma source(%arg9 : memref<128x128xf32, #tpu.memory_space<vmem>>) target(%dma_start3A_65 : memref<128x128xf32, #tpu.memory_space<vmem_shared>>) target_semaphore(%run_scoped3A : memref<!tpu.dma_semaphore, #tpu.memory_space<semaphore_mem>>)
        %dma_wait3A = arith.constant 0 : i32
        %dma_wait3A_66 = tpu.memref_slice %arg13[%add3A_18, %dma_wait3A] : memref<10240x128xf32, #tpu.memory_space<vmem_shared>> -> memref<128x128xf32, #tpu.memory_space<vmem_shared>>
        %dma_wait3A_67 = arith.constant 0 : i32
        %dma_wait3A_68 = tpu.memref_slice %arg13[%add3A_18, %dma_wait3A_67] : memref<10240x128xf32, #tpu.memory_space<vmem_shared>> -> memref<128x128xf32, #tpu.memory_space<vmem_shared>>
        tpu.wait_dma2 semaphore(%run_scoped3A : memref<!tpu.dma_semaphore, #tpu.memory_space<semaphore_mem>>) src(%arg9 : memref<128x128xf32, #tpu.memory_space<vmem>>) dst(%dma_wait3A_68 : memref<128x128xf32, #tpu.memory_space<vmem_shared>>)
        tpu.yield
      }) : () -> ()
      %mul3A_19 = arith.constant 640 : i32
      %mul3A_20 = arith.muli %arg1, %mul3A_19 : i32
      %add3A_21 = arith.constant 256 : i32
      %add3A_22 = arith.addi %mul3A_20, %add3A_21 : i32
      "tpu.region"() ({
        %run_scoped3A = tpu.sem_alloc : memref<!tpu.dma_semaphore, #tpu.memory_space<semaphore_mem>>
        %dma_start3A = arith.constant 0 : i32
        %dma_start3A_63 = tpu.memref_slice %arg13[%add3A_22, %dma_start3A] : memref<10240x128xf32, #tpu.memory_space<vmem_shared>> -> memref<128x128xf32, #tpu.memory_space<vmem_shared>>
        %dma_start3A_64 = arith.constant 0 : i32
        %dma_start3A_65 = tpu.memref_slice %arg13[%add3A_22, %dma_start3A_64] : memref<10240x128xf32, #tpu.memory_space<vmem_shared>> -> memref<128x128xf32, #tpu.memory_space<vmem_shared>>
        tpu.enqueue_dma source(%arg9 : memref<128x128xf32, #tpu.memory_space<vmem>>) target(%dma_start3A_65 : memref<128x128xf32, #tpu.memory_space<vmem_shared>>) target_semaphore(%run_scoped3A : memref<!tpu.dma_semaphore, #tpu.memory_space<semaphore_mem>>)
        %dma_wait3A = arith.constant 0 : i32
        %dma_wait3A_66 = tpu.memref_slice %arg13[%add3A_22, %dma_wait3A] : memref<10240x128xf32, #tpu.memory_space<vmem_shared>> -> memref<128x128xf32, #tpu.memory_space<vmem_shared>>
        %dma_wait3A_67 = arith.constant 0 : i32
        %dma_wait3A_68 = tpu.memref_slice %arg13[%add3A_22, %dma_wait3A_67] : memref<10240x128xf32, #tpu.memory_space<vmem_shared>> -> memref<128x128xf32, #tpu.memory_space<vmem_shared>>
        tpu.wait_dma2 semaphore(%run_scoped3A : memref<!tpu.dma_semaphore, #tpu.memory_space<semaphore_mem>>) src(%arg9 : memref<128x128xf32, #tpu.memory_space<vmem>>) dst(%dma_wait3A_68 : memref<128x128xf32, #tpu.memory_space<vmem_shared>>)
        tpu.yield
      }) : () -> ()
      %mul3A_23 = arith.constant 640 : i32
      %mul3A_24 = arith.muli %arg1, %mul3A_23 : i32
      %add3A_25 = arith.constant 384 : i32
      %add3A_26 = arith.addi %mul3A_24, %add3A_25 : i32
      "tpu.region"() ({
        %run_scoped3A = tpu.sem_alloc : memref<!tpu.dma_semaphore, #tpu.memory_space<semaphore_mem>>
        %dma_start3A = arith.constant 0 : i32
        %dma_start3A_63 = tpu.memref_slice %arg13[%add3A_26, %dma_start3A] : memref<10240x128xf32, #tpu.memory_space<vmem_shared>> -> memref<128x128xf32, #tpu.memory_space<vmem_shared>>
        %dma_start3A_64 = arith.constant 0 : i32
        %dma_start3A_65 = tpu.memref_slice %arg13[%add3A_26, %dma_start3A_64] : memref<10240x128xf32, #tpu.memory_space<vmem_shared>> -> memref<128x128xf32, #tpu.memory_space<vmem_shared>>
        tpu.enqueue_dma source(%arg9 : memref<128x128xf32, #tpu.memory_space<vmem>>) target(%dma_start3A_65 : memref<128x128xf32, #tpu.memory_space<vmem_shared>>) target_semaphore(%run_scoped3A : memref<!tpu.dma_semaphore, #tpu.memory_space<semaphore_mem>>)
        %dma_wait3A = arith.constant 0 : i32
        %dma_wait3A_66 = tpu.memref_slice %arg13[%add3A_26, %dma_wait3A] : memref<10240x128xf32, #tpu.memory_space<vmem_shared>> -> memref<128x128xf32, #tpu.memory_space<vmem_shared>>
        %dma_wait3A_67 = arith.constant 0 : i32
        %dma_wait3A_68 = tpu.memref_slice %arg13[%add3A_26, %dma_wait3A_67] : memref<10240x128xf32, #tpu.memory_space<vmem_shared>> -> memref<128x128xf32, #tpu.memory_space<vmem_shared>>
        tpu.wait_dma2 semaphore(%run_scoped3A : memref<!tpu.dma_semaphore, #tpu.memory_space<semaphore_mem>>) src(%arg9 : memref<128x128xf32, #tpu.memory_space<vmem>>) dst(%dma_wait3A_68 : memref<128x128xf32, #tpu.memory_space<vmem_shared>>)
        tpu.yield
      }) : () -> ()
      %mul3A_27 = arith.constant 640 : i32
      %mul3A_28 = arith.muli %arg1, %mul3A_27 : i32
      %add3A_29 = arith.constant 512 : i32
      %add3A_30 = arith.addi %mul3A_28, %add3A_29 : i32
      "tpu.region"() ({
        %run_scoped3A = tpu.sem_alloc : memref<!tpu.dma_semaphore, #tpu.memory_space<semaphore_mem>>
        %dma_start3A = arith.constant 0 : i32
        %dma_start3A_63 = tpu.memref_slice %arg13[%add3A_30, %dma_start3A] : memref<10240x128xf32, #tpu.memory_space<vmem_shared>> -> memref<128x128xf32, #tpu.memory_space<vmem_shared>>
        %dma_start3A_64 = arith.constant 0 : i32
        %dma_start3A_65 = tpu.memref_slice %arg13[%add3A_30, %dma_start3A_64] : memref<10240x128xf32, #tpu.memory_space<vmem_shared>> -> memref<128x128xf32, #tpu.memory_space<vmem_shared>>
        tpu.enqueue_dma source(%arg9 : memref<128x128xf32, #tpu.memory_space<vmem>>) target(%dma_start3A_65 : memref<128x128xf32, #tpu.memory_space<vmem_shared>>) target_semaphore(%run_scoped3A : memref<!tpu.dma_semaphore, #tpu.memory_space<semaphore_mem>>)
        %dma_wait3A = arith.constant 0 : i32
        %dma_wait3A_66 = tpu.memref_slice %arg13[%add3A_30, %dma_wait3A] : memref<10240x128xf32, #tpu.memory_space<vmem_shared>> -> memref<128x128xf32, #tpu.memory_space<vmem_shared>>
        %dma_wait3A_67 = arith.constant 0 : i32
        %dma_wait3A_68 = tpu.memref_slice %arg13[%add3A_30, %dma_wait3A_67] : memref<10240x128xf32, #tpu.memory_space<vmem_shared>> -> memref<128x128xf32, #tpu.memory_space<vmem_shared>>
        tpu.wait_dma2 semaphore(%run_scoped3A : memref<!tpu.dma_semaphore, #tpu.memory_space<semaphore_mem>>) src(%arg9 : memref<128x128xf32, #tpu.memory_space<vmem>>) dst(%dma_wait3A_68 : memref<128x128xf32, #tpu.memory_space<vmem_shared>>)
        tpu.yield
      }) : () -> ()
      %barrier3A = arith.constant 0 : index
      tpu.barrier barrier_id(%barrier3A)
      %mul3A_31 = arith.constant 20096 : i32
      %mul3A_32 = arith.muli %arg1, %mul3A_31 : i32
      %scan3A_33 = arith.constant 0 : i32
      %scan3A_34 = arith.constant 0 : i32
      %scan3A_35 = arith.constant 157 : i32
      %scan3A_36 = arith.addi %scan3A_34, %scan3A_35 : i32
      %scan3A_37 = arith.constant 1 : i32
      %scan3A_38 = scf.for %scan3A_63 = %scan3A_34 to %scan3A_36 step %scan3A_37 iter_args(%scan3A_64 = %scan3A_33) -> (i32)  : i32 {
        %mul3A_65 = arith.constant 128 : i32
        %mul3A_66 = arith.muli %scan3A_63, %mul3A_65 : i32
        %add3A_67 = arith.addi %mul3A_32, %mul3A_66 : i32
        "tpu.region"() ({
          %run_scoped3A = tpu.sem_alloc : memref<!tpu.dma_semaphore, #tpu.memory_space<semaphore_mem>>
          %dma_start3A_80 = tpu.memref_slice %arg5[%add3A_67] : memref<321536xi32, #tpu.memory_space<hbm>> -> memref<128xi32, #tpu.memory_space<hbm>>
          %dma_start3A_81 = tpu.memref_slice %arg5[%add3A_67] : memref<321536xi32, #tpu.memory_space<hbm>> -> memref<128xi32, #tpu.memory_space<hbm>>
          tpu.enqueue_dma source(%dma_start3A_81 : memref<128xi32, #tpu.memory_space<hbm>>) target(%arg10 : memref<128xi32, #tpu.memory_space<vmem>>) target_semaphore(%run_scoped3A : memref<!tpu.dma_semaphore, #tpu.memory_space<semaphore_mem>>)
          %dma_wait3A_82 = tpu.memref_slice %arg5[%add3A_67] : memref<321536xi32, #tpu.memory_space<hbm>> -> memref<128xi32, #tpu.memory_space<hbm>>
          %dma_wait3A_83 = tpu.memref_slice %arg5[%add3A_67] : memref<321536xi32, #tpu.memory_space<hbm>> -> memref<128xi32, #tpu.memory_space<hbm>>
          tpu.wait_dma2 semaphore(%run_scoped3A : memref<!tpu.dma_semaphore, #tpu.memory_space<semaphore_mem>>) src(%dma_wait3A_83 : memref<128xi32, #tpu.memory_space<hbm>>) dst(%arg10 : memref<128xi32, #tpu.memory_space<vmem>>)
          tpu.yield
        }) : () -> ()
        "tpu.region"() ({
          %run_scoped3A = tpu.sem_alloc : memref<!tpu.dma_semaphore, #tpu.memory_space<semaphore_mem>>
          %dma_start3A_80 = tpu.memref_slice %arg4[%add3A_67] : memref<321536xi32, #tpu.memory_space<hbm>> -> memref<128xi32, #tpu.memory_space<hbm>>
          %dma_start3A_81 = tpu.memref_slice %arg4[%add3A_67] : memref<321536xi32, #tpu.memory_space<hbm>> -> memref<128xi32, #tpu.memory_space<hbm>>
          tpu.enqueue_dma source(%dma_start3A_81 : memref<128xi32, #tpu.memory_space<hbm>>) target(%arg11 : memref<128xi32, #tpu.memory_space<vmem>>) target_semaphore(%run_scoped3A : memref<!tpu.dma_semaphore, #tpu.memory_space<semaphore_mem>>)
          %dma_wait3A_82 = tpu.memref_slice %arg4[%add3A_67] : memref<321536xi32, #tpu.memory_space<hbm>> -> memref<128xi32, #tpu.memory_space<hbm>>
          %dma_wait3A_83 = tpu.memref_slice %arg4[%add3A_67] : memref<321536xi32, #tpu.memory_space<hbm>> -> memref<128xi32, #tpu.memory_space<hbm>>
          tpu.wait_dma2 semaphore(%run_scoped3A : memref<!tpu.dma_semaphore, #tpu.memory_space<semaphore_mem>>) src(%dma_wait3A_83 : memref<128xi32, #tpu.memory_space<hbm>>) dst(%arg11 : memref<128xi32, #tpu.memory_space<vmem>>)
          tpu.yield
        }) : () -> ()
        "tpu.region"() ({
          %run_scoped3A = tpu.sem_alloc : memref<!tpu.dma_semaphore, #tpu.memory_space<semaphore_mem>>
          %dma_start3A_80 = arith.constant 0 : i32
          %dma_start3A_81 = tpu.memref_slice %arg12[%dma_start3A_80] : memref<144xf32, #tpu.memory_space<vmem>> -> memref<128xf32, #tpu.memory_space<vmem>>
          %dma_start3A_82 = tpu.memref_slice %arg6[%add3A_67] : memref<321536xf32, #tpu.memory_space<hbm>> -> memref<128xf32, #tpu.memory_space<hbm>>
          %dma_start3A_83 = arith.constant 0 : i32
          %dma_start3A_84 = tpu.memref_slice %arg12[%dma_start3A_83] : memref<144xf32, #tpu.memory_space<vmem>> -> memref<128xf32, #tpu.memory_space<vmem>>
          %dma_start3A_85 = tpu.memref_slice %arg6[%add3A_67] : memref<321536xf32, #tpu.memory_space<hbm>> -> memref<128xf32, #tpu.memory_space<hbm>>
          tpu.enqueue_dma source(%dma_start3A_85 : memref<128xf32, #tpu.memory_space<hbm>>) target(%dma_start3A_84 : memref<128xf32, #tpu.memory_space<vmem>>) target_semaphore(%run_scoped3A : memref<!tpu.dma_semaphore, #tpu.memory_space<semaphore_mem>>)
          %dma_wait3A_86 = arith.constant 0 : i32
          %dma_wait3A_87 = tpu.memref_slice %arg12[%dma_wait3A_86] : memref<144xf32, #tpu.memory_space<vmem>> -> memref<128xf32, #tpu.memory_space<vmem>>
          %dma_wait3A_88 = tpu.memref_slice %arg6[%add3A_67] : memref<321536xf32, #tpu.memory_space<hbm>> -> memref<128xf32, #tpu.memory_space<hbm>>
          %dma_wait3A_89 = arith.constant 0 : i32
          %dma_wait3A_90 = tpu.memref_slice %arg12[%dma_wait3A_89] : memref<144xf32, #tpu.memory_space<vmem>> -> memref<128xf32, #tpu.memory_space<vmem>>
          %dma_wait3A_91 = tpu.memref_slice %arg6[%add3A_67] : memref<321536xf32, #tpu.memory_space<hbm>> -> memref<128xf32, #tpu.memory_space<hbm>>
          tpu.wait_dma2 semaphore(%run_scoped3A : memref<!tpu.dma_semaphore, #tpu.memory_space<semaphore_mem>>) src(%dma_wait3A_91 : memref<128xf32, #tpu.memory_space<hbm>>) dst(%dma_wait3A_90 : memref<128xf32, #tpu.memory_space<vmem>>)
          tpu.yield
        }) : () -> ()
        %dma_start3A = arith.constant 0 : i32
        %dma_start3A_68 = arith.constant 0 : i32
        %dma_start3A_69 = tpu.memref_slice %arg2[%dma_start3A, %dma_start3A_68] : memref<10240x128xf32, #tpu.memory_space<hbm>> -> memref<10240x128xf32, #tpu.memory_space<hbm>>
        tpu.enqueue_indirect_dma source(%dma_start3A_69 : memref<10240x128xf32, #tpu.memory_space<hbm>>) target(%arg9 : memref<128x128xf32, #tpu.memory_space<vmem>>) offsets(%arg10 : memref<128xi32, #tpu.memory_space<vmem>>) semaphore(%arg14 : memref<!tpu.dma_semaphore, #tpu.memory_space<semaphore_mem>>)
        %dma_wait3A = arith.constant 0 : i32
        %dma_wait3A_70 = arith.constant 0 : i32
        %dma_wait3A_71 = tpu.memref_slice %arg2[%dma_wait3A, %dma_wait3A_70] : memref<10240x128xf32, #tpu.memory_space<hbm>> -> memref<10240x128xf32, #tpu.memory_space<hbm>>
        tpu.wait_indirect_dma semaphore(%arg14 : memref<!tpu.dma_semaphore, #tpu.memory_space<semaphore_mem>>) src(%dma_wait3A_71 : memref<10240x128xf32, #tpu.memory_space<hbm>>) dst(%arg9 : memref<128x128xf32, #tpu.memory_space<vmem>>)
        %scan3A_72 = arith.constant 0 : i32
        %scan3A_73 = arith.constant 0 : i32
        %scan3A_74 = arith.constant 128 : i32
        %scan3A_75 = arith.addi %scan3A_73, %scan3A_74 : i32
        %scan3A_76 = arith.constant 1 : i32
        %scan3A_77 = scf.for %scan3A_80 = %scan3A_73 to %scan3A_75 step %scan3A_76 iter_args(%scan3A_81 = %scan3A_72) -> (i32)  : i32 {
          %get3A = arith.index_cast %scan3A_80 : i32 to index
          %get3A_82 = tpu.vector_load %arg12[%get3A] {strides = array<i32>} : memref<144xf32, #tpu.memory_space<vmem>>, vector<16xf32>,
          %get3A_83 = vector.shape_cast %get3A_82 : vector<16xf32> to vector<16xf32>
          %slice3A = vector.extract_strided_slice %get3A_83 {offsets = [0], sizes = [1], strides = [1]} : vector<16xf32> to vector<1xf32>
          %squeeze3A = vector.extract %slice3A[0] : f32 from vector<1xf32>
          %get3A_84 = arith.index_cast %scan3A_80 : i32 to index
          %get3A_85 = arith.constant 0 : index
          %get3A_86 = tpu.vector_load %arg9[%get3A_84, %get3A_85] {strides = array<i32>} : memref<128x128xf32, #tpu.memory_space<vmem>>, vector<1x16xf32>,
          %get3A_87 = vector.shape_cast %get3A_86 : vector<1x16xf32> to vector<16xf32>
          %mul3A_88 = vector.broadcast %squeeze3A : f32 to vector<16xf32>
          %mul3A_89 = arith.mulf %get3A_87, %mul3A_88 : vector<16xf32>
          %swap3A = arith.index_cast %scan3A_80 : i32 to index
          %swap3A_90 = arith.constant 0 : index
          %swap3A_91 = tpu.vector_load %arg9[%swap3A, %swap3A_90] {strides = array<i32>} : memref<128x128xf32, #tpu.memory_space<vmem>>, vector<1x16xf32>,
          %swap3A_92 = vector.shape_cast %swap3A_91 : vector<1x16xf32> to vector<16xf32>
          %swap3A_93 = vector.shape_cast %mul3A_89 : vector<16xf32> to vector<1x16xf32>
          tpu.vector_store %arg9[%swap3A, %swap3A_90], %swap3A_93 {strides = array<i32>} : memref<128x128xf32, #tpu.memory_space<vmem>>, vector<1x16xf32>,
          %get3A_94 = arith.index_cast %scan3A_80 : i32 to index
          %get3A_95 = arith.constant 16 : index
          %get3A_96 = tpu.vector_load %arg9[%get3A_94, %get3A_95] {strides = array<i32>} : memref<128x128xf32, #tpu.memory_space<vmem>>, vector<1x16xf32>,
          %get3A_97 = vector.shape_cast %get3A_96 : vector<1x16xf32> to vector<16xf32>
          %mul3A_98 = vector.broadcast %squeeze3A : f32 to vector<16xf32>
          %mul3A_99 = arith.mulf %get3A_97, %mul3A_98 : vector<16xf32>
          %swap3A_100 = arith.index_cast %scan3A_80 : i32 to index
          %swap3A_101 = arith.constant 16 : index
          %swap3A_102 = tpu.vector_load %arg9[%swap3A_100, %swap3A_101] {strides = array<i32>} : memref<128x128xf32, #tpu.memory_space<vmem>>, vector<1x16xf32>,
          %swap3A_103 = vector.shape_cast %swap3A_102 : vector<1x16xf32> to vector<16xf32>
          %swap3A_104 = vector.shape_cast %mul3A_99 : vector<16xf32> to vector<1x16xf32>
          tpu.vector_store %arg9[%swap3A_100, %swap3A_101], %swap3A_104 {strides = array<i32>} : memref<128x128xf32, #tpu.memory_space<vmem>>, vector<1x16xf32>,
          %get3A_105 = arith.index_cast %scan3A_80 : i32 to index
          %get3A_106 = arith.constant 32 : index
          %get3A_107 = tpu.vector_load %arg9[%get3A_105, %get3A_106] {strides = array<i32>} : memref<128x128xf32, #tpu.memory_space<vmem>>, vector<1x16xf32>,
          %get3A_108 = vector.shape_cast %get3A_107 : vector<1x16xf32> to vector<16xf32>
          %mul3A_109 = vector.broadcast %squeeze3A : f32 to vector<16xf32>
          %mul3A_110 = arith.mulf %get3A_108, %mul3A_109 : vector<16xf32>
          %swap3A_111 = arith.index_cast %scan3A_80 : i32 to index
          %swap3A_112 = arith.constant 32 : index
          %swap3A_113 = tpu.vector_load %arg9[%swap3A_111, %swap3A_112] {strides = array<i32>} : memref<128x128xf32, #tpu.memory_space<vmem>>, vector<1x16xf32>,
          %swap3A_114 = vector.shape_cast %swap3A_113 : vector<1x16xf32> to vector<16xf32>
          %swap3A_115 = vector.shape_cast %mul3A_110 : vector<16xf32> to vector<1x16xf32>
          tpu.vector_store %arg9[%swap3A_111, %swap3A_112], %swap3A_115 {strides = array<i32>} : memref<128x128xf32, #tpu.memory_space<vmem>>, vector<1x16xf32>,
          %get3A_116 = arith.index_cast %scan3A_80 : i32 to index
          %get3A_117 = arith.constant 48 : index
          %get3A_118 = tpu.vector_load %arg9[%get3A_116, %get3A_117] {strides = array<i32>} : memref<128x128xf32, #tpu.memory_space<vmem>>, vector<1x16xf32>,
          %get3A_119 = vector.shape_cast %get3A_118 : vector<1x16xf32> to vector<16xf32>
          %mul3A_120 = vector.broadcast %squeeze3A : f32 to vector<16xf32>
          %mul3A_121 = arith.mulf %get3A_119, %mul3A_120 : vector<16xf32>
          %swap3A_122 = arith.index_cast %scan3A_80 : i32 to index
          %swap3A_123 = arith.constant 48 : index
          %swap3A_124 = tpu.vector_load %arg9[%swap3A_122, %swap3A_123] {strides = array<i32>} : memref<128x128xf32, #tpu.memory_space<vmem>>, vector<1x16xf32>,
          %swap3A_125 = vector.shape_cast %swap3A_124 : vector<1x16xf32> to vector<16xf32>
          %swap3A_126 = vector.shape_cast %mul3A_121 : vector<16xf32> to vector<1x16xf32>
          tpu.vector_store %arg9[%swap3A_122, %swap3A_123], %swap3A_126 {strides = array<i32>} : memref<128x128xf32, #tpu.memory_space<vmem>>, vector<1x16xf32>,
          %get3A_127 = arith.index_cast %scan3A_80 : i32 to index
          %get3A_128 = arith.constant 64 : index
          %get3A_129 = tpu.vector_load %arg9[%get3A_127, %get3A_128] {strides = array<i32>} : memref<128x128xf32, #tpu.memory_space<vmem>>, vector<1x16xf32>,
          %get3A_130 = vector.shape_cast %get3A_129 : vector<1x16xf32> to vector<16xf32>
          %mul3A_131 = vector.broadcast %squeeze3A : f32 to vector<16xf32>
          %mul3A_132 = arith.mulf %get3A_130, %mul3A_131 : vector<16xf32>
          %swap3A_133 = arith.index_cast %scan3A_80 : i32 to index
          %swap3A_134 = arith.constant 64 : index
          %swap3A_135 = tpu.vector_load %arg9[%swap3A_133, %swap3A_134] {strides = array<i32>} : memref<128x128xf32, #tpu.memory_space<vmem>>, vector<1x16xf32>,
          %swap3A_136 = vector.shape_cast %swap3A_135 : vector<1x16xf32> to vector<16xf32>
          %swap3A_137 = vector.shape_cast %mul3A_132 : vector<16xf32> to vector<1x16xf32>
          tpu.vector_store %arg9[%swap3A_133, %swap3A_134], %swap3A_137 {strides = array<i32>} : memref<128x128xf32, #tpu.memory_space<vmem>>, vector<1x16xf32>,
          %get3A_138 = arith.index_cast %scan3A_80 : i32 to index
          %get3A_139 = arith.constant 80 : index
          %get3A_140 = tpu.vector_load %arg9[%get3A_138, %get3A_139] {strides = array<i32>} : memref<128x128xf32, #tpu.memory_space<vmem>>, vector<1x16xf32>,
          %get3A_141 = vector.shape_cast %get3A_140 : vector<1x16xf32> to vector<16xf32>
          %mul3A_142 = vector.broadcast %squeeze3A : f32 to vector<16xf32>
          %mul3A_143 = arith.mulf %get3A_141, %mul3A_142 : vector<16xf32>
          %swap3A_144 = arith.index_cast %scan3A_80 : i32 to index
          %swap3A_145 = arith.constant 80 : index
          %swap3A_146 = tpu.vector_load %arg9[%swap3A_144, %swap3A_145] {strides = array<i32>} : memref<128x128xf32, #tpu.memory_space<vmem>>, vector<1x16xf32>,
          %swap3A_147 = vector.shape_cast %swap3A_146 : vector<1x16xf32> to vector<16xf32>
          %swap3A_148 = vector.shape_cast %mul3A_143 : vector<16xf32> to vector<1x16xf32>
          tpu.vector_store %arg9[%swap3A_144, %swap3A_145], %swap3A_148 {strides = array<i32>} : memref<128x128xf32, #tpu.memory_space<vmem>>, vector<1x16xf32>,
          %get3A_149 = arith.index_cast %scan3A_80 : i32 to index
          %get3A_150 = arith.constant 96 : index
          %get3A_151 = tpu.vector_load %arg9[%get3A_149, %get3A_150] {strides = array<i32>} : memref<128x128xf32, #tpu.memory_space<vmem>>, vector<1x16xf32>,
          %get3A_152 = vector.shape_cast %get3A_151 : vector<1x16xf32> to vector<16xf32>
          %mul3A_153 = vector.broadcast %squeeze3A : f32 to vector<16xf32>
          %mul3A_154 = arith.mulf %get3A_152, %mul3A_153 : vector<16xf32>
          %swap3A_155 = arith.index_cast %scan3A_80 : i32 to index
          %swap3A_156 = arith.constant 96 : index
          %swap3A_157 = tpu.vector_load %arg9[%swap3A_155, %swap3A_156] {strides = array<i32>} : memref<128x128xf32, #tpu.memory_space<vmem>>, vector<1x16xf32>,
          %swap3A_158 = vector.shape_cast %swap3A_157 : vector<1x16xf32> to vector<16xf32>
          %swap3A_159 = vector.shape_cast %mul3A_154 : vector<16xf32> to vector<1x16xf32>
          tpu.vector_store %arg9[%swap3A_155, %swap3A_156], %swap3A_159 {strides = array<i32>} : memref<128x128xf32, #tpu.memory_space<vmem>>, vector<1x16xf32>,
          %get3A_160 = arith.index_cast %scan3A_80 : i32 to index
          %get3A_161 = arith.constant 112 : index
          %get3A_162 = tpu.vector_load %arg9[%get3A_160, %get3A_161] {strides = array<i32>} : memref<128x128xf32, #tpu.memory_space<vmem>>, vector<1x16xf32>,
          %get3A_163 = vector.shape_cast %get3A_162 : vector<1x16xf32> to vector<16xf32>
          %mul3A_164 = vector.broadcast %squeeze3A : f32 to vector<16xf32>
          %mul3A_165 = arith.mulf %get3A_163, %mul3A_164 : vector<16xf32>
          %swap3A_166 = arith.index_cast %scan3A_80 : i32 to index
          %swap3A_167 = arith.constant 112 : index
          %swap3A_168 = tpu.vector_load %arg9[%swap3A_166, %swap3A_167] {strides = array<i32>} : memref<128x128xf32, #tpu.memory_space<vmem>>, vector<1x16xf32>,
          %swap3A_169 = vector.shape_cast %swap3A_168 : vector<1x16xf32> to vector<16xf32>
          %swap3A_170 = vector.shape_cast %mul3A_165 : vector<16xf32> to vector<1x16xf32>
          tpu.vector_store %arg9[%swap3A_166, %swap3A_167], %swap3A_170 {strides = array<i32>} : memref<128x128xf32, #tpu.memory_space<vmem>>, vector<1x16xf32>,
          %scan3A_171 = arith.constant 0 : i32
          scf.yield %scan3A_171 : i32
        }
        %scan3A_78 = arith.constant 128 : i32
        "tpu.region"() ({
          %run_scoped3A = tpu.sem_alloc : memref<!tpu.dma_semaphore, #tpu.memory_space<semaphore_mem>>
          %dma_start3A_80 = arith.constant 0 : i32
          %dma_start3A_81 = arith.constant 0 : i32
          %dma_start3A_82 = tpu.memref_slice %arg13[%dma_start3A_80, %dma_start3A_81] : memref<10240x128xf32, #tpu.memory_space<vmem_shared>> -> memref<10240x128xf32, #tpu.memory_space<vmem_shared>>
          tpu.enqueue_indirect_dma source(%arg9 : memref<128x128xf32, #tpu.memory_space<vmem>>) target(%dma_start3A_82 : memref<10240x128xf32, #tpu.memory_space<vmem_shared>>) offsets(%arg11 : memref<128xi32, #tpu.memory_space<vmem>>) semaphore(%run_scoped3A : memref<!tpu.dma_semaphore, #tpu.memory_space<semaphore_mem>>) {add = true}
          %dma_wait3A_83 = arith.constant 0 : i32
          %dma_wait3A_84 = arith.constant 0 : i32
          %dma_wait3A_85 = tpu.memref_slice %arg13[%dma_wait3A_83, %dma_wait3A_84] : memref<10240x128xf32, #tpu.memory_space<vmem_shared>> -> memref<10240x128xf32, #tpu.memory_space<vmem_shared>>
          tpu.wait_indirect_dma semaphore(%run_scoped3A : memref<!tpu.dma_semaphore, #tpu.memory_space<semaphore_mem>>) src(%arg9 : memref<128x128xf32, #tpu.memory_space<vmem>>) dst(%dma_wait3A_85 : memref<10240x128xf32, #tpu.memory_space<vmem_shared>>)
          tpu.yield
        }) : () -> ()
        %scan3A_79 = arith.constant 0 : i32
        scf.yield %scan3A_79 : i32
      }
      %scan3A_39 = arith.constant 157 : i32
      %barrier3A_40 = arith.constant 0 : index
      tpu.barrier barrier_id(%barrier3A_40)
      %mul3A_41 = arith.constant 640 : i32
      %mul3A_42 = arith.muli %arg1, %mul3A_41 : i32
      %add3A_43 = arith.constant 0 : i32
      %add3A_44 = arith.addi %mul3A_42, %add3A_43 : i32
      %add3A_45 = arith.constant 0 : i32
      %add3A_46 = arith.addi %mul3A_42, %add3A_45 : i32
      "tpu.region"() ({
        %run_scoped3A = tpu.sem_alloc : memref<!tpu.dma_semaphore, #tpu.memory_space<semaphore_mem>>
        %dma_start3A = arith.constant 0 : i32
        %dma_start3A_63 = tpu.memref_slice %arg7[%add3A_46, %dma_start3A] : memref<10240x128xf32, #tpu.memory_space<hbm>> -> memref<128x128xf32, #tpu.memory_space<hbm>>
        %dma_start3A_64 = arith.constant 0 : i32
        %dma_start3A_65 = tpu.memref_slice %arg13[%add3A_44, %dma_start3A_64] : memref<10240x128xf32, #tpu.memory_space<vmem_shared>> -> memref<128x128xf32, #tpu.memory_space<vmem_shared>>
        tpu.enqueue_dma source(%dma_start3A_65 : memref<128x128xf32, #tpu.memory_space<vmem_shared>>) target(%dma_start3A_63 : memref<128x128xf32, #tpu.memory_space<hbm>>) target_semaphore(%run_scoped3A : memref<!tpu.dma_semaphore, #tpu.memory_space<semaphore_mem>>)
        %dma_wait3A = arith.constant 0 : i32
        %dma_wait3A_66 = tpu.memref_slice %arg7[%add3A_46, %dma_wait3A] : memref<10240x128xf32, #tpu.memory_space<hbm>> -> memref<128x128xf32, #tpu.memory_space<hbm>>
        %dma_wait3A_67 = arith.constant 0 : i32
        %dma_wait3A_68 = tpu.memref_slice %arg13[%add3A_44, %dma_wait3A_67] : memref<10240x128xf32, #tpu.memory_space<vmem_shared>> -> memref<128x128xf32, #tpu.memory_space<vmem_shared>>
        tpu.wait_dma2 semaphore(%run_scoped3A : memref<!tpu.dma_semaphore, #tpu.memory_space<semaphore_mem>>) src(%dma_wait3A_68 : memref<128x128xf32, #tpu.memory_space<vmem_shared>>) dst(%dma_wait3A_66 : memref<128x128xf32, #tpu.memory_space<hbm>>)
        tpu.yield
      }) : () -> ()
      %add3A_47 = arith.constant 128 : i32
      %add3A_48 = arith.addi %mul3A_42, %add3A_47 : i32
      %add3A_49 = arith.constant 128 : i32
      %add3A_50 = arith.addi %mul3A_42, %add3A_49 : i32
      "tpu.region"() ({
        %run_scoped3A = tpu.sem_alloc : memref<!tpu.dma_semaphore, #tpu.memory_space<semaphore_mem>>
        %dma_start3A = arith.constant 0 : i32
        %dma_start3A_63 = tpu.memref_slice %arg7[%add3A_50, %dma_start3A] : memref<10240x128xf32, #tpu.memory_space<hbm>> -> memref<128x128xf32, #tpu.memory_space<hbm>>
        %dma_start3A_64 = arith.constant 0 : i32
        %dma_start3A_65 = tpu.memref_slice %arg13[%add3A_48, %dma_start3A_64] : memref<10240x128xf32, #tpu.memory_space<vmem_shared>> -> memref<128x128xf32, #tpu.memory_space<vmem_shared>>
        tpu.enqueue_dma source(%dma_start3A_65 : memref<128x128xf32, #tpu.memory_space<vmem_shared>>) target(%dma_start3A_63 : memref<128x128xf32, #tpu.memory_space<hbm>>) target_semaphore(%run_scoped3A : memref<!tpu.dma_semaphore, #tpu.memory_space<semaphore_mem>>)
        %dma_wait3A = arith.constant 0 : i32
        %dma_wait3A_66 = tpu.memref_slice %arg7[%add3A_50, %dma_wait3A] : memref<10240x128xf32, #tpu.memory_space<hbm>> -> memref<128x128xf32, #tpu.memory_space<hbm>>
        %dma_wait3A_67 = arith.constant 0 : i32
        %dma_wait3A_68 = tpu.memref_slice %arg13[%add3A_48, %dma_wait3A_67] : memref<10240x128xf32, #tpu.memory_space<vmem_shared>> -> memref<128x128xf32, #tpu.memory_space<vmem_shared>>
        tpu.wait_dma2 semaphore(%run_scoped3A : memref<!tpu.dma_semaphore, #tpu.memory_space<semaphore_mem>>) src(%dma_wait3A_68 : memref<128x128xf32, #tpu.memory_space<vmem_shared>>) dst(%dma_wait3A_66 : memref<128x128xf32, #tpu.memory_space<hbm>>)
        tpu.yield
      }) : () -> ()
      %add3A_51 = arith.constant 256 : i32
      %add3A_52 = arith.addi %mul3A_42, %add3A_51 : i32
      %add3A_53 = arith.constant 256 : i32
      %add3A_54 = arith.addi %mul3A_42, %add3A_53 : i32
      "tpu.region"() ({
        %run_scoped3A = tpu.sem_alloc : memref<!tpu.dma_semaphore, #tpu.memory_space<semaphore_mem>>
        %dma_start3A = arith.constant 0 : i32
        %dma_start3A_63 = tpu.memref_slice %arg7[%add3A_54, %dma_start3A] : memref<10240x128xf32, #tpu.memory_space<hbm>> -> memref<128x128xf32, #tpu.memory_space<hbm>>
        %dma_start3A_64 = arith.constant 0 : i32
        %dma_start3A_65 = tpu.memref_slice %arg13[%add3A_52, %dma_start3A_64] : memref<10240x128xf32, #tpu.memory_space<vmem_shared>> -> memref<128x128xf32, #tpu.memory_space<vmem_shared>>
        tpu.enqueue_dma source(%dma_start3A_65 : memref<128x128xf32, #tpu.memory_space<vmem_shared>>) target(%dma_start3A_63 : memref<128x128xf32, #tpu.memory_space<hbm>>) target_semaphore(%run_scoped3A : memref<!tpu.dma_semaphore, #tpu.memory_space<semaphore_mem>>)
        %dma_wait3A = arith.constant 0 : i32
        %dma_wait3A_66 = tpu.memref_slice %arg7[%add3A_54, %dma_wait3A] : memref<10240x128xf32, #tpu.memory_space<hbm>> -> memref<128x128xf32, #tpu.memory_space<hbm>>
        %dma_wait3A_67 = arith.constant 0 : i32
        %dma_wait3A_68 = tpu.memref_slice %arg13[%add3A_52, %dma_wait3A_67] : memref<10240x128xf32, #tpu.memory_space<vmem_shared>> -> memref<128x128xf32, #tpu.memory_space<vmem_shared>>
        tpu.wait_dma2 semaphore(%run_scoped3A : memref<!tpu.dma_semaphore, #tpu.memory_space<semaphore_mem>>) src(%dma_wait3A_68 : memref<128x128xf32, #tpu.memory_space<vmem_shared>>) dst(%dma_wait3A_66 : memref<128x128xf32, #tpu.memory_space<hbm>>)
        tpu.yield
      }) : () -> ()
      %add3A_55 = arith.constant 384 : i32
      %add3A_56 = arith.addi %mul3A_42, %add3A_55 : i32
      %add3A_57 = arith.constant 384 : i32
      %add3A_58 = arith.addi %mul3A_42, %add3A_57 : i32
      "tpu.region"() ({
        %run_scoped3A = tpu.sem_alloc : memref<!tpu.dma_semaphore, #tpu.memory_space<semaphore_mem>>
        %dma_start3A = arith.constant 0 : i32
        %dma_start3A_63 = tpu.memref_slice %arg7[%add3A_58, %dma_start3A] : memref<10240x128xf32, #tpu.memory_space<hbm>> -> memref<128x128xf32, #tpu.memory_space<hbm>>
        %dma_start3A_64 = arith.constant 0 : i32
        %dma_start3A_65 = tpu.memref_slice %arg13[%add3A_56, %dma_start3A_64] : memref<10240x128xf32, #tpu.memory_space<vmem_shared>> -> memref<128x128xf32, #tpu.memory_space<vmem_shared>>
        tpu.enqueue_dma source(%dma_start3A_65 : memref<128x128xf32, #tpu.memory_space<vmem_shared>>) target(%dma_start3A_63 : memref<128x128xf32, #tpu.memory_space<hbm>>) target_semaphore(%run_scoped3A : memref<!tpu.dma_semaphore, #tpu.memory_space<semaphore_mem>>)
        %dma_wait3A = arith.constant 0 : i32
        %dma_wait3A_66 = tpu.memref_slice %arg7[%add3A_58, %dma_wait3A] : memref<10240x128xf32, #tpu.memory_space<hbm>> -> memref<128x128xf32, #tpu.memory_space<hbm>>
        %dma_wait3A_67 = arith.constant 0 : i32
        %dma_wait3A_68 = tpu.memref_slice %arg13[%add3A_56, %dma_wait3A_67] : memref<10240x128xf32, #tpu.memory_space<vmem_shared>> -> memref<128x128xf32, #tpu.memory_space<vmem_shared>>
        tpu.wait_dma2 semaphore(%run_scoped3A : memref<!tpu.dma_semaphore, #tpu.memory_space<semaphore_mem>>) src(%dma_wait3A_68 : memref<128x128xf32, #tpu.memory_space<vmem_shared>>) dst(%dma_wait3A_66 : memref<128x128xf32, #tpu.memory_space<hbm>>)
        tpu.yield
      }) : () -> ()
      %add3A_59 = arith.constant 512 : i32
      %add3A_60 = arith.addi %mul3A_42, %add3A_59 : i32
      %add3A_61 = arith.constant 512 : i32
      %add3A_62 = arith.addi %mul3A_42, %add3A_61 : i32
      "tpu.region"() ({
        %run_scoped3A = tpu.sem_alloc : memref<!tpu.dma_semaphore, #tpu.memory_space<semaphore_mem>>
        %dma_start3A = arith.constant 0 : i32
        %dma_start3A_63 = tpu.memref_slice %arg7[%add3A_62, %dma_start3A] : memref<10240x128xf32, #tpu.memory_space<hbm>> -> memref<128x128xf32, #tpu.memory_space<hbm>>
        %dma_start3A_64 = arith.constant 0 : i32
        %dma_start3A_65 = tpu.memref_slice %arg13[%add3A_60, %dma_start3A_64] : memref<10240x128xf32, #tpu.memory_space<vmem_shared>> -> memref<128x128xf32, #tpu.memory_space<vmem_shared>>
        tpu.enqueue_dma source(%dma_start3A_65 : memref<128x128xf32, #tpu.memory_space<vmem_shared>>) target(%dma_start3A_63 : memref<128x128xf32, #tpu.memory_space<hbm>>) target_semaphore(%run_scoped3A : memref<!tpu.dma_semaphore, #tpu.memory_space<semaphore_mem>>)
        %dma_wait3A = arith.constant 0 : i32
        %dma_wait3A_66 = tpu.memref_slice %arg7[%add3A_62, %dma_wait3A] : memref<10240x128xf32, #tpu.memory_space<hbm>> -> memref<128x128xf32, #tpu.memory_space<hbm>>
        %dma_wait3A_67 = arith.constant 0 : i32
        %dma_wait3A_68 = tpu.memref_slice %arg13[%add3A_60, %dma_wait3A_67] : memref<10240x128xf32, #tpu.memory_space<vmem_shared>> -> memref<128x128xf32, #tpu.memory_space<vmem_shared>>
        tpu.wait_dma2 semaphore(%run_scoped3A : memref<!tpu.dma_semaphore, #tpu.memory_space<semaphore_mem>>) src(%dma_wait3A_68 : memref<128x128xf32, #tpu.memory_space<vmem_shared>>) dst(%dma_wait3A_66 : memref<128x128xf32, #tpu.memory_space<hbm>>)
        tpu.yield
      }) : () -> ()
    } else {
    }
    %eq3A_2 = arith.constant 1 : i32
    %eq3A_3 = arith.cmpi eq, %arg0, %eq3A_2 : i32
    %convert_element_type3A_4 = arith.extui %eq3A_3 : i1 to i32
    %cond3A_5 = arith.constant 0 : i32
    %cond3A_6 = arith.cmpi ne, %convert_element_type3A_4, %cond3A_5 : i32
    scf.if %cond3A_6 {
      %scan3A = arith.constant 0 : i32
      %scan3A_7 = arith.constant 0 : i32
      %scan3A_8 = arith.constant 128 : i32
      %scan3A_9 = arith.addi %scan3A_7, %scan3A_8 : i32
      %scan3A_10 = arith.constant 1 : i32
      %scan3A_11 = scf.for %scan3A_63 = %scan3A_7 to %scan3A_9 step %scan3A_10 iter_args(%scan3A_64 = %scan3A) -> (i32)  : i32 {
        %broadcast_in_dim3A = arith.constant 0.000000e+00 : f32
        %broadcast_in_dim3A_65 = vector.broadcast %broadcast_in_dim3A : f32 to vector<16xf32>
        %swap3A = arith.index_cast %scan3A_63 : i32 to index
        %swap3A_66 = arith.constant 0 : index
        %swap3A_67 = tpu.vector_load %arg9[%swap3A, %swap3A_66] {strides = array<i32>} : memref<128x128xf32, #tpu.memory_space<vmem>>, vector<1x16xf32>,
        %swap3A_68 = vector.shape_cast %swap3A_67 : vector<1x16xf32> to vector<16xf32>
        %swap3A_69 = vector.shape_cast %broadcast_in_dim3A_65 : vector<16xf32> to vector<1x16xf32>
        tpu.vector_store %arg9[%swap3A, %swap3A_66], %swap3A_69 {strides = array<i32>} : memref<128x128xf32, #tpu.memory_space<vmem>>, vector<1x16xf32>,
        %broadcast_in_dim3A_70 = arith.constant 0.000000e+00 : f32
        %broadcast_in_dim3A_71 = vector.broadcast %broadcast_in_dim3A_70 : f32 to vector<16xf32>
        %swap3A_72 = arith.index_cast %scan3A_63 : i32 to index
        %swap3A_73 = arith.constant 16 : index
        %swap3A_74 = tpu.vector_load %arg9[%swap3A_72, %swap3A_73] {strides = array<i32>} : memref<128x128xf32, #tpu.memory_space<vmem>>, vector<1x16xf32>,
        %swap3A_75 = vector.shape_cast %swap3A_74 : vector<1x16xf32> to vector<16xf32>
        %swap3A_76 = vector.shape_cast %broadcast_in_dim3A_71 : vector<16xf32> to vector<1x16xf32>
        tpu.vector_store %arg9[%swap3A_72, %swap3A_73], %swap3A_76 {strides = array<i32>} : memref<128x128xf32, #tpu.memory_space<vmem>>, vector<1x16xf32>,
        %broadcast_in_dim3A_77 = arith.constant 0.000000e+00 : f32
        %broadcast_in_dim3A_78 = vector.broadcast %broadcast_in_dim3A_77 : f32 to vector<16xf32>
        %swap3A_79 = arith.index_cast %scan3A_63 : i32 to index
        %swap3A_80 = arith.constant 32 : index
        %swap3A_81 = tpu.vector_load %arg9[%swap3A_79, %swap3A_80] {strides = array<i32>} : memref<128x128xf32, #tpu.memory_space<vmem>>, vector<1x16xf32>,
        %swap3A_82 = vector.shape_cast %swap3A_81 : vector<1x16xf32> to vector<16xf32>
        %swap3A_83 = vector.shape_cast %broadcast_in_dim3A_78 : vector<16xf32> to vector<1x16xf32>
        tpu.vector_store %arg9[%swap3A_79, %swap3A_80], %swap3A_83 {strides = array<i32>} : memref<128x128xf32, #tpu.memory_space<vmem>>, vector<1x16xf32>,
        %broadcast_in_dim3A_84 = arith.constant 0.000000e+00 : f32
        %broadcast_in_dim3A_85 = vector.broadcast %broadcast_in_dim3A_84 : f32 to vector<16xf32>
        %swap3A_86 = arith.index_cast %scan3A_63 : i32 to index
        %swap3A_87 = arith.constant 48 : index
        %swap3A_88 = tpu.vector_load %arg9[%swap3A_86, %swap3A_87] {strides = array<i32>} : memref<128x128xf32, #tpu.memory_space<vmem>>, vector<1x16xf32>,
        %swap3A_89 = vector.shape_cast %swap3A_88 : vector<1x16xf32> to vector<16xf32>
        %swap3A_90 = vector.shape_cast %broadcast_in_dim3A_85 : vector<16xf32> to vector<1x16xf32>
        tpu.vector_store %arg9[%swap3A_86, %swap3A_87], %swap3A_90 {strides = array<i32>} : memref<128x128xf32, #tpu.memory_space<vmem>>, vector<1x16xf32>,
        %broadcast_in_dim3A_91 = arith.constant 0.000000e+00 : f32
        %broadcast_in_dim3A_92 = vector.broadcast %broadcast_in_dim3A_91 : f32 to vector<16xf32>
        %swap3A_93 = arith.index_cast %scan3A_63 : i32 to index
        %swap3A_94 = arith.constant 64 : index
        %swap3A_95 = tpu.vector_load %arg9[%swap3A_93, %swap3A_94] {strides = array<i32>} : memref<128x128xf32, #tpu.memory_space<vmem>>, vector<1x16xf32>,
        %swap3A_96 = vector.shape_cast %swap3A_95 : vector<1x16xf32> to vector<16xf32>
        %swap3A_97 = vector.shape_cast %broadcast_in_dim3A_92 : vector<16xf32> to vector<1x16xf32>
        tpu.vector_store %arg9[%swap3A_93, %swap3A_94], %swap3A_97 {strides = array<i32>} : memref<128x128xf32, #tpu.memory_space<vmem>>, vector<1x16xf32>,
        %broadcast_in_dim3A_98 = arith.constant 0.000000e+00 : f32
        %broadcast_in_dim3A_99 = vector.broadcast %broadcast_in_dim3A_98 : f32 to vector<16xf32>
        %swap3A_100 = arith.index_cast %scan3A_63 : i32 to index
        %swap3A_101 = arith.constant 80 : index
        %swap3A_102 = tpu.vector_load %arg9[%swap3A_100, %swap3A_101] {strides = array<i32>} : memref<128x128xf32, #tpu.memory_space<vmem>>, vector<1x16xf32>,
        %swap3A_103 = vector.shape_cast %swap3A_102 : vector<1x16xf32> to vector<16xf32>
        %swap3A_104 = vector.shape_cast %broadcast_in_dim3A_99 : vector<16xf32> to vector<1x16xf32>
        tpu.vector_store %arg9[%swap3A_100, %swap3A_101], %swap3A_104 {strides = array<i32>} : memref<128x128xf32, #tpu.memory_space<vmem>>, vector<1x16xf32>,
        %broadcast_in_dim3A_105 = arith.constant 0.000000e+00 : f32
        %broadcast_in_dim3A_106 = vector.broadcast %broadcast_in_dim3A_105 : f32 to vector<16xf32>
        %swap3A_107 = arith.index_cast %scan3A_63 : i32 to index
        %swap3A_108 = arith.constant 96 : index
        %swap3A_109 = tpu.vector_load %arg9[%swap3A_107, %swap3A_108] {strides = array<i32>} : memref<128x128xf32, #tpu.memory_space<vmem>>, vector<1x16xf32>,
        %swap3A_110 = vector.shape_cast %swap3A_109 : vector<1x16xf32> to vector<16xf32>
        %swap3A_111 = vector.shape_cast %broadcast_in_dim3A_106 : vector<16xf32> to vector<1x16xf32>
        tpu.vector_store %arg9[%swap3A_107, %swap3A_108], %swap3A_111 {strides = array<i32>} : memref<128x128xf32, #tpu.memory_space<vmem>>, vector<1x16xf32>,
        %broadcast_in_dim3A_112 = arith.constant 0.000000e+00 : f32
        %broadcast_in_dim3A_113 = vector.broadcast %broadcast_in_dim3A_112 : f32 to vector<16xf32>
        %swap3A_114 = arith.index_cast %scan3A_63 : i32 to index
        %swap3A_115 = arith.constant 112 : index
        %swap3A_116 = tpu.vector_load %arg9[%swap3A_114, %swap3A_115] {strides = array<i32>} : memref<128x128xf32, #tpu.memory_space<vmem>>, vector<1x16xf32>,
        %swap3A_117 = vector.shape_cast %swap3A_116 : vector<1x16xf32> to vector<16xf32>
        %swap3A_118 = vector.shape_cast %broadcast_in_dim3A_113 : vector<16xf32> to vector<1x16xf32>
        tpu.vector_store %arg9[%swap3A_114, %swap3A_115], %swap3A_118 {strides = array<i32>} : memref<128x128xf32, #tpu.memory_space<vmem>>, vector<1x16xf32>,
        %scan3A_119 = arith.constant 0 : i32
        scf.yield %scan3A_119 : i32
      }
      %scan3A_12 = arith.constant 128 : i32
      %mul3A = arith.constant 640 : i32
      %mul3A_13 = arith.muli %arg1, %mul3A : i32
      %add3A = arith.constant 0 : i32
      %add3A_14 = arith.addi %mul3A_13, %add3A : i32
      "tpu.region"() ({
        %run_scoped3A = tpu.sem_alloc : memref<!tpu.dma_semaphore, #tpu.memory_space<semaphore_mem>>
        %dma_start3A = arith.constant 0 : i32
        %dma_start3A_63 = tpu.memref_slice %arg13[%add3A_14, %dma_start3A] : memref<10240x128xf32, #tpu.memory_space<vmem_shared>> -> memref<128x128xf32, #tpu.memory_space<vmem_shared>>
        %dma_start3A_64 = arith.constant 0 : i32
        %dma_start3A_65 = tpu.memref_slice %arg13[%add3A_14, %dma_start3A_64] : memref<10240x128xf32, #tpu.memory_space<vmem_shared>> -> memref<128x128xf32, #tpu.memory_space<vmem_shared>>
        tpu.enqueue_dma source(%arg9 : memref<128x128xf32, #tpu.memory_space<vmem>>) target(%dma_start3A_65 : memref<128x128xf32, #tpu.memory_space<vmem_shared>>) target_semaphore(%run_scoped3A : memref<!tpu.dma_semaphore, #tpu.memory_space<semaphore_mem>>)
        %dma_wait3A = arith.constant 0 : i32
        %dma_wait3A_66 = tpu.memref_slice %arg13[%add3A_14, %dma_wait3A] : memref<10240x128xf32, #tpu.memory_space<vmem_shared>> -> memref<128x128xf32, #tpu.memory_space<vmem_shared>>
        %dma_wait3A_67 = arith.constant 0 : i32
        %dma_wait3A_68 = tpu.memref_slice %arg13[%add3A_14, %dma_wait3A_67] : memref<10240x128xf32, #tpu.memory_space<vmem_shared>> -> memref<128x128xf32, #tpu.memory_space<vmem_shared>>
        tpu.wait_dma2 semaphore(%run_scoped3A : memref<!tpu.dma_semaphore, #tpu.memory_space<semaphore_mem>>) src(%arg9 : memref<128x128xf32, #tpu.memory_space<vmem>>) dst(%dma_wait3A_68 : memref<128x128xf32, #tpu.memory_space<vmem_shared>>)
        tpu.yield
      }) : () -> ()
      %mul3A_15 = arith.constant 640 : i32
      %mul3A_16 = arith.muli %arg1, %mul3A_15 : i32
      %add3A_17 = arith.constant 128 : i32
      %add3A_18 = arith.addi %mul3A_16, %add3A_17 : i32
      "tpu.region"() ({
        %run_scoped3A = tpu.sem_alloc : memref<!tpu.dma_semaphore, #tpu.memory_space<semaphore_mem>>
        %dma_start3A = arith.constant 0 : i32
        %dma_start3A_63 = tpu.memref_slice %arg13[%add3A_18, %dma_start3A] : memref<10240x128xf32, #tpu.memory_space<vmem_shared>> -> memref<128x128xf32, #tpu.memory_space<vmem_shared>>
        %dma_start3A_64 = arith.constant 0 : i32
        %dma_start3A_65 = tpu.memref_slice %arg13[%add3A_18, %dma_start3A_64] : memref<10240x128xf32, #tpu.memory_space<vmem_shared>> -> memref<128x128xf32, #tpu.memory_space<vmem_shared>>
        tpu.enqueue_dma source(%arg9 : memref<128x128xf32, #tpu.memory_space<vmem>>) target(%dma_start3A_65 : memref<128x128xf32, #tpu.memory_space<vmem_shared>>) target_semaphore(%run_scoped3A : memref<!tpu.dma_semaphore, #tpu.memory_space<semaphore_mem>>)
        %dma_wait3A = arith.constant 0 : i32
        %dma_wait3A_66 = tpu.memref_slice %arg13[%add3A_18, %dma_wait3A] : memref<10240x128xf32, #tpu.memory_space<vmem_shared>> -> memref<128x128xf32, #tpu.memory_space<vmem_shared>>
        %dma_wait3A_67 = arith.constant 0 : i32
        %dma_wait3A_68 = tpu.memref_slice %arg13[%add3A_18, %dma_wait3A_67] : memref<10240x128xf32, #tpu.memory_space<vmem_shared>> -> memref<128x128xf32, #tpu.memory_space<vmem_shared>>
        tpu.wait_dma2 semaphore(%run_scoped3A : memref<!tpu.dma_semaphore, #tpu.memory_space<semaphore_mem>>) src(%arg9 : memref<128x128xf32, #tpu.memory_space<vmem>>) dst(%dma_wait3A_68 : memref<128x128xf32, #tpu.memory_space<vmem_shared>>)
        tpu.yield
      }) : () -> ()
      %mul3A_19 = arith.constant 640 : i32
      %mul3A_20 = arith.muli %arg1, %mul3A_19 : i32
      %add3A_21 = arith.constant 256 : i32
      %add3A_22 = arith.addi %mul3A_20, %add3A_21 : i32
      "tpu.region"() ({
        %run_scoped3A = tpu.sem_alloc : memref<!tpu.dma_semaphore, #tpu.memory_space<semaphore_mem>>
        %dma_start3A = arith.constant 0 : i32
        %dma_start3A_63 = tpu.memref_slice %arg13[%add3A_22, %dma_start3A] : memref<10240x128xf32, #tpu.memory_space<vmem_shared>> -> memref<128x128xf32, #tpu.memory_space<vmem_shared>>
        %dma_start3A_64 = arith.constant 0 : i32
        %dma_start3A_65 = tpu.memref_slice %arg13[%add3A_22, %dma_start3A_64] : memref<10240x128xf32, #tpu.memory_space<vmem_shared>> -> memref<128x128xf32, #tpu.memory_space<vmem_shared>>
        tpu.enqueue_dma source(%arg9 : memref<128x128xf32, #tpu.memory_space<vmem>>) target(%dma_start3A_65 : memref<128x128xf32, #tpu.memory_space<vmem_shared>>) target_semaphore(%run_scoped3A : memref<!tpu.dma_semaphore, #tpu.memory_space<semaphore_mem>>)
        %dma_wait3A = arith.constant 0 : i32
        %dma_wait3A_66 = tpu.memref_slice %arg13[%add3A_22, %dma_wait3A] : memref<10240x128xf32, #tpu.memory_space<vmem_shared>> -> memref<128x128xf32, #tpu.memory_space<vmem_shared>>
        %dma_wait3A_67 = arith.constant 0 : i32
        %dma_wait3A_68 = tpu.memref_slice %arg13[%add3A_22, %dma_wait3A_67] : memref<10240x128xf32, #tpu.memory_space<vmem_shared>> -> memref<128x128xf32, #tpu.memory_space<vmem_shared>>
        tpu.wait_dma2 semaphore(%run_scoped3A : memref<!tpu.dma_semaphore, #tpu.memory_space<semaphore_mem>>) src(%arg9 : memref<128x128xf32, #tpu.memory_space<vmem>>) dst(%dma_wait3A_68 : memref<128x128xf32, #tpu.memory_space<vmem_shared>>)
        tpu.yield
      }) : () -> ()
      %mul3A_23 = arith.constant 640 : i32
      %mul3A_24 = arith.muli %arg1, %mul3A_23 : i32
      %add3A_25 = arith.constant 384 : i32
      %add3A_26 = arith.addi %mul3A_24, %add3A_25 : i32
      "tpu.region"() ({
        %run_scoped3A = tpu.sem_alloc : memref<!tpu.dma_semaphore, #tpu.memory_space<semaphore_mem>>
        %dma_start3A = arith.constant 0 : i32
        %dma_start3A_63 = tpu.memref_slice %arg13[%add3A_26, %dma_start3A] : memref<10240x128xf32, #tpu.memory_space<vmem_shared>> -> memref<128x128xf32, #tpu.memory_space<vmem_shared>>
        %dma_start3A_64 = arith.constant 0 : i32
        %dma_start3A_65 = tpu.memref_slice %arg13[%add3A_26, %dma_start3A_64] : memref<10240x128xf32, #tpu.memory_space<vmem_shared>> -> memref<128x128xf32, #tpu.memory_space<vmem_shared>>
        tpu.enqueue_dma source(%arg9 : memref<128x128xf32, #tpu.memory_space<vmem>>) target(%dma_start3A_65 : memref<128x128xf32, #tpu.memory_space<vmem_shared>>) target_semaphore(%run_scoped3A : memref<!tpu.dma_semaphore, #tpu.memory_space<semaphore_mem>>)
        %dma_wait3A = arith.constant 0 : i32
        %dma_wait3A_66 = tpu.memref_slice %arg13[%add3A_26, %dma_wait3A] : memref<10240x128xf32, #tpu.memory_space<vmem_shared>> -> memref<128x128xf32, #tpu.memory_space<vmem_shared>>
        %dma_wait3A_67 = arith.constant 0 : i32
        %dma_wait3A_68 = tpu.memref_slice %arg13[%add3A_26, %dma_wait3A_67] : memref<10240x128xf32, #tpu.memory_space<vmem_shared>> -> memref<128x128xf32, #tpu.memory_space<vmem_shared>>
        tpu.wait_dma2 semaphore(%run_scoped3A : memref<!tpu.dma_semaphore, #tpu.memory_space<semaphore_mem>>) src(%arg9 : memref<128x128xf32, #tpu.memory_space<vmem>>) dst(%dma_wait3A_68 : memref<128x128xf32, #tpu.memory_space<vmem_shared>>)
        tpu.yield
      }) : () -> ()
      %mul3A_27 = arith.constant 640 : i32
      %mul3A_28 = arith.muli %arg1, %mul3A_27 : i32
      %add3A_29 = arith.constant 512 : i32
      %add3A_30 = arith.addi %mul3A_28, %add3A_29 : i32
      "tpu.region"() ({
        %run_scoped3A = tpu.sem_alloc : memref<!tpu.dma_semaphore, #tpu.memory_space<semaphore_mem>>
        %dma_start3A = arith.constant 0 : i32
        %dma_start3A_63 = tpu.memref_slice %arg13[%add3A_30, %dma_start3A] : memref<10240x128xf32, #tpu.memory_space<vmem_shared>> -> memref<128x128xf32, #tpu.memory_space<vmem_shared>>
        %dma_start3A_64 = arith.constant 0 : i32
        %dma_start3A_65 = tpu.memref_slice %arg13[%add3A_30, %dma_start3A_64] : memref<10240x128xf32, #tpu.memory_space<vmem_shared>> -> memref<128x128xf32, #tpu.memory_space<vmem_shared>>
        tpu.enqueue_dma source(%arg9 : memref<128x128xf32, #tpu.memory_space<vmem>>) target(%dma_start3A_65 : memref<128x128xf32, #tpu.memory_space<vmem_shared>>) target_semaphore(%run_scoped3A : memref<!tpu.dma_semaphore, #tpu.memory_space<semaphore_mem>>)
        %dma_wait3A = arith.constant 0 : i32
        %dma_wait3A_66 = tpu.memref_slice %arg13[%add3A_30, %dma_wait3A] : memref<10240x128xf32, #tpu.memory_space<vmem_shared>> -> memref<128x128xf32, #tpu.memory_space<vmem_shared>>
        %dma_wait3A_67 = arith.constant 0 : i32
        %dma_wait3A_68 = tpu.memref_slice %arg13[%add3A_30, %dma_wait3A_67] : memref<10240x128xf32, #tpu.memory_space<vmem_shared>> -> memref<128x128xf32, #tpu.memory_space<vmem_shared>>
        tpu.wait_dma2 semaphore(%run_scoped3A : memref<!tpu.dma_semaphore, #tpu.memory_space<semaphore_mem>>) src(%arg9 : memref<128x128xf32, #tpu.memory_space<vmem>>) dst(%dma_wait3A_68 : memref<128x128xf32, #tpu.memory_space<vmem_shared>>)
        tpu.yield
      }) : () -> ()
      %barrier3A = arith.constant 0 : index
      tpu.barrier barrier_id(%barrier3A)
      %mul3A_31 = arith.constant 20096 : i32
      %mul3A_32 = arith.muli %arg1, %mul3A_31 : i32
      %scan3A_33 = arith.constant 0 : i32
      %scan3A_34 = arith.constant 0 : i32
      %scan3A_35 = arith.constant 157 : i32
      %scan3A_36 = arith.addi %scan3A_34, %scan3A_35 : i32
      %scan3A_37 = arith.constant 1 : i32
      %scan3A_38 = scf.for %scan3A_63 = %scan3A_34 to %scan3A_36 step %scan3A_37 iter_args(%scan3A_64 = %scan3A_33) -> (i32)  : i32 {
        %mul3A_65 = arith.constant 128 : i32
        %mul3A_66 = arith.muli %scan3A_63, %mul3A_65 : i32
        %add3A_67 = arith.addi %mul3A_32, %mul3A_66 : i32
        "tpu.region"() ({
          %run_scoped3A = tpu.sem_alloc : memref<!tpu.dma_semaphore, #tpu.memory_space<semaphore_mem>>
          %dma_start3A_80 = tpu.memref_slice %arg4[%add3A_67] : memref<321536xi32, #tpu.memory_space<hbm>> -> memref<128xi32, #tpu.memory_space<hbm>>
          %dma_start3A_81 = tpu.memref_slice %arg4[%add3A_67] : memref<321536xi32, #tpu.memory_space<hbm>> -> memref<128xi32, #tpu.memory_space<hbm>>
          tpu.enqueue_dma source(%dma_start3A_81 : memref<128xi32, #tpu.memory_space<hbm>>) target(%arg10 : memref<128xi32, #tpu.memory_space<vmem>>) target_semaphore(%run_scoped3A : memref<!tpu.dma_semaphore, #tpu.memory_space<semaphore_mem>>)
          %dma_wait3A_82 = tpu.memref_slice %arg4[%add3A_67] : memref<321536xi32, #tpu.memory_space<hbm>> -> memref<128xi32, #tpu.memory_space<hbm>>
          %dma_wait3A_83 = tpu.memref_slice %arg4[%add3A_67] : memref<321536xi32, #tpu.memory_space<hbm>> -> memref<128xi32, #tpu.memory_space<hbm>>
          tpu.wait_dma2 semaphore(%run_scoped3A : memref<!tpu.dma_semaphore, #tpu.memory_space<semaphore_mem>>) src(%dma_wait3A_83 : memref<128xi32, #tpu.memory_space<hbm>>) dst(%arg10 : memref<128xi32, #tpu.memory_space<vmem>>)
          tpu.yield
        }) : () -> ()
        "tpu.region"() ({
          %run_scoped3A = tpu.sem_alloc : memref<!tpu.dma_semaphore, #tpu.memory_space<semaphore_mem>>
          %dma_start3A_80 = tpu.memref_slice %arg5[%add3A_67] : memref<321536xi32, #tpu.memory_space<hbm>> -> memref<128xi32, #tpu.memory_space<hbm>>
          %dma_start3A_81 = tpu.memref_slice %arg5[%add3A_67] : memref<321536xi32, #tpu.memory_space<hbm>> -> memref<128xi32, #tpu.memory_space<hbm>>
          tpu.enqueue_dma source(%dma_start3A_81 : memref<128xi32, #tpu.memory_space<hbm>>) target(%arg11 : memref<128xi32, #tpu.memory_space<vmem>>) target_semaphore(%run_scoped3A : memref<!tpu.dma_semaphore, #tpu.memory_space<semaphore_mem>>)
          %dma_wait3A_82 = tpu.memref_slice %arg5[%add3A_67] : memref<321536xi32, #tpu.memory_space<hbm>> -> memref<128xi32, #tpu.memory_space<hbm>>
          %dma_wait3A_83 = tpu.memref_slice %arg5[%add3A_67] : memref<321536xi32, #tpu.memory_space<hbm>> -> memref<128xi32, #tpu.memory_space<hbm>>
          tpu.wait_dma2 semaphore(%run_scoped3A : memref<!tpu.dma_semaphore, #tpu.memory_space<semaphore_mem>>) src(%dma_wait3A_83 : memref<128xi32, #tpu.memory_space<hbm>>) dst(%arg11 : memref<128xi32, #tpu.memory_space<vmem>>)
          tpu.yield
        }) : () -> ()
        "tpu.region"() ({
          %run_scoped3A = tpu.sem_alloc : memref<!tpu.dma_semaphore, #tpu.memory_space<semaphore_mem>>
          %dma_start3A_80 = arith.constant 0 : i32
          %dma_start3A_81 = tpu.memref_slice %arg12[%dma_start3A_80] : memref<144xf32, #tpu.memory_space<vmem>> -> memref<128xf32, #tpu.memory_space<vmem>>
          %dma_start3A_82 = tpu.memref_slice %arg6[%add3A_67] : memref<321536xf32, #tpu.memory_space<hbm>> -> memref<128xf32, #tpu.memory_space<hbm>>
          %dma_start3A_83 = arith.constant 0 : i32
          %dma_start3A_84 = tpu.memref_slice %arg12[%dma_start3A_83] : memref<144xf32, #tpu.memory_space<vmem>> -> memref<128xf32, #tpu.memory_space<vmem>>
          %dma_start3A_85 = tpu.memref_slice %arg6[%add3A_67] : memref<321536xf32, #tpu.memory_space<hbm>> -> memref<128xf32, #tpu.memory_space<hbm>>
          tpu.enqueue_dma source(%dma_start3A_85 : memref<128xf32, #tpu.memory_space<hbm>>) target(%dma_start3A_84 : memref<128xf32, #tpu.memory_space<vmem>>) target_semaphore(%run_scoped3A : memref<!tpu.dma_semaphore, #tpu.memory_space<semaphore_mem>>)
          %dma_wait3A_86 = arith.constant 0 : i32
          %dma_wait3A_87 = tpu.memref_slice %arg12[%dma_wait3A_86] : memref<144xf32, #tpu.memory_space<vmem>> -> memref<128xf32, #tpu.memory_space<vmem>>
          %dma_wait3A_88 = tpu.memref_slice %arg6[%add3A_67] : memref<321536xf32, #tpu.memory_space<hbm>> -> memref<128xf32, #tpu.memory_space<hbm>>
          %dma_wait3A_89 = arith.constant 0 : i32
          %dma_wait3A_90 = tpu.memref_slice %arg12[%dma_wait3A_89] : memref<144xf32, #tpu.memory_space<vmem>> -> memref<128xf32, #tpu.memory_space<vmem>>
          %dma_wait3A_91 = tpu.memref_slice %arg6[%add3A_67] : memref<321536xf32, #tpu.memory_space<hbm>> -> memref<128xf32, #tpu.memory_space<hbm>>
          tpu.wait_dma2 semaphore(%run_scoped3A : memref<!tpu.dma_semaphore, #tpu.memory_space<semaphore_mem>>) src(%dma_wait3A_91 : memref<128xf32, #tpu.memory_space<hbm>>) dst(%dma_wait3A_90 : memref<128xf32, #tpu.memory_space<vmem>>)
          tpu.yield
        }) : () -> ()
        %dma_start3A = arith.constant 0 : i32
        %dma_start3A_68 = arith.constant 0 : i32
        %dma_start3A_69 = tpu.memref_slice %arg3[%dma_start3A, %dma_start3A_68] : memref<10240x128xf32, #tpu.memory_space<hbm>> -> memref<10240x128xf32, #tpu.memory_space<hbm>>
        tpu.enqueue_indirect_dma source(%dma_start3A_69 : memref<10240x128xf32, #tpu.memory_space<hbm>>) target(%arg9 : memref<128x128xf32, #tpu.memory_space<vmem>>) offsets(%arg10 : memref<128xi32, #tpu.memory_space<vmem>>) semaphore(%arg14 : memref<!tpu.dma_semaphore, #tpu.memory_space<semaphore_mem>>)
        %dma_wait3A = arith.constant 0 : i32
        %dma_wait3A_70 = arith.constant 0 : i32
        %dma_wait3A_71 = tpu.memref_slice %arg3[%dma_wait3A, %dma_wait3A_70] : memref<10240x128xf32, #tpu.memory_space<hbm>> -> memref<10240x128xf32, #tpu.memory_space<hbm>>
        tpu.wait_indirect_dma semaphore(%arg14 : memref<!tpu.dma_semaphore, #tpu.memory_space<semaphore_mem>>) src(%dma_wait3A_71 : memref<10240x128xf32, #tpu.memory_space<hbm>>) dst(%arg9 : memref<128x128xf32, #tpu.memory_space<vmem>>)
        %scan3A_72 = arith.constant 0 : i32
        %scan3A_73 = arith.constant 0 : i32
        %scan3A_74 = arith.constant 128 : i32
        %scan3A_75 = arith.addi %scan3A_73, %scan3A_74 : i32
        %scan3A_76 = arith.constant 1 : i32
        %scan3A_77 = scf.for %scan3A_80 = %scan3A_73 to %scan3A_75 step %scan3A_76 iter_args(%scan3A_81 = %scan3A_72) -> (i32)  : i32 {
          %get3A = arith.index_cast %scan3A_80 : i32 to index
          %get3A_82 = tpu.vector_load %arg12[%get3A] {strides = array<i32>} : memref<144xf32, #tpu.memory_space<vmem>>, vector<16xf32>,
          %get3A_83 = vector.shape_cast %get3A_82 : vector<16xf32> to vector<16xf32>
          %slice3A = vector.extract_strided_slice %get3A_83 {offsets = [0], sizes = [1], strides = [1]} : vector<16xf32> to vector<1xf32>
          %squeeze3A = vector.extract %slice3A[0] : f32 from vector<1xf32>
          %get3A_84 = arith.index_cast %scan3A_80 : i32 to index
          %get3A_85 = arith.constant 0 : index
          %get3A_86 = tpu.vector_load %arg9[%get3A_84, %get3A_85] {strides = array<i32>} : memref<128x128xf32, #tpu.memory_space<vmem>>, vector<1x16xf32>,
          %get3A_87 = vector.shape_cast %get3A_86 : vector<1x16xf32> to vector<16xf32>
          %mul3A_88 = vector.broadcast %squeeze3A : f32 to vector<16xf32>
          %mul3A_89 = arith.mulf %get3A_87, %mul3A_88 : vector<16xf32>
          %swap3A = arith.index_cast %scan3A_80 : i32 to index
          %swap3A_90 = arith.constant 0 : index
          %swap3A_91 = tpu.vector_load %arg9[%swap3A, %swap3A_90] {strides = array<i32>} : memref<128x128xf32, #tpu.memory_space<vmem>>, vector<1x16xf32>,
          %swap3A_92 = vector.shape_cast %swap3A_91 : vector<1x16xf32> to vector<16xf32>
          %swap3A_93 = vector.shape_cast %mul3A_89 : vector<16xf32> to vector<1x16xf32>
          tpu.vector_store %arg9[%swap3A, %swap3A_90], %swap3A_93 {strides = array<i32>} : memref<128x128xf32, #tpu.memory_space<vmem>>, vector<1x16xf32>,
          %get3A_94 = arith.index_cast %scan3A_80 : i32 to index
          %get3A_95 = arith.constant 16 : index
          %get3A_96 = tpu.vector_load %arg9[%get3A_94, %get3A_95] {strides = array<i32>} : memref<128x128xf32, #tpu.memory_space<vmem>>, vector<1x16xf32>,
          %get3A_97 = vector.shape_cast %get3A_96 : vector<1x16xf32> to vector<16xf32>
          %mul3A_98 = vector.broadcast %squeeze3A : f32 to vector<16xf32>
          %mul3A_99 = arith.mulf %get3A_97, %mul3A_98 : vector<16xf32>
          %swap3A_100 = arith.index_cast %scan3A_80 : i32 to index
          %swap3A_101 = arith.constant 16 : index
          %swap3A_102 = tpu.vector_load %arg9[%swap3A_100, %swap3A_101] {strides = array<i32>} : memref<128x128xf32, #tpu.memory_space<vmem>>, vector<1x16xf32>,
          %swap3A_103 = vector.shape_cast %swap3A_102 : vector<1x16xf32> to vector<16xf32>
          %swap3A_104 = vector.shape_cast %mul3A_99 : vector<16xf32> to vector<1x16xf32>
          tpu.vector_store %arg9[%swap3A_100, %swap3A_101], %swap3A_104 {strides = array<i32>} : memref<128x128xf32, #tpu.memory_space<vmem>>, vector<1x16xf32>,
          %get3A_105 = arith.index_cast %scan3A_80 : i32 to index
          %get3A_106 = arith.constant 32 : index
          %get3A_107 = tpu.vector_load %arg9[%get3A_105, %get3A_106] {strides = array<i32>} : memref<128x128xf32, #tpu.memory_space<vmem>>, vector<1x16xf32>,
          %get3A_108 = vector.shape_cast %get3A_107 : vector<1x16xf32> to vector<16xf32>
          %mul3A_109 = vector.broadcast %squeeze3A : f32 to vector<16xf32>
          %mul3A_110 = arith.mulf %get3A_108, %mul3A_109 : vector<16xf32>
          %swap3A_111 = arith.index_cast %scan3A_80 : i32 to index
          %swap3A_112 = arith.constant 32 : index
          %swap3A_113 = tpu.vector_load %arg9[%swap3A_111, %swap3A_112] {strides = array<i32>} : memref<128x128xf32, #tpu.memory_space<vmem>>, vector<1x16xf32>,
          %swap3A_114 = vector.shape_cast %swap3A_113 : vector<1x16xf32> to vector<16xf32>
          %swap3A_115 = vector.shape_cast %mul3A_110 : vector<16xf32> to vector<1x16xf32>
          tpu.vector_store %arg9[%swap3A_111, %swap3A_112], %swap3A_115 {strides = array<i32>} : memref<128x128xf32, #tpu.memory_space<vmem>>, vector<1x16xf32>,
          %get3A_116 = arith.index_cast %scan3A_80 : i32 to index
          %get3A_117 = arith.constant 48 : index
          %get3A_118 = tpu.vector_load %arg9[%get3A_116, %get3A_117] {strides = array<i32>} : memref<128x128xf32, #tpu.memory_space<vmem>>, vector<1x16xf32>,
          %get3A_119 = vector.shape_cast %get3A_118 : vector<1x16xf32> to vector<16xf32>
          %mul3A_120 = vector.broadcast %squeeze3A : f32 to vector<16xf32>
          %mul3A_121 = arith.mulf %get3A_119, %mul3A_120 : vector<16xf32>
          %swap3A_122 = arith.index_cast %scan3A_80 : i32 to index
          %swap3A_123 = arith.constant 48 : index
          %swap3A_124 = tpu.vector_load %arg9[%swap3A_122, %swap3A_123] {strides = array<i32>} : memref<128x128xf32, #tpu.memory_space<vmem>>, vector<1x16xf32>,
          %swap3A_125 = vector.shape_cast %swap3A_124 : vector<1x16xf32> to vector<16xf32>
          %swap3A_126 = vector.shape_cast %mul3A_121 : vector<16xf32> to vector<1x16xf32>
          tpu.vector_store %arg9[%swap3A_122, %swap3A_123], %swap3A_126 {strides = array<i32>} : memref<128x128xf32, #tpu.memory_space<vmem>>, vector<1x16xf32>,
          %get3A_127 = arith.index_cast %scan3A_80 : i32 to index
          %get3A_128 = arith.constant 64 : index
          %get3A_129 = tpu.vector_load %arg9[%get3A_127, %get3A_128] {strides = array<i32>} : memref<128x128xf32, #tpu.memory_space<vmem>>, vector<1x16xf32>,
          %get3A_130 = vector.shape_cast %get3A_129 : vector<1x16xf32> to vector<16xf32>
          %mul3A_131 = vector.broadcast %squeeze3A : f32 to vector<16xf32>
          %mul3A_132 = arith.mulf %get3A_130, %mul3A_131 : vector<16xf32>
          %swap3A_133 = arith.index_cast %scan3A_80 : i32 to index
          %swap3A_134 = arith.constant 64 : index
          %swap3A_135 = tpu.vector_load %arg9[%swap3A_133, %swap3A_134] {strides = array<i32>} : memref<128x128xf32, #tpu.memory_space<vmem>>, vector<1x16xf32>,
          %swap3A_136 = vector.shape_cast %swap3A_135 : vector<1x16xf32> to vector<16xf32>
          %swap3A_137 = vector.shape_cast %mul3A_132 : vector<16xf32> to vector<1x16xf32>
          tpu.vector_store %arg9[%swap3A_133, %swap3A_134], %swap3A_137 {strides = array<i32>} : memref<128x128xf32, #tpu.memory_space<vmem>>, vector<1x16xf32>,
          %get3A_138 = arith.index_cast %scan3A_80 : i32 to index
          %get3A_139 = arith.constant 80 : index
          %get3A_140 = tpu.vector_load %arg9[%get3A_138, %get3A_139] {strides = array<i32>} : memref<128x128xf32, #tpu.memory_space<vmem>>, vector<1x16xf32>,
          %get3A_141 = vector.shape_cast %get3A_140 : vector<1x16xf32> to vector<16xf32>
          %mul3A_142 = vector.broadcast %squeeze3A : f32 to vector<16xf32>
          %mul3A_143 = arith.mulf %get3A_141, %mul3A_142 : vector<16xf32>
          %swap3A_144 = arith.index_cast %scan3A_80 : i32 to index
          %swap3A_145 = arith.constant 80 : index
          %swap3A_146 = tpu.vector_load %arg9[%swap3A_144, %swap3A_145] {strides = array<i32>} : memref<128x128xf32, #tpu.memory_space<vmem>>, vector<1x16xf32>,
          %swap3A_147 = vector.shape_cast %swap3A_146 : vector<1x16xf32> to vector<16xf32>
          %swap3A_148 = vector.shape_cast %mul3A_143 : vector<16xf32> to vector<1x16xf32>
          tpu.vector_store %arg9[%swap3A_144, %swap3A_145], %swap3A_148 {strides = array<i32>} : memref<128x128xf32, #tpu.memory_space<vmem>>, vector<1x16xf32>,
          %get3A_149 = arith.index_cast %scan3A_80 : i32 to index
          %get3A_150 = arith.constant 96 : index
          %get3A_151 = tpu.vector_load %arg9[%get3A_149, %get3A_150] {strides = array<i32>} : memref<128x128xf32, #tpu.memory_space<vmem>>, vector<1x16xf32>,
          %get3A_152 = vector.shape_cast %get3A_151 : vector<1x16xf32> to vector<16xf32>
          %mul3A_153 = vector.broadcast %squeeze3A : f32 to vector<16xf32>
          %mul3A_154 = arith.mulf %get3A_152, %mul3A_153 : vector<16xf32>
          %swap3A_155 = arith.index_cast %scan3A_80 : i32 to index
          %swap3A_156 = arith.constant 96 : index
          %swap3A_157 = tpu.vector_load %arg9[%swap3A_155, %swap3A_156] {strides = array<i32>} : memref<128x128xf32, #tpu.memory_space<vmem>>, vector<1x16xf32>,
          %swap3A_158 = vector.shape_cast %swap3A_157 : vector<1x16xf32> to vector<16xf32>
          %swap3A_159 = vector.shape_cast %mul3A_154 : vector<16xf32> to vector<1x16xf32>
          tpu.vector_store %arg9[%swap3A_155, %swap3A_156], %swap3A_159 {strides = array<i32>} : memref<128x128xf32, #tpu.memory_space<vmem>>, vector<1x16xf32>,
          %get3A_160 = arith.index_cast %scan3A_80 : i32 to index
          %get3A_161 = arith.constant 112 : index
          %get3A_162 = tpu.vector_load %arg9[%get3A_160, %get3A_161] {strides = array<i32>} : memref<128x128xf32, #tpu.memory_space<vmem>>, vector<1x16xf32>,
          %get3A_163 = vector.shape_cast %get3A_162 : vector<1x16xf32> to vector<16xf32>
          %mul3A_164 = vector.broadcast %squeeze3A : f32 to vector<16xf32>
          %mul3A_165 = arith.mulf %get3A_163, %mul3A_164 : vector<16xf32>
          %swap3A_166 = arith.index_cast %scan3A_80 : i32 to index
          %swap3A_167 = arith.constant 112 : index
          %swap3A_168 = tpu.vector_load %arg9[%swap3A_166, %swap3A_167] {strides = array<i32>} : memref<128x128xf32, #tpu.memory_space<vmem>>, vector<1x16xf32>,
          %swap3A_169 = vector.shape_cast %swap3A_168 : vector<1x16xf32> to vector<16xf32>
          %swap3A_170 = vector.shape_cast %mul3A_165 : vector<16xf32> to vector<1x16xf32>
          tpu.vector_store %arg9[%swap3A_166, %swap3A_167], %swap3A_170 {strides = array<i32>} : memref<128x128xf32, #tpu.memory_space<vmem>>, vector<1x16xf32>,
          %scan3A_171 = arith.constant 0 : i32
          scf.yield %scan3A_171 : i32
        }
        %scan3A_78 = arith.constant 128 : i32
        "tpu.region"() ({
          %run_scoped3A = tpu.sem_alloc : memref<!tpu.dma_semaphore, #tpu.memory_space<semaphore_mem>>
          %dma_start3A_80 = arith.constant 0 : i32
          %dma_start3A_81 = arith.constant 0 : i32
          %dma_start3A_82 = tpu.memref_slice %arg13[%dma_start3A_80, %dma_start3A_81] : memref<10240x128xf32, #tpu.memory_space<vmem_shared>> -> memref<10240x128xf32, #tpu.memory_space<vmem_shared>>
          tpu.enqueue_indirect_dma source(%arg9 : memref<128x128xf32, #tpu.memory_space<vmem>>) target(%dma_start3A_82 : memref<10240x128xf32, #tpu.memory_space<vmem_shared>>) offsets(%arg11 : memref<128xi32, #tpu.memory_space<vmem>>) semaphore(%run_scoped3A : memref<!tpu.dma_semaphore, #tpu.memory_space<semaphore_mem>>) {add = true}
          %dma_wait3A_83 = arith.constant 0 : i32
          %dma_wait3A_84 = arith.constant 0 : i32
          %dma_wait3A_85 = tpu.memref_slice %arg13[%dma_wait3A_83, %dma_wait3A_84] : memref<10240x128xf32, #tpu.memory_space<vmem_shared>> -> memref<10240x128xf32, #tpu.memory_space<vmem_shared>>
          tpu.wait_indirect_dma semaphore(%run_scoped3A : memref<!tpu.dma_semaphore, #tpu.memory_space<semaphore_mem>>) src(%arg9 : memref<128x128xf32, #tpu.memory_space<vmem>>) dst(%dma_wait3A_85 : memref<10240x128xf32, #tpu.memory_space<vmem_shared>>)
          tpu.yield
        }) : () -> ()
        %scan3A_79 = arith.constant 0 : i32
        scf.yield %scan3A_79 : i32
      }
      %scan3A_39 = arith.constant 157 : i32
      %barrier3A_40 = arith.constant 0 : index
      tpu.barrier barrier_id(%barrier3A_40)
      %mul3A_41 = arith.constant 640 : i32
      %mul3A_42 = arith.muli %arg1, %mul3A_41 : i32
      %add3A_43 = arith.constant 0 : i32
      %add3A_44 = arith.addi %mul3A_42, %add3A_43 : i32
      %add3A_45 = arith.constant 0 : i32
      %add3A_46 = arith.addi %mul3A_42, %add3A_45 : i32
      "tpu.region"() ({
        %run_scoped3A = tpu.sem_alloc : memref<!tpu.dma_semaphore, #tpu.memory_space<semaphore_mem>>
        %dma_start3A = arith.constant 0 : i32
        %dma_start3A_63 = tpu.memref_slice %arg8[%add3A_46, %dma_start3A] : memref<10240x128xf32, #tpu.memory_space<hbm>> -> memref<128x128xf32, #tpu.memory_space<hbm>>
        %dma_start3A_64 = arith.constant 0 : i32
        %dma_start3A_65 = tpu.memref_slice %arg13[%add3A_44, %dma_start3A_64] : memref<10240x128xf32, #tpu.memory_space<vmem_shared>> -> memref<128x128xf32, #tpu.memory_space<vmem_shared>>
        tpu.enqueue_dma source(%dma_start3A_65 : memref<128x128xf32, #tpu.memory_space<vmem_shared>>) target(%dma_start3A_63 : memref<128x128xf32, #tpu.memory_space<hbm>>) target_semaphore(%run_scoped3A : memref<!tpu.dma_semaphore, #tpu.memory_space<semaphore_mem>>)
        %dma_wait3A = arith.constant 0 : i32
        %dma_wait3A_66 = tpu.memref_slice %arg8[%add3A_46, %dma_wait3A] : memref<10240x128xf32, #tpu.memory_space<hbm>> -> memref<128x128xf32, #tpu.memory_space<hbm>>
        %dma_wait3A_67 = arith.constant 0 : i32
        %dma_wait3A_68 = tpu.memref_slice %arg13[%add3A_44, %dma_wait3A_67] : memref<10240x128xf32, #tpu.memory_space<vmem_shared>> -> memref<128x128xf32, #tpu.memory_space<vmem_shared>>
        tpu.wait_dma2 semaphore(%run_scoped3A : memref<!tpu.dma_semaphore, #tpu.memory_space<semaphore_mem>>) src(%dma_wait3A_68 : memref<128x128xf32, #tpu.memory_space<vmem_shared>>) dst(%dma_wait3A_66 : memref<128x128xf32, #tpu.memory_space<hbm>>)
        tpu.yield
      }) : () -> ()
      %add3A_47 = arith.constant 128 : i32
      %add3A_48 = arith.addi %mul3A_42, %add3A_47 : i32
      %add3A_49 = arith.constant 128 : i32
      %add3A_50 = arith.addi %mul3A_42, %add3A_49 : i32
      "tpu.region"() ({
        %run_scoped3A = tpu.sem_alloc : memref<!tpu.dma_semaphore, #tpu.memory_space<semaphore_mem>>
        %dma_start3A = arith.constant 0 : i32
        %dma_start3A_63 = tpu.memref_slice %arg8[%add3A_50, %dma_start3A] : memref<10240x128xf32, #tpu.memory_space<hbm>> -> memref<128x128xf32, #tpu.memory_space<hbm>>
        %dma_start3A_64 = arith.constant 0 : i32
        %dma_start3A_65 = tpu.memref_slice %arg13[%add3A_48, %dma_start3A_64] : memref<10240x128xf32, #tpu.memory_space<vmem_shared>> -> memref<128x128xf32, #tpu.memory_space<vmem_shared>>
        tpu.enqueue_dma source(%dma_start3A_65 : memref<128x128xf32, #tpu.memory_space<vmem_shared>>) target(%dma_start3A_63 : memref<128x128xf32, #tpu.memory_space<hbm>>) target_semaphore(%run_scoped3A : memref<!tpu.dma_semaphore, #tpu.memory_space<semaphore_mem>>)
        %dma_wait3A = arith.constant 0 : i32
        %dma_wait3A_66 = tpu.memref_slice %arg8[%add3A_50, %dma_wait3A] : memref<10240x128xf32, #tpu.memory_space<hbm>> -> memref<128x128xf32, #tpu.memory_space<hbm>>
        %dma_wait3A_67 = arith.constant 0 : i32
        %dma_wait3A_68 = tpu.memref_slice %arg13[%add3A_48, %dma_wait3A_67] : memref<10240x128xf32, #tpu.memory_space<vmem_shared>> -> memref<128x128xf32, #tpu.memory_space<vmem_shared>>
        tpu.wait_dma2 semaphore(%run_scoped3A : memref<!tpu.dma_semaphore, #tpu.memory_space<semaphore_mem>>) src(%dma_wait3A_68 : memref<128x128xf32, #tpu.memory_space<vmem_shared>>) dst(%dma_wait3A_66 : memref<128x128xf32, #tpu.memory_space<hbm>>)
        tpu.yield
      }) : () -> ()
      %add3A_51 = arith.constant 256 : i32
      %add3A_52 = arith.addi %mul3A_42, %add3A_51 : i32
      %add3A_53 = arith.constant 256 : i32
      %add3A_54 = arith.addi %mul3A_42, %add3A_53 : i32
      "tpu.region"() ({
        %run_scoped3A = tpu.sem_alloc : memref<!tpu.dma_semaphore, #tpu.memory_space<semaphore_mem>>
        %dma_start3A = arith.constant 0 : i32
        %dma_start3A_63 = tpu.memref_slice %arg8[%add3A_54, %dma_start3A] : memref<10240x128xf32, #tpu.memory_space<hbm>> -> memref<128x128xf32, #tpu.memory_space<hbm>>
        %dma_start3A_64 = arith.constant 0 : i32
        %dma_start3A_65 = tpu.memref_slice %arg13[%add3A_52, %dma_start3A_64] : memref<10240x128xf32, #tpu.memory_space<vmem_shared>> -> memref<128x128xf32, #tpu.memory_space<vmem_shared>>
        tpu.enqueue_dma source(%dma_start3A_65 : memref<128x128xf32, #tpu.memory_space<vmem_shared>>) target(%dma_start3A_63 : memref<128x128xf32, #tpu.memory_space<hbm>>) target_semaphore(%run_scoped3A : memref<!tpu.dma_semaphore, #tpu.memory_space<semaphore_mem>>)
        %dma_wait3A = arith.constant 0 : i32
        %dma_wait3A_66 = tpu.memref_slice %arg8[%add3A_54, %dma_wait3A] : memref<10240x128xf32, #tpu.memory_space<hbm>> -> memref<128x128xf32, #tpu.memory_space<hbm>>
        %dma_wait3A_67 = arith.constant 0 : i32
        %dma_wait3A_68 = tpu.memref_slice %arg13[%add3A_52, %dma_wait3A_67] : memref<10240x128xf32, #tpu.memory_space<vmem_shared>> -> memref<128x128xf32, #tpu.memory_space<vmem_shared>>
        tpu.wait_dma2 semaphore(%run_scoped3A : memref<!tpu.dma_semaphore, #tpu.memory_space<semaphore_mem>>) src(%dma_wait3A_68 : memref<128x128xf32, #tpu.memory_space<vmem_shared>>) dst(%dma_wait3A_66 : memref<128x128xf32, #tpu.memory_space<hbm>>)
        tpu.yield
      }) : () -> ()
      %add3A_55 = arith.constant 384 : i32
      %add3A_56 = arith.addi %mul3A_42, %add3A_55 : i32
      %add3A_57 = arith.constant 384 : i32
      %add3A_58 = arith.addi %mul3A_42, %add3A_57 : i32
      "tpu.region"() ({
        %run_scoped3A = tpu.sem_alloc : memref<!tpu.dma_semaphore, #tpu.memory_space<semaphore_mem>>
        %dma_start3A = arith.constant 0 : i32
        %dma_start3A_63 = tpu.memref_slice %arg8[%add3A_58, %dma_start3A] : memref<10240x128xf32, #tpu.memory_space<hbm>> -> memref<128x128xf32, #tpu.memory_space<hbm>>
        %dma_start3A_64 = arith.constant 0 : i32
        %dma_start3A_65 = tpu.memref_slice %arg13[%add3A_56, %dma_start3A_64] : memref<10240x128xf32, #tpu.memory_space<vmem_shared>> -> memref<128x128xf32, #tpu.memory_space<vmem_shared>>
        tpu.enqueue_dma source(%dma_start3A_65 : memref<128x128xf32, #tpu.memory_space<vmem_shared>>) target(%dma_start3A_63 : memref<128x128xf32, #tpu.memory_space<hbm>>) target_semaphore(%run_scoped3A : memref<!tpu.dma_semaphore, #tpu.memory_space<semaphore_mem>>)
        %dma_wait3A = arith.constant 0 : i32
        %dma_wait3A_66 = tpu.memref_slice %arg8[%add3A_58, %dma_wait3A] : memref<10240x128xf32, #tpu.memory_space<hbm>> -> memref<128x128xf32, #tpu.memory_space<hbm>>
        %dma_wait3A_67 = arith.constant 0 : i32
        %dma_wait3A_68 = tpu.memref_slice %arg13[%add3A_56, %dma_wait3A_67] : memref<10240x128xf32, #tpu.memory_space<vmem_shared>> -> memref<128x128xf32, #tpu.memory_space<vmem_shared>>
        tpu.wait_dma2 semaphore(%run_scoped3A : memref<!tpu.dma_semaphore, #tpu.memory_space<semaphore_mem>>) src(%dma_wait3A_68 : memref<128x128xf32, #tpu.memory_space<vmem_shared>>) dst(%dma_wait3A_66 : memref<128x128xf32, #tpu.memory_space<hbm>>)
        tpu.yield
      }) : () -> ()
      %add3A_59 = arith.constant 512 : i32
      %add3A_60 = arith.addi %mul3A_42, %add3A_59 : i32
      %add3A_61 = arith.constant 512 : i32
      %add3A_62 = arith.addi %mul3A_42, %add3A_61 : i32
      "tpu.region"() ({
        %run_scoped3A = tpu.sem_alloc : memref<!tpu.dma_semaphore, #tpu.memory_space<semaphore_mem>>
        %dma_start3A = arith.constant 0 : i32
        %dma_start3A_63 = tpu.memref_slice %arg8[%add3A_62, %dma_start3A] : memref<10240x128xf32, #tpu.memory_space<hbm>> -> memref<128x128xf32, #tpu.memory_space<hbm>>
        %dma_start3A_64 = arith.constant 0 : i32
        %dma_start3A_65 = tpu.memref_slice %arg13[%add3A_60, %dma_start3A_64] : memref<10240x128xf32, #tpu.memory_space<vmem_shared>> -> memref<128x128xf32, #tpu.memory_space<vmem_shared>>
        tpu.enqueue_dma source(%dma_start3A_65 : memref<128x128xf32, #tpu.memory_space<vmem_shared>>) target(%dma_start3A_63 : memref<128x128xf32, #tpu.memory_space<hbm>>) target_semaphore(%run_scoped3A : memref<!tpu.dma_semaphore, #tpu.memory_space<semaphore_mem>>)
        %dma_wait3A = arith.constant 0 : i32
        %dma_wait3A_66 = tpu.memref_slice %arg8[%add3A_62, %dma_wait3A] : memref<10240x128xf32, #tpu.memory_space<hbm>> -> memref<128x128xf32, #tpu.memory_space<hbm>>
        %dma_wait3A_67 = arith.constant 0 : i32
        %dma_wait3A_68 = tpu.memref_slice %arg13[%add3A_60, %dma_wait3A_67] : memref<10240x128xf32, #tpu.memory_space<vmem_shared>> -> memref<128x128xf32, #tpu.memory_space<vmem_shared>>
        tpu.wait_dma2 semaphore(%run_scoped3A : memref<!tpu.dma_semaphore, #tpu.memory_space<semaphore_mem>>) src(%dma_wait3A_68 : memref<128x128xf32, #tpu.memory_space<vmem_shared>>) dst(%dma_wait3A_66 : memref<128x128xf32, #tpu.memory_space<hbm>>)
        tpu.yield
      }) : () -> ()
    } else {
    }
    return
  }
}

#map = affine_map<(d0, d1) -> (0, 0)>
#map1 = affine_map<(d0, d1) -> (0)>
module attributes {stable_mosaic.version = 14 : i64} {
  func.func @_layer_body(%arg0: i32, %arg1: i32, %arg2: memref<10240x128xf32, #tpu.memory_space<hbm>>, %arg3: memref<10240x128xf32, #tpu.memory_space<hbm>>, %arg4: memref<321536xi32, #tpu.memory_space<hbm>>, %arg5: memref<321536xi32, #tpu.memory_space<hbm>>, %arg6: memref<321536xf32, #tpu.memory_space<hbm>>, %arg7: memref<10240x128xf32, #tpu.memory_space<hbm>>, %arg8: memref<10240x128xf32, #tpu.memory_space<hbm>>, %arg9: memref<128x128xf32, #tpu.memory_space<vmem>>, %arg10: memref<128xi32, #tpu.memory_space<vmem>>, %arg11: memref<128xi32, #tpu.memory_space<vmem>>, %arg12: memref<144xf32, #tpu.memory_space<vmem>>, %arg13: memref<10240x128xf32, #tpu.memory_space<vmem_shared>>, %arg14: memref<!tpu.dma_semaphore, #tpu.memory_space<semaphore_mem>>) attributes {dimension_semantics = [#tpu.dimension_semantics<core_parallel>, #tpu.dimension_semantics<subcore_parallel>], iteration_bounds = array<i64: 2, 16>, scalar_prefetch = 0 : i64, scratch_operands = 6 : i64, tpu.core_type = #tpu.core_type<sc_vector_subcore>, window_params = [{transform_indices = #map}, {transform_indices = #map}, {transform_indices = #map1}, {transform_indices = #map1}, {transform_indices = #map1}, {transform_indices = #map}, {transform_indices = #map}]} {
    %eq3A = arith.constant 0 : i32
    %eq3A_0 = arith.cmpi eq, %arg0, %eq3A : i32
    %convert_element_type3A = arith.extui %eq3A_0 : i1 to i32
    %cond3A = arith.constant 0 : i32
    %cond3A_1 = arith.cmpi ne, %convert_element_type3A, %cond3A : i32
    scf.if %cond3A_1 {
      %scan3A = arith.constant 0 : i32
      %scan3A_7 = arith.constant 0 : i32
      %scan3A_8 = arith.constant 128 : i32
      %scan3A_9 = arith.addi %scan3A_7, %scan3A_8 : i32
      %scan3A_10 = arith.constant 1 : i32
      %scan3A_11 = scf.for %scan3A_63 = %scan3A_7 to %scan3A_9 step %scan3A_10 iter_args(%scan3A_64 = %scan3A) -> (i32)  : i32 {
        %broadcast_in_dim3A = arith.constant 0.000000e+00 : f32
        %broadcast_in_dim3A_65 = vector.broadcast %broadcast_in_dim3A : f32 to vector<16xf32>
        %swap3A = arith.index_cast %scan3A_63 : i32 to index
        %swap3A_66 = arith.constant 0 : index
        %swap3A_67 = tpu.vector_load %arg9[%swap3A, %swap3A_66] {strides = array<i32>} : memref<128x128xf32, #tpu.memory_space<vmem>>, vector<1x16xf32>,
        %swap3A_68 = vector.shape_cast %swap3A_67 : vector<1x16xf32> to vector<16xf32>
        %swap3A_69 = vector.shape_cast %broadcast_in_dim3A_65 : vector<16xf32> to vector<1x16xf32>
        tpu.vector_store %arg9[%swap3A, %swap3A_66], %swap3A_69 {strides = array<i32>} : memref<128x128xf32, #tpu.memory_space<vmem>>, vector<1x16xf32>,
        %broadcast_in_dim3A_70 = arith.constant 0.000000e+00 : f32
        %broadcast_in_dim3A_71 = vector.broadcast %broadcast_in_dim3A_70 : f32 to vector<16xf32>
        %swap3A_72 = arith.index_cast %scan3A_63 : i32 to index
        %swap3A_73 = arith.constant 16 : index
        %swap3A_74 = tpu.vector_load %arg9[%swap3A_72, %swap3A_73] {strides = array<i32>} : memref<128x128xf32, #tpu.memory_space<vmem>>, vector<1x16xf32>,
        %swap3A_75 = vector.shape_cast %swap3A_74 : vector<1x16xf32> to vector<16xf32>
        %swap3A_76 = vector.shape_cast %broadcast_in_dim3A_71 : vector<16xf32> to vector<1x16xf32>
        tpu.vector_store %arg9[%swap3A_72, %swap3A_73], %swap3A_76 {strides = array<i32>} : memref<128x128xf32, #tpu.memory_space<vmem>>, vector<1x16xf32>,
        %broadcast_in_dim3A_77 = arith.constant 0.000000e+00 : f32
        %broadcast_in_dim3A_78 = vector.broadcast %broadcast_in_dim3A_77 : f32 to vector<16xf32>
        %swap3A_79 = arith.index_cast %scan3A_63 : i32 to index
        %swap3A_80 = arith.constant 32 : index
        %swap3A_81 = tpu.vector_load %arg9[%swap3A_79, %swap3A_80] {strides = array<i32>} : memref<128x128xf32, #tpu.memory_space<vmem>>, vector<1x16xf32>,
        %swap3A_82 = vector.shape_cast %swap3A_81 : vector<1x16xf32> to vector<16xf32>
        %swap3A_83 = vector.shape_cast %broadcast_in_dim3A_78 : vector<16xf32> to vector<1x16xf32>
        tpu.vector_store %arg9[%swap3A_79, %swap3A_80], %swap3A_83 {strides = array<i32>} : memref<128x128xf32, #tpu.memory_space<vmem>>, vector<1x16xf32>,
        %broadcast_in_dim3A_84 = arith.constant 0.000000e+00 : f32
        %broadcast_in_dim3A_85 = vector.broadcast %broadcast_in_dim3A_84 : f32 to vector<16xf32>
        %swap3A_86 = arith.index_cast %scan3A_63 : i32 to index
        %swap3A_87 = arith.constant 48 : index
        %swap3A_88 = tpu.vector_load %arg9[%swap3A_86, %swap3A_87] {strides = array<i32>} : memref<128x128xf32, #tpu.memory_space<vmem>>, vector<1x16xf32>,
        %swap3A_89 = vector.shape_cast %swap3A_88 : vector<1x16xf32> to vector<16xf32>
        %swap3A_90 = vector.shape_cast %broadcast_in_dim3A_85 : vector<16xf32> to vector<1x16xf32>
        tpu.vector_store %arg9[%swap3A_86, %swap3A_87], %swap3A_90 {strides = array<i32>} : memref<128x128xf32, #tpu.memory_space<vmem>>, vector<1x16xf32>,
        %broadcast_in_dim3A_91 = arith.constant 0.000000e+00 : f32
        %broadcast_in_dim3A_92 = vector.broadcast %broadcast_in_dim3A_91 : f32 to vector<16xf32>
        %swap3A_93 = arith.index_cast %scan3A_63 : i32 to index
        %swap3A_94 = arith.constant 64 : index
        %swap3A_95 = tpu.vector_load %arg9[%swap3A_93, %swap3A_94] {strides = array<i32>} : memref<128x128xf32, #tpu.memory_space<vmem>>, vector<1x16xf32>,
        %swap3A_96 = vector.shape_cast %swap3A_95 : vector<1x16xf32> to vector<16xf32>
        %swap3A_97 = vector.shape_cast %broadcast_in_dim3A_92 : vector<16xf32> to vector<1x16xf32>
        tpu.vector_store %arg9[%swap3A_93, %swap3A_94], %swap3A_97 {strides = array<i32>} : memref<128x128xf32, #tpu.memory_space<vmem>>, vector<1x16xf32>,
        %broadcast_in_dim3A_98 = arith.constant 0.000000e+00 : f32
        %broadcast_in_dim3A_99 = vector.broadcast %broadcast_in_dim3A_98 : f32 to vector<16xf32>
        %swap3A_100 = arith.index_cast %scan3A_63 : i32 to index
        %swap3A_101 = arith.constant 80 : index
        %swap3A_102 = tpu.vector_load %arg9[%swap3A_100, %swap3A_101] {strides = array<i32>} : memref<128x128xf32, #tpu.memory_space<vmem>>, vector<1x16xf32>,
        %swap3A_103 = vector.shape_cast %swap3A_102 : vector<1x16xf32> to vector<16xf32>
        %swap3A_104 = vector.shape_cast %broadcast_in_dim3A_99 : vector<16xf32> to vector<1x16xf32>
        tpu.vector_store %arg9[%swap3A_100, %swap3A_101], %swap3A_104 {strides = array<i32>} : memref<128x128xf32, #tpu.memory_space<vmem>>, vector<1x16xf32>,
        %broadcast_in_dim3A_105 = arith.constant 0.000000e+00 : f32
        %broadcast_in_dim3A_106 = vector.broadcast %broadcast_in_dim3A_105 : f32 to vector<16xf32>
        %swap3A_107 = arith.index_cast %scan3A_63 : i32 to index
        %swap3A_108 = arith.constant 96 : index
        %swap3A_109 = tpu.vector_load %arg9[%swap3A_107, %swap3A_108] {strides = array<i32>} : memref<128x128xf32, #tpu.memory_space<vmem>>, vector<1x16xf32>,
        %swap3A_110 = vector.shape_cast %swap3A_109 : vector<1x16xf32> to vector<16xf32>
        %swap3A_111 = vector.shape_cast %broadcast_in_dim3A_106 : vector<16xf32> to vector<1x16xf32>
        tpu.vector_store %arg9[%swap3A_107, %swap3A_108], %swap3A_111 {strides = array<i32>} : memref<128x128xf32, #tpu.memory_space<vmem>>, vector<1x16xf32>,
        %broadcast_in_dim3A_112 = arith.constant 0.000000e+00 : f32
        %broadcast_in_dim3A_113 = vector.broadcast %broadcast_in_dim3A_112 : f32 to vector<16xf32>
        %swap3A_114 = arith.index_cast %scan3A_63 : i32 to index
        %swap3A_115 = arith.constant 112 : index
        %swap3A_116 = tpu.vector_load %arg9[%swap3A_114, %swap3A_115] {strides = array<i32>} : memref<128x128xf32, #tpu.memory_space<vmem>>, vector<1x16xf32>,
        %swap3A_117 = vector.shape_cast %swap3A_116 : vector<1x16xf32> to vector<16xf32>
        %swap3A_118 = vector.shape_cast %broadcast_in_dim3A_113 : vector<16xf32> to vector<1x16xf32>
        tpu.vector_store %arg9[%swap3A_114, %swap3A_115], %swap3A_118 {strides = array<i32>} : memref<128x128xf32, #tpu.memory_space<vmem>>, vector<1x16xf32>,
        %scan3A_119 = arith.constant 0 : i32
        scf.yield %scan3A_119 : i32
      }
      %scan3A_12 = arith.constant 128 : i32
      %mul3A = arith.constant 640 : i32
      %mul3A_13 = arith.muli %arg1, %mul3A : i32
      %add3A = arith.constant 0 : i32
      %add3A_14 = arith.addi %mul3A_13, %add3A : i32
      "tpu.region"() ({
        %run_scoped3A = tpu.sem_alloc : memref<!tpu.dma_semaphore, #tpu.memory_space<semaphore_mem>>
        %dma_start3A = arith.constant 0 : i32
        %dma_start3A_63 = tpu.memref_slice %arg13[%add3A_14, %dma_start3A] : memref<10240x128xf32, #tpu.memory_space<vmem_shared>> -> memref<128x128xf32, #tpu.memory_space<vmem_shared>>
        %dma_start3A_64 = arith.constant 0 : i32
        %dma_start3A_65 = tpu.memref_slice %arg13[%add3A_14, %dma_start3A_64] : memref<10240x128xf32, #tpu.memory_space<vmem_shared>> -> memref<128x128xf32, #tpu.memory_space<vmem_shared>>
        tpu.enqueue_dma source(%arg9 : memref<128x128xf32, #tpu.memory_space<vmem>>) target(%dma_start3A_65 : memref<128x128xf32, #tpu.memory_space<vmem_shared>>) target_semaphore(%run_scoped3A : memref<!tpu.dma_semaphore, #tpu.memory_space<semaphore_mem>>)
        %dma_wait3A = arith.constant 0 : i32
        %dma_wait3A_66 = tpu.memref_slice %arg13[%add3A_14, %dma_wait3A] : memref<10240x128xf32, #tpu.memory_space<vmem_shared>> -> memref<128x128xf32, #tpu.memory_space<vmem_shared>>
        %dma_wait3A_67 = arith.constant 0 : i32
        %dma_wait3A_68 = tpu.memref_slice %arg13[%add3A_14, %dma_wait3A_67] : memref<10240x128xf32, #tpu.memory_space<vmem_shared>> -> memref<128x128xf32, #tpu.memory_space<vmem_shared>>
        tpu.wait_dma2 semaphore(%run_scoped3A : memref<!tpu.dma_semaphore, #tpu.memory_space<semaphore_mem>>) src(%arg9 : memref<128x128xf32, #tpu.memory_space<vmem>>) dst(%dma_wait3A_68 : memref<128x128xf32, #tpu.memory_space<vmem_shared>>)
        tpu.yield
      }) : () -> ()
      %mul3A_15 = arith.constant 640 : i32
      %mul3A_16 = arith.muli %arg1, %mul3A_15 : i32
      %add3A_17 = arith.constant 128 : i32
      %add3A_18 = arith.addi %mul3A_16, %add3A_17 : i32
      "tpu.region"() ({
        %run_scoped3A = tpu.sem_alloc : memref<!tpu.dma_semaphore, #tpu.memory_space<semaphore_mem>>
        %dma_start3A = arith.constant 0 : i32
        %dma_start3A_63 = tpu.memref_slice %arg13[%add3A_18, %dma_start3A] : memref<10240x128xf32, #tpu.memory_space<vmem_shared>> -> memref<128x128xf32, #tpu.memory_space<vmem_shared>>
        %dma_start3A_64 = arith.constant 0 : i32
        %dma_start3A_65 = tpu.memref_slice %arg13[%add3A_18, %dma_start3A_64] : memref<10240x128xf32, #tpu.memory_space<vmem_shared>> -> memref<128x128xf32, #tpu.memory_space<vmem_shared>>
        tpu.enqueue_dma source(%arg9 : memref<128x128xf32, #tpu.memory_space<vmem>>) target(%dma_start3A_65 : memref<128x128xf32, #tpu.memory_space<vmem_shared>>) target_semaphore(%run_scoped3A : memref<!tpu.dma_semaphore, #tpu.memory_space<semaphore_mem>>)
        %dma_wait3A = arith.constant 0 : i32
        %dma_wait3A_66 = tpu.memref_slice %arg13[%add3A_18, %dma_wait3A] : memref<10240x128xf32, #tpu.memory_space<vmem_shared>> -> memref<128x128xf32, #tpu.memory_space<vmem_shared>>
        %dma_wait3A_67 = arith.constant 0 : i32
        %dma_wait3A_68 = tpu.memref_slice %arg13[%add3A_18, %dma_wait3A_67] : memref<10240x128xf32, #tpu.memory_space<vmem_shared>> -> memref<128x128xf32, #tpu.memory_space<vmem_shared>>
        tpu.wait_dma2 semaphore(%run_scoped3A : memref<!tpu.dma_semaphore, #tpu.memory_space<semaphore_mem>>) src(%arg9 : memref<128x128xf32, #tpu.memory_space<vmem>>) dst(%dma_wait3A_68 : memref<128x128xf32, #tpu.memory_space<vmem_shared>>)
        tpu.yield
      }) : () -> ()
      %mul3A_19 = arith.constant 640 : i32
      %mul3A_20 = arith.muli %arg1, %mul3A_19 : i32
      %add3A_21 = arith.constant 256 : i32
      %add3A_22 = arith.addi %mul3A_20, %add3A_21 : i32
      "tpu.region"() ({
        %run_scoped3A = tpu.sem_alloc : memref<!tpu.dma_semaphore, #tpu.memory_space<semaphore_mem>>
        %dma_start3A = arith.constant 0 : i32
        %dma_start3A_63 = tpu.memref_slice %arg13[%add3A_22, %dma_start3A] : memref<10240x128xf32, #tpu.memory_space<vmem_shared>> -> memref<128x128xf32, #tpu.memory_space<vmem_shared>>
        %dma_start3A_64 = arith.constant 0 : i32
        %dma_start3A_65 = tpu.memref_slice %arg13[%add3A_22, %dma_start3A_64] : memref<10240x128xf32, #tpu.memory_space<vmem_shared>> -> memref<128x128xf32, #tpu.memory_space<vmem_shared>>
        tpu.enqueue_dma source(%arg9 : memref<128x128xf32, #tpu.memory_space<vmem>>) target(%dma_start3A_65 : memref<128x128xf32, #tpu.memory_space<vmem_shared>>) target_semaphore(%run_scoped3A : memref<!tpu.dma_semaphore, #tpu.memory_space<semaphore_mem>>)
        %dma_wait3A = arith.constant 0 : i32
        %dma_wait3A_66 = tpu.memref_slice %arg13[%add3A_22, %dma_wait3A] : memref<10240x128xf32, #tpu.memory_space<vmem_shared>> -> memref<128x128xf32, #tpu.memory_space<vmem_shared>>
        %dma_wait3A_67 = arith.constant 0 : i32
        %dma_wait3A_68 = tpu.memref_slice %arg13[%add3A_22, %dma_wait3A_67] : memref<10240x128xf32, #tpu.memory_space<vmem_shared>> -> memref<128x128xf32, #tpu.memory_space<vmem_shared>>
        tpu.wait_dma2 semaphore(%run_scoped3A : memref<!tpu.dma_semaphore, #tpu.memory_space<semaphore_mem>>) src(%arg9 : memref<128x128xf32, #tpu.memory_space<vmem>>) dst(%dma_wait3A_68 : memref<128x128xf32, #tpu.memory_space<vmem_shared>>)
        tpu.yield
      }) : () -> ()
      %mul3A_23 = arith.constant 640 : i32
      %mul3A_24 = arith.muli %arg1, %mul3A_23 : i32
      %add3A_25 = arith.constant 384 : i32
      %add3A_26 = arith.addi %mul3A_24, %add3A_25 : i32
      "tpu.region"() ({
        %run_scoped3A = tpu.sem_alloc : memref<!tpu.dma_semaphore, #tpu.memory_space<semaphore_mem>>
        %dma_start3A = arith.constant 0 : i32
        %dma_start3A_63 = tpu.memref_slice %arg13[%add3A_26, %dma_start3A] : memref<10240x128xf32, #tpu.memory_space<vmem_shared>> -> memref<128x128xf32, #tpu.memory_space<vmem_shared>>
        %dma_start3A_64 = arith.constant 0 : i32
        %dma_start3A_65 = tpu.memref_slice %arg13[%add3A_26, %dma_start3A_64] : memref<10240x128xf32, #tpu.memory_space<vmem_shared>> -> memref<128x128xf32, #tpu.memory_space<vmem_shared>>
        tpu.enqueue_dma source(%arg9 : memref<128x128xf32, #tpu.memory_space<vmem>>) target(%dma_start3A_65 : memref<128x128xf32, #tpu.memory_space<vmem_shared>>) target_semaphore(%run_scoped3A : memref<!tpu.dma_semaphore, #tpu.memory_space<semaphore_mem>>)
        %dma_wait3A = arith.constant 0 : i32
        %dma_wait3A_66 = tpu.memref_slice %arg13[%add3A_26, %dma_wait3A] : memref<10240x128xf32, #tpu.memory_space<vmem_shared>> -> memref<128x128xf32, #tpu.memory_space<vmem_shared>>
        %dma_wait3A_67 = arith.constant 0 : i32
        %dma_wait3A_68 = tpu.memref_slice %arg13[%add3A_26, %dma_wait3A_67] : memref<10240x128xf32, #tpu.memory_space<vmem_shared>> -> memref<128x128xf32, #tpu.memory_space<vmem_shared>>
        tpu.wait_dma2 semaphore(%run_scoped3A : memref<!tpu.dma_semaphore, #tpu.memory_space<semaphore_mem>>) src(%arg9 : memref<128x128xf32, #tpu.memory_space<vmem>>) dst(%dma_wait3A_68 : memref<128x128xf32, #tpu.memory_space<vmem_shared>>)
        tpu.yield
      }) : () -> ()
      %mul3A_27 = arith.constant 640 : i32
      %mul3A_28 = arith.muli %arg1, %mul3A_27 : i32
      %add3A_29 = arith.constant 512 : i32
      %add3A_30 = arith.addi %mul3A_28, %add3A_29 : i32
      "tpu.region"() ({
        %run_scoped3A = tpu.sem_alloc : memref<!tpu.dma_semaphore, #tpu.memory_space<semaphore_mem>>
        %dma_start3A = arith.constant 0 : i32
        %dma_start3A_63 = tpu.memref_slice %arg13[%add3A_30, %dma_start3A] : memref<10240x128xf32, #tpu.memory_space<vmem_shared>> -> memref<128x128xf32, #tpu.memory_space<vmem_shared>>
        %dma_start3A_64 = arith.constant 0 : i32
        %dma_start3A_65 = tpu.memref_slice %arg13[%add3A_30, %dma_start3A_64] : memref<10240x128xf32, #tpu.memory_space<vmem_shared>> -> memref<128x128xf32, #tpu.memory_space<vmem_shared>>
        tpu.enqueue_dma source(%arg9 : memref<128x128xf32, #tpu.memory_space<vmem>>) target(%dma_start3A_65 : memref<128x128xf32, #tpu.memory_space<vmem_shared>>) target_semaphore(%run_scoped3A : memref<!tpu.dma_semaphore, #tpu.memory_space<semaphore_mem>>)
        %dma_wait3A = arith.constant 0 : i32
        %dma_wait3A_66 = tpu.memref_slice %arg13[%add3A_30, %dma_wait3A] : memref<10240x128xf32, #tpu.memory_space<vmem_shared>> -> memref<128x128xf32, #tpu.memory_space<vmem_shared>>
        %dma_wait3A_67 = arith.constant 0 : i32
        %dma_wait3A_68 = tpu.memref_slice %arg13[%add3A_30, %dma_wait3A_67] : memref<10240x128xf32, #tpu.memory_space<vmem_shared>> -> memref<128x128xf32, #tpu.memory_space<vmem_shared>>
        tpu.wait_dma2 semaphore(%run_scoped3A : memref<!tpu.dma_semaphore, #tpu.memory_space<semaphore_mem>>) src(%arg9 : memref<128x128xf32, #tpu.memory_space<vmem>>) dst(%dma_wait3A_68 : memref<128x128xf32, #tpu.memory_space<vmem_shared>>)
        tpu.yield
      }) : () -> ()
      %barrier3A = arith.constant 0 : index
      tpu.barrier barrier_id(%barrier3A)
      %mul3A_31 = arith.constant 20096 : i32
      %mul3A_32 = arith.muli %arg1, %mul3A_31 : i32
      %scan3A_33 = arith.constant 0 : i32
      %scan3A_34 = arith.constant 0 : i32
      %scan3A_35 = arith.constant 157 : i32
      %scan3A_36 = arith.addi %scan3A_34, %scan3A_35 : i32
      %scan3A_37 = arith.constant 1 : i32
      %scan3A_38 = scf.for %scan3A_63 = %scan3A_34 to %scan3A_36 step %scan3A_37 iter_args(%scan3A_64 = %scan3A_33) -> (i32)  : i32 {
        %mul3A_65 = arith.constant 128 : i32
        %mul3A_66 = arith.muli %scan3A_63, %mul3A_65 : i32
        %add3A_67 = arith.addi %mul3A_32, %mul3A_66 : i32
        "tpu.region"() ({
          %run_scoped3A = tpu.sem_alloc : memref<!tpu.dma_semaphore, #tpu.memory_space<semaphore_mem>>
          %dma_start3A_80 = tpu.memref_slice %arg5[%add3A_67] : memref<321536xi32, #tpu.memory_space<hbm>> -> memref<128xi32, #tpu.memory_space<hbm>>
          %dma_start3A_81 = tpu.memref_slice %arg5[%add3A_67] : memref<321536xi32, #tpu.memory_space<hbm>> -> memref<128xi32, #tpu.memory_space<hbm>>
          tpu.enqueue_dma source(%dma_start3A_81 : memref<128xi32, #tpu.memory_space<hbm>>) target(%arg10 : memref<128xi32, #tpu.memory_space<vmem>>) target_semaphore(%run_scoped3A : memref<!tpu.dma_semaphore, #tpu.memory_space<semaphore_mem>>)
          %dma_wait3A_82 = tpu.memref_slice %arg5[%add3A_67] : memref<321536xi32, #tpu.memory_space<hbm>> -> memref<128xi32, #tpu.memory_space<hbm>>
          %dma_wait3A_83 = tpu.memref_slice %arg5[%add3A_67] : memref<321536xi32, #tpu.memory_space<hbm>> -> memref<128xi32, #tpu.memory_space<hbm>>
          tpu.wait_dma2 semaphore(%run_scoped3A : memref<!tpu.dma_semaphore, #tpu.memory_space<semaphore_mem>>) src(%dma_wait3A_83 : memref<128xi32, #tpu.memory_space<hbm>>) dst(%arg10 : memref<128xi32, #tpu.memory_space<vmem>>)
          tpu.yield
        }) : () -> ()
        "tpu.region"() ({
          %run_scoped3A = tpu.sem_alloc : memref<!tpu.dma_semaphore, #tpu.memory_space<semaphore_mem>>
          %dma_start3A_80 = tpu.memref_slice %arg4[%add3A_67] : memref<321536xi32, #tpu.memory_space<hbm>> -> memref<128xi32, #tpu.memory_space<hbm>>
          %dma_start3A_81 = tpu.memref_slice %arg4[%add3A_67] : memref<321536xi32, #tpu.memory_space<hbm>> -> memref<128xi32, #tpu.memory_space<hbm>>
          tpu.enqueue_dma source(%dma_start3A_81 : memref<128xi32, #tpu.memory_space<hbm>>) target(%arg11 : memref<128xi32, #tpu.memory_space<vmem>>) target_semaphore(%run_scoped3A : memref<!tpu.dma_semaphore, #tpu.memory_space<semaphore_mem>>)
          %dma_wait3A_82 = tpu.memref_slice %arg4[%add3A_67] : memref<321536xi32, #tpu.memory_space<hbm>> -> memref<128xi32, #tpu.memory_space<hbm>>
          %dma_wait3A_83 = tpu.memref_slice %arg4[%add3A_67] : memref<321536xi32, #tpu.memory_space<hbm>> -> memref<128xi32, #tpu.memory_space<hbm>>
          tpu.wait_dma2 semaphore(%run_scoped3A : memref<!tpu.dma_semaphore, #tpu.memory_space<semaphore_mem>>) src(%dma_wait3A_83 : memref<128xi32, #tpu.memory_space<hbm>>) dst(%arg11 : memref<128xi32, #tpu.memory_space<vmem>>)
          tpu.yield
        }) : () -> ()
        "tpu.region"() ({
          %run_scoped3A = tpu.sem_alloc : memref<!tpu.dma_semaphore, #tpu.memory_space<semaphore_mem>>
          %dma_start3A_80 = arith.constant 0 : i32
          %dma_start3A_81 = tpu.memref_slice %arg12[%dma_start3A_80] : memref<144xf32, #tpu.memory_space<vmem>> -> memref<128xf32, #tpu.memory_space<vmem>>
          %dma_start3A_82 = tpu.memref_slice %arg6[%add3A_67] : memref<321536xf32, #tpu.memory_space<hbm>> -> memref<128xf32, #tpu.memory_space<hbm>>
          %dma_start3A_83 = arith.constant 0 : i32
          %dma_start3A_84 = tpu.memref_slice %arg12[%dma_start3A_83] : memref<144xf32, #tpu.memory_space<vmem>> -> memref<128xf32, #tpu.memory_space<vmem>>
          %dma_start3A_85 = tpu.memref_slice %arg6[%add3A_67] : memref<321536xf32, #tpu.memory_space<hbm>> -> memref<128xf32, #tpu.memory_space<hbm>>
          tpu.enqueue_dma source(%dma_start3A_85 : memref<128xf32, #tpu.memory_space<hbm>>) target(%dma_start3A_84 : memref<128xf32, #tpu.memory_space<vmem>>) target_semaphore(%run_scoped3A : memref<!tpu.dma_semaphore, #tpu.memory_space<semaphore_mem>>)
          %dma_wait3A_86 = arith.constant 0 : i32
          %dma_wait3A_87 = tpu.memref_slice %arg12[%dma_wait3A_86] : memref<144xf32, #tpu.memory_space<vmem>> -> memref<128xf32, #tpu.memory_space<vmem>>
          %dma_wait3A_88 = tpu.memref_slice %arg6[%add3A_67] : memref<321536xf32, #tpu.memory_space<hbm>> -> memref<128xf32, #tpu.memory_space<hbm>>
          %dma_wait3A_89 = arith.constant 0 : i32
          %dma_wait3A_90 = tpu.memref_slice %arg12[%dma_wait3A_89] : memref<144xf32, #tpu.memory_space<vmem>> -> memref<128xf32, #tpu.memory_space<vmem>>
          %dma_wait3A_91 = tpu.memref_slice %arg6[%add3A_67] : memref<321536xf32, #tpu.memory_space<hbm>> -> memref<128xf32, #tpu.memory_space<hbm>>
          tpu.wait_dma2 semaphore(%run_scoped3A : memref<!tpu.dma_semaphore, #tpu.memory_space<semaphore_mem>>) src(%dma_wait3A_91 : memref<128xf32, #tpu.memory_space<hbm>>) dst(%dma_wait3A_90 : memref<128xf32, #tpu.memory_space<vmem>>)
          tpu.yield
        }) : () -> ()
        %dma_start3A = arith.constant 0 : i32
        %dma_start3A_68 = arith.constant 0 : i32
        %dma_start3A_69 = tpu.memref_slice %arg2[%dma_start3A, %dma_start3A_68] : memref<10240x128xf32, #tpu.memory_space<hbm>> -> memref<10240x128xf32, #tpu.memory_space<hbm>>
        tpu.enqueue_indirect_dma source(%dma_start3A_69 : memref<10240x128xf32, #tpu.memory_space<hbm>>) target(%arg9 : memref<128x128xf32, #tpu.memory_space<vmem>>) offsets(%arg10 : memref<128xi32, #tpu.memory_space<vmem>>) semaphore(%arg14 : memref<!tpu.dma_semaphore, #tpu.memory_space<semaphore_mem>>)
        %dma_wait3A = arith.constant 0 : i32
        %dma_wait3A_70 = arith.constant 0 : i32
        %dma_wait3A_71 = tpu.memref_slice %arg2[%dma_wait3A, %dma_wait3A_70] : memref<10240x128xf32, #tpu.memory_space<hbm>> -> memref<10240x128xf32, #tpu.memory_space<hbm>>
        tpu.wait_indirect_dma semaphore(%arg14 : memref<!tpu.dma_semaphore, #tpu.memory_space<semaphore_mem>>) src(%dma_wait3A_71 : memref<10240x128xf32, #tpu.memory_space<hbm>>) dst(%arg9 : memref<128x128xf32, #tpu.memory_space<vmem>>)
        %scan3A_72 = arith.constant 0 : i32
        %scan3A_73 = arith.constant 0 : i32
        %scan3A_74 = arith.constant 128 : i32
        %scan3A_75 = arith.addi %scan3A_73, %scan3A_74 : i32
        %scan3A_76 = arith.constant 1 : i32
        %scan3A_77 = scf.for %scan3A_80 = %scan3A_73 to %scan3A_75 step %scan3A_76 iter_args(%scan3A_81 = %scan3A_72) -> (i32)  : i32 {
          %get3A = arith.index_cast %scan3A_80 : i32 to index
          %get3A_82 = tpu.vector_load %arg12[%get3A] {strides = array<i32>} : memref<144xf32, #tpu.memory_space<vmem>>, vector<16xf32>,
          %get3A_83 = vector.shape_cast %get3A_82 : vector<16xf32> to vector<16xf32>
          %slice3A = vector.extract_strided_slice %get3A_83 {offsets = [0], sizes = [1], strides = [1]} : vector<16xf32> to vector<1xf32>
          %squeeze3A = vector.extract %slice3A[0] : f32 from vector<1xf32>
          %get3A_84 = arith.index_cast %scan3A_80 : i32 to index
          %get3A_85 = arith.constant 0 : index
          %get3A_86 = tpu.vector_load %arg9[%get3A_84, %get3A_85] {strides = array<i32>} : memref<128x128xf32, #tpu.memory_space<vmem>>, vector<1x16xf32>,
          %get3A_87 = vector.shape_cast %get3A_86 : vector<1x16xf32> to vector<16xf32>
          %mul3A_88 = vector.broadcast %squeeze3A : f32 to vector<16xf32>
          %mul3A_89 = arith.mulf %get3A_87, %mul3A_88 : vector<16xf32>
          %swap3A = arith.index_cast %scan3A_80 : i32 to index
          %swap3A_90 = arith.constant 0 : index
          %swap3A_91 = tpu.vector_load %arg9[%swap3A, %swap3A_90] {strides = array<i32>} : memref<128x128xf32, #tpu.memory_space<vmem>>, vector<1x16xf32>,
          %swap3A_92 = vector.shape_cast %swap3A_91 : vector<1x16xf32> to vector<16xf32>
          %swap3A_93 = vector.shape_cast %mul3A_89 : vector<16xf32> to vector<1x16xf32>
          tpu.vector_store %arg9[%swap3A, %swap3A_90], %swap3A_93 {strides = array<i32>} : memref<128x128xf32, #tpu.memory_space<vmem>>, vector<1x16xf32>,
          %get3A_94 = arith.index_cast %scan3A_80 : i32 to index
          %get3A_95 = arith.constant 16 : index
          %get3A_96 = tpu.vector_load %arg9[%get3A_94, %get3A_95] {strides = array<i32>} : memref<128x128xf32, #tpu.memory_space<vmem>>, vector<1x16xf32>,
          %get3A_97 = vector.shape_cast %get3A_96 : vector<1x16xf32> to vector<16xf32>
          %mul3A_98 = vector.broadcast %squeeze3A : f32 to vector<16xf32>
          %mul3A_99 = arith.mulf %get3A_97, %mul3A_98 : vector<16xf32>
          %swap3A_100 = arith.index_cast %scan3A_80 : i32 to index
          %swap3A_101 = arith.constant 16 : index
          %swap3A_102 = tpu.vector_load %arg9[%swap3A_100, %swap3A_101] {strides = array<i32>} : memref<128x128xf32, #tpu.memory_space<vmem>>, vector<1x16xf32>,
          %swap3A_103 = vector.shape_cast %swap3A_102 : vector<1x16xf32> to vector<16xf32>
          %swap3A_104 = vector.shape_cast %mul3A_99 : vector<16xf32> to vector<1x16xf32>
          tpu.vector_store %arg9[%swap3A_100, %swap3A_101], %swap3A_104 {strides = array<i32>} : memref<128x128xf32, #tpu.memory_space<vmem>>, vector<1x16xf32>,
          %get3A_105 = arith.index_cast %scan3A_80 : i32 to index
          %get3A_106 = arith.constant 32 : index
          %get3A_107 = tpu.vector_load %arg9[%get3A_105, %get3A_106] {strides = array<i32>} : memref<128x128xf32, #tpu.memory_space<vmem>>, vector<1x16xf32>,
          %get3A_108 = vector.shape_cast %get3A_107 : vector<1x16xf32> to vector<16xf32>
          %mul3A_109 = vector.broadcast %squeeze3A : f32 to vector<16xf32>
          %mul3A_110 = arith.mulf %get3A_108, %mul3A_109 : vector<16xf32>
          %swap3A_111 = arith.index_cast %scan3A_80 : i32 to index
          %swap3A_112 = arith.constant 32 : index
          %swap3A_113 = tpu.vector_load %arg9[%swap3A_111, %swap3A_112] {strides = array<i32>} : memref<128x128xf32, #tpu.memory_space<vmem>>, vector<1x16xf32>,
          %swap3A_114 = vector.shape_cast %swap3A_113 : vector<1x16xf32> to vector<16xf32>
          %swap3A_115 = vector.shape_cast %mul3A_110 : vector<16xf32> to vector<1x16xf32>
          tpu.vector_store %arg9[%swap3A_111, %swap3A_112], %swap3A_115 {strides = array<i32>} : memref<128x128xf32, #tpu.memory_space<vmem>>, vector<1x16xf32>,
          %get3A_116 = arith.index_cast %scan3A_80 : i32 to index
          %get3A_117 = arith.constant 48 : index
          %get3A_118 = tpu.vector_load %arg9[%get3A_116, %get3A_117] {strides = array<i32>} : memref<128x128xf32, #tpu.memory_space<vmem>>, vector<1x16xf32>,
          %get3A_119 = vector.shape_cast %get3A_118 : vector<1x16xf32> to vector<16xf32>
          %mul3A_120 = vector.broadcast %squeeze3A : f32 to vector<16xf32>
          %mul3A_121 = arith.mulf %get3A_119, %mul3A_120 : vector<16xf32>
          %swap3A_122 = arith.index_cast %scan3A_80 : i32 to index
          %swap3A_123 = arith.constant 48 : index
          %swap3A_124 = tpu.vector_load %arg9[%swap3A_122, %swap3A_123] {strides = array<i32>} : memref<128x128xf32, #tpu.memory_space<vmem>>, vector<1x16xf32>,
          %swap3A_125 = vector.shape_cast %swap3A_124 : vector<1x16xf32> to vector<16xf32>
          %swap3A_126 = vector.shape_cast %mul3A_121 : vector<16xf32> to vector<1x16xf32>
          tpu.vector_store %arg9[%swap3A_122, %swap3A_123], %swap3A_126 {strides = array<i32>} : memref<128x128xf32, #tpu.memory_space<vmem>>, vector<1x16xf32>,
          %get3A_127 = arith.index_cast %scan3A_80 : i32 to index
          %get3A_128 = arith.constant 64 : index
          %get3A_129 = tpu.vector_load %arg9[%get3A_127, %get3A_128] {strides = array<i32>} : memref<128x128xf32, #tpu.memory_space<vmem>>, vector<1x16xf32>,
          %get3A_130 = vector.shape_cast %get3A_129 : vector<1x16xf32> to vector<16xf32>
          %mul3A_131 = vector.broadcast %squeeze3A : f32 to vector<16xf32>
          %mul3A_132 = arith.mulf %get3A_130, %mul3A_131 : vector<16xf32>
          %swap3A_133 = arith.index_cast %scan3A_80 : i32 to index
          %swap3A_134 = arith.constant 64 : index
          %swap3A_135 = tpu.vector_load %arg9[%swap3A_133, %swap3A_134] {strides = array<i32>} : memref<128x128xf32, #tpu.memory_space<vmem>>, vector<1x16xf32>,
          %swap3A_136 = vector.shape_cast %swap3A_135 : vector<1x16xf32> to vector<16xf32>
          %swap3A_137 = vector.shape_cast %mul3A_132 : vector<16xf32> to vector<1x16xf32>
          tpu.vector_store %arg9[%swap3A_133, %swap3A_134], %swap3A_137 {strides = array<i32>} : memref<128x128xf32, #tpu.memory_space<vmem>>, vector<1x16xf32>,
          %get3A_138 = arith.index_cast %scan3A_80 : i32 to index
          %get3A_139 = arith.constant 80 : index
          %get3A_140 = tpu.vector_load %arg9[%get3A_138, %get3A_139] {strides = array<i32>} : memref<128x128xf32, #tpu.memory_space<vmem>>, vector<1x16xf32>,
          %get3A_141 = vector.shape_cast %get3A_140 : vector<1x16xf32> to vector<16xf32>
          %mul3A_142 = vector.broadcast %squeeze3A : f32 to vector<16xf32>
          %mul3A_143 = arith.mulf %get3A_141, %mul3A_142 : vector<16xf32>
          %swap3A_144 = arith.index_cast %scan3A_80 : i32 to index
          %swap3A_145 = arith.constant 80 : index
          %swap3A_146 = tpu.vector_load %arg9[%swap3A_144, %swap3A_145] {strides = array<i32>} : memref<128x128xf32, #tpu.memory_space<vmem>>, vector<1x16xf32>,
          %swap3A_147 = vector.shape_cast %swap3A_146 : vector<1x16xf32> to vector<16xf32>
          %swap3A_148 = vector.shape_cast %mul3A_143 : vector<16xf32> to vector<1x16xf32>
          tpu.vector_store %arg9[%swap3A_144, %swap3A_145], %swap3A_148 {strides = array<i32>} : memref<128x128xf32, #tpu.memory_space<vmem>>, vector<1x16xf32>,
          %get3A_149 = arith.index_cast %scan3A_80 : i32 to index
          %get3A_150 = arith.constant 96 : index
          %get3A_151 = tpu.vector_load %arg9[%get3A_149, %get3A_150] {strides = array<i32>} : memref<128x128xf32, #tpu.memory_space<vmem>>, vector<1x16xf32>,
          %get3A_152 = vector.shape_cast %get3A_151 : vector<1x16xf32> to vector<16xf32>
          %mul3A_153 = vector.broadcast %squeeze3A : f32 to vector<16xf32>
          %mul3A_154 = arith.mulf %get3A_152, %mul3A_153 : vector<16xf32>
          %swap3A_155 = arith.index_cast %scan3A_80 : i32 to index
          %swap3A_156 = arith.constant 96 : index
          %swap3A_157 = tpu.vector_load %arg9[%swap3A_155, %swap3A_156] {strides = array<i32>} : memref<128x128xf32, #tpu.memory_space<vmem>>, vector<1x16xf32>,
          %swap3A_158 = vector.shape_cast %swap3A_157 : vector<1x16xf32> to vector<16xf32>
          %swap3A_159 = vector.shape_cast %mul3A_154 : vector<16xf32> to vector<1x16xf32>
          tpu.vector_store %arg9[%swap3A_155, %swap3A_156], %swap3A_159 {strides = array<i32>} : memref<128x128xf32, #tpu.memory_space<vmem>>, vector<1x16xf32>,
          %get3A_160 = arith.index_cast %scan3A_80 : i32 to index
          %get3A_161 = arith.constant 112 : index
          %get3A_162 = tpu.vector_load %arg9[%get3A_160, %get3A_161] {strides = array<i32>} : memref<128x128xf32, #tpu.memory_space<vmem>>, vector<1x16xf32>,
          %get3A_163 = vector.shape_cast %get3A_162 : vector<1x16xf32> to vector<16xf32>
          %mul3A_164 = vector.broadcast %squeeze3A : f32 to vector<16xf32>
          %mul3A_165 = arith.mulf %get3A_163, %mul3A_164 : vector<16xf32>
          %swap3A_166 = arith.index_cast %scan3A_80 : i32 to index
          %swap3A_167 = arith.constant 112 : index
          %swap3A_168 = tpu.vector_load %arg9[%swap3A_166, %swap3A_167] {strides = array<i32>} : memref<128x128xf32, #tpu.memory_space<vmem>>, vector<1x16xf32>,
          %swap3A_169 = vector.shape_cast %swap3A_168 : vector<1x16xf32> to vector<16xf32>
          %swap3A_170 = vector.shape_cast %mul3A_165 : vector<16xf32> to vector<1x16xf32>
          tpu.vector_store %arg9[%swap3A_166, %swap3A_167], %swap3A_170 {strides = array<i32>} : memref<128x128xf32, #tpu.memory_space<vmem>>, vector<1x16xf32>,
          %scan3A_171 = arith.constant 0 : i32
          scf.yield %scan3A_171 : i32
        }
        %scan3A_78 = arith.constant 128 : i32
        "tpu.region"() ({
          %run_scoped3A = tpu.sem_alloc : memref<!tpu.dma_semaphore, #tpu.memory_space<semaphore_mem>>
          %dma_start3A_80 = arith.constant 0 : i32
          %dma_start3A_81 = arith.constant 0 : i32
          %dma_start3A_82 = tpu.memref_slice %arg13[%dma_start3A_80, %dma_start3A_81] : memref<10240x128xf32, #tpu.memory_space<vmem_shared>> -> memref<10240x128xf32, #tpu.memory_space<vmem_shared>>
          tpu.enqueue_indirect_dma source(%arg9 : memref<128x128xf32, #tpu.memory_space<vmem>>) target(%dma_start3A_82 : memref<10240x128xf32, #tpu.memory_space<vmem_shared>>) offsets(%arg11 : memref<128xi32, #tpu.memory_space<vmem>>) semaphore(%run_scoped3A : memref<!tpu.dma_semaphore, #tpu.memory_space<semaphore_mem>>) {add = true}
          %dma_wait3A_83 = arith.constant 0 : i32
          %dma_wait3A_84 = arith.constant 0 : i32
          %dma_wait3A_85 = tpu.memref_slice %arg13[%dma_wait3A_83, %dma_wait3A_84] : memref<10240x128xf32, #tpu.memory_space<vmem_shared>> -> memref<10240x128xf32, #tpu.memory_space<vmem_shared>>
          tpu.wait_indirect_dma semaphore(%run_scoped3A : memref<!tpu.dma_semaphore, #tpu.memory_space<semaphore_mem>>) src(%arg9 : memref<128x128xf32, #tpu.memory_space<vmem>>) dst(%dma_wait3A_85 : memref<10240x128xf32, #tpu.memory_space<vmem_shared>>)
          tpu.yield
        }) : () -> ()
        %scan3A_79 = arith.constant 0 : i32
        scf.yield %scan3A_79 : i32
      }
      %scan3A_39 = arith.constant 157 : i32
      %barrier3A_40 = arith.constant 0 : index
      tpu.barrier barrier_id(%barrier3A_40)
      %mul3A_41 = arith.constant 640 : i32
      %mul3A_42 = arith.muli %arg1, %mul3A_41 : i32
      %add3A_43 = arith.constant 0 : i32
      %add3A_44 = arith.addi %mul3A_42, %add3A_43 : i32
      %add3A_45 = arith.constant 0 : i32
      %add3A_46 = arith.addi %mul3A_42, %add3A_45 : i32
      "tpu.region"() ({
        %run_scoped3A = tpu.sem_alloc : memref<!tpu.dma_semaphore, #tpu.memory_space<semaphore_mem>>
        %dma_start3A = arith.constant 0 : i32
        %dma_start3A_63 = tpu.memref_slice %arg7[%add3A_46, %dma_start3A] : memref<10240x128xf32, #tpu.memory_space<hbm>> -> memref<128x128xf32, #tpu.memory_space<hbm>>
        %dma_start3A_64 = arith.constant 0 : i32
        %dma_start3A_65 = tpu.memref_slice %arg13[%add3A_44, %dma_start3A_64] : memref<10240x128xf32, #tpu.memory_space<vmem_shared>> -> memref<128x128xf32, #tpu.memory_space<vmem_shared>>
        tpu.enqueue_dma source(%dma_start3A_65 : memref<128x128xf32, #tpu.memory_space<vmem_shared>>) target(%dma_start3A_63 : memref<128x128xf32, #tpu.memory_space<hbm>>) target_semaphore(%run_scoped3A : memref<!tpu.dma_semaphore, #tpu.memory_space<semaphore_mem>>)
        %dma_wait3A = arith.constant 0 : i32
        %dma_wait3A_66 = tpu.memref_slice %arg7[%add3A_46, %dma_wait3A] : memref<10240x128xf32, #tpu.memory_space<hbm>> -> memref<128x128xf32, #tpu.memory_space<hbm>>
        %dma_wait3A_67 = arith.constant 0 : i32
        %dma_wait3A_68 = tpu.memref_slice %arg13[%add3A_44, %dma_wait3A_67] : memref<10240x128xf32, #tpu.memory_space<vmem_shared>> -> memref<128x128xf32, #tpu.memory_space<vmem_shared>>
        tpu.wait_dma2 semaphore(%run_scoped3A : memref<!tpu.dma_semaphore, #tpu.memory_space<semaphore_mem>>) src(%dma_wait3A_68 : memref<128x128xf32, #tpu.memory_space<vmem_shared>>) dst(%dma_wait3A_66 : memref<128x128xf32, #tpu.memory_space<hbm>>)
        tpu.yield
      }) : () -> ()
      %add3A_47 = arith.constant 128 : i32
      %add3A_48 = arith.addi %mul3A_42, %add3A_47 : i32
      %add3A_49 = arith.constant 128 : i32
      %add3A_50 = arith.addi %mul3A_42, %add3A_49 : i32
      "tpu.region"() ({
        %run_scoped3A = tpu.sem_alloc : memref<!tpu.dma_semaphore, #tpu.memory_space<semaphore_mem>>
        %dma_start3A = arith.constant 0 : i32
        %dma_start3A_63 = tpu.memref_slice %arg7[%add3A_50, %dma_start3A] : memref<10240x128xf32, #tpu.memory_space<hbm>> -> memref<128x128xf32, #tpu.memory_space<hbm>>
        %dma_start3A_64 = arith.constant 0 : i32
        %dma_start3A_65 = tpu.memref_slice %arg13[%add3A_48, %dma_start3A_64] : memref<10240x128xf32, #tpu.memory_space<vmem_shared>> -> memref<128x128xf32, #tpu.memory_space<vmem_shared>>
        tpu.enqueue_dma source(%dma_start3A_65 : memref<128x128xf32, #tpu.memory_space<vmem_shared>>) target(%dma_start3A_63 : memref<128x128xf32, #tpu.memory_space<hbm>>) target_semaphore(%run_scoped3A : memref<!tpu.dma_semaphore, #tpu.memory_space<semaphore_mem>>)
        %dma_wait3A = arith.constant 0 : i32
        %dma_wait3A_66 = tpu.memref_slice %arg7[%add3A_50, %dma_wait3A] : memref<10240x128xf32, #tpu.memory_space<hbm>> -> memref<128x128xf32, #tpu.memory_space<hbm>>
        %dma_wait3A_67 = arith.constant 0 : i32
        %dma_wait3A_68 = tpu.memref_slice %arg13[%add3A_48, %dma_wait3A_67] : memref<10240x128xf32, #tpu.memory_space<vmem_shared>> -> memref<128x128xf32, #tpu.memory_space<vmem_shared>>
        tpu.wait_dma2 semaphore(%run_scoped3A : memref<!tpu.dma_semaphore, #tpu.memory_space<semaphore_mem>>) src(%dma_wait3A_68 : memref<128x128xf32, #tpu.memory_space<vmem_shared>>) dst(%dma_wait3A_66 : memref<128x128xf32, #tpu.memory_space<hbm>>)
        tpu.yield
      }) : () -> ()
      %add3A_51 = arith.constant 256 : i32
      %add3A_52 = arith.addi %mul3A_42, %add3A_51 : i32
      %add3A_53 = arith.constant 256 : i32
      %add3A_54 = arith.addi %mul3A_42, %add3A_53 : i32
      "tpu.region"() ({
        %run_scoped3A = tpu.sem_alloc : memref<!tpu.dma_semaphore, #tpu.memory_space<semaphore_mem>>
        %dma_start3A = arith.constant 0 : i32
        %dma_start3A_63 = tpu.memref_slice %arg7[%add3A_54, %dma_start3A] : memref<10240x128xf32, #tpu.memory_space<hbm>> -> memref<128x128xf32, #tpu.memory_space<hbm>>
        %dma_start3A_64 = arith.constant 0 : i32
        %dma_start3A_65 = tpu.memref_slice %arg13[%add3A_52, %dma_start3A_64] : memref<10240x128xf32, #tpu.memory_space<vmem_shared>> -> memref<128x128xf32, #tpu.memory_space<vmem_shared>>
        tpu.enqueue_dma source(%dma_start3A_65 : memref<128x128xf32, #tpu.memory_space<vmem_shared>>) target(%dma_start3A_63 : memref<128x128xf32, #tpu.memory_space<hbm>>) target_semaphore(%run_scoped3A : memref<!tpu.dma_semaphore, #tpu.memory_space<semaphore_mem>>)
        %dma_wait3A = arith.constant 0 : i32
        %dma_wait3A_66 = tpu.memref_slice %arg7[%add3A_54, %dma_wait3A] : memref<10240x128xf32, #tpu.memory_space<hbm>> -> memref<128x128xf32, #tpu.memory_space<hbm>>
        %dma_wait3A_67 = arith.constant 0 : i32
        %dma_wait3A_68 = tpu.memref_slice %arg13[%add3A_52, %dma_wait3A_67] : memref<10240x128xf32, #tpu.memory_space<vmem_shared>> -> memref<128x128xf32, #tpu.memory_space<vmem_shared>>
        tpu.wait_dma2 semaphore(%run_scoped3A : memref<!tpu.dma_semaphore, #tpu.memory_space<semaphore_mem>>) src(%dma_wait3A_68 : memref<128x128xf32, #tpu.memory_space<vmem_shared>>) dst(%dma_wait3A_66 : memref<128x128xf32, #tpu.memory_space<hbm>>)
        tpu.yield
      }) : () -> ()
      %add3A_55 = arith.constant 384 : i32
      %add3A_56 = arith.addi %mul3A_42, %add3A_55 : i32
      %add3A_57 = arith.constant 384 : i32
      %add3A_58 = arith.addi %mul3A_42, %add3A_57 : i32
      "tpu.region"() ({
        %run_scoped3A = tpu.sem_alloc : memref<!tpu.dma_semaphore, #tpu.memory_space<semaphore_mem>>
        %dma_start3A = arith.constant 0 : i32
        %dma_start3A_63 = tpu.memref_slice %arg7[%add3A_58, %dma_start3A] : memref<10240x128xf32, #tpu.memory_space<hbm>> -> memref<128x128xf32, #tpu.memory_space<hbm>>
        %dma_start3A_64 = arith.constant 0 : i32
        %dma_start3A_65 = tpu.memref_slice %arg13[%add3A_56, %dma_start3A_64] : memref<10240x128xf32, #tpu.memory_space<vmem_shared>> -> memref<128x128xf32, #tpu.memory_space<vmem_shared>>
        tpu.enqueue_dma source(%dma_start3A_65 : memref<128x128xf32, #tpu.memory_space<vmem_shared>>) target(%dma_start3A_63 : memref<128x128xf32, #tpu.memory_space<hbm>>) target_semaphore(%run_scoped3A : memref<!tpu.dma_semaphore, #tpu.memory_space<semaphore_mem>>)
        %dma_wait3A = arith.constant 0 : i32
        %dma_wait3A_66 = tpu.memref_slice %arg7[%add3A_58, %dma_wait3A] : memref<10240x128xf32, #tpu.memory_space<hbm>> -> memref<128x128xf32, #tpu.memory_space<hbm>>
        %dma_wait3A_67 = arith.constant 0 : i32
        %dma_wait3A_68 = tpu.memref_slice %arg13[%add3A_56, %dma_wait3A_67] : memref<10240x128xf32, #tpu.memory_space<vmem_shared>> -> memref<128x128xf32, #tpu.memory_space<vmem_shared>>
        tpu.wait_dma2 semaphore(%run_scoped3A : memref<!tpu.dma_semaphore, #tpu.memory_space<semaphore_mem>>) src(%dma_wait3A_68 : memref<128x128xf32, #tpu.memory_space<vmem_shared>>) dst(%dma_wait3A_66 : memref<128x128xf32, #tpu.memory_space<hbm>>)
        tpu.yield
      }) : () -> ()
      %add3A_59 = arith.constant 512 : i32
      %add3A_60 = arith.addi %mul3A_42, %add3A_59 : i32
      %add3A_61 = arith.constant 512 : i32
      %add3A_62 = arith.addi %mul3A_42, %add3A_61 : i32
      "tpu.region"() ({
        %run_scoped3A = tpu.sem_alloc : memref<!tpu.dma_semaphore, #tpu.memory_space<semaphore_mem>>
        %dma_start3A = arith.constant 0 : i32
        %dma_start3A_63 = tpu.memref_slice %arg7[%add3A_62, %dma_start3A] : memref<10240x128xf32, #tpu.memory_space<hbm>> -> memref<128x128xf32, #tpu.memory_space<hbm>>
        %dma_start3A_64 = arith.constant 0 : i32
        %dma_start3A_65 = tpu.memref_slice %arg13[%add3A_60, %dma_start3A_64] : memref<10240x128xf32, #tpu.memory_space<vmem_shared>> -> memref<128x128xf32, #tpu.memory_space<vmem_shared>>
        tpu.enqueue_dma source(%dma_start3A_65 : memref<128x128xf32, #tpu.memory_space<vmem_shared>>) target(%dma_start3A_63 : memref<128x128xf32, #tpu.memory_space<hbm>>) target_semaphore(%run_scoped3A : memref<!tpu.dma_semaphore, #tpu.memory_space<semaphore_mem>>)
        %dma_wait3A = arith.constant 0 : i32
        %dma_wait3A_66 = tpu.memref_slice %arg7[%add3A_62, %dma_wait3A] : memref<10240x128xf32, #tpu.memory_space<hbm>> -> memref<128x128xf32, #tpu.memory_space<hbm>>
        %dma_wait3A_67 = arith.constant 0 : i32
        %dma_wait3A_68 = tpu.memref_slice %arg13[%add3A_60, %dma_wait3A_67] : memref<10240x128xf32, #tpu.memory_space<vmem_shared>> -> memref<128x128xf32, #tpu.memory_space<vmem_shared>>
        tpu.wait_dma2 semaphore(%run_scoped3A : memref<!tpu.dma_semaphore, #tpu.memory_space<semaphore_mem>>) src(%dma_wait3A_68 : memref<128x128xf32, #tpu.memory_space<vmem_shared>>) dst(%dma_wait3A_66 : memref<128x128xf32, #tpu.memory_space<hbm>>)
        tpu.yield
      }) : () -> ()
    } else {
    }
    %eq3A_2 = arith.constant 1 : i32
    %eq3A_3 = arith.cmpi eq, %arg0, %eq3A_2 : i32
    %convert_element_type3A_4 = arith.extui %eq3A_3 : i1 to i32
    %cond3A_5 = arith.constant 0 : i32
    %cond3A_6 = arith.cmpi ne, %convert_element_type3A_4, %cond3A_5 : i32
    scf.if %cond3A_6 {
      %scan3A = arith.constant 0 : i32
      %scan3A_7 = arith.constant 0 : i32
      %scan3A_8 = arith.constant 128 : i32
      %scan3A_9 = arith.addi %scan3A_7, %scan3A_8 : i32
      %scan3A_10 = arith.constant 1 : i32
      %scan3A_11 = scf.for %scan3A_63 = %scan3A_7 to %scan3A_9 step %scan3A_10 iter_args(%scan3A_64 = %scan3A) -> (i32)  : i32 {
        %broadcast_in_dim3A = arith.constant 0.000000e+00 : f32
        %broadcast_in_dim3A_65 = vector.broadcast %broadcast_in_dim3A : f32 to vector<16xf32>
        %swap3A = arith.index_cast %scan3A_63 : i32 to index
        %swap3A_66 = arith.constant 0 : index
        %swap3A_67 = tpu.vector_load %arg9[%swap3A, %swap3A_66] {strides = array<i32>} : memref<128x128xf32, #tpu.memory_space<vmem>>, vector<1x16xf32>,
        %swap3A_68 = vector.shape_cast %swap3A_67 : vector<1x16xf32> to vector<16xf32>
        %swap3A_69 = vector.shape_cast %broadcast_in_dim3A_65 : vector<16xf32> to vector<1x16xf32>
        tpu.vector_store %arg9[%swap3A, %swap3A_66], %swap3A_69 {strides = array<i32>} : memref<128x128xf32, #tpu.memory_space<vmem>>, vector<1x16xf32>,
        %broadcast_in_dim3A_70 = arith.constant 0.000000e+00 : f32
        %broadcast_in_dim3A_71 = vector.broadcast %broadcast_in_dim3A_70 : f32 to vector<16xf32>
        %swap3A_72 = arith.index_cast %scan3A_63 : i32 to index
        %swap3A_73 = arith.constant 16 : index
        %swap3A_74 = tpu.vector_load %arg9[%swap3A_72, %swap3A_73] {strides = array<i32>} : memref<128x128xf32, #tpu.memory_space<vmem>>, vector<1x16xf32>,
        %swap3A_75 = vector.shape_cast %swap3A_74 : vector<1x16xf32> to vector<16xf32>
        %swap3A_76 = vector.shape_cast %broadcast_in_dim3A_71 : vector<16xf32> to vector<1x16xf32>
        tpu.vector_store %arg9[%swap3A_72, %swap3A_73], %swap3A_76 {strides = array<i32>} : memref<128x128xf32, #tpu.memory_space<vmem>>, vector<1x16xf32>,
        %broadcast_in_dim3A_77 = arith.constant 0.000000e+00 : f32
        %broadcast_in_dim3A_78 = vector.broadcast %broadcast_in_dim3A_77 : f32 to vector<16xf32>
        %swap3A_79 = arith.index_cast %scan3A_63 : i32 to index
        %swap3A_80 = arith.constant 32 : index
        %swap3A_81 = tpu.vector_load %arg9[%swap3A_79, %swap3A_80] {strides = array<i32>} : memref<128x128xf32, #tpu.memory_space<vmem>>, vector<1x16xf32>,
        %swap3A_82 = vector.shape_cast %swap3A_81 : vector<1x16xf32> to vector<16xf32>
        %swap3A_83 = vector.shape_cast %broadcast_in_dim3A_78 : vector<16xf32> to vector<1x16xf32>
        tpu.vector_store %arg9[%swap3A_79, %swap3A_80], %swap3A_83 {strides = array<i32>} : memref<128x128xf32, #tpu.memory_space<vmem>>, vector<1x16xf32>,
        %broadcast_in_dim3A_84 = arith.constant 0.000000e+00 : f32
        %broadcast_in_dim3A_85 = vector.broadcast %broadcast_in_dim3A_84 : f32 to vector<16xf32>
        %swap3A_86 = arith.index_cast %scan3A_63 : i32 to index
        %swap3A_87 = arith.constant 48 : index
        %swap3A_88 = tpu.vector_load %arg9[%swap3A_86, %swap3A_87] {strides = array<i32>} : memref<128x128xf32, #tpu.memory_space<vmem>>, vector<1x16xf32>,
        %swap3A_89 = vector.shape_cast %swap3A_88 : vector<1x16xf32> to vector<16xf32>
        %swap3A_90 = vector.shape_cast %broadcast_in_dim3A_85 : vector<16xf32> to vector<1x16xf32>
        tpu.vector_store %arg9[%swap3A_86, %swap3A_87], %swap3A_90 {strides = array<i32>} : memref<128x128xf32, #tpu.memory_space<vmem>>, vector<1x16xf32>,
        %broadcast_in_dim3A_91 = arith.constant 0.000000e+00 : f32
        %broadcast_in_dim3A_92 = vector.broadcast %broadcast_in_dim3A_91 : f32 to vector<16xf32>
        %swap3A_93 = arith.index_cast %scan3A_63 : i32 to index
        %swap3A_94 = arith.constant 64 : index
        %swap3A_95 = tpu.vector_load %arg9[%swap3A_93, %swap3A_94] {strides = array<i32>} : memref<128x128xf32, #tpu.memory_space<vmem>>, vector<1x16xf32>,
        %swap3A_96 = vector.shape_cast %swap3A_95 : vector<1x16xf32> to vector<16xf32>
        %swap3A_97 = vector.shape_cast %broadcast_in_dim3A_92 : vector<16xf32> to vector<1x16xf32>
        tpu.vector_store %arg9[%swap3A_93, %swap3A_94], %swap3A_97 {strides = array<i32>} : memref<128x128xf32, #tpu.memory_space<vmem>>, vector<1x16xf32>,
        %broadcast_in_dim3A_98 = arith.constant 0.000000e+00 : f32
        %broadcast_in_dim3A_99 = vector.broadcast %broadcast_in_dim3A_98 : f32 to vector<16xf32>
        %swap3A_100 = arith.index_cast %scan3A_63 : i32 to index
        %swap3A_101 = arith.constant 80 : index
        %swap3A_102 = tpu.vector_load %arg9[%swap3A_100, %swap3A_101] {strides = array<i32>} : memref<128x128xf32, #tpu.memory_space<vmem>>, vector<1x16xf32>,
        %swap3A_103 = vector.shape_cast %swap3A_102 : vector<1x16xf32> to vector<16xf32>
        %swap3A_104 = vector.shape_cast %broadcast_in_dim3A_99 : vector<16xf32> to vector<1x16xf32>
        tpu.vector_store %arg9[%swap3A_100, %swap3A_101], %swap3A_104 {strides = array<i32>} : memref<128x128xf32, #tpu.memory_space<vmem>>, vector<1x16xf32>,
        %broadcast_in_dim3A_105 = arith.constant 0.000000e+00 : f32
        %broadcast_in_dim3A_106 = vector.broadcast %broadcast_in_dim3A_105 : f32 to vector<16xf32>
        %swap3A_107 = arith.index_cast %scan3A_63 : i32 to index
        %swap3A_108 = arith.constant 96 : index
        %swap3A_109 = tpu.vector_load %arg9[%swap3A_107, %swap3A_108] {strides = array<i32>} : memref<128x128xf32, #tpu.memory_space<vmem>>, vector<1x16xf32>,
        %swap3A_110 = vector.shape_cast %swap3A_109 : vector<1x16xf32> to vector<16xf32>
        %swap3A_111 = vector.shape_cast %broadcast_in_dim3A_106 : vector<16xf32> to vector<1x16xf32>
        tpu.vector_store %arg9[%swap3A_107, %swap3A_108], %swap3A_111 {strides = array<i32>} : memref<128x128xf32, #tpu.memory_space<vmem>>, vector<1x16xf32>,
        %broadcast_in_dim3A_112 = arith.constant 0.000000e+00 : f32
        %broadcast_in_dim3A_113 = vector.broadcast %broadcast_in_dim3A_112 : f32 to vector<16xf32>
        %swap3A_114 = arith.index_cast %scan3A_63 : i32 to index
        %swap3A_115 = arith.constant 112 : index
        %swap3A_116 = tpu.vector_load %arg9[%swap3A_114, %swap3A_115] {strides = array<i32>} : memref<128x128xf32, #tpu.memory_space<vmem>>, vector<1x16xf32>,
        %swap3A_117 = vector.shape_cast %swap3A_116 : vector<1x16xf32> to vector<16xf32>
        %swap3A_118 = vector.shape_cast %broadcast_in_dim3A_113 : vector<16xf32> to vector<1x16xf32>
        tpu.vector_store %arg9[%swap3A_114, %swap3A_115], %swap3A_118 {strides = array<i32>} : memref<128x128xf32, #tpu.memory_space<vmem>>, vector<1x16xf32>,
        %scan3A_119 = arith.constant 0 : i32
        scf.yield %scan3A_119 : i32
      }
      %scan3A_12 = arith.constant 128 : i32
      %mul3A = arith.constant 640 : i32
      %mul3A_13 = arith.muli %arg1, %mul3A : i32
      %add3A = arith.constant 0 : i32
      %add3A_14 = arith.addi %mul3A_13, %add3A : i32
      "tpu.region"() ({
        %run_scoped3A = tpu.sem_alloc : memref<!tpu.dma_semaphore, #tpu.memory_space<semaphore_mem>>
        %dma_start3A = arith.constant 0 : i32
        %dma_start3A_63 = tpu.memref_slice %arg13[%add3A_14, %dma_start3A] : memref<10240x128xf32, #tpu.memory_space<vmem_shared>> -> memref<128x128xf32, #tpu.memory_space<vmem_shared>>
        %dma_start3A_64 = arith.constant 0 : i32
        %dma_start3A_65 = tpu.memref_slice %arg13[%add3A_14, %dma_start3A_64] : memref<10240x128xf32, #tpu.memory_space<vmem_shared>> -> memref<128x128xf32, #tpu.memory_space<vmem_shared>>
        tpu.enqueue_dma source(%arg9 : memref<128x128xf32, #tpu.memory_space<vmem>>) target(%dma_start3A_65 : memref<128x128xf32, #tpu.memory_space<vmem_shared>>) target_semaphore(%run_scoped3A : memref<!tpu.dma_semaphore, #tpu.memory_space<semaphore_mem>>)
        %dma_wait3A = arith.constant 0 : i32
        %dma_wait3A_66 = tpu.memref_slice %arg13[%add3A_14, %dma_wait3A] : memref<10240x128xf32, #tpu.memory_space<vmem_shared>> -> memref<128x128xf32, #tpu.memory_space<vmem_shared>>
        %dma_wait3A_67 = arith.constant 0 : i32
        %dma_wait3A_68 = tpu.memref_slice %arg13[%add3A_14, %dma_wait3A_67] : memref<10240x128xf32, #tpu.memory_space<vmem_shared>> -> memref<128x128xf32, #tpu.memory_space<vmem_shared>>
        tpu.wait_dma2 semaphore(%run_scoped3A : memref<!tpu.dma_semaphore, #tpu.memory_space<semaphore_mem>>) src(%arg9 : memref<128x128xf32, #tpu.memory_space<vmem>>) dst(%dma_wait3A_68 : memref<128x128xf32, #tpu.memory_space<vmem_shared>>)
        tpu.yield
      }) : () -> ()
      %mul3A_15 = arith.constant 640 : i32
      %mul3A_16 = arith.muli %arg1, %mul3A_15 : i32
      %add3A_17 = arith.constant 128 : i32
      %add3A_18 = arith.addi %mul3A_16, %add3A_17 : i32
      "tpu.region"() ({
        %run_scoped3A = tpu.sem_alloc : memref<!tpu.dma_semaphore, #tpu.memory_space<semaphore_mem>>
        %dma_start3A = arith.constant 0 : i32
        %dma_start3A_63 = tpu.memref_slice %arg13[%add3A_18, %dma_start3A] : memref<10240x128xf32, #tpu.memory_space<vmem_shared>> -> memref<128x128xf32, #tpu.memory_space<vmem_shared>>
        %dma_start3A_64 = arith.constant 0 : i32
        %dma_start3A_65 = tpu.memref_slice %arg13[%add3A_18, %dma_start3A_64] : memref<10240x128xf32, #tpu.memory_space<vmem_shared>> -> memref<128x128xf32, #tpu.memory_space<vmem_shared>>
        tpu.enqueue_dma source(%arg9 : memref<128x128xf32, #tpu.memory_space<vmem>>) target(%dma_start3A_65 : memref<128x128xf32, #tpu.memory_space<vmem_shared>>) target_semaphore(%run_scoped3A : memref<!tpu.dma_semaphore, #tpu.memory_space<semaphore_mem>>)
        %dma_wait3A = arith.constant 0 : i32
        %dma_wait3A_66 = tpu.memref_slice %arg13[%add3A_18, %dma_wait3A] : memref<10240x128xf32, #tpu.memory_space<vmem_shared>> -> memref<128x128xf32, #tpu.memory_space<vmem_shared>>
        %dma_wait3A_67 = arith.constant 0 : i32
        %dma_wait3A_68 = tpu.memref_slice %arg13[%add3A_18, %dma_wait3A_67] : memref<10240x128xf32, #tpu.memory_space<vmem_shared>> -> memref<128x128xf32, #tpu.memory_space<vmem_shared>>
        tpu.wait_dma2 semaphore(%run_scoped3A : memref<!tpu.dma_semaphore, #tpu.memory_space<semaphore_mem>>) src(%arg9 : memref<128x128xf32, #tpu.memory_space<vmem>>) dst(%dma_wait3A_68 : memref<128x128xf32, #tpu.memory_space<vmem_shared>>)
        tpu.yield
      }) : () -> ()
      %mul3A_19 = arith.constant 640 : i32
      %mul3A_20 = arith.muli %arg1, %mul3A_19 : i32
      %add3A_21 = arith.constant 256 : i32
      %add3A_22 = arith.addi %mul3A_20, %add3A_21 : i32
      "tpu.region"() ({
        %run_scoped3A = tpu.sem_alloc : memref<!tpu.dma_semaphore, #tpu.memory_space<semaphore_mem>>
        %dma_start3A = arith.constant 0 : i32
        %dma_start3A_63 = tpu.memref_slice %arg13[%add3A_22, %dma_start3A] : memref<10240x128xf32, #tpu.memory_space<vmem_shared>> -> memref<128x128xf32, #tpu.memory_space<vmem_shared>>
        %dma_start3A_64 = arith.constant 0 : i32
        %dma_start3A_65 = tpu.memref_slice %arg13[%add3A_22, %dma_start3A_64] : memref<10240x128xf32, #tpu.memory_space<vmem_shared>> -> memref<128x128xf32, #tpu.memory_space<vmem_shared>>
        tpu.enqueue_dma source(%arg9 : memref<128x128xf32, #tpu.memory_space<vmem>>) target(%dma_start3A_65 : memref<128x128xf32, #tpu.memory_space<vmem_shared>>) target_semaphore(%run_scoped3A : memref<!tpu.dma_semaphore, #tpu.memory_space<semaphore_mem>>)
        %dma_wait3A = arith.constant 0 : i32
        %dma_wait3A_66 = tpu.memref_slice %arg13[%add3A_22, %dma_wait3A] : memref<10240x128xf32, #tpu.memory_space<vmem_shared>> -> memref<128x128xf32, #tpu.memory_space<vmem_shared>>
        %dma_wait3A_67 = arith.constant 0 : i32
        %dma_wait3A_68 = tpu.memref_slice %arg13[%add3A_22, %dma_wait3A_67] : memref<10240x128xf32, #tpu.memory_space<vmem_shared>> -> memref<128x128xf32, #tpu.memory_space<vmem_shared>>
        tpu.wait_dma2 semaphore(%run_scoped3A : memref<!tpu.dma_semaphore, #tpu.memory_space<semaphore_mem>>) src(%arg9 : memref<128x128xf32, #tpu.memory_space<vmem>>) dst(%dma_wait3A_68 : memref<128x128xf32, #tpu.memory_space<vmem_shared>>)
        tpu.yield
      }) : () -> ()
      %mul3A_23 = arith.constant 640 : i32
      %mul3A_24 = arith.muli %arg1, %mul3A_23 : i32
      %add3A_25 = arith.constant 384 : i32
      %add3A_26 = arith.addi %mul3A_24, %add3A_25 : i32
      "tpu.region"() ({
        %run_scoped3A = tpu.sem_alloc : memref<!tpu.dma_semaphore, #tpu.memory_space<semaphore_mem>>
        %dma_start3A = arith.constant 0 : i32
        %dma_start3A_63 = tpu.memref_slice %arg13[%add3A_26, %dma_start3A] : memref<10240x128xf32, #tpu.memory_space<vmem_shared>> -> memref<128x128xf32, #tpu.memory_space<vmem_shared>>
        %dma_start3A_64 = arith.constant 0 : i32
        %dma_start3A_65 = tpu.memref_slice %arg13[%add3A_26, %dma_start3A_64] : memref<10240x128xf32, #tpu.memory_space<vmem_shared>> -> memref<128x128xf32, #tpu.memory_space<vmem_shared>>
        tpu.enqueue_dma source(%arg9 : memref<128x128xf32, #tpu.memory_space<vmem>>) target(%dma_start3A_65 : memref<128x128xf32, #tpu.memory_space<vmem_shared>>) target_semaphore(%run_scoped3A : memref<!tpu.dma_semaphore, #tpu.memory_space<semaphore_mem>>)
        %dma_wait3A = arith.constant 0 : i32
        %dma_wait3A_66 = tpu.memref_slice %arg13[%add3A_26, %dma_wait3A] : memref<10240x128xf32, #tpu.memory_space<vmem_shared>> -> memref<128x128xf32, #tpu.memory_space<vmem_shared>>
        %dma_wait3A_67 = arith.constant 0 : i32
        %dma_wait3A_68 = tpu.memref_slice %arg13[%add3A_26, %dma_wait3A_67] : memref<10240x128xf32, #tpu.memory_space<vmem_shared>> -> memref<128x128xf32, #tpu.memory_space<vmem_shared>>
        tpu.wait_dma2 semaphore(%run_scoped3A : memref<!tpu.dma_semaphore, #tpu.memory_space<semaphore_mem>>) src(%arg9 : memref<128x128xf32, #tpu.memory_space<vmem>>) dst(%dma_wait3A_68 : memref<128x128xf32, #tpu.memory_space<vmem_shared>>)
        tpu.yield
      }) : () -> ()
      %mul3A_27 = arith.constant 640 : i32
      %mul3A_28 = arith.muli %arg1, %mul3A_27 : i32
      %add3A_29 = arith.constant 512 : i32
      %add3A_30 = arith.addi %mul3A_28, %add3A_29 : i32
      "tpu.region"() ({
        %run_scoped3A = tpu.sem_alloc : memref<!tpu.dma_semaphore, #tpu.memory_space<semaphore_mem>>
        %dma_start3A = arith.constant 0 : i32
        %dma_start3A_63 = tpu.memref_slice %arg13[%add3A_30, %dma_start3A] : memref<10240x128xf32, #tpu.memory_space<vmem_shared>> -> memref<128x128xf32, #tpu.memory_space<vmem_shared>>
        %dma_start3A_64 = arith.constant 0 : i32
        %dma_start3A_65 = tpu.memref_slice %arg13[%add3A_30, %dma_start3A_64] : memref<10240x128xf32, #tpu.memory_space<vmem_shared>> -> memref<128x128xf32, #tpu.memory_space<vmem_shared>>
        tpu.enqueue_dma source(%arg9 : memref<128x128xf32, #tpu.memory_space<vmem>>) target(%dma_start3A_65 : memref<128x128xf32, #tpu.memory_space<vmem_shared>>) target_semaphore(%run_scoped3A : memref<!tpu.dma_semaphore, #tpu.memory_space<semaphore_mem>>)
        %dma_wait3A = arith.constant 0 : i32
        %dma_wait3A_66 = tpu.memref_slice %arg13[%add3A_30, %dma_wait3A] : memref<10240x128xf32, #tpu.memory_space<vmem_shared>> -> memref<128x128xf32, #tpu.memory_space<vmem_shared>>
        %dma_wait3A_67 = arith.constant 0 : i32
        %dma_wait3A_68 = tpu.memref_slice %arg13[%add3A_30, %dma_wait3A_67] : memref<10240x128xf32, #tpu.memory_space<vmem_shared>> -> memref<128x128xf32, #tpu.memory_space<vmem_shared>>
        tpu.wait_dma2 semaphore(%run_scoped3A : memref<!tpu.dma_semaphore, #tpu.memory_space<semaphore_mem>>) src(%arg9 : memref<128x128xf32, #tpu.memory_space<vmem>>) dst(%dma_wait3A_68 : memref<128x128xf32, #tpu.memory_space<vmem_shared>>)
        tpu.yield
      }) : () -> ()
      %barrier3A = arith.constant 0 : index
      tpu.barrier barrier_id(%barrier3A)
      %mul3A_31 = arith.constant 20096 : i32
      %mul3A_32 = arith.muli %arg1, %mul3A_31 : i32
      %scan3A_33 = arith.constant 0 : i32
      %scan3A_34 = arith.constant 0 : i32
      %scan3A_35 = arith.constant 157 : i32
      %scan3A_36 = arith.addi %scan3A_34, %scan3A_35 : i32
      %scan3A_37 = arith.constant 1 : i32
      %scan3A_38 = scf.for %scan3A_63 = %scan3A_34 to %scan3A_36 step %scan3A_37 iter_args(%scan3A_64 = %scan3A_33) -> (i32)  : i32 {
        %mul3A_65 = arith.constant 128 : i32
        %mul3A_66 = arith.muli %scan3A_63, %mul3A_65 : i32
        %add3A_67 = arith.addi %mul3A_32, %mul3A_66 : i32
        "tpu.region"() ({
          %run_scoped3A = tpu.sem_alloc : memref<!tpu.dma_semaphore, #tpu.memory_space<semaphore_mem>>
          %dma_start3A_80 = tpu.memref_slice %arg4[%add3A_67] : memref<321536xi32, #tpu.memory_space<hbm>> -> memref<128xi32, #tpu.memory_space<hbm>>
          %dma_start3A_81 = tpu.memref_slice %arg4[%add3A_67] : memref<321536xi32, #tpu.memory_space<hbm>> -> memref<128xi32, #tpu.memory_space<hbm>>
          tpu.enqueue_dma source(%dma_start3A_81 : memref<128xi32, #tpu.memory_space<hbm>>) target(%arg10 : memref<128xi32, #tpu.memory_space<vmem>>) target_semaphore(%run_scoped3A : memref<!tpu.dma_semaphore, #tpu.memory_space<semaphore_mem>>)
          %dma_wait3A_82 = tpu.memref_slice %arg4[%add3A_67] : memref<321536xi32, #tpu.memory_space<hbm>> -> memref<128xi32, #tpu.memory_space<hbm>>
          %dma_wait3A_83 = tpu.memref_slice %arg4[%add3A_67] : memref<321536xi32, #tpu.memory_space<hbm>> -> memref<128xi32, #tpu.memory_space<hbm>>
          tpu.wait_dma2 semaphore(%run_scoped3A : memref<!tpu.dma_semaphore, #tpu.memory_space<semaphore_mem>>) src(%dma_wait3A_83 : memref<128xi32, #tpu.memory_space<hbm>>) dst(%arg10 : memref<128xi32, #tpu.memory_space<vmem>>)
          tpu.yield
        }) : () -> ()
        "tpu.region"() ({
          %run_scoped3A = tpu.sem_alloc : memref<!tpu.dma_semaphore, #tpu.memory_space<semaphore_mem>>
          %dma_start3A_80 = tpu.memref_slice %arg5[%add3A_67] : memref<321536xi32, #tpu.memory_space<hbm>> -> memref<128xi32, #tpu.memory_space<hbm>>
          %dma_start3A_81 = tpu.memref_slice %arg5[%add3A_67] : memref<321536xi32, #tpu.memory_space<hbm>> -> memref<128xi32, #tpu.memory_space<hbm>>
          tpu.enqueue_dma source(%dma_start3A_81 : memref<128xi32, #tpu.memory_space<hbm>>) target(%arg11 : memref<128xi32, #tpu.memory_space<vmem>>) target_semaphore(%run_scoped3A : memref<!tpu.dma_semaphore, #tpu.memory_space<semaphore_mem>>)
          %dma_wait3A_82 = tpu.memref_slice %arg5[%add3A_67] : memref<321536xi32, #tpu.memory_space<hbm>> -> memref<128xi32, #tpu.memory_space<hbm>>
          %dma_wait3A_83 = tpu.memref_slice %arg5[%add3A_67] : memref<321536xi32, #tpu.memory_space<hbm>> -> memref<128xi32, #tpu.memory_space<hbm>>
          tpu.wait_dma2 semaphore(%run_scoped3A : memref<!tpu.dma_semaphore, #tpu.memory_space<semaphore_mem>>) src(%dma_wait3A_83 : memref<128xi32, #tpu.memory_space<hbm>>) dst(%arg11 : memref<128xi32, #tpu.memory_space<vmem>>)
          tpu.yield
        }) : () -> ()
        "tpu.region"() ({
          %run_scoped3A = tpu.sem_alloc : memref<!tpu.dma_semaphore, #tpu.memory_space<semaphore_mem>>
          %dma_start3A_80 = arith.constant 0 : i32
          %dma_start3A_81 = tpu.memref_slice %arg12[%dma_start3A_80] : memref<144xf32, #tpu.memory_space<vmem>> -> memref<128xf32, #tpu.memory_space<vmem>>
          %dma_start3A_82 = tpu.memref_slice %arg6[%add3A_67] : memref<321536xf32, #tpu.memory_space<hbm>> -> memref<128xf32, #tpu.memory_space<hbm>>
          %dma_start3A_83 = arith.constant 0 : i32
          %dma_start3A_84 = tpu.memref_slice %arg12[%dma_start3A_83] : memref<144xf32, #tpu.memory_space<vmem>> -> memref<128xf32, #tpu.memory_space<vmem>>
          %dma_start3A_85 = tpu.memref_slice %arg6[%add3A_67] : memref<321536xf32, #tpu.memory_space<hbm>> -> memref<128xf32, #tpu.memory_space<hbm>>
          tpu.enqueue_dma source(%dma_start3A_85 : memref<128xf32, #tpu.memory_space<hbm>>) target(%dma_start3A_84 : memref<128xf32, #tpu.memory_space<vmem>>) target_semaphore(%run_scoped3A : memref<!tpu.dma_semaphore, #tpu.memory_space<semaphore_mem>>)
          %dma_wait3A_86 = arith.constant 0 : i32
          %dma_wait3A_87 = tpu.memref_slice %arg12[%dma_wait3A_86] : memref<144xf32, #tpu.memory_space<vmem>> -> memref<128xf32, #tpu.memory_space<vmem>>
          %dma_wait3A_88 = tpu.memref_slice %arg6[%add3A_67] : memref<321536xf32, #tpu.memory_space<hbm>> -> memref<128xf32, #tpu.memory_space<hbm>>
          %dma_wait3A_89 = arith.constant 0 : i32
          %dma_wait3A_90 = tpu.memref_slice %arg12[%dma_wait3A_89] : memref<144xf32, #tpu.memory_space<vmem>> -> memref<128xf32, #tpu.memory_space<vmem>>
          %dma_wait3A_91 = tpu.memref_slice %arg6[%add3A_67] : memref<321536xf32, #tpu.memory_space<hbm>> -> memref<128xf32, #tpu.memory_space<hbm>>
          tpu.wait_dma2 semaphore(%run_scoped3A : memref<!tpu.dma_semaphore, #tpu.memory_space<semaphore_mem>>) src(%dma_wait3A_91 : memref<128xf32, #tpu.memory_space<hbm>>) dst(%dma_wait3A_90 : memref<128xf32, #tpu.memory_space<vmem>>)
          tpu.yield
        }) : () -> ()
        %dma_start3A = arith.constant 0 : i32
        %dma_start3A_68 = arith.constant 0 : i32
        %dma_start3A_69 = tpu.memref_slice %arg3[%dma_start3A, %dma_start3A_68] : memref<10240x128xf32, #tpu.memory_space<hbm>> -> memref<10240x128xf32, #tpu.memory_space<hbm>>
        tpu.enqueue_indirect_dma source(%dma_start3A_69 : memref<10240x128xf32, #tpu.memory_space<hbm>>) target(%arg9 : memref<128x128xf32, #tpu.memory_space<vmem>>) offsets(%arg10 : memref<128xi32, #tpu.memory_space<vmem>>) semaphore(%arg14 : memref<!tpu.dma_semaphore, #tpu.memory_space<semaphore_mem>>)
        %dma_wait3A = arith.constant 0 : i32
        %dma_wait3A_70 = arith.constant 0 : i32
        %dma_wait3A_71 = tpu.memref_slice %arg3[%dma_wait3A, %dma_wait3A_70] : memref<10240x128xf32, #tpu.memory_space<hbm>> -> memref<10240x128xf32, #tpu.memory_space<hbm>>
        tpu.wait_indirect_dma semaphore(%arg14 : memref<!tpu.dma_semaphore, #tpu.memory_space<semaphore_mem>>) src(%dma_wait3A_71 : memref<10240x128xf32, #tpu.memory_space<hbm>>) dst(%arg9 : memref<128x128xf32, #tpu.memory_space<vmem>>)
        %scan3A_72 = arith.constant 0 : i32
        %scan3A_73 = arith.constant 0 : i32
        %scan3A_74 = arith.constant 128 : i32
        %scan3A_75 = arith.addi %scan3A_73, %scan3A_74 : i32
        %scan3A_76 = arith.constant 1 : i32
        %scan3A_77 = scf.for %scan3A_80 = %scan3A_73 to %scan3A_75 step %scan3A_76 iter_args(%scan3A_81 = %scan3A_72) -> (i32)  : i32 {
          %get3A = arith.index_cast %scan3A_80 : i32 to index
          %get3A_82 = tpu.vector_load %arg12[%get3A] {strides = array<i32>} : memref<144xf32, #tpu.memory_space<vmem>>, vector<16xf32>,
          %get3A_83 = vector.shape_cast %get3A_82 : vector<16xf32> to vector<16xf32>
          %slice3A = vector.extract_strided_slice %get3A_83 {offsets = [0], sizes = [1], strides = [1]} : vector<16xf32> to vector<1xf32>
          %squeeze3A = vector.extract %slice3A[0] : f32 from vector<1xf32>
          %get3A_84 = arith.index_cast %scan3A_80 : i32 to index
          %get3A_85 = arith.constant 0 : index
          %get3A_86 = tpu.vector_load %arg9[%get3A_84, %get3A_85] {strides = array<i32>} : memref<128x128xf32, #tpu.memory_space<vmem>>, vector<1x16xf32>,
          %get3A_87 = vector.shape_cast %get3A_86 : vector<1x16xf32> to vector<16xf32>
          %mul3A_88 = vector.broadcast %squeeze3A : f32 to vector<16xf32>
          %mul3A_89 = arith.mulf %get3A_87, %mul3A_88 : vector<16xf32>
          %swap3A = arith.index_cast %scan3A_80 : i32 to index
          %swap3A_90 = arith.constant 0 : index
          %swap3A_91 = tpu.vector_load %arg9[%swap3A, %swap3A_90] {strides = array<i32>} : memref<128x128xf32, #tpu.memory_space<vmem>>, vector<1x16xf32>,
          %swap3A_92 = vector.shape_cast %swap3A_91 : vector<1x16xf32> to vector<16xf32>
          %swap3A_93 = vector.shape_cast %mul3A_89 : vector<16xf32> to vector<1x16xf32>
          tpu.vector_store %arg9[%swap3A, %swap3A_90], %swap3A_93 {strides = array<i32>} : memref<128x128xf32, #tpu.memory_space<vmem>>, vector<1x16xf32>,
          %get3A_94 = arith.index_cast %scan3A_80 : i32 to index
          %get3A_95 = arith.constant 16 : index
          %get3A_96 = tpu.vector_load %arg9[%get3A_94, %get3A_95] {strides = array<i32>} : memref<128x128xf32, #tpu.memory_space<vmem>>, vector<1x16xf32>,
          %get3A_97 = vector.shape_cast %get3A_96 : vector<1x16xf32> to vector<16xf32>
          %mul3A_98 = vector.broadcast %squeeze3A : f32 to vector<16xf32>
          %mul3A_99 = arith.mulf %get3A_97, %mul3A_98 : vector<16xf32>
          %swap3A_100 = arith.index_cast %scan3A_80 : i32 to index
          %swap3A_101 = arith.constant 16 : index
          %swap3A_102 = tpu.vector_load %arg9[%swap3A_100, %swap3A_101] {strides = array<i32>} : memref<128x128xf32, #tpu.memory_space<vmem>>, vector<1x16xf32>,
          %swap3A_103 = vector.shape_cast %swap3A_102 : vector<1x16xf32> to vector<16xf32>
          %swap3A_104 = vector.shape_cast %mul3A_99 : vector<16xf32> to vector<1x16xf32>
          tpu.vector_store %arg9[%swap3A_100, %swap3A_101], %swap3A_104 {strides = array<i32>} : memref<128x128xf32, #tpu.memory_space<vmem>>, vector<1x16xf32>,
          %get3A_105 = arith.index_cast %scan3A_80 : i32 to index
          %get3A_106 = arith.constant 32 : index
          %get3A_107 = tpu.vector_load %arg9[%get3A_105, %get3A_106] {strides = array<i32>} : memref<128x128xf32, #tpu.memory_space<vmem>>, vector<1x16xf32>,
          %get3A_108 = vector.shape_cast %get3A_107 : vector<1x16xf32> to vector<16xf32>
          %mul3A_109 = vector.broadcast %squeeze3A : f32 to vector<16xf32>
          %mul3A_110 = arith.mulf %get3A_108, %mul3A_109 : vector<16xf32>
          %swap3A_111 = arith.index_cast %scan3A_80 : i32 to index
          %swap3A_112 = arith.constant 32 : index
          %swap3A_113 = tpu.vector_load %arg9[%swap3A_111, %swap3A_112] {strides = array<i32>} : memref<128x128xf32, #tpu.memory_space<vmem>>, vector<1x16xf32>,
          %swap3A_114 = vector.shape_cast %swap3A_113 : vector<1x16xf32> to vector<16xf32>
          %swap3A_115 = vector.shape_cast %mul3A_110 : vector<16xf32> to vector<1x16xf32>
          tpu.vector_store %arg9[%swap3A_111, %swap3A_112], %swap3A_115 {strides = array<i32>} : memref<128x128xf32, #tpu.memory_space<vmem>>, vector<1x16xf32>,
          %get3A_116 = arith.index_cast %scan3A_80 : i32 to index
          %get3A_117 = arith.constant 48 : index
          %get3A_118 = tpu.vector_load %arg9[%get3A_116, %get3A_117] {strides = array<i32>} : memref<128x128xf32, #tpu.memory_space<vmem>>, vector<1x16xf32>,
          %get3A_119 = vector.shape_cast %get3A_118 : vector<1x16xf32> to vector<16xf32>
          %mul3A_120 = vector.broadcast %squeeze3A : f32 to vector<16xf32>
          %mul3A_121 = arith.mulf %get3A_119, %mul3A_120 : vector<16xf32>
          %swap3A_122 = arith.index_cast %scan3A_80 : i32 to index
          %swap3A_123 = arith.constant 48 : index
          %swap3A_124 = tpu.vector_load %arg9[%swap3A_122, %swap3A_123] {strides = array<i32>} : memref<128x128xf32, #tpu.memory_space<vmem>>, vector<1x16xf32>,
          %swap3A_125 = vector.shape_cast %swap3A_124 : vector<1x16xf32> to vector<16xf32>
          %swap3A_126 = vector.shape_cast %mul3A_121 : vector<16xf32> to vector<1x16xf32>
          tpu.vector_store %arg9[%swap3A_122, %swap3A_123], %swap3A_126 {strides = array<i32>} : memref<128x128xf32, #tpu.memory_space<vmem>>, vector<1x16xf32>,
          %get3A_127 = arith.index_cast %scan3A_80 : i32 to index
          %get3A_128 = arith.constant 64 : index
          %get3A_129 = tpu.vector_load %arg9[%get3A_127, %get3A_128] {strides = array<i32>} : memref<128x128xf32, #tpu.memory_space<vmem>>, vector<1x16xf32>,
          %get3A_130 = vector.shape_cast %get3A_129 : vector<1x16xf32> to vector<16xf32>
          %mul3A_131 = vector.broadcast %squeeze3A : f32 to vector<16xf32>
          %mul3A_132 = arith.mulf %get3A_130, %mul3A_131 : vector<16xf32>
          %swap3A_133 = arith.index_cast %scan3A_80 : i32 to index
          %swap3A_134 = arith.constant 64 : index
          %swap3A_135 = tpu.vector_load %arg9[%swap3A_133, %swap3A_134] {strides = array<i32>} : memref<128x128xf32, #tpu.memory_space<vmem>>, vector<1x16xf32>,
          %swap3A_136 = vector.shape_cast %swap3A_135 : vector<1x16xf32> to vector<16xf32>
          %swap3A_137 = vector.shape_cast %mul3A_132 : vector<16xf32> to vector<1x16xf32>
          tpu.vector_store %arg9[%swap3A_133, %swap3A_134], %swap3A_137 {strides = array<i32>} : memref<128x128xf32, #tpu.memory_space<vmem>>, vector<1x16xf32>,
          %get3A_138 = arith.index_cast %scan3A_80 : i32 to index
          %get3A_139 = arith.constant 80 : index
          %get3A_140 = tpu.vector_load %arg9[%get3A_138, %get3A_139] {strides = array<i32>} : memref<128x128xf32, #tpu.memory_space<vmem>>, vector<1x16xf32>,
          %get3A_141 = vector.shape_cast %get3A_140 : vector<1x16xf32> to vector<16xf32>
          %mul3A_142 = vector.broadcast %squeeze3A : f32 to vector<16xf32>
          %mul3A_143 = arith.mulf %get3A_141, %mul3A_142 : vector<16xf32>
          %swap3A_144 = arith.index_cast %scan3A_80 : i32 to index
          %swap3A_145 = arith.constant 80 : index
          %swap3A_146 = tpu.vector_load %arg9[%swap3A_144, %swap3A_145] {strides = array<i32>} : memref<128x128xf32, #tpu.memory_space<vmem>>, vector<1x16xf32>,
          %swap3A_147 = vector.shape_cast %swap3A_146 : vector<1x16xf32> to vector<16xf32>
          %swap3A_148 = vector.shape_cast %mul3A_143 : vector<16xf32> to vector<1x16xf32>
          tpu.vector_store %arg9[%swap3A_144, %swap3A_145], %swap3A_148 {strides = array<i32>} : memref<128x128xf32, #tpu.memory_space<vmem>>, vector<1x16xf32>,
          %get3A_149 = arith.index_cast %scan3A_80 : i32 to index
          %get3A_150 = arith.constant 96 : index
          %get3A_151 = tpu.vector_load %arg9[%get3A_149, %get3A_150] {strides = array<i32>} : memref<128x128xf32, #tpu.memory_space<vmem>>, vector<1x16xf32>,
          %get3A_152 = vector.shape_cast %get3A_151 : vector<1x16xf32> to vector<16xf32>
          %mul3A_153 = vector.broadcast %squeeze3A : f32 to vector<16xf32>
          %mul3A_154 = arith.mulf %get3A_152, %mul3A_153 : vector<16xf32>
          %swap3A_155 = arith.index_cast %scan3A_80 : i32 to index
          %swap3A_156 = arith.constant 96 : index
          %swap3A_157 = tpu.vector_load %arg9[%swap3A_155, %swap3A_156] {strides = array<i32>} : memref<128x128xf32, #tpu.memory_space<vmem>>, vector<1x16xf32>,
          %swap3A_158 = vector.shape_cast %swap3A_157 : vector<1x16xf32> to vector<16xf32>
          %swap3A_159 = vector.shape_cast %mul3A_154 : vector<16xf32> to vector<1x16xf32>
          tpu.vector_store %arg9[%swap3A_155, %swap3A_156], %swap3A_159 {strides = array<i32>} : memref<128x128xf32, #tpu.memory_space<vmem>>, vector<1x16xf32>,
          %get3A_160 = arith.index_cast %scan3A_80 : i32 to index
          %get3A_161 = arith.constant 112 : index
          %get3A_162 = tpu.vector_load %arg9[%get3A_160, %get3A_161] {strides = array<i32>} : memref<128x128xf32, #tpu.memory_space<vmem>>, vector<1x16xf32>,
          %get3A_163 = vector.shape_cast %get3A_162 : vector<1x16xf32> to vector<16xf32>
          %mul3A_164 = vector.broadcast %squeeze3A : f32 to vector<16xf32>
          %mul3A_165 = arith.mulf %get3A_163, %mul3A_164 : vector<16xf32>
          %swap3A_166 = arith.index_cast %scan3A_80 : i32 to index
          %swap3A_167 = arith.constant 112 : index
          %swap3A_168 = tpu.vector_load %arg9[%swap3A_166, %swap3A_167] {strides = array<i32>} : memref<128x128xf32, #tpu.memory_space<vmem>>, vector<1x16xf32>,
          %swap3A_169 = vector.shape_cast %swap3A_168 : vector<1x16xf32> to vector<16xf32>
          %swap3A_170 = vector.shape_cast %mul3A_165 : vector<16xf32> to vector<1x16xf32>
          tpu.vector_store %arg9[%swap3A_166, %swap3A_167], %swap3A_170 {strides = array<i32>} : memref<128x128xf32, #tpu.memory_space<vmem>>, vector<1x16xf32>,
          %scan3A_171 = arith.constant 0 : i32
          scf.yield %scan3A_171 : i32
        }
        %scan3A_78 = arith.constant 128 : i32
        "tpu.region"() ({
          %run_scoped3A = tpu.sem_alloc : memref<!tpu.dma_semaphore, #tpu.memory_space<semaphore_mem>>
          %dma_start3A_80 = arith.constant 0 : i32
          %dma_start3A_81 = arith.constant 0 : i32
          %dma_start3A_82 = tpu.memref_slice %arg13[%dma_start3A_80, %dma_start3A_81] : memref<10240x128xf32, #tpu.memory_space<vmem_shared>> -> memref<10240x128xf32, #tpu.memory_space<vmem_shared>>
          tpu.enqueue_indirect_dma source(%arg9 : memref<128x128xf32, #tpu.memory_space<vmem>>) target(%dma_start3A_82 : memref<10240x128xf32, #tpu.memory_space<vmem_shared>>) offsets(%arg11 : memref<128xi32, #tpu.memory_space<vmem>>) semaphore(%run_scoped3A : memref<!tpu.dma_semaphore, #tpu.memory_space<semaphore_mem>>) {add = true}
          %dma_wait3A_83 = arith.constant 0 : i32
          %dma_wait3A_84 = arith.constant 0 : i32
          %dma_wait3A_85 = tpu.memref_slice %arg13[%dma_wait3A_83, %dma_wait3A_84] : memref<10240x128xf32, #tpu.memory_space<vmem_shared>> -> memref<10240x128xf32, #tpu.memory_space<vmem_shared>>
          tpu.wait_indirect_dma semaphore(%run_scoped3A : memref<!tpu.dma_semaphore, #tpu.memory_space<semaphore_mem>>) src(%arg9 : memref<128x128xf32, #tpu.memory_space<vmem>>) dst(%dma_wait3A_85 : memref<10240x128xf32, #tpu.memory_space<vmem_shared>>)
          tpu.yield
        }) : () -> ()
        %scan3A_79 = arith.constant 0 : i32
        scf.yield %scan3A_79 : i32
      }
      %scan3A_39 = arith.constant 157 : i32
      %barrier3A_40 = arith.constant 0 : index
      tpu.barrier barrier_id(%barrier3A_40)
      %mul3A_41 = arith.constant 640 : i32
      %mul3A_42 = arith.muli %arg1, %mul3A_41 : i32
      %add3A_43 = arith.constant 0 : i32
      %add3A_44 = arith.addi %mul3A_42, %add3A_43 : i32
      %add3A_45 = arith.constant 0 : i32
      %add3A_46 = arith.addi %mul3A_42, %add3A_45 : i32
      "tpu.region"() ({
        %run_scoped3A = tpu.sem_alloc : memref<!tpu.dma_semaphore, #tpu.memory_space<semaphore_mem>>
        %dma_start3A = arith.constant 0 : i32
        %dma_start3A_63 = tpu.memref_slice %arg8[%add3A_46, %dma_start3A] : memref<10240x128xf32, #tpu.memory_space<hbm>> -> memref<128x128xf32, #tpu.memory_space<hbm>>
        %dma_start3A_64 = arith.constant 0 : i32
        %dma_start3A_65 = tpu.memref_slice %arg13[%add3A_44, %dma_start3A_64] : memref<10240x128xf32, #tpu.memory_space<vmem_shared>> -> memref<128x128xf32, #tpu.memory_space<vmem_shared>>
        tpu.enqueue_dma source(%dma_start3A_65 : memref<128x128xf32, #tpu.memory_space<vmem_shared>>) target(%dma_start3A_63 : memref<128x128xf32, #tpu.memory_space<hbm>>) target_semaphore(%run_scoped3A : memref<!tpu.dma_semaphore, #tpu.memory_space<semaphore_mem>>)
        %dma_wait3A = arith.constant 0 : i32
        %dma_wait3A_66 = tpu.memref_slice %arg8[%add3A_46, %dma_wait3A] : memref<10240x128xf32, #tpu.memory_space<hbm>> -> memref<128x128xf32, #tpu.memory_space<hbm>>
        %dma_wait3A_67 = arith.constant 0 : i32
        %dma_wait3A_68 = tpu.memref_slice %arg13[%add3A_44, %dma_wait3A_67] : memref<10240x128xf32, #tpu.memory_space<vmem_shared>> -> memref<128x128xf32, #tpu.memory_space<vmem_shared>>
        tpu.wait_dma2 semaphore(%run_scoped3A : memref<!tpu.dma_semaphore, #tpu.memory_space<semaphore_mem>>) src(%dma_wait3A_68 : memref<128x128xf32, #tpu.memory_space<vmem_shared>>) dst(%dma_wait3A_66 : memref<128x128xf32, #tpu.memory_space<hbm>>)
        tpu.yield
      }) : () -> ()
      %add3A_47 = arith.constant 128 : i32
      %add3A_48 = arith.addi %mul3A_42, %add3A_47 : i32
      %add3A_49 = arith.constant 128 : i32
      %add3A_50 = arith.addi %mul3A_42, %add3A_49 : i32
      "tpu.region"() ({
        %run_scoped3A = tpu.sem_alloc : memref<!tpu.dma_semaphore, #tpu.memory_space<semaphore_mem>>
        %dma_start3A = arith.constant 0 : i32
        %dma_start3A_63 = tpu.memref_slice %arg8[%add3A_50, %dma_start3A] : memref<10240x128xf32, #tpu.memory_space<hbm>> -> memref<128x128xf32, #tpu.memory_space<hbm>>
        %dma_start3A_64 = arith.constant 0 : i32
        %dma_start3A_65 = tpu.memref_slice %arg13[%add3A_48, %dma_start3A_64] : memref<10240x128xf32, #tpu.memory_space<vmem_shared>> -> memref<128x128xf32, #tpu.memory_space<vmem_shared>>
        tpu.enqueue_dma source(%dma_start3A_65 : memref<128x128xf32, #tpu.memory_space<vmem_shared>>) target(%dma_start3A_63 : memref<128x128xf32, #tpu.memory_space<hbm>>) target_semaphore(%run_scoped3A : memref<!tpu.dma_semaphore, #tpu.memory_space<semaphore_mem>>)
        %dma_wait3A = arith.constant 0 : i32
        %dma_wait3A_66 = tpu.memref_slice %arg8[%add3A_50, %dma_wait3A] : memref<10240x128xf32, #tpu.memory_space<hbm>> -> memref<128x128xf32, #tpu.memory_space<hbm>>
        %dma_wait3A_67 = arith.constant 0 : i32
        %dma_wait3A_68 = tpu.memref_slice %arg13[%add3A_48, %dma_wait3A_67] : memref<10240x128xf32, #tpu.memory_space<vmem_shared>> -> memref<128x128xf32, #tpu.memory_space<vmem_shared>>
        tpu.wait_dma2 semaphore(%run_scoped3A : memref<!tpu.dma_semaphore, #tpu.memory_space<semaphore_mem>>) src(%dma_wait3A_68 : memref<128x128xf32, #tpu.memory_space<vmem_shared>>) dst(%dma_wait3A_66 : memref<128x128xf32, #tpu.memory_space<hbm>>)
        tpu.yield
      }) : () -> ()
      %add3A_51 = arith.constant 256 : i32
      %add3A_52 = arith.addi %mul3A_42, %add3A_51 : i32
      %add3A_53 = arith.constant 256 : i32
      %add3A_54 = arith.addi %mul3A_42, %add3A_53 : i32
      "tpu.region"() ({
        %run_scoped3A = tpu.sem_alloc : memref<!tpu.dma_semaphore, #tpu.memory_space<semaphore_mem>>
        %dma_start3A = arith.constant 0 : i32
        %dma_start3A_63 = tpu.memref_slice %arg8[%add3A_54, %dma_start3A] : memref<10240x128xf32, #tpu.memory_space<hbm>> -> memref<128x128xf32, #tpu.memory_space<hbm>>
        %dma_start3A_64 = arith.constant 0 : i32
        %dma_start3A_65 = tpu.memref_slice %arg13[%add3A_52, %dma_start3A_64] : memref<10240x128xf32, #tpu.memory_space<vmem_shared>> -> memref<128x128xf32, #tpu.memory_space<vmem_shared>>
        tpu.enqueue_dma source(%dma_start3A_65 : memref<128x128xf32, #tpu.memory_space<vmem_shared>>) target(%dma_start3A_63 : memref<128x128xf32, #tpu.memory_space<hbm>>) target_semaphore(%run_scoped3A : memref<!tpu.dma_semaphore, #tpu.memory_space<semaphore_mem>>)
        %dma_wait3A = arith.constant 0 : i32
        %dma_wait3A_66 = tpu.memref_slice %arg8[%add3A_54, %dma_wait3A] : memref<10240x128xf32, #tpu.memory_space<hbm>> -> memref<128x128xf32, #tpu.memory_space<hbm>>
        %dma_wait3A_67 = arith.constant 0 : i32
        %dma_wait3A_68 = tpu.memref_slice %arg13[%add3A_52, %dma_wait3A_67] : memref<10240x128xf32, #tpu.memory_space<vmem_shared>> -> memref<128x128xf32, #tpu.memory_space<vmem_shared>>
        tpu.wait_dma2 semaphore(%run_scoped3A : memref<!tpu.dma_semaphore, #tpu.memory_space<semaphore_mem>>) src(%dma_wait3A_68 : memref<128x128xf32, #tpu.memory_space<vmem_shared>>) dst(%dma_wait3A_66 : memref<128x128xf32, #tpu.memory_space<hbm>>)
        tpu.yield
      }) : () -> ()
      %add3A_55 = arith.constant 384 : i32
      %add3A_56 = arith.addi %mul3A_42, %add3A_55 : i32
      %add3A_57 = arith.constant 384 : i32
      %add3A_58 = arith.addi %mul3A_42, %add3A_57 : i32
      "tpu.region"() ({
        %run_scoped3A = tpu.sem_alloc : memref<!tpu.dma_semaphore, #tpu.memory_space<semaphore_mem>>
        %dma_start3A = arith.constant 0 : i32
        %dma_start3A_63 = tpu.memref_slice %arg8[%add3A_58, %dma_start3A] : memref<10240x128xf32, #tpu.memory_space<hbm>> -> memref<128x128xf32, #tpu.memory_space<hbm>>
        %dma_start3A_64 = arith.constant 0 : i32
        %dma_start3A_65 = tpu.memref_slice %arg13[%add3A_56, %dma_start3A_64] : memref<10240x128xf32, #tpu.memory_space<vmem_shared>> -> memref<128x128xf32, #tpu.memory_space<vmem_shared>>
        tpu.enqueue_dma source(%dma_start3A_65 : memref<128x128xf32, #tpu.memory_space<vmem_shared>>) target(%dma_start3A_63 : memref<128x128xf32, #tpu.memory_space<hbm>>) target_semaphore(%run_scoped3A : memref<!tpu.dma_semaphore, #tpu.memory_space<semaphore_mem>>)
        %dma_wait3A = arith.constant 0 : i32
        %dma_wait3A_66 = tpu.memref_slice %arg8[%add3A_58, %dma_wait3A] : memref<10240x128xf32, #tpu.memory_space<hbm>> -> memref<128x128xf32, #tpu.memory_space<hbm>>
        %dma_wait3A_67 = arith.constant 0 : i32
        %dma_wait3A_68 = tpu.memref_slice %arg13[%add3A_56, %dma_wait3A_67] : memref<10240x128xf32, #tpu.memory_space<vmem_shared>> -> memref<128x128xf32, #tpu.memory_space<vmem_shared>>
        tpu.wait_dma2 semaphore(%run_scoped3A : memref<!tpu.dma_semaphore, #tpu.memory_space<semaphore_mem>>) src(%dma_wait3A_68 : memref<128x128xf32, #tpu.memory_space<vmem_shared>>) dst(%dma_wait3A_66 : memref<128x128xf32, #tpu.memory_space<hbm>>)
        tpu.yield
      }) : () -> ()
      %add3A_59 = arith.constant 512 : i32
      %add3A_60 = arith.addi %mul3A_42, %add3A_59 : i32
      %add3A_61 = arith.constant 512 : i32
      %add3A_62 = arith.addi %mul3A_42, %add3A_61 : i32
      "tpu.region"() ({
        %run_scoped3A = tpu.sem_alloc : memref<!tpu.dma_semaphore, #tpu.memory_space<semaphore_mem>>
        %dma_start3A = arith.constant 0 : i32
        %dma_start3A_63 = tpu.memref_slice %arg8[%add3A_62, %dma_start3A] : memref<10240x128xf32, #tpu.memory_space<hbm>> -> memref<128x128xf32, #tpu.memory_space<hbm>>
        %dma_start3A_64 = arith.constant 0 : i32
        %dma_start3A_65 = tpu.memref_slice %arg13[%add3A_60, %dma_start3A_64] : memref<10240x128xf32, #tpu.memory_space<vmem_shared>> -> memref<128x128xf32, #tpu.memory_space<vmem_shared>>
        tpu.enqueue_dma source(%dma_start3A_65 : memref<128x128xf32, #tpu.memory_space<vmem_shared>>) target(%dma_start3A_63 : memref<128x128xf32, #tpu.memory_space<hbm>>) target_semaphore(%run_scoped3A : memref<!tpu.dma_semaphore, #tpu.memory_space<semaphore_mem>>)
        %dma_wait3A = arith.constant 0 : i32
        %dma_wait3A_66 = tpu.memref_slice %arg8[%add3A_62, %dma_wait3A] : memref<10240x128xf32, #tpu.memory_space<hbm>> -> memref<128x128xf32, #tpu.memory_space<hbm>>
        %dma_wait3A_67 = arith.constant 0 : i32
        %dma_wait3A_68 = tpu.memref_slice %arg13[%add3A_60, %dma_wait3A_67] : memref<10240x128xf32, #tpu.memory_space<vmem_shared>> -> memref<128x128xf32, #tpu.memory_space<vmem_shared>>
        tpu.wait_dma2 semaphore(%run_scoped3A : memref<!tpu.dma_semaphore, #tpu.memory_space<semaphore_mem>>) src(%dma_wait3A_68 : memref<128x128xf32, #tpu.memory_space<vmem_shared>>) dst(%dma_wait3A_66 : memref<128x128xf32, #tpu.memory_space<hbm>>)
        tpu.yield
      }) : () -> ()
    } else {
    }
    return
  }
}

module attributes {stable_mosaic.version = 14 : i64} {
  func.func @_avg_body(%arg0: i32, %arg1: memref<2000x128xf32, #tpu.memory_space<vmem>>, %arg2: memref<2000x128xf32, #tpu.memory_space<vmem>>, %arg3: memref<2000x128xf32, #tpu.memory_space<vmem>>, %arg4: memref<2000x128xf32, #tpu.memory_space<vmem>>, %arg5: memref<2000x128xf32, #tpu.memory_space<vmem>>) attributes {dimension_semantics = [#tpu.dimension_semantics<arbitrary>], iteration_bounds = array<i64: 5>, scalar_prefetch = 0 : i64, scratch_operands = 0 : i64, tpu.core_type = #tpu.core_type<tc>, window_params = [{transform_indices = @transform_0, window_bounds = array<i64: 2000, 128>}, {transform_indices = @transform_1, window_bounds = array<i64: 2000, 128>}, {transform_indices = @transform_2, window_bounds = array<i64: 2000, 128>}, {transform_indices = @transform_3, window_bounds = array<i64: 2000, 128>}, {transform_indices = @transform_4, window_bounds = array<i64: 2000, 128>}]} {
    %get3A = arith.constant 0 : index
    %get3A_0 = arith.constant 0 : index
    %get3A_1 = vector.load %arg1[%get3A, %get3A_0] : memref<2000x128xf32, #tpu.memory_space<vmem>>, vector<2000x128xf32>
    %get3A_2 = arith.constant 0 : index
    %get3A_3 = arith.constant 0 : index
    %get3A_4 = vector.load %arg2[%get3A_2, %get3A_3] : memref<2000x128xf32, #tpu.memory_space<vmem>>, vector<2000x128xf32>
    %add3A = arith.addf %get3A_1, %get3A_4 : vector<2000x128xf32>
    %get3A_5 = arith.constant 0 : index
    %get3A_6 = arith.constant 0 : index
    %get3A_7 = vector.load %arg3[%get3A_5, %get3A_6] : memref<2000x128xf32, #tpu.memory_space<vmem>>, vector<2000x128xf32>
    %add3A_8 = arith.addf %add3A, %get3A_7 : vector<2000x128xf32>
    %get3A_9 = arith.constant 0 : index
    %get3A_10 = arith.constant 0 : index
    %get3A_11 = vector.load %arg4[%get3A_9, %get3A_10] : memref<2000x128xf32, #tpu.memory_space<vmem>>, vector<2000x128xf32>
    %add3A_12 = arith.addf %add3A_8, %get3A_11 : vector<2000x128xf32>
    %mul3A = arith.constant 2.500000e-01 : f32
    %mul3A_13 = vector.broadcast %mul3A : f32 to vector<2000x128xf32>
    %mul3A_14 = arith.mulf %add3A_12, %mul3A_13 : vector<2000x128xf32>
    %swap3A = arith.constant 0 : index
    %swap3A_15 = arith.constant 0 : index
    %swap3A_16 = vector.load %arg5[%swap3A, %swap3A_15] : memref<2000x128xf32, #tpu.memory_space<vmem>>, vector<2000x128xf32>
    tpu.vector_store %arg5[%swap3A, %swap3A_15], %mul3A_14 {strides = array<i32>} : memref<2000x128xf32, #tpu.memory_space<vmem>>, vector<2000x128xf32>,
    return
  }
  func.func @transform_0(%arg0: i32) -> (i32, i32) {
    %c0_i32 = arith.constant 0 : i32
    %c0_i32_0 = arith.constant 0 : i32
    return %arg0, %c0_i32 : i32, i32
  }
  func.func @transform_1(%arg0: i32) -> (i32, i32) {
    %c0_i32 = arith.constant 0 : i32
    %c0_i32_0 = arith.constant 0 : i32
    return %arg0, %c0_i32 : i32, i32
  }
  func.func @transform_2(%arg0: i32) -> (i32, i32) {
    %c0_i32 = arith.constant 0 : i32
    %c0_i32_0 = arith.constant 0 : i32
    return %arg0, %c0_i32 : i32, i32
  }
  func.func @transform_3(%arg0: i32) -> (i32, i32) {
    %c0_i32 = arith.constant 0 : i32
    %c0_i32_0 = arith.constant 0 : i32
    return %arg0, %c0_i32 : i32, i32
  }
  func.func @transform_4(%arg0: i32) -> (i32, i32) {
    %c0_i32 = arith.constant 0 : i32
    %c0_i32_0 = arith.constant 0 : i32
    return %arg0, %c0_i32 : i32, i32
  }
}

</mosaic_0001>

<sc_bundles>
// kernel: kernel.10.cloned.1.call-start
scs
__scs_entry_jumppad:
0x0: {  	(pc) =	sbr.rel $0x88, $3  }
0x1: {  	(tag) =	ssettag $0x0;
	lr =	simm.s32 $0x1  }
0x2: {  	[smem:$0x3F9D] =	sst lr;
	_ =	strace $0xD0000000  }
0x3: {  	_ = 	snop  }
0x4: {  	_ = 	snop  }
0x5: {  	_ = 	snop  }
0x6: {  	_ = 	snop  }
0x7: {  	_ = 	snop  }
__scs_overlays_trampoline_lowered:
0x8: {  	[smem:$0x3FAC] =	sst s0  }
0x9: {  	[smem:$0x3FAD] =	sst s1  }
0xa: {  	[smem:$0x3FAE] =	sst s2  }
0xb: {  	[smem:$0x3FAF] =	sst s3  }
0xc: {  	[smem:$0x3FB0] =	sst s4  }
0xd: {  	[smem:$0x3FB1] =	sst s5  }
0xe: {  	[smem:$0x3FB2] =	sst s6  }
0xf: {  	[smem:$0x3FB3] =	sst s7  }
0x10: {  	[smem:$0x3FB4] =	sst s8  }
0x11: {  	[smem:$0x3FB5] =	sst s9;
	s0 =	simm.s32 @!p0 $0x0  }
0x12: {  	s1 =	sld [smem:$0x3F9B];
	s0 =	simm.s32 @p0 $0x1  }
0x13: {  	[smem:$0x3FB6] =	sst s0;
	s0 =	simm.s32 @!p1 $0x0  }
0x14: {  	s2 =	sld [smem:$0x3F9A];
	s0 =	simm.s32 @p1 $0x1  }
0x15: {  	[smem:$0x3FB7] =	sst s0;
	s0 =	simm.s32 @!p2 $0x0  }
0x16: {  	s3 =	sld [smem:$0x3FDB];
	s0 =	simm.s32 @p2 $0x1  }
0x17: {  	s4 =	simm.s32 $0x1BF5;
	[smem:$0x3FB9] =	sst s0  }
0x18: {  	s0 =	sld [smem:$0x3F9C];
	_ =	swait.ge [sflag:s4], $0x0  }
0x19: {  	s7 =	sld [smem:$0x3F9D]  }
0x1a: {  	s8 =	sadd.s32 $0xFFFFE003, lr  }
0x1b: {  	s9 =	sadd.s32 $0xFFFFFEF7, lr;
	s5 =	simm.s32 $0xFFFFFFFF;
	p2 =	slt.u32 s8, $0xFFFFF086  }
0x1c: {  	p1 =	slt.u32 s9, $0xF7A;
	s5 =	simm.s32 @!p2 $0x0  }
0x1d: {  	s5 =	simm.s32 @p1 $0x1;
	p0 =	seq.s32 s7, s2  }
0x1e: {  	s7 =	smul.u32 @!p0 $0xF7A, s2;
	p2 =	seq.s32 @!p0 s5, $0x0  }
0x1f: {  	s9 =	smul.u32 $0xF7A, s1;
	s8 =	simm.s32 @!p0 $0x1BF5;
	p2 =	por !p2, p0  }
0x20: {  	[sflag:s8] =	ssyncset.s32 @!p0 $0xFFFFF086;
	s6 =	sadd.s32 @!p0 s3, s7;
	s7 =	simm.s32 @!p0 $0x108  }
0x21: {  	s3 =	sadd.s32 s3, s9;
	s6 =	sadd.s32 @!p0 $0x88, s6;
	s7 =	simm.s32 @p2 $0x1082  }
0x22: {  	[simem:s7], [sflag:s8] =	dma.local @!p0 [hbm:s6], $0xF7A  }
0x23: {  	s9 =	sor.u32 $0xD0000000, s2;
	s6 =	simm.s32 $0x108;
	_ =	swait.ge @!p0 [sflag:s8], $0x0  }
0x24: {  	s3 =	sadd.s32 $0x88, s3;
	s6 =	simm.s32 @!p1 $0x1082;
	[sflag:s4] =	ssyncset.s32 $0xFFFFF086  }
0x25: {  	[simem:s6], [sflag:s4] =	dma.local [hbm:s3], $0xF7A  }
0x26: {  	[smem:$0x3F9D] =	sst s1;
	(tag) =	ssettag s2;
	_ =	strace s9  }
0x27: {  	s1 =	sld [smem:$0x3FAD]  }
0x28: {  	s2 =	sld [smem:$0x3FAE]  }
0x29: {  	s4 =	sld [smem:$0x3FB0]  }
0x2a: {  	p0 =	seq.s32 s5, $0x0;
	s5 =	sld [smem:$0x3FB1]  }
0x2b: {  	s6 =	sld [smem:$0x3FB2]  }
0x2c: {  	s7 =	sld [smem:$0x3FB3]  }
0x2d: {  	s3 =	simm.s32 $0x108;
	s8 =	sld [smem:$0x3FB4]  }
0x2e: {  	s3 =	simm.s32 @!p0 $0x1082;
	s9 =	sld [smem:$0x3FB5]  }
0x2f: {  	lr =	sadd.s32 s0, s3;
	s0 =	sld [smem:$0x3FAC]  }
0x30: {  	s3 =	sld [smem:$0x3FAF]  }
0x31: {  	[smem:$0x3FB8] =	sst s10  }
0x32: {  	s10 =	sld [smem:$0x3FB6];
	_ =	sdelay $0x3  }
0x33: {  	p0 =	seq.s32 s10, $0x1;
	s10 =	sld [smem:$0x3FB8];
	_ =	sdelay $0x3  }
0x34: {  	[smem:$0x3FB8] =	sst s10  }
0x35: {  	s10 =	sld [smem:$0x3FB7];
	_ =	sdelay $0x3  }
0x36: {  	p1 =	seq.s32 s10, $0x1;
	s10 =	sld [smem:$0x3FB8];
	_ =	sdelay $0x3  }
0x37: {  	[smem:$0x3FB8] =	sst s10  }
0x38: {  	s10 =	sld [smem:$0x3FB9]  }
0x39: {  	_ = 	snop;
	(pc) =	sbr.ind lr, $3  }
0x3a: {  	_ = 	snop  }
0x3b: {  	_ = 	snop  }
0x3c: {  	p2 =	seq.s32 s10, $0x1;
	s10 =	sld [smem:$0x3FB8]  }
0x3d: {  	_ =	shalt  }
0x3e: {  	_ =	shalt  }
0x3f: {  	_ =	shalt  }
0x40: {  	_ =	shalt  }
0x41: {  	_ =	shalt  }
0x42: {  	_ =	shalt  }
0x43: {  	_ =	shalt  }
0x44: {  	_ =	shalt  }
0x45: {  	_ =	shalt  }
0x46: {  	_ =	shalt  }
0x47: {  	_ =	shalt  }
0x48: {  	_ =	shalt  }
0x49: {  	_ =	shalt  }
0x4a: {  	_ =	shalt  }
0x4b: {  	_ =	shalt  }
0x4c: {  	_ =	shalt  }
0x4d: {  	_ =	shalt  }
0x4e: {  	_ =	shalt  }
0x4f: {  	_ =	shalt  }
0x50: {  	_ =	shalt  }
0x51: {  	_ =	shalt  }
0x52: {  	_ =	shalt  }
0x53: {  	_ =	shalt  }
0x54: {  	_ =	shalt  }
0x55: {  	_ =	shalt  }
0x56: {  	_ =	shalt  }
0x57: {  	_ =	shalt  }
0x58: {  	_ =	shalt  }
0x59: {  	_ =	shalt  }
0x5a: {  	_ =	shalt  }
0x5b: {  	_ =	shalt  }
0x5c: {  	_ =	shalt  }
0x5d: {  	_ =	shalt  }
0x5e: {  	_ =	shalt  }
0x5f: {  	_ =	shalt  }
0x60: {  	_ =	shalt  }
0x61: {  	_ =	shalt  }
0x62: {  	_ =	shalt  }
0x63: {  	_ =	shalt  }
0x64: {  	_ =	shalt  }
0x65: {  	_ =	shalt  }
0x66: {  	_ =	shalt  }
0x67: {  	_ =	shalt  }
0x68: {  	_ =	shalt  }
0x69: {  	_ =	shalt  }
0x6a: {  	_ =	shalt  }
0x6b: {  	_ =	shalt  }
0x6c: {  	_ =	shalt  }
0x6d: {  	_ =	shalt  }
0x6e: {  	_ =	shalt  }
0x6f: {  	_ =	shalt  }
0x70: {  	_ =	shalt  }
0x71: {  	_ =	shalt  }
0x72: {  	_ =	shalt  }
0x73: {  	_ =	shalt  }
0x74: {  	_ =	shalt  }
0x75: {  	_ =	shalt  }
0x76: {  	_ =	shalt  }
0x77: {  	_ =	shalt  }
0x78: {  	_ =	shalt  }
0x79: {  	_ =	shalt  }
0x7a: {  	_ =	shalt  }
0x7b: {  	_ =	shalt  }
0x7c: {  	_ =	shalt  }
0x7d: {  	_ =	shalt  }
0x7e: {  	_ =	shalt  }
0x7f: {  	_ =	shalt  }
0x80: {  	_ =	shalt  }
0x81: {  	_ =	shalt  }
0x82: {  	_ =	shalt  }
0x83: {  	_ =	shalt  }
0x84: {  	_ =	shalt  }
0x85: {  	_ =	shalt  }
0x86: {  	_ =	shalt  }
0x87: {  	_ =	shalt  }
.Lfunc_end0:
.L_simem_size_0:
called_computation.1_lowered:
.L_overlay_start_0:
0x88: {  	s2 =	sld [smem:$0x3FD9]  }
0x89: {  	s3 =	sld [smem:$0x3FFE];
	_ =	sdelay $0x1  }
0x8a: {  	s1 =	srdreg.scid  }
0x8b: {  	s0 =	sand.u32 $0x1, s1  }
0x8c: {  	s14 =	sshll.u32 s0, $0xA;
	s2 =	sadd.s32 s3, s2  }
0x8d: {  	s2 =	sadd.s32 s2, s14  }
0x8e: {  	[smem:$0x3FC4] =	sst s2  }
0x8f: {  	_ = 	snop  }
0x90: {  	s2 =	sld [smem:$0x3FD0];
	_ =	sdelay $0x2  }
0x91: {  	s15 =	simm.s32 $0xA;
	s4 =	simm.s32 $0x10  }
0x92: {  	[smem:s4], [sflag:s15] =	dma.local [hbm:s2], $0x1  }
0x93: {  	_ =	swait.eq [sflag:s15], $0x1  }
0x94: {  	[sflag:s15] =	ssyncset.done $0x0  }
0x95: {  	s16 =	sld [smem:$0x10];
	[sflag:s15] =	ssyncadd.s32 $0xFFFFFFFF  }
0x96: {  	s17 =	sld [smem:$0x11];
	(tm) =	ssettm $0x1  }
0x97: {  	s18 =	sld [smem:$0x3FFB];
	_ =	sdelay $0x3  }
0x98: {  	_ =	strace s18  }
0x99: {  	s4 =	sld [smem:$0x3FFC];
	_ =	sdelay $0x3  }
0x9a: {  	_ =	strace s4  }
0x9b: {  	s4 =	sld [smem:$0x3FFD];
	_ =	sdelay $0x3  }
0x9c: {  	_ =	strace s4  }
0x9d: {  	_ =	strace $0x8FFFFFFF  }
0x9e: {  	s19 =	sld [smem:$0x3FDB];
	_ =	sdelay $0x1  }
0x9f: {  	s5 =	simm.s32 $_scs_section_size  }
0xa0: {  	s6 =	simm.s32 $_size__tile_overlayer_lowered;
	s7 =	simm.s32 $_tile_overlayer_lowered  }
0xa1: {  	s22 =	simm.s32 $0x1BFF;
	s21 =	sshll.u32 s7, $0x1;
	s4 =	sadd.s32 s5, s19  }
0xa2: {  	s8 =	simm.s32 $0x0;
	s20 =	sshll.u32 s6, $0x1;
	s6 =	sadd.s32 s21, s4  }
0xa3: {  	[timem:s8], [sflag:s22] =	dma.local [hbm:s6], s20  }
0xa4: {  	_ =	swait.ge [sflag:s22], s20  }
0xa5: {  	s5 =	ssub.s32 $0x0, s20;
	[sflag:s22] =	ssyncset.done $0x0  }
0xa6: {  	[sflag:s22] =	ssyncadd.s32 s5;
	_ =	sdelay $0x1  }
0xa7: {  	s23 =	simm.s32 $0x1B8B  }
0xa8: {  	_ =	swait.ge [sflag:s23], $0x1  }
0xa9: {  	[sflag:s23] =	ssyncset.done $0x0  }
0xaa: {  	s25 =	simm.s32 $0x1B8E;
	s24 =	sld [smem:$0x3FFE];
	[sflag:s23] =	ssyncadd.s32 $0xFFFFFFFF  }
0xab: {  	s26 =	simm.s32 $execute0_lowered;
	[smem:$0x3FD2] =	sst s25  }
0xac: {  	s6 =	sshll.u32 s26, $0x1;
	_ =	strace $0x80000049;
	[dreg:$0x1] =	wrdreg $0xFFFFFFFF  }
0xad: {  	s28 =	simm.s32 $_size_execute0_lowered;
	s4 =	sadd.s32 s4, s6;
	[dreg:$0x0] =	wrdreg $0x0  }
0xae: {  	s6 =	sshll.u32 s28, $0x1;
	[dreg:$0x2] =	wrdreg s4  }
0xaf: {  	[dreg:$0x3] =	wrdreg s6  }
0xb0: {  	[dreg:$0x4] =	wrdreg $0xC0  }
0xb1: {  	_ =	task [dreg:s8], $0x5FFFF  }
0xb2: {  	[dreg:$0x1] =	wrdreg $0xFFFFFFFF  }
0xb3: {  	[dreg:$0x0] =	wrdreg $0x60  }
0xb4: {  	[dreg:$0x2] =	wrdreg s24  }
0xb5: {  	[dreg:$0x3] =	wrdreg s17  }
0xb6: {  	[dreg:$0x4] =	wrdreg s16  }
0xb7: {  	[dreg:$0x5] =	wrdreg $0x42000  }
0xb8: {  	[dreg:$0x6] =	wrdreg $0x9  }
0xb9: {  	_ =	task.clear_ibuf [dreg:s8], $0x7FFFF;
	_ =	strace $0x90000049  }
0xba: {  	s29 =	simm.s32 $0x9;
	_ =	strace $0x8000004B  }
0xbb: {  	_ =	swait.ge [sflag:s29], $0x1  }
0xbc: {  	[sflag:s29] =	ssyncadd.s32 $0xFFFFFFFF  }
0xbd: {  	_ =	strace $0x9000004B  }
0xbe: {  	_ =	sfence  }
0xbf: {  	s30 =	sld [smem:$0x0];
	_ =	sdelay $0x2  }
0xc0: {  	s31 =	sshll.u32 s1, $0xD;
	s1 =	sshrl.u32 s1, $0x2  }
0xc1: {  	s3 =	sand.u32 $0x4000, s31;
	s1 =	sadd.s32 s1, s30  }
0xc2: {  	s0 =	sor.u32 s3, s0;
	s1 =	sshll.u32 s1, $0x11  }
0xc3: {  	s0 =	sor.u32 s1, s0  }
0xc4: {  	s0 =	sadd.s32 $0x8F2B, s0  }
0xc5: {  	[sflag:s0] =	ssyncadd.remote.s32 $0x1  }
0xc6: {  	_ =	sfence.sel $0xFFFF  }
0xc7: {  	[dreg:$0x0] =	wrdreg $0xFFFFFFFF;
	(pc) =	sbr.abs _section_cstart, $3  }
0xc8: {  	[dreg:$0x1] =	wrdreg $0xFFFFFFFF  }
0xc9: {  	_ =	task.clear_ibuf [dreg:s8], $0x2FFFF;
	_ =	strace $0x9FFFFFFF  }
0xca: {  	(tm) =	ssettm $0x7FFFFFFF  }
0xcb: {  	_ =	shalt  }
tec
execute0_lowered:
.L_overlay_start_1:
0x0: {  	(tag) =	ssettag $0x1  }
0x1: {  	s0 =	rddreg [dreg:$0x0]  }
0x2: {  	s1 =	rddreg [dreg:$0x1]  }
0x3: {  	s2 =	rddreg [dreg:$0x2]  }
0x4: {  	s3 =	rddreg [dreg:$0x3];
	s4 =	simm.s32 $0x0  }
0x5: {  	s5 =	srdreg.scid;
	s17 =	stileid.u32;
	s28 =	simm.s32 $0x80  }
0x6: {  	s29 =	simm.s32 $0x1;
	s30 =	simm.s32 $0x0;
	[smem:$0x7FF] =	sst s4  }
0x7: {  	s6 =	sadd.s32 $0xD800, s0;
	s7 =	sadd.s32 $0x35800, s0;
	s10 =	smul.u32 $0x280, s17  }
0x8: {  	s8 =	sadd.s32 $0x3A00, s0;
	s5 =	sand.u32 $0x1, s5;
	s11 =	smul.u32 $0x50000, s17  }
0x9: {  	s9 =	sadd.s32 $0x85800, s0;
	s0 =	sadd.s32 $0x5D800, s0;
	s14 =	smul.u32 $0x9D, s17  }
0xa: {  	s17 =	smul.u32 $0x2800, s17;
	_ =	strace $0x8000004A;
	[dreg:$0x5] =	wrdreg s9  }
0xb: {  	s22 =	ssub.s32 $0x2, s5;
	[dreg:$0x6] =	wrdreg s0;
	p0 =	seq.s32 s5, $0x1  }
0xc: {  	s23 =	sshrl.u32 s22, $0x1;
	s24 =	sadd.s32 $0x80, s10;
	s25 =	sshrl.u32 s11, $0x2  }
0xd: {  	s19 =	sadd.s32 $0x100, s10;
	s31 =	sadd.s32 $0x180, s10;
	s10 =	sadd.s32 $0x200, s10  }
0xe: {  	[dreg:$0x7] =	wrdreg s17;
	s0 =	ssub.s32 s22, s23;
	s12 =	sshll.u32 s24, $0x7  }
0xf: {  	s11 =	sadd.s32 s25, s3;
	s26 =	sshll.u32 s19, $0x7;
	s15 =	sshll.u32 s31, $0x7  }
.Ltmp0:
0x10: {  	s16 =	sshll.u32 s10, $0x7;
	s18 =	sshll.u32 s24, $0x4;
	(pc) =	sbr.rel .LBB2_1-.Ltmp0, $4  }
0x11: {  	s19 =	sshll.u32 s19, $0x4;
	s20 =	sshll.u32 s31, $0x4;
	s21 =	sshll.u32 s10, $0x4  }
0x12: {  	s23 =	simm.s32 $0x2;
	s24 =	simm.s32 $0x4000;
	s25 =	simm.s32 $0x4080  }
0x13: {  	s12 =	sadd.s32 s12, s3;
	s13 =	sadd.s32 s26, s3;
	s15 =	sadd.s32 s15, s3  }
0x14: {  	v0 =	vimm.f32 $0.0e+00;
	s16 =	sadd.s32 s16, s3;
	s22 =	smax.u32 s0, $0x1;
	s26 =	simm.s32 $0x4100  }
.LBB2_14:
0x15: {  	s9 =	stileid.u32  }
0x16: {  	s5 =	rddreg [dreg:$0x7];
	[bflag:$0x0] =	sbarrier.arrive $0xFFFF;
	s9 =	sshll.u32 s9, $0x6  }
0x17: {  	s10 =	sshrl.u32 s11, $0x3;
	s5 =	sadd.s32 s0, s5;
	s9 =	sor.u32 $0x1C02, s9  }
0x18: {  	[hbm:s5], [sflag:s9] =	dma.local [spmem:s10], $0x800  }
0x19: {  	_ =	swait.ge [sflag:s23], $0x800  }
0x1a: {  	[sflag:s23] =	ssyncset.done $0x0  }
0x1b: {  	s17 =	sadd.s32 s0, s18;
	s31 =	sshrl.u32 s12, $0x3;
	[sflag:s23] =	ssyncadd.s32 $0xFFFFF800  }
0x1c: {  	[hbm:s17], [sflag:s9] =	dma.local [spmem:s31], $0x800  }
0x1d: {  	_ =	swait.ge [sflag:s23], $0x800  }
0x1e: {  	[sflag:s23] =	ssyncset.done $0x0  }
0x1f: {  	s17 =	sadd.s32 s0, s19;
	s31 =	sshrl.u32 s13, $0x3;
	[sflag:s23] =	ssyncadd.s32 $0xFFFFF800  }
0x20: {  	[hbm:s17], [sflag:s9] =	dma.local [spmem:s31], $0x800  }
0x21: {  	_ =	swait.ge [sflag:s23], $0x800  }
0x22: {  	[sflag:s23] =	ssyncset.done $0x0  }
0x23: {  	s17 =	sadd.s32 s0, s20;
	s31 =	sshrl.u32 s15, $0x3;
	[sflag:s23] =	ssyncadd.s32 $0xFFFFF800  }
0x24: {  	[hbm:s17], [sflag:s9] =	dma.local [spmem:s31], $0x800  }
0x25: {  	s30 =	sadd.s32 $0x1, s30;
	_ =	swait.ge [sflag:s23], $0x800  }
0x26: {  	p1 =	sne.s32 s30, s22;
	s17 =	sadd.s32 s0, s21;
	[sflag:s23] =	ssyncset.done $0x0  }
.Ltmp1:
0x27: {  	s31 =	sshrl.u32 s16, $0x3;
	[sflag:s23] =	ssyncadd.s32 $0xFFFFF800;
	(pc) =	sbr.rel @!p1 .LBB2_15-.Ltmp1, $4  }
0x28: {  	[hbm:s17], [sflag:s9] =	dma.local [spmem:s31], $0x800  }
0x29: {  	_ =	swait.ge [sflag:s23], $0x800  }
0x2a: {  	[sflag:s23] =	ssyncset.done $0x0  }
0x2b: {  	[sflag:s23] =	ssyncadd.s32 $0xFFFFF800  }
.LBB2_1:
.Ltmp2:
0x2c: {  	(pc) =	sbr.rel @!p0 .LBB2_2-.Ltmp2, $2  }
0x2d: {  	_ =	sdelay $0x2  }
0x2e: {  	s0 =	sshra.s32 s4, $0x2;
	s5 =	sadd.s32 $0x200, s4  }
.LBB2_8:
0x2f: {  	p1 =	sne.s32 s5, $0xFE00;
	[tilespmem:s0+$0x70] =	vst v0  }
0x30: {  	[tilespmem:s0+$0x0] =	vst v0  }
0x31: {  	[tilespmem:s0+$0x10] =	vst v0  }
.Ltmp3:
0x32: {  	[tilespmem:s0+$0x20] =	vst v0;
	(pc) =	sbr.rel @p1 .LBB2_8-.Ltmp3, $4  }
0x33: {  	[tilespmem:s0+$0x30] =	vst v0  }
0x34: {  	[tilespmem:s0+$0x40] =	vst v0  }
0x35: {  	[tilespmem:s0+$0x50] =	vst v0  }
0x36: {  	[tilespmem:s0+$0x60] =	vst v0;
	s0 =	sshra.s32 s5, $0x2;
	s5 =	sadd.s32 $0x200, s5  }
0x37: {  	[tilespmem:s0+$0x70] =	vst v0  }
0x38: {  	[tilespmem:s0+$0x0] =	vst v0  }
0x39: {  	[tilespmem:s0+$0x10] =	vst v0  }
0x3a: {  	[tilespmem:s0+$0x20] =	vst v0  }
0x3b: {  	[tilespmem:s0+$0x30] =	vst v0  }
0x3c: {  	[tilespmem:s0+$0x40] =	vst v0  }
0x3d: {  	[tilespmem:s0+$0x50] =	vst v0  }
0x3e: {  	[tilespmem:s0+$0x60] =	vst v0;
	s31 =	simm.s32 $0x0  }
0x3f: {  	[spmem:s11] =	stream.linear.scatter [tilespmem:s31], [sflag:$0x2], $0x4000, $0x38;
	[tilespmem:$0x18200] =	vst v63  }
0x40: {  	_ =	swait.ge [sflag:s23], $0x4000  }
0x41: {  	[sflag:s23] =	ssyncset.done $0x0  }
0x42: {  	[sflag:s23] =	ssyncadd.s32 $0xFFFFC000  }
0x43: {  	[spmem:s12] =	stream.linear.scatter [tilespmem:s31], [sflag:$0x2], $0x4000, $0x38;
	[tilespmem:$0x18200] =	vst v63  }
0x44: {  	_ =	swait.ge [sflag:s23], $0x4000  }
0x45: {  	[sflag:s23] =	ssyncset.done $0x0  }
0x46: {  	[sflag:s23] =	ssyncadd.s32 $0xFFFFC000  }
0x47: {  	[spmem:s13] =	stream.linear.scatter [tilespmem:s31], [sflag:$0x2], $0x4000, $0x38;
	[tilespmem:$0x18200] =	vst v63  }
0x48: {  	_ =	swait.ge [sflag:s23], $0x4000  }
0x49: {  	[sflag:s23] =	ssyncset.done $0x0  }
0x4a: {  	[sflag:s23] =	ssyncadd.s32 $0xFFFFC000  }
0x4b: {  	[spmem:s15] =	stream.linear.scatter [tilespmem:s31], [sflag:$0x2], $0x4000, $0x38;
	[tilespmem:$0x18200] =	vst v63  }
0x4c: {  	_ =	swait.ge [sflag:s23], $0x4000  }
0x4d: {  	[sflag:s23] =	ssyncset.done $0x0  }
0x4e: {  	[sflag:s23] =	ssyncadd.s32 $0xFFFFC000  }
0x4f: {  	[spmem:s16] =	stream.linear.scatter [tilespmem:s31], [sflag:$0x2], $0x4000, $0x38;
	[tilespmem:$0x18200] =	vst v63  }
0x50: {  	_ =	swait.ge [sflag:s23], $0x4000  }
0x51: {  	[sflag:s23] =	ssyncset.done $0x0  }
0x52: {  	[sflag:s23] =	ssyncadd.s32 $0xFFFFC000  }
0x53: {  	s0 =	simm.s32 $0x0;
	[bflag:$0x0] =	sbarrier.arrive $0xFFFF  }
.LBB2_10:
0x54: {  	s5 =	sadd.s32 s14, s0  }
0x55: {  	s5 =	sshll.u32 s5, $0x4  }
0x56: {  	s9 =	sadd.s32 s1, s5  }
0x57: {  	[tilespmem:s24], [sflag:$0x2] =	stream.linear.gather [hbm4b:s9+s31], $0x80, $0x38;
	[tilespmem:$0x18200] =	vst v63  }
0x58: {  	_ =	swait.ge [sflag:s23], $0x80  }
0x59: {  	[sflag:s23] =	ssyncset.done $0x0  }
0x5a: {  	s10 =	sadd.s32 s2, s5;
	[sflag:s23] =	ssyncadd.s32 $0xFFFFFF80  }
0x5b: {  	[tilespmem:s25], [sflag:$0x2] =	stream.linear.gather [hbm4b:s10+s31], $0x80, $0x38;
	[tilespmem:$0x18200] =	vst v63  }
0x5c: {  	_ =	swait.ge [sflag:s23], $0x80  }
0x5d: {  	[sflag:s23] =	ssyncset.done $0x0  }
0x5e: {  	s5 =	sadd.s32 s8, s5;
	[sflag:s23] =	ssyncadd.s32 $0xFFFFFF80  }
0x5f: {  	[tilespmem:s26], [sflag:$0x2] =	stream.linear.gather [hbm4b:s5+s31], $0x80, $0x38;
	[tilespmem:$0x18200] =	vst v63  }
0x60: {  	_ =	swait.ge [sflag:s23], $0x80  }
0x61: {  	[sflag:s23] =	ssyncset.done $0x0  }
0x62: {  	[sflag:s23] =	ssyncadd.s32 $0xFFFFFF80  }
0x63: {  	[tilespmem:s31], [sflag:$0x1] =	stream.indirect.gather [hbm4b:s7+s28], $0x80, s24, s28, $0xb8;
	[tilespmem:$0x18200] =	vst v63  }
0x64: {  	_ =	swait.ge [sflag:s29], $0x4000  }
0x65: {  	[sflag:s29] =	ssyncset.done $0x0  }
0x66: {  	s9 =	simm.s32 $0x40;
	[sflag:s29] =	ssyncadd.s32 $0xFFFFC000  }
0x67: {  	v5 =	vld [tilespmem:s9+$0x30]  }
0x68: {  	v8 =	vld [tilespmem:s9+$0x10]  }
0x69: {  	s17 =	simm.s32 $0x0;
	v6 =	vld [tilespmem:s9+$0xFFFFFFC0]  }
0x6a: {  	v2 =	vld.msk [tilespmem:s17+$0x4100 ss:$0x0], $0xffff  }
0x6b: {  	v10 =	vld [tilespmem:s9+$0xFFFFFFE0]  }
0x6c: {  	v1 =	vld [tilespmem:s9+$0xFFFFFFF0]  }
0x6d: {  	v3 =	vld [tilespmem:s9+$0x20]  }
0x6e: {  	v4 =	vld [tilespmem:s9+$0xFFFFFFD0]  }
0x6f: {  	v9 =	vmul.f32 v5, v2;
	v5 =	vld [tilespmem:s9+$0x0]  }
0x70: {  	v7 =	vmul.f32 v2, v6  }
0x71: {  	s10 =	simm.s32 $0x4;
	s5 =	simm.s32 $0x40;
	v6 =	vmul.f32 v10, v2;
	v8 =	vmul.f32 v8, v2  }
.LBB2_11:
0x72: {  	p1 =	sne.s32 s10, $0x1FC  }
0x73: {  	v4 =	vmul.f32 v4, v2;
	v3 =	vmul.f32 v3, v2;
	[tilespmem:s9+$0x30] =	vst v9;
	s5 =	sadd.s32 $0x80, s5;
	s17 =	smov.u32 s10;
	s10 =	sadd.s32 $0x4, s10  }
0x74: {  	[tilespmem:s9+$0xFFFFFFC0] =	vst v7;
	v7 =	vmul.f32 v1, v2;
	v2 =	vmul.f32 v5, v2  }
0x75: {  	[tilespmem:s9+$0x10] =	vst v8  }
0x76: {  	[tilespmem:s9+$0xFFFFFFE0] =	vst v6  }
0x77: {  	v1 =	vld [tilespmem:s5+$0xFFFFFFF0];
	[tilespmem:s9+$0xFFFFFFF0] =	vst v7  }
0x78: {  	v6 =	vld [tilespmem:s5+$0x30];
	[tilespmem:s9+$0x0] =	vst v2  }
0x79: {  	v8 =	vld [tilespmem:s5+$0x10];
	[tilespmem:s9+$0x20] =	vst v3  }
0x7a: {  	s17 =	sshra.s32 s17, $0x2;
	v7 =	vld [tilespmem:s5+$0xFFFFFFC0];
	[tilespmem:s9+$0xFFFFFFD0] =	vst v4;
	s9 =	smov.u32 s5  }
0x7b: {  	v2 =	vld.msk [tilespmem:s17+$0x4100 ss:$0x0], $0xffff  }
0x7c: {  	v10 =	vld [tilespmem:s5+$0xFFFFFFE0]  }
0x7d: {  	v3 =	vld [tilespmem:s5+$0x20]  }
.Ltmp4:
0x7e: {  	v4 =	vld [tilespmem:s5+$0xFFFFFFD0];
	(pc) =	sbr.rel @p1 .LBB2_11-.Ltmp4, $3  }
0x7f: {  	v5 =	vld [tilespmem:s5+$0x0];
	_ =	sdelay $0x1  }
0x80: {  	v7 =	vmul.f32 v2, v7;
	v9 =	vmul.f32 v6, v2  }
0x81: {  	v8 =	vmul.f32 v8, v2;
	v6 =	vmul.f32 v10, v2  }
0x82: {  	[tilespmem:s9+$0x30] =	vst v9  }
0x83: {  	[tilespmem:s9+$0xFFFFFFC0] =	vst v7  }
0x84: {  	v1 =	vmul.f32 v1, v2;
	[tilespmem:s9+$0x10] =	vst v8  }
0x85: {  	v3 =	vmul.f32 v3, v2;
	[tilespmem:s9+$0xFFFFFFE0] =	vst v6  }
0x86: {  	v5 =	vmul.f32 v5, v2;
	[tilespmem:s9+$0xFFFFFFF0] =	vst v1  }
0x87: {  	s0 =	sadd.s32 $0x1, s0;
	v1 =	vmul.f32 v4, v2;
	[tilespmem:s9+$0x20] =	vst v3  }
0x88: {  	p1 =	sne.s32 s0, $0x9D;
	[tilespmem:s9+$0x0] =	vst v5  }
.Ltmp5:
0x89: {  	[tilespmem:s9+$0xFFFFFFD0] =	vst v1;
	(pc) =	sbr.rel @p1 .LBB2_10-.Ltmp5, $4  }
0x8a: {  	[spmem:s3] =	stream.indirect.scatter.add.f32 [tilespmem:s4], [sflag:$0x2], $0x80, s25, s28, $0xb8;
	[tilespmem:$0x18200] =	vst v63  }
0x8b: {  	_ =	swait.ge [sflag:s23], $0x4000  }
0x8c: {  	[sflag:s23] =	ssyncset.done $0x0  }
0x8d: {  	[sflag:s23] =	ssyncadd.s32 $0xFFFFC000  }
.Ltmp6:
0x8e: {  	(pc) =	sbr.rel .LBB2_14-.Ltmp6, $2  }
0x8f: {  	_ =	sdelay $0x2  }
0x90: {  	s0 =	rddreg [dreg:$0x6]  }
.LBB2_2:
0x91: {  	p1 =	sne.s32 s5, $0xFE00;
	[tilespmem:s0+$0x70] =	vst v0  }
0x92: {  	[tilespmem:s0+$0x0] =	vst v0  }
0x93: {  	[tilespmem:s0+$0x10] =	vst v0  }
.Ltmp7:
0x94: {  	[tilespmem:s0+$0x20] =	vst v0;
	(pc) =	sbr.rel @p1 .LBB2_2-.Ltmp7, $4  }
0x95: {  	[tilespmem:s0+$0x30] =	vst v0  }
0x96: {  	[tilespmem:s0+$0x40] =	vst v0  }
0x97: {  	[tilespmem:s0+$0x50] =	vst v0  }
0x98: {  	[tilespmem:s0+$0x60] =	vst v0;
	s0 =	sshra.s32 s5, $0x2;
	s5 =	sadd.s32 $0x200, s5  }
0x99: {  	[tilespmem:s0+$0x70] =	vst v0  }
0x9a: {  	[tilespmem:s0+$0x0] =	vst v0  }
0x9b: {  	[tilespmem:s0+$0x10] =	vst v0  }
0x9c: {  	[tilespmem:s0+$0x20] =	vst v0  }
0x9d: {  	[tilespmem:s0+$0x30] =	vst v0  }
0x9e: {  	[tilespmem:s0+$0x40] =	vst v0  }
0x9f: {  	[tilespmem:s0+$0x50] =	vst v0  }
0xa0: {  	[tilespmem:s0+$0x60] =	vst v0;
	s31 =	simm.s32 $0x0  }
0xa1: {  	[spmem:s11] =	stream.linear.scatter [tilespmem:s31], [sflag:$0x2], $0x4000, $0x38;
	[tilespmem:$0x18200] =	vst v63  }
0xa2: {  	_ =	swait.ge [sflag:s23], $0x4000  }
0xa3: {  	[sflag:s23] =	ssyncset.done $0x0  }
0xa4: {  	[sflag:s23] =	ssyncadd.s32 $0xFFFFC000  }
0xa5: {  	[spmem:s12] =	stream.linear.scatter [tilespmem:s31], [sflag:$0x2], $0x4000, $0x38;
	[tilespmem:$0x18200] =	vst v63  }
0xa6: {  	_ =	swait.ge [sflag:s23], $0x4000  }
0xa7: {  	[sflag:s23] =	ssyncset.done $0x0  }
0xa8: {  	[sflag:s23] =	ssyncadd.s32 $0xFFFFC000  }
0xa9: {  	[spmem:s13] =	stream.linear.scatter [tilespmem:s31], [sflag:$0x2], $0x4000, $0x38;
	[tilespmem:$0x18200] =	vst v63  }
0xaa: {  	_ =	swait.ge [sflag:s23], $0x4000  }
0xab: {  	[sflag:s23] =	ssyncset.done $0x0  }
0xac: {  	[sflag:s23] =	ssyncadd.s32 $0xFFFFC000  }
0xad: {  	[spmem:s15] =	stream.linear.scatter [tilespmem:s31], [sflag:$0x2], $0x4000, $0x38;
	[tilespmem:$0x18200] =	vst v63  }
0xae: {  	_ =	swait.ge [sflag:s23], $0x4000  }
0xaf: {  	[sflag:s23] =	ssyncset.done $0x0  }
0xb0: {  	[sflag:s23] =	ssyncadd.s32 $0xFFFFC000  }
0xb1: {  	[spmem:s16] =	stream.linear.scatter [tilespmem:s31], [sflag:$0x2], $0x4000, $0x38;
	[tilespmem:$0x18200] =	vst v63  }
0xb2: {  	_ =	swait.ge [sflag:s23], $0x4000  }
0xb3: {  	[sflag:s23] =	ssyncset.done $0x0  }
0xb4: {  	[sflag:s23] =	ssyncadd.s32 $0xFFFFC000  }
0xb5: {  	s0 =	simm.s32 $0x0;
	[bflag:$0x0] =	sbarrier.arrive $0xFFFF  }
.LBB2_4:
0xb6: {  	s5 =	sadd.s32 s14, s0  }
0xb7: {  	s5 =	sshll.u32 s5, $0x4  }
0xb8: {  	s9 =	sadd.s32 s2, s5  }
0xb9: {  	[tilespmem:s24], [sflag:$0x2] =	stream.linear.gather [hbm4b:s9+s31], $0x80, $0x38;
	[tilespmem:$0x18200] =	vst v63  }
0xba: {  	_ =	swait.ge [sflag:s23], $0x80  }
0xbb: {  	[sflag:s23] =	ssyncset.done $0x0  }
0xbc: {  	s10 =	sadd.s32 s1, s5;
	[sflag:s23] =	ssyncadd.s32 $0xFFFFFF80  }
0xbd: {  	[tilespmem:s25], [sflag:$0x2] =	stream.linear.gather [hbm4b:s10+s31], $0x80, $0x38;
	[tilespmem:$0x18200] =	vst v63  }
0xbe: {  	_ =	swait.ge [sflag:s23], $0x80  }
0xbf: {  	[sflag:s23] =	ssyncset.done $0x0  }
0xc0: {  	s5 =	sadd.s32 s8, s5;
	[sflag:s23] =	ssyncadd.s32 $0xFFFFFF80  }
0xc1: {  	[tilespmem:s26], [sflag:$0x2] =	stream.linear.gather [hbm4b:s5+s31], $0x80, $0x38;
	[tilespmem:$0x18200] =	vst v63  }
0xc2: {  	_ =	swait.ge [sflag:s23], $0x80  }
0xc3: {  	[sflag:s23] =	ssyncset.done $0x0  }
0xc4: {  	[sflag:s23] =	ssyncadd.s32 $0xFFFFFF80  }
0xc5: {  	[tilespmem:s31], [sflag:$0x1] =	stream.indirect.gather [hbm4b:s6+s28], $0x80, s24, s28, $0xb8;
	[tilespmem:$0x18200] =	vst v63  }
0xc6: {  	_ =	swait.ge [sflag:s29], $0x4000  }
0xc7: {  	[sflag:s29] =	ssyncset.done $0x0  }
0xc8: {  	s9 =	simm.s32 $0x40;
	[sflag:s29] =	ssyncadd.s32 $0xFFFFC000  }
0xc9: {  	v5 =	vld [tilespmem:s9+$0x30]  }
0xca: {  	v8 =	vld [tilespmem:s9+$0x10]  }
0xcb: {  	s17 =	simm.s32 $0x0;
	v6 =	vld [tilespmem:s9+$0xFFFFFFC0]  }
0xcc: {  	v2 =	vld.msk [tilespmem:s17+$0x4100 ss:$0x0], $0xffff  }
0xcd: {  	v10 =	vld [tilespmem:s9+$0xFFFFFFE0]  }
0xce: {  	v1 =	vld [tilespmem:s9+$0xFFFFFFF0]  }
0xcf: {  	v3 =	vld [tilespmem:s9+$0x20]  }
0xd0: {  	v4 =	vld [tilespmem:s9+$0xFFFFFFD0]  }
0xd1: {  	v9 =	vmul.f32 v5, v2;
	v5 =	vld [tilespmem:s9+$0x0]  }
0xd2: {  	v7 =	vmul.f32 v2, v6  }
0xd3: {  	s10 =	simm.s32 $0x4;
	s5 =	simm.s32 $0x40;
	v6 =	vmul.f32 v10, v2;
	v8 =	vmul.f32 v8, v2  }
.LBB2_5:
0xd4: {  	p1 =	sne.s32 s10, $0x1FC  }
0xd5: {  	v4 =	vmul.f32 v4, v2;
	v3 =	vmul.f32 v3, v2;
	[tilespmem:s9+$0x30] =	vst v9;
	s5 =	sadd.s32 $0x80, s5;
	s17 =	smov.u32 s10;
	s10 =	sadd.s32 $0x4, s10  }
0xd6: {  	[tilespmem:s9+$0xFFFFFFC0] =	vst v7;
	v7 =	vmul.f32 v1, v2;
	v2 =	vmul.f32 v5, v2  }
0xd7: {  	[tilespmem:s9+$0x10] =	vst v8  }
0xd8: {  	[tilespmem:s9+$0xFFFFFFE0] =	vst v6  }
0xd9: {  	v1 =	vld [tilespmem:s5+$0xFFFFFFF0];
	[tilespmem:s9+$0xFFFFFFF0] =	vst v7  }
0xda: {  	v6 =	vld [tilespmem:s5+$0x30];
	[tilespmem:s9+$0x0] =	vst v2  }
0xdb: {  	v8 =	vld [tilespmem:s5+$0x10];
	[tilespmem:s9+$0x20] =	vst v3  }
0xdc: {  	s17 =	sshra.s32 s17, $0x2;
	v7 =	vld [tilespmem:s5+$0xFFFFFFC0];
	[tilespmem:s9+$0xFFFFFFD0] =	vst v4;
	s9 =	smov.u32 s5  }
0xdd: {  	v2 =	vld.msk [tilespmem:s17+$0x4100 ss:$0x0], $0xffff  }
0xde: {  	v10 =	vld [tilespmem:s5+$0xFFFFFFE0]  }
0xdf: {  	v3 =	vld [tilespmem:s5+$0x20]  }
.Ltmp8:
0xe0: {  	v4 =	vld [tilespmem:s5+$0xFFFFFFD0];
	(pc) =	sbr.rel @p1 .LBB2_5-.Ltmp8, $3  }
0xe1: {  	v5 =	vld [tilespmem:s5+$0x0];
	_ =	sdelay $0x1  }
0xe2: {  	v7 =	vmul.f32 v2, v7;
	v9 =	vmul.f32 v6, v2  }
0xe3: {  	v8 =	vmul.f32 v8, v2;
	v6 =	vmul.f32 v10, v2  }
0xe4: {  	[tilespmem:s9+$0x30] =	vst v9  }
0xe5: {  	[tilespmem:s9+$0xFFFFFFC0] =	vst v7  }
0xe6: {  	v1 =	vmul.f32 v1, v2;
	[tilespmem:s9+$0x10] =	vst v8  }
0xe7: {  	v3 =	vmul.f32 v3, v2;
	[tilespmem:s9+$0xFFFFFFE0] =	vst v6  }
0xe8: {  	v5 =	vmul.f32 v5, v2;
	[tilespmem:s9+$0xFFFFFFF0] =	vst v1  }
0xe9: {  	s0 =	sadd.s32 $0x1, s0;
	v1 =	vmul.f32 v4, v2;
	[tilespmem:s9+$0x20] =	vst v3  }
0xea: {  	p1 =	seq.s32 s0, $0x9D;
	[tilespmem:s9+$0x0] =	vst v5  }
.Ltmp9:
0xeb: {  	[tilespmem:s9+$0xFFFFFFD0] =	vst v1;
	(pc) =	sbr.rel @!p1 .LBB2_4-.Ltmp9, $4  }
0xec: {  	[spmem:s3] =	stream.indirect.scatter.add.f32 [tilespmem:s4], [sflag:$0x2], $0x80, s25, s28, $0xb8;
	[tilespmem:$0x18200] =	vst v63  }
0xed: {  	_ =	swait.ge [sflag:s23], $0x4000  }
0xee: {  	[sflag:s23] =	ssyncset.done $0x0  }
0xef: {  	[sflag:s23] =	ssyncadd.s32 $0xFFFFC000  }
.Ltmp10:
0xf0: {  	(pc) =	sbr.rel .LBB2_14-.Ltmp10, $2  }
0xf1: {  	_ =	sdelay $0x2  }
0xf2: {  	s0 =	rddreg [dreg:$0x5]  }
.LBB2_15:
0xf3: {  	_ =	sfence.sel $0x180000  }
0xf4: {  	[bflag:$0x0] =	sbarrier.arrive $0xFFFF  }
0xf5: {  	_ =	strace $0x9000004A  }
0xf6: {  	s0 =	stileid.u32;
	[bflag:$0x2] =	sbarrier.arrive $0xFFFF  }
0xf7: {  	p0 =	sne.s32 s0, $0x0;
	s0 =	rddreg [dreg:$0x4]  }
0xf8: {  	s0 =	sadd.s32 @!p0 $0x100000, s0  }
0xf9: {  	[sflag:s0] =	ssyncadd.tile.s32 @!p0 $0x1;
	_ =	shalt  }
.Lfunc_end2:
_tile_overlayer_lowered:
.L_overlay_start_2:
0xfa: {  	(tag) =	ssettag $0x2  }
0xfb: {  	s0 =	rddreg [dreg:$0x0];
	s2 =	stileid.u32  }
0xfc: {  	s1 =	rddreg [dreg:$0x1];
	p0 =	sne.s32 s2, $0x0  }
0xfd: {  	s3 =	rddreg [dreg:$0x2];
	[bflag:$0x3] =	sbarrier.arrive $0xFFFF;
	s2 =	simm.s32 @!p0 $0x1C02  }
0xfe: {  	[timem:s3], [sflag:s2] =	dma.local @!p0 [hbm:s0], s1  }
0xff: {  	s0 =	simm.s32 @!p0 $0x2  }
0x100: {  	_ =	swait.ge @!p0 [sflag:s0], s1  }
0x101: {  	s1 =	ssub.s32 @!p0 $0x0, s1;
	[sflag:s0] =	ssyncset.done @!p0 $0x0  }
0x102: {  	[sflag:s0] =	ssyncadd.s32 @!p0 s1  }
0x103: {  	[bflag:$0x3] =	sbarrier.arrive $0xFFFF  }
0x104: {  	_ =	shalt  }

// kernel: kernel.13.cloned.1.call-start
scs
__scs_entry_jumppad:
0x0: {  	(pc) =	sbr.rel $0x88, $3  }
0x1: {  	(tag) =	ssettag $0x0;
	lr =	simm.s32 $0x1  }
0x2: {  	[smem:$0x3F9D] =	sst lr;
	_ =	strace $0xD0000000  }
0x3: {  	_ = 	snop  }
0x4: {  	_ = 	snop  }
0x5: {  	_ = 	snop  }
0x6: {  	_ = 	snop  }
0x7: {  	_ = 	snop  }
__scs_overlays_trampoline_lowered:
0x8: {  	[smem:$0x3FAC] =	sst s0  }
0x9: {  	[smem:$0x3FAD] =	sst s1  }
0xa: {  	[smem:$0x3FAE] =	sst s2  }
0xb: {  	[smem:$0x3FAF] =	sst s3  }
0xc: {  	[smem:$0x3FB0] =	sst s4  }
0xd: {  	[smem:$0x3FB1] =	sst s5  }
0xe: {  	[smem:$0x3FB2] =	sst s6  }
0xf: {  	[smem:$0x3FB3] =	sst s7  }
0x10: {  	[smem:$0x3FB4] =	sst s8  }
0x11: {  	[smem:$0x3FB5] =	sst s9;
	s0 =	simm.s32 @!p0 $0x0  }
0x12: {  	s1 =	sld [smem:$0x3F9B];
	s0 =	simm.s32 @p0 $0x1  }
0x13: {  	[smem:$0x3FB6] =	sst s0;
	s0 =	simm.s32 @!p1 $0x0  }
0x14: {  	s2 =	sld [smem:$0x3F9A];
	s0 =	simm.s32 @p1 $0x1  }
0x15: {  	[smem:$0x3FB7] =	sst s0;
	s0 =	simm.s32 @!p2 $0x0  }
0x16: {  	s3 =	sld [smem:$0x3FDB];
	s0 =	simm.s32 @p2 $0x1  }
0x17: {  	s4 =	simm.s32 $0x1BF5;
	[smem:$0x3FB9] =	sst s0  }
0x18: {  	s0 =	sld [smem:$0x3F9C];
	_ =	swait.ge [sflag:s4], $0x0  }
0x19: {  	s7 =	sld [smem:$0x3F9D]  }
0x1a: {  	s8 =	sadd.s32 $0xFFFFE003, lr  }
0x1b: {  	s9 =	sadd.s32 $0xFFFFFEF7, lr;
	s5 =	simm.s32 $0xFFFFFFFF;
	p2 =	slt.u32 s8, $0xFFFFF086  }
0x1c: {  	p1 =	slt.u32 s9, $0xF7A;
	s5 =	simm.s32 @!p2 $0x0  }
0x1d: {  	s5 =	simm.s32 @p1 $0x1;
	p0 =	seq.s32 s7, s2  }
0x1e: {  	s7 =	smul.u32 @!p0 $0xF7A, s2;
	p2 =	seq.s32 @!p0 s5, $0x0  }
0x1f: {  	s9 =	smul.u32 $0xF7A, s1;
	s8 =	simm.s32 @!p0 $0x1BF5;
	p2 =	por !p2, p0  }
0x20: {  	[sflag:s8] =	ssyncset.s32 @!p0 $0xFFFFF086;
	s6 =	sadd.s32 @!p0 s3, s7;
	s7 =	simm.s32 @!p0 $0x108  }
0x21: {  	s3 =	sadd.s32 s3, s9;
	s6 =	sadd.s32 @!p0 $0x88, s6;
	s7 =	simm.s32 @p2 $0x1082  }
0x22: {  	[simem:s7], [sflag:s8] =	dma.local @!p0 [hbm:s6], $0xF7A  }
0x23: {  	s9 =	sor.u32 $0xD0000000, s2;
	s6 =	simm.s32 $0x108;
	_ =	swait.ge @!p0 [sflag:s8], $0x0  }
0x24: {  	s3 =	sadd.s32 $0x88, s3;
	s6 =	simm.s32 @!p1 $0x1082;
	[sflag:s4] =	ssyncset.s32 $0xFFFFF086  }
0x25: {  	[simem:s6], [sflag:s4] =	dma.local [hbm:s3], $0xF7A  }
0x26: {  	[smem:$0x3F9D] =	sst s1;
	(tag) =	ssettag s2;
	_ =	strace s9  }
0x27: {  	s1 =	sld [smem:$0x3FAD]  }
0x28: {  	s2 =	sld [smem:$0x3FAE]  }
0x29: {  	s4 =	sld [smem:$0x3FB0]  }
0x2a: {  	p0 =	seq.s32 s5, $0x0;
	s5 =	sld [smem:$0x3FB1]  }
0x2b: {  	s6 =	sld [smem:$0x3FB2]  }
0x2c: {  	s7 =	sld [smem:$0x3FB3]  }
0x2d: {  	s3 =	simm.s32 $0x108;
	s8 =	sld [smem:$0x3FB4]  }
0x2e: {  	s3 =	simm.s32 @!p0 $0x1082;
	s9 =	sld [smem:$0x3FB5]  }
0x2f: {  	lr =	sadd.s32 s0, s3;
	s0 =	sld [smem:$0x3FAC]  }
0x30: {  	s3 =	sld [smem:$0x3FAF]  }
0x31: {  	[smem:$0x3FB8] =	sst s10  }
0x32: {  	s10 =	sld [smem:$0x3FB6];
	_ =	sdelay $0x3  }
0x33: {  	p0 =	seq.s32 s10, $0x1;
	s10 =	sld [smem:$0x3FB8];
	_ =	sdelay $0x3  }
0x34: {  	[smem:$0x3FB8] =	sst s10  }
0x35: {  	s10 =	sld [smem:$0x3FB7];
	_ =	sdelay $0x3  }
0x36: {  	p1 =	seq.s32 s10, $0x1;
	s10 =	sld [smem:$0x3FB8];
	_ =	sdelay $0x3  }
0x37: {  	[smem:$0x3FB8] =	sst s10  }
0x38: {  	s10 =	sld [smem:$0x3FB9]  }
0x39: {  	_ = 	snop;
	(pc) =	sbr.ind lr, $3  }
0x3a: {  	_ = 	snop  }
0x3b: {  	_ = 	snop  }
0x3c: {  	p2 =	seq.s32 s10, $0x1;
	s10 =	sld [smem:$0x3FB8]  }
0x3d: {  	_ =	shalt  }
0x3e: {  	_ =	shalt  }
0x3f: {  	_ =	shalt  }
0x40: {  	_ =	shalt  }
0x41: {  	_ =	shalt  }
0x42: {  	_ =	shalt  }
0x43: {  	_ =	shalt  }
0x44: {  	_ =	shalt  }
0x45: {  	_ =	shalt  }
0x46: {  	_ =	shalt  }
0x47: {  	_ =	shalt  }
0x48: {  	_ =	shalt  }
0x49: {  	_ =	shalt  }
0x4a: {  	_ =	shalt  }
0x4b: {  	_ =	shalt  }
0x4c: {  	_ =	shalt  }
0x4d: {  	_ =	shalt  }
0x4e: {  	_ =	shalt  }
0x4f: {  	_ =	shalt  }
0x50: {  	_ =	shalt  }
0x51: {  	_ =	shalt  }
0x52: {  	_ =	shalt  }
0x53: {  	_ =	shalt  }
0x54: {  	_ =	shalt  }
0x55: {  	_ =	shalt  }
0x56: {  	_ =	shalt  }
0x57: {  	_ =	shalt  }
0x58: {  	_ =	shalt  }
0x59: {  	_ =	shalt  }
0x5a: {  	_ =	shalt  }
0x5b: {  	_ =	shalt  }
0x5c: {  	_ =	shalt  }
0x5d: {  	_ =	shalt  }
0x5e: {  	_ =	shalt  }
0x5f: {  	_ =	shalt  }
0x60: {  	_ =	shalt  }
0x61: {  	_ =	shalt  }
0x62: {  	_ =	shalt  }
0x63: {  	_ =	shalt  }
0x64: {  	_ =	shalt  }
0x65: {  	_ =	shalt  }
0x66: {  	_ =	shalt  }
0x67: {  	_ =	shalt  }
0x68: {  	_ =	shalt  }
0x69: {  	_ =	shalt  }
0x6a: {  	_ =	shalt  }
0x6b: {  	_ =	shalt  }
0x6c: {  	_ =	shalt  }
0x6d: {  	_ =	shalt  }
0x6e: {  	_ =	shalt  }
0x6f: {  	_ =	shalt  }
0x70: {  	_ =	shalt  }
0x71: {  	_ =	shalt  }
0x72: {  	_ =	shalt  }
0x73: {  	_ =	shalt  }
0x74: {  	_ =	shalt  }
0x75: {  	_ =	shalt  }
0x76: {  	_ =	shalt  }
0x77: {  	_ =	shalt  }
0x78: {  	_ =	shalt  }
0x79: {  	_ =	shalt  }
0x7a: {  	_ =	shalt  }
0x7b: {  	_ =	shalt  }
0x7c: {  	_ =	shalt  }
0x7d: {  	_ =	shalt  }
0x7e: {  	_ =	shalt  }
0x7f: {  	_ =	shalt  }
0x80: {  	_ =	shalt  }
0x81: {  	_ =	shalt  }
0x82: {  	_ =	shalt  }
0x83: {  	_ =	shalt  }
0x84: {  	_ =	shalt  }
0x85: {  	_ =	shalt  }
0x86: {  	_ =	shalt  }
0x87: {  	_ =	shalt  }
.Lfunc_end0:
.L_simem_size_0:
called_computation.2_lowered:
.L_overlay_start_0:
0x88: {  	s2 =	sld [smem:$0x3FD9]  }
0x89: {  	s3 =	sld [smem:$0x3FFE];
	_ =	sdelay $0x1  }
0x8a: {  	s1 =	srdreg.scid  }
0x8b: {  	s0 =	sand.u32 $0x1, s1  }
0x8c: {  	s14 =	sshll.u32 s0, $0xA;
	s2 =	sadd.s32 s3, s2  }
0x8d: {  	s2 =	sadd.s32 s2, s14  }
0x8e: {  	[smem:$0x3FC4] =	sst s2  }
0x8f: {  	_ = 	snop  }
0x90: {  	s2 =	sld [smem:$0x3FD0];
	_ =	sdelay $0x2  }
0x91: {  	s15 =	simm.s32 $0xA;
	s4 =	simm.s32 $0x10  }
0x92: {  	[smem:s4], [sflag:s15] =	dma.local [hbm:s2], $0x1  }
0x93: {  	_ =	swait.eq [sflag:s15], $0x1  }
0x94: {  	[sflag:s15] =	ssyncset.done $0x0  }
0x95: {  	s16 =	sld [smem:$0x10];
	[sflag:s15] =	ssyncadd.s32 $0xFFFFFFFF  }
0x96: {  	s17 =	sld [smem:$0x11];
	(tm) =	ssettm $0x1  }
0x97: {  	s18 =	sld [smem:$0x3FFB];
	_ =	sdelay $0x3  }
0x98: {  	_ =	strace s18  }
0x99: {  	s4 =	sld [smem:$0x3FFC];
	_ =	sdelay $0x3  }
0x9a: {  	_ =	strace s4  }
0x9b: {  	s4 =	sld [smem:$0x3FFD];
	_ =	sdelay $0x3  }
0x9c: {  	_ =	strace s4  }
0x9d: {  	_ =	strace $0x8FFFFFFF  }
0x9e: {  	s19 =	sld [smem:$0x3FDB];
	_ =	sdelay $0x1  }
0x9f: {  	s5 =	simm.s32 $_scs_section_size  }
0xa0: {  	s6 =	simm.s32 $_size__tile_overlayer_lowered;
	s7 =	simm.s32 $_tile_overlayer_lowered  }
0xa1: {  	s22 =	simm.s32 $0x1BFF;
	s21 =	sshll.u32 s7, $0x1;
	s4 =	sadd.s32 s5, s19  }
0xa2: {  	s8 =	simm.s32 $0x0;
	s20 =	sshll.u32 s6, $0x1;
	s6 =	sadd.s32 s21, s4  }
0xa3: {  	[timem:s8], [sflag:s22] =	dma.local [hbm:s6], s20  }
0xa4: {  	_ =	swait.ge [sflag:s22], s20  }
0xa5: {  	s5 =	ssub.s32 $0x0, s20;
	[sflag:s22] =	ssyncset.done $0x0  }
0xa6: {  	[sflag:s22] =	ssyncadd.s32 s5;
	_ =	sdelay $0x1  }
0xa7: {  	s23 =	simm.s32 $0x1B8B  }
0xa8: {  	_ =	swait.ge [sflag:s23], $0x1  }
0xa9: {  	[sflag:s23] =	ssyncset.done $0x0  }
0xaa: {  	s25 =	simm.s32 $0x1B8E;
	s24 =	sld [smem:$0x3FFE];
	[sflag:s23] =	ssyncadd.s32 $0xFFFFFFFF  }
0xab: {  	s26 =	simm.s32 $execute0_lowered;
	[smem:$0x3FD2] =	sst s25  }
0xac: {  	s6 =	sshll.u32 s26, $0x1;
	_ =	strace $0x8000004C;
	[dreg:$0x1] =	wrdreg $0xFFFFFFFF  }
0xad: {  	s28 =	simm.s32 $_size_execute0_lowered;
	s4 =	sadd.s32 s4, s6;
	[dreg:$0x0] =	wrdreg $0x0  }
0xae: {  	s6 =	sshll.u32 s28, $0x1;
	[dreg:$0x2] =	wrdreg s4  }
0xaf: {  	[dreg:$0x3] =	wrdreg s6  }
0xb0: {  	[dreg:$0x4] =	wrdreg $0xC0  }
0xb1: {  	_ =	task [dreg:s8], $0x5FFFF  }
0xb2: {  	[dreg:$0x1] =	wrdreg $0xFFFFFFFF  }
0xb3: {  	[dreg:$0x0] =	wrdreg $0x60  }
0xb4: {  	[dreg:$0x2] =	wrdreg s24  }
0xb5: {  	[dreg:$0x3] =	wrdreg s17  }
0xb6: {  	[dreg:$0x4] =	wrdreg s16  }
0xb7: {  	[dreg:$0x5] =	wrdreg $0x42000  }
0xb8: {  	[dreg:$0x6] =	wrdreg $0x9  }
0xb9: {  	_ =	task.clear_ibuf [dreg:s8], $0x7FFFF;
	_ =	strace $0x9000004C  }
0xba: {  	s29 =	simm.s32 $0x9;
	_ =	strace $0x8000004E  }
0xbb: {  	_ =	swait.ge [sflag:s29], $0x1  }
0xbc: {  	[sflag:s29] =	ssyncadd.s32 $0xFFFFFFFF  }
0xbd: {  	_ =	strace $0x9000004E  }
0xbe: {  	_ =	sfence  }
0xbf: {  	s30 =	sld [smem:$0x0];
	_ =	sdelay $0x2  }
0xc0: {  	s31 =	sshll.u32 s1, $0xD;
	s1 =	sshrl.u32 s1, $0x2  }
0xc1: {  	s3 =	sand.u32 $0x4000, s31;
	s1 =	sadd.s32 s1, s30  }
0xc2: {  	s0 =	sor.u32 s3, s0;
	s1 =	sshll.u32 s1, $0x11  }
0xc3: {  	s0 =	sor.u32 s1, s0  }
0xc4: {  	s0 =	sadd.s32 $0x8F2B, s0  }
0xc5: {  	[sflag:s0] =	ssyncadd.remote.s32 $0x1  }
0xc6: {  	_ =	sfence.sel $0xFFFF  }
0xc7: {  	[dreg:$0x0] =	wrdreg $0xFFFFFFFF;
	(pc) =	sbr.abs _section_cstart, $3  }
0xc8: {  	[dreg:$0x1] =	wrdreg $0xFFFFFFFF  }
0xc9: {  	_ =	task.clear_ibuf [dreg:s8], $0x2FFFF;
	_ =	strace $0x9FFFFFFF  }
0xca: {  	(tm) =	ssettm $0x7FFFFFFF  }
0xcb: {  	_ =	shalt  }
tec
execute0_lowered:
.L_overlay_start_1:
0x0: {  	(tag) =	ssettag $0x1  }
0x1: {  	s0 =	rddreg [dreg:$0x0]  }
0x2: {  	s1 =	rddreg [dreg:$0x1]  }
0x3: {  	s2 =	rddreg [dreg:$0x2]  }
0x4: {  	s3 =	rddreg [dreg:$0x3];
	s4 =	simm.s32 $0x0  }
0x5: {  	s5 =	srdreg.scid;
	s17 =	stileid.u32;
	s28 =	simm.s32 $0x80  }
0x6: {  	s29 =	simm.s32 $0x1;
	s30 =	simm.s32 $0x0;
	[smem:$0x7FF] =	sst s4  }
0x7: {  	s6 =	sadd.s32 $0x5D800, s0;
	s7 =	sadd.s32 $0x85800, s0;
	s10 =	smul.u32 $0x280, s17  }
0x8: {  	s8 =	sadd.s32 $0x3A00, s0;
	s5 =	sand.u32 $0x1, s5;
	s11 =	smul.u32 $0x50000, s17  }
0x9: {  	s9 =	sadd.s32 $0xD5800, s0;
	s0 =	sadd.s32 $0xAD800, s0;
	s14 =	smul.u32 $0x9D, s17  }
0xa: {  	s17 =	smul.u32 $0x2800, s17;
	_ =	strace $0x8000004D;
	[dreg:$0x5] =	wrdreg s9  }
0xb: {  	s22 =	ssub.s32 $0x2, s5;
	[dreg:$0x6] =	wrdreg s0;
	p0 =	seq.s32 s5, $0x1  }
0xc: {  	s23 =	sshrl.u32 s22, $0x1;
	s24 =	sadd.s32 $0x80, s10;
	s25 =	sshrl.u32 s11, $0x2  }
0xd: {  	s19 =	sadd.s32 $0x100, s10;
	s31 =	sadd.s32 $0x180, s10;
	s10 =	sadd.s32 $0x200, s10  }
0xe: {  	[dreg:$0x7] =	wrdreg s17;
	s0 =	ssub.s32 s22, s23;
	s12 =	sshll.u32 s24, $0x7  }
0xf: {  	s11 =	sadd.s32 s25, s3;
	s26 =	sshll.u32 s19, $0x7;
	s15 =	sshll.u32 s31, $0x7  }
.Ltmp0:
0x10: {  	s16 =	sshll.u32 s10, $0x7;
	s18 =	sshll.u32 s24, $0x4;
	(pc) =	sbr.rel .LBB2_1-.Ltmp0, $4  }
0x11: {  	s19 =	sshll.u32 s19, $0x4;
	s20 =	sshll.u32 s31, $0x4;
	s21 =	sshll.u32 s10, $0x4  }
0x12: {  	s23 =	simm.s32 $0x2;
	s24 =	simm.s32 $0x4000;
	s25 =	simm.s32 $0x4080  }
0x13: {  	s12 =	sadd.s32 s12, s3;
	s13 =	sadd.s32 s26, s3;
	s15 =	sadd.s32 s15, s3  }
0x14: {  	v0 =	vimm.f32 $0.0e+00;
	s16 =	sadd.s32 s16, s3;
	s22 =	smax.u32 s0, $0x1;
	s26 =	simm.s32 $0x4100  }
.LBB2_14:
0x15: {  	s9 =	stileid.u32  }
0x16: {  	s5 =	rddreg [dreg:$0x7];
	[bflag:$0x0] =	sbarrier.arrive $0xFFFF;
	s9 =	sshll.u32 s9, $0x6  }
0x17: {  	s10 =	sshrl.u32 s11, $0x3;
	s5 =	sadd.s32 s0, s5;
	s9 =	sor.u32 $0x1C02, s9  }
0x18: {  	[hbm:s5], [sflag:s9] =	dma.local [spmem:s10], $0x800  }
0x19: {  	_ =	swait.ge [sflag:s23], $0x800  }
0x1a: {  	[sflag:s23] =	ssyncset.done $0x0  }
0x1b: {  	s17 =	sadd.s32 s0, s18;
	s31 =	sshrl.u32 s12, $0x3;
	[sflag:s23] =	ssyncadd.s32 $0xFFFFF800  }
0x1c: {  	[hbm:s17], [sflag:s9] =	dma.local [spmem:s31], $0x800  }
0x1d: {  	_ =	swait.ge [sflag:s23], $0x800  }
0x1e: {  	[sflag:s23] =	ssyncset.done $0x0  }
0x1f: {  	s17 =	sadd.s32 s0, s19;
	s31 =	sshrl.u32 s13, $0x3;
	[sflag:s23] =	ssyncadd.s32 $0xFFFFF800  }
0x20: {  	[hbm:s17], [sflag:s9] =	dma.local [spmem:s31], $0x800  }
0x21: {  	_ =	swait.ge [sflag:s23], $0x800  }
0x22: {  	[sflag:s23] =	ssyncset.done $0x0  }
0x23: {  	s17 =	sadd.s32 s0, s20;
	s31 =	sshrl.u32 s15, $0x3;
	[sflag:s23] =	ssyncadd.s32 $0xFFFFF800  }
0x24: {  	[hbm:s17], [sflag:s9] =	dma.local [spmem:s31], $0x800  }
0x25: {  	s30 =	sadd.s32 $0x1, s30;
	_ =	swait.ge [sflag:s23], $0x800  }
0x26: {  	p1 =	sne.s32 s30, s22;
	s17 =	sadd.s32 s0, s21;
	[sflag:s23] =	ssyncset.done $0x0  }
.Ltmp1:
0x27: {  	s31 =	sshrl.u32 s16, $0x3;
	[sflag:s23] =	ssyncadd.s32 $0xFFFFF800;
	(pc) =	sbr.rel @!p1 .LBB2_15-.Ltmp1, $4  }
0x28: {  	[hbm:s17], [sflag:s9] =	dma.local [spmem:s31], $0x800  }
0x29: {  	_ =	swait.ge [sflag:s23], $0x800  }
0x2a: {  	[sflag:s23] =	ssyncset.done $0x0  }
0x2b: {  	[sflag:s23] =	ssyncadd.s32 $0xFFFFF800  }
.LBB2_1:
.Ltmp2:
0x2c: {  	(pc) =	sbr.rel @!p0 .LBB2_2-.Ltmp2, $2  }
0x2d: {  	_ =	sdelay $0x2  }
0x2e: {  	s0 =	sshra.s32 s4, $0x2;
	s5 =	sadd.s32 $0x200, s4  }
.LBB2_8:
0x2f: {  	p1 =	sne.s32 s5, $0xFE00;
	[tilespmem:s0+$0x70] =	vst v0  }
0x30: {  	[tilespmem:s0+$0x0] =	vst v0  }
0x31: {  	[tilespmem:s0+$0x10] =	vst v0  }
.Ltmp3:
0x32: {  	[tilespmem:s0+$0x20] =	vst v0;
	(pc) =	sbr.rel @p1 .LBB2_8-.Ltmp3, $4  }
0x33: {  	[tilespmem:s0+$0x30] =	vst v0  }
0x34: {  	[tilespmem:s0+$0x40] =	vst v0  }
0x35: {  	[tilespmem:s0+$0x50] =	vst v0  }
0x36: {  	[tilespmem:s0+$0x60] =	vst v0;
	s0 =	sshra.s32 s5, $0x2;
	s5 =	sadd.s32 $0x200, s5  }
0x37: {  	[tilespmem:s0+$0x70] =	vst v0  }
0x38: {  	[tilespmem:s0+$0x0] =	vst v0  }
0x39: {  	[tilespmem:s0+$0x10] =	vst v0  }
0x3a: {  	[tilespmem:s0+$0x20] =	vst v0  }
0x3b: {  	[tilespmem:s0+$0x30] =	vst v0  }
0x3c: {  	[tilespmem:s0+$0x40] =	vst v0  }
0x3d: {  	[tilespmem:s0+$0x50] =	vst v0  }
0x3e: {  	[tilespmem:s0+$0x60] =	vst v0;
	s31 =	simm.s32 $0x0  }
0x3f: {  	[spmem:s11] =	stream.linear.scatter [tilespmem:s31], [sflag:$0x2], $0x4000, $0x38;
	[tilespmem:$0x18200] =	vst v63  }
0x40: {  	_ =	swait.ge [sflag:s23], $0x4000  }
0x41: {  	[sflag:s23] =	ssyncset.done $0x0  }
0x42: {  	[sflag:s23] =	ssyncadd.s32 $0xFFFFC000  }
0x43: {  	[spmem:s12] =	stream.linear.scatter [tilespmem:s31], [sflag:$0x2], $0x4000, $0x38;
	[tilespmem:$0x18200] =	vst v63  }
0x44: {  	_ =	swait.ge [sflag:s23], $0x4000  }
0x45: {  	[sflag:s23] =	ssyncset.done $0x0  }
0x46: {  	[sflag:s23] =	ssyncadd.s32 $0xFFFFC000  }
0x47: {  	[spmem:s13] =	stream.linear.scatter [tilespmem:s31], [sflag:$0x2], $0x4000, $0x38;
	[tilespmem:$0x18200] =	vst v63  }
0x48: {  	_ =	swait.ge [sflag:s23], $0x4000  }
0x49: {  	[sflag:s23] =	ssyncset.done $0x0  }
0x4a: {  	[sflag:s23] =	ssyncadd.s32 $0xFFFFC000  }
0x4b: {  	[spmem:s15] =	stream.linear.scatter [tilespmem:s31], [sflag:$0x2], $0x4000, $0x38;
	[tilespmem:$0x18200] =	vst v63  }
0x4c: {  	_ =	swait.ge [sflag:s23], $0x4000  }
0x4d: {  	[sflag:s23] =	ssyncset.done $0x0  }
0x4e: {  	[sflag:s23] =	ssyncadd.s32 $0xFFFFC000  }
0x4f: {  	[spmem:s16] =	stream.linear.scatter [tilespmem:s31], [sflag:$0x2], $0x4000, $0x38;
	[tilespmem:$0x18200] =	vst v63  }
0x50: {  	_ =	swait.ge [sflag:s23], $0x4000  }
0x51: {  	[sflag:s23] =	ssyncset.done $0x0  }
0x52: {  	[sflag:s23] =	ssyncadd.s32 $0xFFFFC000  }
0x53: {  	s0 =	simm.s32 $0x0;
	[bflag:$0x0] =	sbarrier.arrive $0xFFFF  }
.LBB2_10:
0x54: {  	s5 =	sadd.s32 s14, s0  }
0x55: {  	s5 =	sshll.u32 s5, $0x4  }
0x56: {  	s9 =	sadd.s32 s1, s5  }
0x57: {  	[tilespmem:s24], [sflag:$0x2] =	stream.linear.gather [hbm4b:s9+s31], $0x80, $0x38;
	[tilespmem:$0x18200] =	vst v63  }
0x58: {  	_ =	swait.ge [sflag:s23], $0x80  }
0x59: {  	[sflag:s23] =	ssyncset.done $0x0  }
0x5a: {  	s10 =	sadd.s32 s2, s5;
	[sflag:s23] =	ssyncadd.s32 $0xFFFFFF80  }
0x5b: {  	[tilespmem:s25], [sflag:$0x2] =	stream.linear.gather [hbm4b:s10+s31], $0x80, $0x38;
	[tilespmem:$0x18200] =	vst v63  }
0x5c: {  	_ =	swait.ge [sflag:s23], $0x80  }
0x5d: {  	[sflag:s23] =	ssyncset.done $0x0  }
0x5e: {  	s5 =	sadd.s32 s8, s5;
	[sflag:s23] =	ssyncadd.s32 $0xFFFFFF80  }
0x5f: {  	[tilespmem:s26], [sflag:$0x2] =	stream.linear.gather [hbm4b:s5+s31], $0x80, $0x38;
	[tilespmem:$0x18200] =	vst v63  }
0x60: {  	_ =	swait.ge [sflag:s23], $0x80  }
0x61: {  	[sflag:s23] =	ssyncset.done $0x0  }
0x62: {  	[sflag:s23] =	ssyncadd.s32 $0xFFFFFF80  }
0x63: {  	[tilespmem:s31], [sflag:$0x1] =	stream.indirect.gather [hbm4b:s7+s28], $0x80, s24, s28, $0xb8;
	[tilespmem:$0x18200] =	vst v63  }
0x64: {  	_ =	swait.ge [sflag:s29], $0x4000  }
0x65: {  	[sflag:s29] =	ssyncset.done $0x0  }
0x66: {  	s9 =	simm.s32 $0x40;
	[sflag:s29] =	ssyncadd.s32 $0xFFFFC000  }
0x67: {  	v5 =	vld [tilespmem:s9+$0x30]  }
0x68: {  	v8 =	vld [tilespmem:s9+$0x10]  }
0x69: {  	s17 =	simm.s32 $0x0;
	v6 =	vld [tilespmem:s9+$0xFFFFFFC0]  }
0x6a: {  	v2 =	vld.msk [tilespmem:s17+$0x4100 ss:$0x0], $0xffff  }
0x6b: {  	v10 =	vld [tilespmem:s9+$0xFFFFFFE0]  }
0x6c: {  	v1 =	vld [tilespmem:s9+$0xFFFFFFF0]  }
0x6d: {  	v3 =	vld [tilespmem:s9+$0x20]  }
0x6e: {  	v4 =	vld [tilespmem:s9+$0xFFFFFFD0]  }
0x6f: {  	v9 =	vmul.f32 v5, v2;
	v5 =	vld [tilespmem:s9+$0x0]  }
0x70: {  	v7 =	vmul.f32 v2, v6  }
0x71: {  	s10 =	simm.s32 $0x4;
	s5 =	simm.s32 $0x40;
	v6 =	vmul.f32 v10, v2;
	v8 =	vmul.f32 v8, v2  }
.LBB2_11:
0x72: {  	p1 =	sne.s32 s10, $0x1FC  }
0x73: {  	v4 =	vmul.f32 v4, v2;
	v3 =	vmul.f32 v3, v2;
	[tilespmem:s9+$0x30] =	vst v9;
	s5 =	sadd.s32 $0x80, s5;
	s17 =	smov.u32 s10;
	s10 =	sadd.s32 $0x4, s10  }
0x74: {  	[tilespmem:s9+$0xFFFFFFC0] =	vst v7;
	v7 =	vmul.f32 v1, v2;
	v2 =	vmul.f32 v5, v2  }
0x75: {  	[tilespmem:s9+$0x10] =	vst v8  }
0x76: {  	[tilespmem:s9+$0xFFFFFFE0] =	vst v6  }
0x77: {  	v1 =	vld [tilespmem:s5+$0xFFFFFFF0];
	[tilespmem:s9+$0xFFFFFFF0] =	vst v7  }
0x78: {  	v6 =	vld [tilespmem:s5+$0x30];
	[tilespmem:s9+$0x0] =	vst v2  }
0x79: {  	v8 =	vld [tilespmem:s5+$0x10];
	[tilespmem:s9+$0x20] =	vst v3  }
0x7a: {  	s17 =	sshra.s32 s17, $0x2;
	v7 =	vld [tilespmem:s5+$0xFFFFFFC0];
	[tilespmem:s9+$0xFFFFFFD0] =	vst v4;
	s9 =	smov.u32 s5  }
0x7b: {  	v2 =	vld.msk [tilespmem:s17+$0x4100 ss:$0x0], $0xffff  }
0x7c: {  	v10 =	vld [tilespmem:s5+$0xFFFFFFE0]  }
0x7d: {  	v3 =	vld [tilespmem:s5+$0x20]  }
.Ltmp4:
0x7e: {  	v4 =	vld [tilespmem:s5+$0xFFFFFFD0];
	(pc) =	sbr.rel @p1 .LBB2_11-.Ltmp4, $3  }
0x7f: {  	v5 =	vld [tilespmem:s5+$0x0];
	_ =	sdelay $0x1  }
0x80: {  	v7 =	vmul.f32 v2, v7;
	v9 =	vmul.f32 v6, v2  }
0x81: {  	v8 =	vmul.f32 v8, v2;
	v6 =	vmul.f32 v10, v2  }
0x82: {  	[tilespmem:s9+$0x30] =	vst v9  }
0x83: {  	[tilespmem:s9+$0xFFFFFFC0] =	vst v7  }
0x84: {  	v1 =	vmul.f32 v1, v2;
	[tilespmem:s9+$0x10] =	vst v8  }
0x85: {  	v3 =	vmul.f32 v3, v2;
	[tilespmem:s9+$0xFFFFFFE0] =	vst v6  }
0x86: {  	v5 =	vmul.f32 v5, v2;
	[tilespmem:s9+$0xFFFFFFF0] =	vst v1  }
0x87: {  	s0 =	sadd.s32 $0x1, s0;
	v1 =	vmul.f32 v4, v2;
	[tilespmem:s9+$0x20] =	vst v3  }
0x88: {  	p1 =	sne.s32 s0, $0x9D;
	[tilespmem:s9+$0x0] =	vst v5  }
.Ltmp5:
0x89: {  	[tilespmem:s9+$0xFFFFFFD0] =	vst v1;
	(pc) =	sbr.rel @p1 .LBB2_10-.Ltmp5, $4  }
0x8a: {  	[spmem:s3] =	stream.indirect.scatter.add.f32 [tilespmem:s4], [sflag:$0x2], $0x80, s25, s28, $0xb8;
	[tilespmem:$0x18200] =	vst v63  }
0x8b: {  	_ =	swait.ge [sflag:s23], $0x4000  }
0x8c: {  	[sflag:s23] =	ssyncset.done $0x0  }
0x8d: {  	[sflag:s23] =	ssyncadd.s32 $0xFFFFC000  }
.Ltmp6:
0x8e: {  	(pc) =	sbr.rel .LBB2_14-.Ltmp6, $2  }
0x8f: {  	_ =	sdelay $0x2  }
0x90: {  	s0 =	rddreg [dreg:$0x6]  }
.LBB2_2:
0x91: {  	p1 =	sne.s32 s5, $0xFE00;
	[tilespmem:s0+$0x70] =	vst v0  }
0x92: {  	[tilespmem:s0+$0x0] =	vst v0  }
0x93: {  	[tilespmem:s0+$0x10] =	vst v0  }
.Ltmp7:
0x94: {  	[tilespmem:s0+$0x20] =	vst v0;
	(pc) =	sbr.rel @p1 .LBB2_2-.Ltmp7, $4  }
0x95: {  	[tilespmem:s0+$0x30] =	vst v0  }
0x96: {  	[tilespmem:s0+$0x40] =	vst v0  }
0x97: {  	[tilespmem:s0+$0x50] =	vst v0  }
0x98: {  	[tilespmem:s0+$0x60] =	vst v0;
	s0 =	sshra.s32 s5, $0x2;
	s5 =	sadd.s32 $0x200, s5  }
0x99: {  	[tilespmem:s0+$0x70] =	vst v0  }
0x9a: {  	[tilespmem:s0+$0x0] =	vst v0  }
0x9b: {  	[tilespmem:s0+$0x10] =	vst v0  }
0x9c: {  	[tilespmem:s0+$0x20] =	vst v0  }
0x9d: {  	[tilespmem:s0+$0x30] =	vst v0  }
0x9e: {  	[tilespmem:s0+$0x40] =	vst v0  }
0x9f: {  	[tilespmem:s0+$0x50] =	vst v0  }
0xa0: {  	[tilespmem:s0+$0x60] =	vst v0;
	s31 =	simm.s32 $0x0  }
0xa1: {  	[spmem:s11] =	stream.linear.scatter [tilespmem:s31], [sflag:$0x2], $0x4000, $0x38;
	[tilespmem:$0x18200] =	vst v63  }
0xa2: {  	_ =	swait.ge [sflag:s23], $0x4000  }
0xa3: {  	[sflag:s23] =	ssyncset.done $0x0  }
0xa4: {  	[sflag:s23] =	ssyncadd.s32 $0xFFFFC000  }
0xa5: {  	[spmem:s12] =	stream.linear.scatter [tilespmem:s31], [sflag:$0x2], $0x4000, $0x38;
	[tilespmem:$0x18200] =	vst v63  }
0xa6: {  	_ =	swait.ge [sflag:s23], $0x4000  }
0xa7: {  	[sflag:s23] =	ssyncset.done $0x0  }
0xa8: {  	[sflag:s23] =	ssyncadd.s32 $0xFFFFC000  }
0xa9: {  	[spmem:s13] =	stream.linear.scatter [tilespmem:s31], [sflag:$0x2], $0x4000, $0x38;
	[tilespmem:$0x18200] =	vst v63  }
0xaa: {  	_ =	swait.ge [sflag:s23], $0x4000  }
0xab: {  	[sflag:s23] =	ssyncset.done $0x0  }
0xac: {  	[sflag:s23] =	ssyncadd.s32 $0xFFFFC000  }
0xad: {  	[spmem:s15] =	stream.linear.scatter [tilespmem:s31], [sflag:$0x2], $0x4000, $0x38;
	[tilespmem:$0x18200] =	vst v63  }
0xae: {  	_ =	swait.ge [sflag:s23], $0x4000  }
0xaf: {  	[sflag:s23] =	ssyncset.done $0x0  }
0xb0: {  	[sflag:s23] =	ssyncadd.s32 $0xFFFFC000  }
0xb1: {  	[spmem:s16] =	stream.linear.scatter [tilespmem:s31], [sflag:$0x2], $0x4000, $0x38;
	[tilespmem:$0x18200] =	vst v63  }
0xb2: {  	_ =	swait.ge [sflag:s23], $0x4000  }
0xb3: {  	[sflag:s23] =	ssyncset.done $0x0  }
0xb4: {  	[sflag:s23] =	ssyncadd.s32 $0xFFFFC000  }
0xb5: {  	s0 =	simm.s32 $0x0;
	[bflag:$0x0] =	sbarrier.arrive $0xFFFF  }
.LBB2_4:
0xb6: {  	s5 =	sadd.s32 s14, s0  }
0xb7: {  	s5 =	sshll.u32 s5, $0x4  }
0xb8: {  	s9 =	sadd.s32 s2, s5  }
0xb9: {  	[tilespmem:s24], [sflag:$0x2] =	stream.linear.gather [hbm4b:s9+s31], $0x80, $0x38;
	[tilespmem:$0x18200] =	vst v63  }
0xba: {  	_ =	swait.ge [sflag:s23], $0x80  }
0xbb: {  	[sflag:s23] =	ssyncset.done $0x0  }
0xbc: {  	s10 =	sadd.s32 s1, s5;
	[sflag:s23] =	ssyncadd.s32 $0xFFFFFF80  }
0xbd: {  	[tilespmem:s25], [sflag:$0x2] =	stream.linear.gather [hbm4b:s10+s31], $0x80, $0x38;
	[tilespmem:$0x18200] =	vst v63  }
0xbe: {  	_ =	swait.ge [sflag:s23], $0x80  }
0xbf: {  	[sflag:s23] =	ssyncset.done $0x0  }
0xc0: {  	s5 =	sadd.s32 s8, s5;
	[sflag:s23] =	ssyncadd.s32 $0xFFFFFF80  }
0xc1: {  	[tilespmem:s26], [sflag:$0x2] =	stream.linear.gather [hbm4b:s5+s31], $0x80, $0x38;
	[tilespmem:$0x18200] =	vst v63  }
0xc2: {  	_ =	swait.ge [sflag:s23], $0x80  }
0xc3: {  	[sflag:s23] =	ssyncset.done $0x0  }
0xc4: {  	[sflag:s23] =	ssyncadd.s32 $0xFFFFFF80  }
0xc5: {  	[tilespmem:s31], [sflag:$0x1] =	stream.indirect.gather [hbm4b:s6+s28], $0x80, s24, s28, $0xb8;
	[tilespmem:$0x18200] =	vst v63  }
0xc6: {  	_ =	swait.ge [sflag:s29], $0x4000  }
0xc7: {  	[sflag:s29] =	ssyncset.done $0x0  }
0xc8: {  	s9 =	simm.s32 $0x40;
	[sflag:s29] =	ssyncadd.s32 $0xFFFFC000  }
0xc9: {  	v5 =	vld [tilespmem:s9+$0x30]  }
0xca: {  	v8 =	vld [tilespmem:s9+$0x10]  }
0xcb: {  	s17 =	simm.s32 $0x0;
	v6 =	vld [tilespmem:s9+$0xFFFFFFC0]  }
0xcc: {  	v2 =	vld.msk [tilespmem:s17+$0x4100 ss:$0x0], $0xffff  }
0xcd: {  	v10 =	vld [tilespmem:s9+$0xFFFFFFE0]  }
0xce: {  	v1 =	vld [tilespmem:s9+$0xFFFFFFF0]  }
0xcf: {  	v3 =	vld [tilespmem:s9+$0x20]  }
0xd0: {  	v4 =	vld [tilespmem:s9+$0xFFFFFFD0]  }
0xd1: {  	v9 =	vmul.f32 v5, v2;
	v5 =	vld [tilespmem:s9+$0x0]  }
0xd2: {  	v7 =	vmul.f32 v2, v6  }
0xd3: {  	s10 =	simm.s32 $0x4;
	s5 =	simm.s32 $0x40;
	v6 =	vmul.f32 v10, v2;
	v8 =	vmul.f32 v8, v2  }
.LBB2_5:
0xd4: {  	p1 =	sne.s32 s10, $0x1FC  }
0xd5: {  	v4 =	vmul.f32 v4, v2;
	v3 =	vmul.f32 v3, v2;
	[tilespmem:s9+$0x30] =	vst v9;
	s5 =	sadd.s32 $0x80, s5;
	s17 =	smov.u32 s10;
	s10 =	sadd.s32 $0x4, s10  }
0xd6: {  	[tilespmem:s9+$0xFFFFFFC0] =	vst v7;
	v7 =	vmul.f32 v1, v2;
	v2 =	vmul.f32 v5, v2  }
0xd7: {  	[tilespmem:s9+$0x10] =	vst v8  }
0xd8: {  	[tilespmem:s9+$0xFFFFFFE0] =	vst v6  }
0xd9: {  	v1 =	vld [tilespmem:s5+$0xFFFFFFF0];
	[tilespmem:s9+$0xFFFFFFF0] =	vst v7  }
0xda: {  	v6 =	vld [tilespmem:s5+$0x30];
	[tilespmem:s9+$0x0] =	vst v2  }
0xdb: {  	v8 =	vld [tilespmem:s5+$0x10];
	[tilespmem:s9+$0x20] =	vst v3  }
0xdc: {  	s17 =	sshra.s32 s17, $0x2;
	v7 =	vld [tilespmem:s5+$0xFFFFFFC0];
	[tilespmem:s9+$0xFFFFFFD0] =	vst v4;
	s9 =	smov.u32 s5  }
0xdd: {  	v2 =	vld.msk [tilespmem:s17+$0x4100 ss:$0x0], $0xffff  }
0xde: {  	v10 =	vld [tilespmem:s5+$0xFFFFFFE0]  }
0xdf: {  	v3 =	vld [tilespmem:s5+$0x20]  }
.Ltmp8:
0xe0: {  	v4 =	vld [tilespmem:s5+$0xFFFFFFD0];
	(pc) =	sbr.rel @p1 .LBB2_5-.Ltmp8, $3  }
0xe1: {  	v5 =	vld [tilespmem:s5+$0x0];
	_ =	sdelay $0x1  }
0xe2: {  	v7 =	vmul.f32 v2, v7;
	v9 =	vmul.f32 v6, v2  }
0xe3: {  	v8 =	vmul.f32 v8, v2;
	v6 =	vmul.f32 v10, v2  }
0xe4: {  	[tilespmem:s9+$0x30] =	vst v9  }
0xe5: {  	[tilespmem:s9+$0xFFFFFFC0] =	vst v7  }
0xe6: {  	v1 =	vmul.f32 v1, v2;
	[tilespmem:s9+$0x10] =	vst v8  }
0xe7: {  	v3 =	vmul.f32 v3, v2;
	[tilespmem:s9+$0xFFFFFFE0] =	vst v6  }
0xe8: {  	v5 =	vmul.f32 v5, v2;
	[tilespmem:s9+$0xFFFFFFF0] =	vst v1  }
0xe9: {  	s0 =	sadd.s32 $0x1, s0;
	v1 =	vmul.f32 v4, v2;
	[tilespmem:s9+$0x20] =	vst v3  }
0xea: {  	p1 =	seq.s32 s0, $0x9D;
	[tilespmem:s9+$0x0] =	vst v5  }
.Ltmp9:
0xeb: {  	[tilespmem:s9+$0xFFFFFFD0] =	vst v1;
	(pc) =	sbr.rel @!p1 .LBB2_4-.Ltmp9, $4  }
0xec: {  	[spmem:s3] =	stream.indirect.scatter.add.f32 [tilespmem:s4], [sflag:$0x2], $0x80, s25, s28, $0xb8;
	[tilespmem:$0x18200] =	vst v63  }
0xed: {  	_ =	swait.ge [sflag:s23], $0x4000  }
0xee: {  	[sflag:s23] =	ssyncset.done $0x0  }
0xef: {  	[sflag:s23] =	ssyncadd.s32 $0xFFFFC000  }
.Ltmp10:
0xf0: {  	(pc) =	sbr.rel .LBB2_14-.Ltmp10, $2  }
0xf1: {  	_ =	sdelay $0x2  }
0xf2: {  	s0 =	rddreg [dreg:$0x5]  }
.LBB2_15:
0xf3: {  	_ =	sfence.sel $0x180000  }
0xf4: {  	[bflag:$0x0] =	sbarrier.arrive $0xFFFF  }
0xf5: {  	_ =	strace $0x9000004D  }
0xf6: {  	s0 =	stileid.u32;
	[bflag:$0x2] =	sbarrier.arrive $0xFFFF  }
0xf7: {  	p0 =	sne.s32 s0, $0x0;
	s0 =	rddreg [dreg:$0x4]  }
0xf8: {  	s0 =	sadd.s32 @!p0 $0x100000, s0  }
0xf9: {  	[sflag:s0] =	ssyncadd.tile.s32 @!p0 $0x1;
	_ =	shalt  }
.Lfunc_end2:
_tile_overlayer_lowered:
.L_overlay_start_2:
0xfa: {  	(tag) =	ssettag $0x2  }
0xfb: {  	s0 =	rddreg [dreg:$0x0];
	s2 =	stileid.u32  }
0xfc: {  	s1 =	rddreg [dreg:$0x1];
	p0 =	sne.s32 s2, $0x0  }
0xfd: {  	s3 =	rddreg [dreg:$0x2];
	[bflag:$0x3] =	sbarrier.arrive $0xFFFF;
	s2 =	simm.s32 @!p0 $0x1C02  }
0xfe: {  	[timem:s3], [sflag:s2] =	dma.local @!p0 [hbm:s0], s1  }
0xff: {  	s0 =	simm.s32 @!p0 $0x2  }
0x100: {  	_ =	swait.ge @!p0 [sflag:s0], s1  }
0x101: {  	s1 =	ssub.s32 @!p0 $0x0, s1;
	[sflag:s0] =	ssyncset.done @!p0 $0x0  }
0x102: {  	[sflag:s0] =	ssyncadd.s32 @!p0 s1  }
0x103: {  	[bflag:$0x3] =	sbarrier.arrive $0xFFFF  }
0x104: {  	_ =	shalt  }

// kernel: kernel.7.cloned.1.call-start
scs
__scs_entry_jumppad:
0x0: {  	(pc) =	sbr.rel $0x88, $3  }
0x1: {  	(tag) =	ssettag $0x0;
	lr =	simm.s32 $0x1  }
0x2: {  	[smem:$0x3F9D] =	sst lr;
	_ =	strace $0xD0000000  }
0x3: {  	_ = 	snop  }
0x4: {  	_ = 	snop  }
0x5: {  	_ = 	snop  }
0x6: {  	_ = 	snop  }
0x7: {  	_ = 	snop  }
__scs_overlays_trampoline_lowered:
0x8: {  	[smem:$0x3FAC] =	sst s0  }
0x9: {  	[smem:$0x3FAD] =	sst s1  }
0xa: {  	[smem:$0x3FAE] =	sst s2  }
0xb: {  	[smem:$0x3FAF] =	sst s3  }
0xc: {  	[smem:$0x3FB0] =	sst s4  }
0xd: {  	[smem:$0x3FB1] =	sst s5  }
0xe: {  	[smem:$0x3FB2] =	sst s6  }
0xf: {  	[smem:$0x3FB3] =	sst s7  }
0x10: {  	[smem:$0x3FB4] =	sst s8  }
0x11: {  	[smem:$0x3FB5] =	sst s9;
	s0 =	simm.s32 @!p0 $0x0  }
0x12: {  	s1 =	sld [smem:$0x3F9B];
	s0 =	simm.s32 @p0 $0x1  }
0x13: {  	[smem:$0x3FB6] =	sst s0;
	s0 =	simm.s32 @!p1 $0x0  }
0x14: {  	s2 =	sld [smem:$0x3F9A];
	s0 =	simm.s32 @p1 $0x1  }
0x15: {  	[smem:$0x3FB7] =	sst s0;
	s0 =	simm.s32 @!p2 $0x0  }
0x16: {  	s3 =	sld [smem:$0x3FDB];
	s0 =	simm.s32 @p2 $0x1  }
0x17: {  	s4 =	simm.s32 $0x1BF5;
	[smem:$0x3FB9] =	sst s0  }
0x18: {  	s0 =	sld [smem:$0x3F9C];
	_ =	swait.ge [sflag:s4], $0x0  }
0x19: {  	s7 =	sld [smem:$0x3F9D]  }
0x1a: {  	s8 =	sadd.s32 $0xFFFFE003, lr  }
0x1b: {  	s9 =	sadd.s32 $0xFFFFFEF7, lr;
	s5 =	simm.s32 $0xFFFFFFFF;
	p2 =	slt.u32 s8, $0xFFFFF086  }
0x1c: {  	p1 =	slt.u32 s9, $0xF7A;
	s5 =	simm.s32 @!p2 $0x0  }
0x1d: {  	s5 =	simm.s32 @p1 $0x1;
	p0 =	seq.s32 s7, s2  }
0x1e: {  	s7 =	smul.u32 @!p0 $0xF7A, s2;
	p2 =	seq.s32 @!p0 s5, $0x0  }
0x1f: {  	s9 =	smul.u32 $0xF7A, s1;
	s8 =	simm.s32 @!p0 $0x1BF5;
	p2 =	por !p2, p0  }
0x20: {  	[sflag:s8] =	ssyncset.s32 @!p0 $0xFFFFF086;
	s6 =	sadd.s32 @!p0 s3, s7;
	s7 =	simm.s32 @!p0 $0x108  }
0x21: {  	s3 =	sadd.s32 s3, s9;
	s6 =	sadd.s32 @!p0 $0x88, s6;
	s7 =	simm.s32 @p2 $0x1082  }
0x22: {  	[simem:s7], [sflag:s8] =	dma.local @!p0 [hbm:s6], $0xF7A  }
0x23: {  	s9 =	sor.u32 $0xD0000000, s2;
	s6 =	simm.s32 $0x108;
	_ =	swait.ge @!p0 [sflag:s8], $0x0  }
0x24: {  	s3 =	sadd.s32 $0x88, s3;
	s6 =	simm.s32 @!p1 $0x1082;
	[sflag:s4] =	ssyncset.s32 $0xFFFFF086  }
0x25: {  	[simem:s6], [sflag:s4] =	dma.local [hbm:s3], $0xF7A  }
0x26: {  	[smem:$0x3F9D] =	sst s1;
	(tag) =	ssettag s2;
	_ =	strace s9  }
0x27: {  	s1 =	sld [smem:$0x3FAD]  }
0x28: {  	s2 =	sld [smem:$0x3FAE]  }
0x29: {  	s4 =	sld [smem:$0x3FB0]  }
0x2a: {  	p0 =	seq.s32 s5, $0x0;
	s5 =	sld [smem:$0x3FB1]  }
0x2b: {  	s6 =	sld [smem:$0x3FB2]  }
0x2c: {  	s7 =	sld [smem:$0x3FB3]  }
0x2d: {  	s3 =	simm.s32 $0x108;
	s8 =	sld [smem:$0x3FB4]  }
0x2e: {  	s3 =	simm.s32 @!p0 $0x1082;
	s9 =	sld [smem:$0x3FB5]  }
0x2f: {  	lr =	sadd.s32 s0, s3;
	s0 =	sld [smem:$0x3FAC]  }
0x30: {  	s3 =	sld [smem:$0x3FAF]  }
0x31: {  	[smem:$0x3FB8] =	sst s10  }
0x32: {  	s10 =	sld [smem:$0x3FB6];
	_ =	sdelay $0x3  }
0x33: {  	p0 =	seq.s32 s10, $0x1;
	s10 =	sld [smem:$0x3FB8];
	_ =	sdelay $0x3  }
0x34: {  	[smem:$0x3FB8] =	sst s10  }
0x35: {  	s10 =	sld [smem:$0x3FB7];
	_ =	sdelay $0x3  }
0x36: {  	p1 =	seq.s32 s10, $0x1;
	s10 =	sld [smem:$0x3FB8];
	_ =	sdelay $0x3  }
0x37: {  	[smem:$0x3FB8] =	sst s10  }
0x38: {  	s10 =	sld [smem:$0x3FB9]  }
0x39: {  	_ = 	snop;
	(pc) =	sbr.ind lr, $3  }
0x3a: {  	_ = 	snop  }
0x3b: {  	_ = 	snop  }
0x3c: {  	p2 =	seq.s32 s10, $0x1;
	s10 =	sld [smem:$0x3FB8]  }
0x3d: {  	_ =	shalt  }
0x3e: {  	_ =	shalt  }
0x3f: {  	_ =	shalt  }
0x40: {  	_ =	shalt  }
0x41: {  	_ =	shalt  }
0x42: {  	_ =	shalt  }
0x43: {  	_ =	shalt  }
0x44: {  	_ =	shalt  }
0x45: {  	_ =	shalt  }
0x46: {  	_ =	shalt  }
0x47: {  	_ =	shalt  }
0x48: {  	_ =	shalt  }
0x49: {  	_ =	shalt  }
0x4a: {  	_ =	shalt  }
0x4b: {  	_ =	shalt  }
0x4c: {  	_ =	shalt  }
0x4d: {  	_ =	shalt  }
0x4e: {  	_ =	shalt  }
0x4f: {  	_ =	shalt  }
0x50: {  	_ =	shalt  }
0x51: {  	_ =	shalt  }
0x52: {  	_ =	shalt  }
0x53: {  	_ =	shalt  }
0x54: {  	_ =	shalt  }
0x55: {  	_ =	shalt  }
0x56: {  	_ =	shalt  }
0x57: {  	_ =	shalt  }
0x58: {  	_ =	shalt  }
0x59: {  	_ =	shalt  }
0x5a: {  	_ =	shalt  }
0x5b: {  	_ =	shalt  }
0x5c: {  	_ =	shalt  }
0x5d: {  	_ =	shalt  }
0x5e: {  	_ =	shalt  }
0x5f: {  	_ =	shalt  }
0x60: {  	_ =	shalt  }
0x61: {  	_ =	shalt  }
0x62: {  	_ =	shalt  }
0x63: {  	_ =	shalt  }
0x64: {  	_ =	shalt  }
0x65: {  	_ =	shalt  }
0x66: {  	_ =	shalt  }
0x67: {  	_ =	shalt  }
0x68: {  	_ =	shalt  }
0x69: {  	_ =	shalt  }
0x6a: {  	_ =	shalt  }
0x6b: {  	_ =	shalt  }
0x6c: {  	_ =	shalt  }
0x6d: {  	_ =	shalt  }
0x6e: {  	_ =	shalt  }
0x6f: {  	_ =	shalt  }
0x70: {  	_ =	shalt  }
0x71: {  	_ =	shalt  }
0x72: {  	_ =	shalt  }
0x73: {  	_ =	shalt  }
0x74: {  	_ =	shalt  }
0x75: {  	_ =	shalt  }
0x76: {  	_ =	shalt  }
0x77: {  	_ =	shalt  }
0x78: {  	_ =	shalt  }
0x79: {  	_ =	shalt  }
0x7a: {  	_ =	shalt  }
0x7b: {  	_ =	shalt  }
0x7c: {  	_ =	shalt  }
0x7d: {  	_ =	shalt  }
0x7e: {  	_ =	shalt  }
0x7f: {  	_ =	shalt  }
0x80: {  	_ =	shalt  }
0x81: {  	_ =	shalt  }
0x82: {  	_ =	shalt  }
0x83: {  	_ =	shalt  }
0x84: {  	_ =	shalt  }
0x85: {  	_ =	shalt  }
0x86: {  	_ =	shalt  }
0x87: {  	_ =	shalt  }
.Lfunc_end0:
.L_simem_size_0:
called_computation_lowered:
.L_overlay_start_0:
0x88: {  	s2 =	sld [smem:$0x3FD9]  }
0x89: {  	s3 =	sld [smem:$0x3FFE];
	_ =	sdelay $0x1  }
0x8a: {  	s1 =	srdreg.scid  }
0x8b: {  	s0 =	sand.u32 $0x1, s1  }
0x8c: {  	s14 =	sshll.u32 s0, $0xA;
	s2 =	sadd.s32 s3, s2  }
0x8d: {  	s2 =	sadd.s32 s2, s14  }
0x8e: {  	[smem:$0x3FC4] =	sst s2  }
0x8f: {  	_ = 	snop  }
0x90: {  	s2 =	sld [smem:$0x3FD0];
	_ =	sdelay $0x1  }
0x91: {  	s15 =	sld [smem:$0x3FC9]  }
0x92: {  	s5 =	simm.s32 $0xA;
	s6 =	simm.s32 $0x10;
	s4 =	sld [smem:$0x3FC8]  }
0x93: {  	[smem:s6], [sflag:s5] =	dma.local [hbm:s2], $0x1  }
0x94: {  	_ =	swait.eq [sflag:s5], $0x1  }
0x95: {  	[sflag:s5] =	ssyncset.done $0x0  }
0x96: {  	s16 =	sld [smem:$0x10];
	[sflag:s5] =	ssyncadd.s32 $0xFFFFFFFF  }
0x97: {  	s17 =	sld [smem:$0x11];
	(tm) =	ssettm $0x1  }
0x98: {  	s18 =	sld [smem:$0x3FFB];
	_ =	sdelay $0x3  }
0x99: {  	_ =	strace s18  }
0x9a: {  	s6 =	sld [smem:$0x3FFC];
	_ =	sdelay $0x3  }
0x9b: {  	_ =	strace s6  }
0x9c: {  	s6 =	sld [smem:$0x3FFD];
	_ =	sdelay $0x3  }
0x9d: {  	_ =	strace s6  }
0x9e: {  	_ =	strace $0x8FFFFFFF  }
0x9f: {  	s19 =	sld [smem:$0x3FDB];
	_ =	sdelay $0x1  }
0xa0: {  	s7 =	simm.s32 $_scs_section_size  }
0xa1: {  	s8 =	simm.s32 $_size__tile_overlayer_lowered;
	s9 =	simm.s32 $_tile_overlayer_lowered  }
0xa2: {  	s22 =	simm.s32 $0x1BFF;
	s21 =	sshll.u32 s9, $0x1;
	s6 =	sadd.s32 s7, s19  }
0xa3: {  	s10 =	simm.s32 $0x0;
	s20 =	sshll.u32 s8, $0x1;
	s8 =	sadd.s32 s21, s6  }
0xa4: {  	[timem:s10], [sflag:s22] =	dma.local [hbm:s8], s20  }
0xa5: {  	_ =	swait.ge [sflag:s22], s20  }
0xa6: {  	s7 =	ssub.s32 $0x0, s20;
	[sflag:s22] =	ssyncset.done $0x0  }
0xa7: {  	[sflag:s22] =	ssyncadd.s32 s7;
	_ =	sdelay $0x1  }
0xa8: {  	s23 =	simm.s32 $0x1B8B  }
0xa9: {  	_ =	swait.ge [sflag:s23], $0x1  }
0xaa: {  	[sflag:s23] =	ssyncset.done $0x0  }
0xab: {  	s25 =	simm.s32 $0x1B8E;
	s24 =	sld [smem:$0x3FFE];
	[sflag:s23] =	ssyncadd.s32 $0xFFFFFFFF  }
0xac: {  	s26 =	simm.s32 $execute0_lowered;
	[smem:$0x3FD2] =	sst s25  }
0xad: {  	s8 =	sshll.u32 s26, $0x1;
	_ =	strace $0x80000046;
	[dreg:$0x1] =	wrdreg $0xFFFFFFFF  }
0xae: {  	s28 =	simm.s32 $_size_execute0_lowered;
	s6 =	sadd.s32 s6, s8;
	[dreg:$0x0] =	wrdreg $0x0  }
0xaf: {  	s8 =	sshll.u32 s28, $0x1;
	[dreg:$0x2] =	wrdreg s6  }
0xb0: {  	[dreg:$0x3] =	wrdreg s8  }
0xb1: {  	[dreg:$0x4] =	wrdreg $0xC0  }
0xb2: {  	_ =	task [dreg:s10], $0x5FFFF  }
0xb3: {  	[dreg:$0x1] =	wrdreg $0xFFFFFFFF  }
0xb4: {  	[dreg:$0x0] =	wrdreg $0x60  }
0xb5: {  	[dreg:$0x2] =	wrdreg s4  }
0xb6: {  	[dreg:$0x3] =	wrdreg s15  }
0xb7: {  	[dreg:$0x4] =	wrdreg s17  }
0xb8: {  	[dreg:$0x5] =	wrdreg s16  }
0xb9: {  	[dreg:$0x6] =	wrdreg s24  }
0xba: {  	[dreg:$0x7] =	wrdreg $0x42000  }
0xbb: {  	[dreg:$0x8] =	wrdreg $0x9  }
0xbc: {  	_ =	task.clear_ibuf [dreg:s10], $0x9FFFF;
	_ =	strace $0x90000046  }
0xbd: {  	s29 =	simm.s32 $0x9;
	_ =	strace $0x80000048  }
0xbe: {  	_ =	swait.ge [sflag:s29], $0x1  }
0xbf: {  	[sflag:s29] =	ssyncadd.s32 $0xFFFFFFFF  }
0xc0: {  	_ =	strace $0x90000048  }
0xc1: {  	_ =	sfence  }
0xc2: {  	s30 =	sld [smem:$0x0];
	_ =	sdelay $0x2  }
0xc3: {  	s31 =	sshll.u32 s1, $0xD;
	s1 =	sshrl.u32 s1, $0x2  }
0xc4: {  	s3 =	sand.u32 $0x4000, s31;
	s1 =	sadd.s32 s1, s30  }
0xc5: {  	s0 =	sor.u32 s3, s0;
	s1 =	sshll.u32 s1, $0x11  }
0xc6: {  	s0 =	sor.u32 s1, s0  }
0xc7: {  	s0 =	sadd.s32 $0x8F2B, s0  }
0xc8: {  	[sflag:s0] =	ssyncadd.remote.s32 $0x1  }
0xc9: {  	_ =	sfence.sel $0xFFFF  }
0xca: {  	[dreg:$0x0] =	wrdreg $0xFFFFFFFF;
	(pc) =	sbr.abs _section_cstart, $3  }
0xcb: {  	[dreg:$0x1] =	wrdreg $0xFFFFFFFF  }
0xcc: {  	_ =	task.clear_ibuf [dreg:s10], $0x2FFFF;
	_ =	strace $0x9FFFFFFF  }
0xcd: {  	(tm) =	ssettm $0x7FFFFFFF  }
tec
execute0_lowered:
.L_overlay_start_1:
0x0: {  	(tag) =	ssettag $0x1  }
0x1: {  	s1 =	rddreg [dreg:$0x0]  }
0x2: {  	s2 =	rddreg [dreg:$0x1]  }
0x3: {  	s3 =	rddreg [dreg:$0x2]  }
0x4: {  	s4 =	rddreg [dreg:$0x3]  }
0x5: {  	s0 =	rddreg [dreg:$0x4]  }
0x6: {  	s5 =	rddreg [dreg:$0x5];
	s6 =	simm.s32 $0x0;
	s7 =	srdreg.scid  }
0x7: {  	s17 =	stileid.u32;
	s28 =	simm.s32 $0x80;
	s29 =	simm.s32 $0x1  }
0x8: {  	s30 =	simm.s32 $0x0;
	[smem:$0x7FF] =	sst s6;
	s10 =	smul.u32 $0x280, s17  }
0x9: {  	s8 =	sadd.s32 $0x3A00, s0;
	s7 =	sand.u32 $0x1, s7;
	s11 =	smul.u32 $0x50000, s17  }
0xa: {  	s9 =	sadd.s32 $0x35800, s0;
	s0 =	sadd.s32 $0xD800, s0;
	s14 =	smul.u32 $0x9D, s17  }
0xb: {  	s17 =	smul.u32 $0x2800, s17;
	_ =	strace $0x80000047;
	[dreg:$0x7] =	wrdreg s9  }
0xc: {  	s22 =	ssub.s32 $0x2, s7;
	[dreg:$0x8] =	wrdreg s0;
	p0 =	seq.s32 s7, $0x1  }
0xd: {  	s23 =	sshrl.u32 s22, $0x1;
	s24 =	sadd.s32 $0x80, s10;
	s25 =	sshrl.u32 s11, $0x2  }
0xe: {  	s19 =	sadd.s32 $0x100, s10;
	s31 =	sadd.s32 $0x180, s10;
	s10 =	sadd.s32 $0x200, s10  }
0xf: {  	[dreg:$0x9] =	wrdreg s17;
	s0 =	ssub.s32 s22, s23;
	s12 =	sshll.u32 s24, $0x7  }
0x10: {  	s11 =	sadd.s32 s25, s5;
	s26 =	sshll.u32 s19, $0x7;
	s15 =	sshll.u32 s31, $0x7  }
.Ltmp0:
0x11: {  	s16 =	sshll.u32 s10, $0x7;
	s18 =	sshll.u32 s24, $0x4;
	(pc) =	sbr.rel .LBB2_1-.Ltmp0, $4  }
0x12: {  	s19 =	sshll.u32 s19, $0x4;
	s20 =	sshll.u32 s31, $0x4;
	s21 =	sshll.u32 s10, $0x4  }
0x13: {  	s23 =	simm.s32 $0x2;
	s24 =	simm.s32 $0x4000;
	s25 =	simm.s32 $0x4080  }
0x14: {  	s12 =	sadd.s32 s12, s5;
	s13 =	sadd.s32 s26, s5;
	s15 =	sadd.s32 s15, s5  }
0x15: {  	v0 =	vimm.f32 $0.0e+00;
	s16 =	sadd.s32 s16, s5;
	s22 =	smax.u32 s0, $0x1;
	s26 =	simm.s32 $0x4100  }
.LBB2_14:
0x16: {  	s9 =	stileid.u32  }
0x17: {  	s7 =	rddreg [dreg:$0x9];
	[bflag:$0x0] =	sbarrier.arrive $0xFFFF;
	s9 =	sshll.u32 s9, $0x6  }
0x18: {  	s10 =	sshrl.u32 s11, $0x3;
	s7 =	sadd.s32 s0, s7;
	s9 =	sor.u32 $0x1C02, s9  }
0x19: {  	[hbm:s7], [sflag:s9] =	dma.local [spmem:s10], $0x800  }
0x1a: {  	_ =	swait.ge [sflag:s23], $0x800  }
0x1b: {  	[sflag:s23] =	ssyncset.done $0x0  }
0x1c: {  	s17 =	sadd.s32 s0, s18;
	s31 =	sshrl.u32 s12, $0x3;
	[sflag:s23] =	ssyncadd.s32 $0xFFFFF800  }
0x1d: {  	[hbm:s17], [sflag:s9] =	dma.local [spmem:s31], $0x800  }
0x1e: {  	_ =	swait.ge [sflag:s23], $0x800  }
0x1f: {  	[sflag:s23] =	ssyncset.done $0x0  }
0x20: {  	s17 =	sadd.s32 s0, s19;
	s31 =	sshrl.u32 s13, $0x3;
	[sflag:s23] =	ssyncadd.s32 $0xFFFFF800  }
0x21: {  	[hbm:s17], [sflag:s9] =	dma.local [spmem:s31], $0x800  }
0x22: {  	_ =	swait.ge [sflag:s23], $0x800  }
0x23: {  	[sflag:s23] =	ssyncset.done $0x0  }
0x24: {  	s17 =	sadd.s32 s0, s20;
	s31 =	sshrl.u32 s15, $0x3;
	[sflag:s23] =	ssyncadd.s32 $0xFFFFF800  }
0x25: {  	[hbm:s17], [sflag:s9] =	dma.local [spmem:s31], $0x800  }
0x26: {  	s30 =	sadd.s32 $0x1, s30;
	_ =	swait.ge [sflag:s23], $0x800  }
0x27: {  	p1 =	sne.s32 s30, s22;
	s17 =	sadd.s32 s0, s21;
	[sflag:s23] =	ssyncset.done $0x0  }
.Ltmp1:
0x28: {  	s31 =	sshrl.u32 s16, $0x3;
	[sflag:s23] =	ssyncadd.s32 $0xFFFFF800;
	(pc) =	sbr.rel @!p1 .LBB2_15-.Ltmp1, $4  }
0x29: {  	[hbm:s17], [sflag:s9] =	dma.local [spmem:s31], $0x800  }
0x2a: {  	_ =	swait.ge [sflag:s23], $0x800  }
0x2b: {  	[sflag:s23] =	ssyncset.done $0x0  }
0x2c: {  	[sflag:s23] =	ssyncadd.s32 $0xFFFFF800  }
.LBB2_1:
.Ltmp2:
0x2d: {  	(pc) =	sbr.rel @!p0 .LBB2_2-.Ltmp2, $2  }
0x2e: {  	_ =	sdelay $0x2  }
0x2f: {  	s0 =	sshra.s32 s6, $0x2;
	s7 =	sadd.s32 $0x200, s6  }
.LBB2_8:
0x30: {  	p1 =	sne.s32 s7, $0xFE00;
	[tilespmem:s0+$0x70] =	vst v0  }
0x31: {  	[tilespmem:s0+$0x0] =	vst v0  }
0x32: {  	[tilespmem:s0+$0x10] =	vst v0  }
.Ltmp3:
0x33: {  	[tilespmem:s0+$0x20] =	vst v0;
	(pc) =	sbr.rel @p1 .LBB2_8-.Ltmp3, $4  }
0x34: {  	[tilespmem:s0+$0x30] =	vst v0  }
0x35: {  	[tilespmem:s0+$0x40] =	vst v0  }
0x36: {  	[tilespmem:s0+$0x50] =	vst v0  }
0x37: {  	[tilespmem:s0+$0x60] =	vst v0;
	s0 =	sshra.s32 s7, $0x2;
	s7 =	sadd.s32 $0x200, s7  }
0x38: {  	[tilespmem:s0+$0x70] =	vst v0  }
0x39: {  	[tilespmem:s0+$0x0] =	vst v0  }
0x3a: {  	[tilespmem:s0+$0x10] =	vst v0  }
0x3b: {  	[tilespmem:s0+$0x20] =	vst v0  }
0x3c: {  	[tilespmem:s0+$0x30] =	vst v0  }
0x3d: {  	[tilespmem:s0+$0x40] =	vst v0  }
0x3e: {  	[tilespmem:s0+$0x50] =	vst v0  }
0x3f: {  	[tilespmem:s0+$0x60] =	vst v0;
	s31 =	simm.s32 $0x0  }
0x40: {  	[spmem:s11] =	stream.linear.scatter [tilespmem:s31], [sflag:$0x2], $0x4000, $0x38;
	[tilespmem:$0x18200] =	vst v63  }
0x41: {  	_ =	swait.ge [sflag:s23], $0x4000  }
0x42: {  	[sflag:s23] =	ssyncset.done $0x0  }
0x43: {  	[sflag:s23] =	ssyncadd.s32 $0xFFFFC000  }
0x44: {  	[spmem:s12] =	stream.linear.scatter [tilespmem:s31], [sflag:$0x2], $0x4000, $0x38;
	[tilespmem:$0x18200] =	vst v63  }
0x45: {  	_ =	swait.ge [sflag:s23], $0x4000  }
0x46: {  	[sflag:s23] =	ssyncset.done $0x0  }
0x47: {  	[sflag:s23] =	ssyncadd.s32 $0xFFFFC000  }
0x48: {  	[spmem:s13] =	stream.linear.scatter [tilespmem:s31], [sflag:$0x2], $0x4000, $0x38;
	[tilespmem:$0x18200] =	vst v63  }
0x49: {  	_ =	swait.ge [sflag:s23], $0x4000  }
0x4a: {  	[sflag:s23] =	ssyncset.done $0x0  }
0x4b: {  	[sflag:s23] =	ssyncadd.s32 $0xFFFFC000  }
0x4c: {  	[spmem:s15] =	stream.linear.scatter [tilespmem:s31], [sflag:$0x2], $0x4000, $0x38;
	[tilespmem:$0x18200] =	vst v63  }
0x4d: {  	_ =	swait.ge [sflag:s23], $0x4000  }
0x4e: {  	[sflag:s23] =	ssyncset.done $0x0  }
0x4f: {  	[sflag:s23] =	ssyncadd.s32 $0xFFFFC000  }
0x50: {  	[spmem:s16] =	stream.linear.scatter [tilespmem:s31], [sflag:$0x2], $0x4000, $0x38;
	[tilespmem:$0x18200] =	vst v63  }
0x51: {  	_ =	swait.ge [sflag:s23], $0x4000  }
0x52: {  	[sflag:s23] =	ssyncset.done $0x0  }
0x53: {  	[sflag:s23] =	ssyncadd.s32 $0xFFFFC000  }
0x54: {  	s0 =	simm.s32 $0x0;
	[bflag:$0x0] =	sbarrier.arrive $0xFFFF  }
.LBB2_10:
0x55: {  	s7 =	sadd.s32 s14, s0  }
0x56: {  	s7 =	sshll.u32 s7, $0x4  }
0x57: {  	s9 =	sadd.s32 s3, s7  }
0x58: {  	[tilespmem:s24], [sflag:$0x2] =	stream.linear.gather [hbm4b:s9+s31], $0x80, $0x38;
	[tilespmem:$0x18200] =	vst v63  }
0x59: {  	_ =	swait.ge [sflag:s23], $0x80  }
0x5a: {  	[sflag:s23] =	ssyncset.done $0x0  }
0x5b: {  	s10 =	sadd.s32 s4, s7;
	[sflag:s23] =	ssyncadd.s32 $0xFFFFFF80  }
0x5c: {  	[tilespmem:s25], [sflag:$0x2] =	stream.linear.gather [hbm4b:s10+s31], $0x80, $0x38;
	[tilespmem:$0x18200] =	vst v63  }
0x5d: {  	_ =	swait.ge [sflag:s23], $0x80  }
0x5e: {  	[sflag:s23] =	ssyncset.done $0x0  }
0x5f: {  	s7 =	sadd.s32 s8, s7;
	[sflag:s23] =	ssyncadd.s32 $0xFFFFFF80  }
0x60: {  	[tilespmem:s26], [sflag:$0x2] =	stream.linear.gather [hbm4b:s7+s31], $0x80, $0x38;
	[tilespmem:$0x18200] =	vst v63  }
0x61: {  	_ =	swait.ge [sflag:s23], $0x80  }
0x62: {  	[sflag:s23] =	ssyncset.done $0x0  }
0x63: {  	[sflag:s23] =	ssyncadd.s32 $0xFFFFFF80  }
0x64: {  	[tilespmem:s31], [sflag:$0x1] =	stream.indirect.gather [hbm4b:s2+s28], $0x80, s24, s28, $0xb8;
	[tilespmem:$0x18200] =	vst v63  }
0x65: {  	_ =	swait.ge [sflag:s29], $0x4000  }
0x66: {  	[sflag:s29] =	ssyncset.done $0x0  }
0x67: {  	s9 =	simm.s32 $0x40;
	[sflag:s29] =	ssyncadd.s32 $0xFFFFC000  }
0x68: {  	v5 =	vld [tilespmem:s9+$0x30]  }
0x69: {  	v8 =	vld [tilespmem:s9+$0x10]  }
0x6a: {  	s17 =	simm.s32 $0x0;
	v6 =	vld [tilespmem:s9+$0xFFFFFFC0]  }
0x6b: {  	v2 =	vld.msk [tilespmem:s17+$0x4100 ss:$0x0], $0xffff  }
0x6c: {  	v10 =	vld [tilespmem:s9+$0xFFFFFFE0]  }
0x6d: {  	v1 =	vld [tilespmem:s9+$0xFFFFFFF0]  }
0x6e: {  	v3 =	vld [tilespmem:s9+$0x20]  }
0x6f: {  	v4 =	vld [tilespmem:s9+$0xFFFFFFD0]  }
0x70: {  	v9 =	vmul.f32 v5, v2;
	v5 =	vld [tilespmem:s9+$0x0]  }
0x71: {  	v7 =	vmul.f32 v2, v6  }
0x72: {  	s10 =	simm.s32 $0x4;
	s7 =	simm.s32 $0x40;
	v6 =	vmul.f32 v10, v2;
	v8 =	vmul.f32 v8, v2  }
.LBB2_11:
0x73: {  	p1 =	sne.s32 s10, $0x1FC  }
0x74: {  	v4 =	vmul.f32 v4, v2;
	v3 =	vmul.f32 v3, v2;
	[tilespmem:s9+$0x30] =	vst v9;
	s7 =	sadd.s32 $0x80, s7;
	s17 =	smov.u32 s10;
	s10 =	sadd.s32 $0x4, s10  }
0x75: {  	[tilespmem:s9+$0xFFFFFFC0] =	vst v7;
	v7 =	vmul.f32 v1, v2;
	v2 =	vmul.f32 v5, v2  }
0x76: {  	[tilespmem:s9+$0x10] =	vst v8  }
0x77: {  	[tilespmem:s9+$0xFFFFFFE0] =	vst v6  }
0x78: {  	v1 =	vld [tilespmem:s7+$0xFFFFFFF0];
	[tilespmem:s9+$0xFFFFFFF0] =	vst v7  }
0x79: {  	v6 =	vld [tilespmem:s7+$0x30];
	[tilespmem:s9+$0x0] =	vst v2  }
0x7a: {  	v8 =	vld [tilespmem:s7+$0x10];
	[tilespmem:s9+$0x20] =	vst v3  }
0x7b: {  	s17 =	sshra.s32 s17, $0x2;
	v7 =	vld [tilespmem:s7+$0xFFFFFFC0];
	[tilespmem:s9+$0xFFFFFFD0] =	vst v4;
	s9 =	smov.u32 s7  }
0x7c: {  	v2 =	vld.msk [tilespmem:s17+$0x4100 ss:$0x0], $0xffff  }
0x7d: {  	v10 =	vld [tilespmem:s7+$0xFFFFFFE0]  }
0x7e: {  	v3 =	vld [tilespmem:s7+$0x20]  }
.Ltmp4:
0x7f: {  	v4 =	vld [tilespmem:s7+$0xFFFFFFD0];
	(pc) =	sbr.rel @p1 .LBB2_11-.Ltmp4, $3  }
0x80: {  	v5 =	vld [tilespmem:s7+$0x0];
	_ =	sdelay $0x1  }
0x81: {  	v7 =	vmul.f32 v2, v7;
	v9 =	vmul.f32 v6, v2  }
0x82: {  	v8 =	vmul.f32 v8, v2;
	v6 =	vmul.f32 v10, v2  }
0x83: {  	[tilespmem:s9+$0x30] =	vst v9  }
0x84: {  	[tilespmem:s9+$0xFFFFFFC0] =	vst v7  }
0x85: {  	v1 =	vmul.f32 v1, v2;
	[tilespmem:s9+$0x10] =	vst v8  }
0x86: {  	v3 =	vmul.f32 v3, v2;
	[tilespmem:s9+$0xFFFFFFE0] =	vst v6  }
0x87: {  	v5 =	vmul.f32 v5, v2;
	[tilespmem:s9+$0xFFFFFFF0] =	vst v1  }
0x88: {  	s0 =	sadd.s32 $0x1, s0;
	v1 =	vmul.f32 v4, v2;
	[tilespmem:s9+$0x20] =	vst v3  }
0x89: {  	p1 =	sne.s32 s0, $0x9D;
	[tilespmem:s9+$0x0] =	vst v5  }
.Ltmp5:
0x8a: {  	[tilespmem:s9+$0xFFFFFFD0] =	vst v1;
	(pc) =	sbr.rel @p1 .LBB2_10-.Ltmp5, $4  }
0x8b: {  	[spmem:s5] =	stream.indirect.scatter.add.f32 [tilespmem:s6], [sflag:$0x2], $0x80, s25, s28, $0xb8;
	[tilespmem:$0x18200] =	vst v63  }
0x8c: {  	_ =	swait.ge [sflag:s23], $0x4000  }
0x8d: {  	[sflag:s23] =	ssyncset.done $0x0  }
0x8e: {  	[sflag:s23] =	ssyncadd.s32 $0xFFFFC000  }
.Ltmp6:
0x8f: {  	(pc) =	sbr.rel .LBB2_14-.Ltmp6, $2  }
0x90: {  	_ =	sdelay $0x2  }
0x91: {  	s0 =	rddreg [dreg:$0x8]  }
.LBB2_2:
0x92: {  	p1 =	sne.s32 s7, $0xFE00;
	[tilespmem:s0+$0x70] =	vst v0  }
0x93: {  	[tilespmem:s0+$0x0] =	vst v0  }
0x94: {  	[tilespmem:s0+$0x10] =	vst v0  }
.Ltmp7:
0x95: {  	[tilespmem:s0+$0x20] =	vst v0;
	(pc) =	sbr.rel @p1 .LBB2_2-.Ltmp7, $4  }
0x96: {  	[tilespmem:s0+$0x30] =	vst v0  }
0x97: {  	[tilespmem:s0+$0x40] =	vst v0  }
0x98: {  	[tilespmem:s0+$0x50] =	vst v0  }
0x99: {  	[tilespmem:s0+$0x60] =	vst v0;
	s0 =	sshra.s32 s7, $0x2;
	s7 =	sadd.s32 $0x200, s7  }
0x9a: {  	[tilespmem:s0+$0x70] =	vst v0  }
0x9b: {  	[tilespmem:s0+$0x0] =	vst v0  }
0x9c: {  	[tilespmem:s0+$0x10] =	vst v0  }
0x9d: {  	[tilespmem:s0+$0x20] =	vst v0  }
0x9e: {  	[tilespmem:s0+$0x30] =	vst v0  }
0x9f: {  	[tilespmem:s0+$0x40] =	vst v0  }
0xa0: {  	[tilespmem:s0+$0x50] =	vst v0  }
0xa1: {  	[tilespmem:s0+$0x60] =	vst v0;
	s31 =	simm.s32 $0x0  }
0xa2: {  	[spmem:s11] =	stream.linear.scatter [tilespmem:s31], [sflag:$0x2], $0x4000, $0x38;
	[tilespmem:$0x18200] =	vst v63  }
0xa3: {  	_ =	swait.ge [sflag:s23], $0x4000  }
0xa4: {  	[sflag:s23] =	ssyncset.done $0x0  }
0xa5: {  	[sflag:s23] =	ssyncadd.s32 $0xFFFFC000  }
0xa6: {  	[spmem:s12] =	stream.linear.scatter [tilespmem:s31], [sflag:$0x2], $0x4000, $0x38;
	[tilespmem:$0x18200] =	vst v63  }
0xa7: {  	_ =	swait.ge [sflag:s23], $0x4000  }
0xa8: {  	[sflag:s23] =	ssyncset.done $0x0  }
0xa9: {  	[sflag:s23] =	ssyncadd.s32 $0xFFFFC000  }
0xaa: {  	[spmem:s13] =	stream.linear.scatter [tilespmem:s31], [sflag:$0x2], $0x4000, $0x38;
	[tilespmem:$0x18200] =	vst v63  }
0xab: {  	_ =	swait.ge [sflag:s23], $0x4000  }
0xac: {  	[sflag:s23] =	ssyncset.done $0x0  }
0xad: {  	[sflag:s23] =	ssyncadd.s32 $0xFFFFC000  }
0xae: {  	[spmem:s15] =	stream.linear.scatter [tilespmem:s31], [sflag:$0x2], $0x4000, $0x38;
	[tilespmem:$0x18200] =	vst v63  }
0xaf: {  	_ =	swait.ge [sflag:s23], $0x4000  }
0xb0: {  	[sflag:s23] =	ssyncset.done $0x0  }
0xb1: {  	[sflag:s23] =	ssyncadd.s32 $0xFFFFC000  }
0xb2: {  	[spmem:s16] =	stream.linear.scatter [tilespmem:s31], [sflag:$0x2], $0x4000, $0x38;
	[tilespmem:$0x18200] =	vst v63  }
0xb3: {  	_ =	swait.ge [sflag:s23], $0x4000  }
0xb4: {  	[sflag:s23] =	ssyncset.done $0x0  }
0xb5: {  	[sflag:s23] =	ssyncadd.s32 $0xFFFFC000  }
0xb6: {  	s0 =	simm.s32 $0x0;
	[bflag:$0x0] =	sbarrier.arrive $0xFFFF  }
.LBB2_4:
0xb7: {  	s7 =	sadd.s32 s14, s0  }
0xb8: {  	s7 =	sshll.u32 s7, $0x4  }
0xb9: {  	s9 =	sadd.s32 s4, s7  }
0xba: {  	[tilespmem:s24], [sflag:$0x2] =	stream.linear.gather [hbm4b:s9+s31], $0x80, $0x38;
	[tilespmem:$0x18200] =	vst v63  }
0xbb: {  	_ =	swait.ge [sflag:s23], $0x80  }
0xbc: {  	[sflag:s23] =	ssyncset.done $0x0  }
0xbd: {  	s10 =	sadd.s32 s3, s7;
	[sflag:s23] =	ssyncadd.s32 $0xFFFFFF80  }
0xbe: {  	[tilespmem:s25], [sflag:$0x2] =	stream.linear.gather [hbm4b:s10+s31], $0x80, $0x38;
	[tilespmem:$0x18200] =	vst v63  }
0xbf: {  	_ =	swait.ge [sflag:s23], $0x80  }
0xc0: {  	[sflag:s23] =	ssyncset.done $0x0  }
0xc1: {  	s7 =	sadd.s32 s8, s7;
	[sflag:s23] =	ssyncadd.s32 $0xFFFFFF80  }
0xc2: {  	[tilespmem:s26], [sflag:$0x2] =	stream.linear.gather [hbm4b:s7+s31], $0x80, $0x38;
	[tilespmem:$0x18200] =	vst v63  }
0xc3: {  	_ =	swait.ge [sflag:s23], $0x80  }
0xc4: {  	[sflag:s23] =	ssyncset.done $0x0  }
0xc5: {  	[sflag:s23] =	ssyncadd.s32 $0xFFFFFF80  }
0xc6: {  	[tilespmem:s31], [sflag:$0x1] =	stream.indirect.gather [hbm4b:s1+s28], $0x80, s24, s28, $0xb8;
	[tilespmem:$0x18200] =	vst v63  }
0xc7: {  	_ =	swait.ge [sflag:s29], $0x4000  }
0xc8: {  	[sflag:s29] =	ssyncset.done $0x0  }
0xc9: {  	s9 =	simm.s32 $0x40;
	[sflag:s29] =	ssyncadd.s32 $0xFFFFC000  }
0xca: {  	v5 =	vld [tilespmem:s9+$0x30]  }
0xcb: {  	v8 =	vld [tilespmem:s9+$0x10]  }
0xcc: {  	s17 =	simm.s32 $0x0;
	v6 =	vld [tilespmem:s9+$0xFFFFFFC0]  }
0xcd: {  	v2 =	vld.msk [tilespmem:s17+$0x4100 ss:$0x0], $0xffff  }
0xce: {  	v10 =	vld [tilespmem:s9+$0xFFFFFFE0]  }
0xcf: {  	v1 =	vld [tilespmem:s9+$0xFFFFFFF0]  }
0xd0: {  	v3 =	vld [tilespmem:s9+$0x20]  }
0xd1: {  	v4 =	vld [tilespmem:s9+$0xFFFFFFD0]  }
0xd2: {  	v9 =	vmul.f32 v5, v2;
	v5 =	vld [tilespmem:s9+$0x0]  }
0xd3: {  	v7 =	vmul.f32 v2, v6  }
0xd4: {  	s10 =	simm.s32 $0x4;
	s7 =	simm.s32 $0x40;
	v6 =	vmul.f32 v10, v2;
	v8 =	vmul.f32 v8, v2  }
.LBB2_5:
0xd5: {  	p1 =	sne.s32 s10, $0x1FC  }
0xd6: {  	v4 =	vmul.f32 v4, v2;
	v3 =	vmul.f32 v3, v2;
	[tilespmem:s9+$0x30] =	vst v9;
	s7 =	sadd.s32 $0x80, s7;
	s17 =	smov.u32 s10;
	s10 =	sadd.s32 $0x4, s10  }
0xd7: {  	[tilespmem:s9+$0xFFFFFFC0] =	vst v7;
	v7 =	vmul.f32 v1, v2;
	v2 =	vmul.f32 v5, v2  }
0xd8: {  	[tilespmem:s9+$0x10] =	vst v8  }
0xd9: {  	[tilespmem:s9+$0xFFFFFFE0] =	vst v6  }
0xda: {  	v1 =	vld [tilespmem:s7+$0xFFFFFFF0];
	[tilespmem:s9+$0xFFFFFFF0] =	vst v7  }
0xdb: {  	v6 =	vld [tilespmem:s7+$0x30];
	[tilespmem:s9+$0x0] =	vst v2  }
0xdc: {  	v8 =	vld [tilespmem:s7+$0x10];
	[tilespmem:s9+$0x20] =	vst v3  }
0xdd: {  	s17 =	sshra.s32 s17, $0x2;
	v7 =	vld [tilespmem:s7+$0xFFFFFFC0];
	[tilespmem:s9+$0xFFFFFFD0] =	vst v4;
	s9 =	smov.u32 s7  }
0xde: {  	v2 =	vld.msk [tilespmem:s17+$0x4100 ss:$0x0], $0xffff  }
0xdf: {  	v10 =	vld [tilespmem:s7+$0xFFFFFFE0]  }
0xe0: {  	v3 =	vld [tilespmem:s7+$0x20]  }
.Ltmp8:
0xe1: {  	v4 =	vld [tilespmem:s7+$0xFFFFFFD0];
	(pc) =	sbr.rel @p1 .LBB2_5-.Ltmp8, $3  }
0xe2: {  	v5 =	vld [tilespmem:s7+$0x0];
	_ =	sdelay $0x1  }
0xe3: {  	v7 =	vmul.f32 v2, v7;
	v9 =	vmul.f32 v6, v2  }
0xe4: {  	v8 =	vmul.f32 v8, v2;
	v6 =	vmul.f32 v10, v2  }
0xe5: {  	[tilespmem:s9+$0x30] =	vst v9  }
0xe6: {  	[tilespmem:s9+$0xFFFFFFC0] =	vst v7  }
0xe7: {  	v1 =	vmul.f32 v1, v2;
	[tilespmem:s9+$0x10] =	vst v8  }
0xe8: {  	v3 =	vmul.f32 v3, v2;
	[tilespmem:s9+$0xFFFFFFE0] =	vst v6  }
0xe9: {  	v5 =	vmul.f32 v5, v2;
	[tilespmem:s9+$0xFFFFFFF0] =	vst v1  }
0xea: {  	s0 =	sadd.s32 $0x1, s0;
	v1 =	vmul.f32 v4, v2;
	[tilespmem:s9+$0x20] =	vst v3  }
0xeb: {  	p1 =	seq.s32 s0, $0x9D;
	[tilespmem:s9+$0x0] =	vst v5  }
.Ltmp9:
0xec: {  	[tilespmem:s9+$0xFFFFFFD0] =	vst v1;
	(pc) =	sbr.rel @!p1 .LBB2_4-.Ltmp9, $4  }
0xed: {  	[spmem:s5] =	stream.indirect.scatter.add.f32 [tilespmem:s6], [sflag:$0x2], $0x80, s25, s28, $0xb8;
	[tilespmem:$0x18200] =	vst v63  }
0xee: {  	_ =	swait.ge [sflag:s23], $0x4000  }
0xef: {  	[sflag:s23] =	ssyncset.done $0x0  }
0xf0: {  	[sflag:s23] =	ssyncadd.s32 $0xFFFFC000  }
.Ltmp10:
0xf1: {  	(pc) =	sbr.rel .LBB2_14-.Ltmp10, $2  }
0xf2: {  	_ =	sdelay $0x2  }
0xf3: {  	s0 =	rddreg [dreg:$0x7]  }
.LBB2_15:
0xf4: {  	_ =	sfence.sel $0x180000  }
0xf5: {  	[bflag:$0x0] =	sbarrier.arrive $0xFFFF  }
0xf6: {  	_ =	strace $0x90000047  }
0xf7: {  	s0 =	stileid.u32;
	[bflag:$0x2] =	sbarrier.arrive $0xFFFF  }
0xf8: {  	p0 =	sne.s32 s0, $0x0;
	s0 =	rddreg [dreg:$0x6]  }
0xf9: {  	s0 =	sadd.s32 @!p0 $0x100000, s0  }
0xfa: {  	[sflag:s0] =	ssyncadd.tile.s32 @!p0 $0x1;
	_ =	shalt  }
.Lfunc_end2:
_tile_overlayer_lowered:
.L_overlay_start_2:
0xfb: {  	(tag) =	ssettag $0x2  }
0xfc: {  	s0 =	rddreg [dreg:$0x0];
	s2 =	stileid.u32  }
0xfd: {  	s1 =	rddreg [dreg:$0x1];
	p0 =	sne.s32 s2, $0x0  }
0xfe: {  	s3 =	rddreg [dreg:$0x2];
	[bflag:$0x3] =	sbarrier.arrive $0xFFFF;
	s2 =	simm.s32 @!p0 $0x1C02  }
0xff: {  	[timem:s3], [sflag:s2] =	dma.local @!p0 [hbm:s0], s1  }
0x100: {  	s0 =	simm.s32 @!p0 $0x2  }
0x101: {  	_ =	swait.ge @!p0 [sflag:s0], s1  }
0x102: {  	s1 =	ssub.s32 @!p0 $0x0, s1;
	[sflag:s0] =	ssyncset.done @!p0 $0x0  }
0x103: {  	[sflag:s0] =	ssyncadd.s32 @!p0 s1  }
0x104: {  	[bflag:$0x3] =	sbarrier.arrive $0xFFFF  }
0x105: {  	_ =	shalt  }

</sc_bundles>
